<compile_context>
chip_gen: v7x
topology: tpu7x:2x2x1
jax: 0.10.2.dev20260603
libtpu: 0.0.44.dev20260713+nightly
codegen_flags: <defaults>
</compile_context>

<pallas_src>
import functools
import math

import jax
import jax.numpy as jnp
from jax import lax
from jax.experimental import pallas as pl
from jax.experimental.pallas import tpu as pltpu
from jax.experimental.pallas import tpu_sc as plsc

_B = 4
_C = 768
_T = 2048
_K = 384
_TAU = 1e-8
_L = 16
_NV = _C // _L


def _scores_body(x_ref, wq_ref, wk_ref, g_ref, n_ref):
    x = x_ref[0]
    s = jnp.mean(x, axis=1, keepdims=True)
    q = s * wq_ref[...]
    k = s * wk_ref[...]
    att = jax.lax.dot_general(
        q, k, (((1,), (1,)), ((), ())),
        preferred_element_type=jnp.float32) / math.sqrt(_C)
    att = jax.nn.softmax(att, axis=-1)
    scores = jnp.mean(att, axis=0, keepdims=True)
    noisy = scores + _TAU * g_ref[0]
    n_ref[0] = jax.lax.bitcast_convert_type(noisy, jnp.int32)


def _scores_tc(x, Wq, Wk, g):
    noisy = pl.pallas_call(
        _scores_body,
        grid=(_B,),
        in_specs=[
            pl.BlockSpec((1, _C, _T), lambda b: (b, 0, 0)),
            pl.BlockSpec((_C, _C), lambda b: (0, 0)),
            pl.BlockSpec((_C, _C), lambda b: (0, 0)),
            pl.BlockSpec((1, 1, _C), lambda b: (b, 0, 0)),
        ],
        out_specs=pl.BlockSpec((1, 1, _C), lambda b: (b, 0, 0)),
        out_shape=jax.ShapeDtypeStruct((_B, 1, _C), jnp.int32),
        compiler_params=pltpu.CompilerParams(
            dimension_semantics=("arbitrary",),
        ),
    )(x, Wq, Wk, g)
    return noisy.reshape(_B, _C)


def _select_body(noisy_hbm, mask_hbm, ibuf, mbuf, sbuf, sem):
    wid = lax.axis_index("s") * 2 + lax.axis_index("c")

    one_i = jnp.ones((_L,), jnp.int32)
    zero_i = jnp.zeros((_L,), jnp.int32)
    one_f = jnp.ones((_L,), jnp.float32)
    zero_f = jnp.zeros((_L,), jnp.float32)

    @pl.when(wid < _B)
    def _():
        pltpu.async_copy(noisy_hbm.at[wid], ibuf, sem).wait()
        sbuf[pl.ds(0, _L)] = zero_i
        sbuf[pl.ds(2 * _L, _L)] = zero_i

        def _total(x):
            for sh in (8, 4, 2, 1):
                sbuf[pl.ds(_L, _L)] = x
                x = x + sbuf[pl.ds(_L + sh, _L)]
            return x[0]

        def _count_ge(t):
            tv = jnp.broadcast_to(t, (_L,))
            acc = zero_i
            for v in range(_NV):
                acc = acc + jnp.where(
                    ibuf[pl.ds(v * _L, _L)] >= tv, one_i, zero_i)
            return _total(acc)

        def _bit_step(i, t):
            cand = t | (jnp.int32(1) << (jnp.int32(30) - i))
            return jnp.where(_count_ge(cand) >= _K, cand, t)

        thr = lax.fori_loop(0, 31, _bit_step, jnp.int32(0))
        thr_v = jnp.broadcast_to(thr, (_L,))
        acc = zero_i
        for v in range(_NV):
            acc = acc + jnp.where(
                ibuf[pl.ds(v * _L, _L)] > thr_v, one_i, zero_i)
        quota = _K - _total(acc)
        quota_v = jnp.broadcast_to(quota, (_L,))

        tie_seen = zero_i
        for v in range(_NV):
            iv = ibuf[pl.ds(v * _L, _L)]
            gt = iv > thr_v
            eq = iv == thr_v
            eq_i = jnp.where(eq, one_i, zero_i)
            ps = eq_i
            for sh in (1, 2, 4, 8):
                sbuf[pl.ds(_L, _L)] = ps
                ps = ps + sbuf[pl.ds(_L - sh, _L)]
            pref = ps - eq_i + tie_seen
            sel = gt | (eq & (pref < quota_v))
            mbuf[pl.ds(v * _L, _L)] = jnp.where(sel, one_f, zero_f)
            tie_seen = tie_seen + jnp.broadcast_to(ps[_L - 1], (_L,))
        pltpu.async_copy(mbuf, mask_hbm.at[wid], sem).wait()


def _select_sc(noisy):
    mesh = plsc.VectorSubcoreMesh(
        core_axis_name="c", subcore_axis_name="s", num_cores=2)
    kern = functools.partial(
        pl.kernel,
        mesh=mesh,
        out_type=jax.ShapeDtypeStruct((_B, _C), jnp.float32),
        scratch_types=[
            pltpu.VMEM((_C,), jnp.int32),
            pltpu.VMEM((_C,), jnp.float32),
            pltpu.VMEM((3 * _L,), jnp.int32),
            pltpu.SemaphoreType.DMA,
        ],
    )(_select_body)
    return kern(noisy)


def _apply_body(x_ref, m_ref, y_ref):
    y_ref[0] = x_ref[0] * m_ref[0]


def _apply_tc(x, mask):
    return pl.pallas_call(
        _apply_body,
        grid=(_B,),
        in_specs=[
            pl.BlockSpec((1, _C, _T), lambda b: (b, 0, 0)),
            pl.BlockSpec((1, _C, 1), lambda b: (b, 0, 0)),
        ],
        out_specs=pl.BlockSpec((1, _C, _T), lambda b: (b, 0, 0)),
        out_shape=jax.ShapeDtypeStruct((_B, _C, _T), jnp.float32),
        compiler_params=pltpu.CompilerParams(
            dimension_semantics=("arbitrary",),
        ),
    )(x, mask.reshape(_B, _C, 1))


def kernel(x, Wq, Wk):
    B, C, T = x.shape
    u = jax.random.uniform(jax.random.key(42), (B, C), minval=1e-20, maxval=1.0)
    g = (-jnp.log(-jnp.log(u))).reshape(B, 1, C)
    noisy = _scores_tc(x, Wq, Wk, g)
    mask = _select_sc(noisy)
    return _apply_tc(x, mask)

# --- scband reference (transcript-rebuilt; emitter-appended) ---
"""Pipeline reference for scband-channel-selector-44109314130309 (READ-ONLY COPY).

The authoritative reference and input builder live on the scoring server;
editing this copy changes nothing except your own understanding.
"""

import jax, jax.numpy as jnp
import numpy as np
import math

CH_OUT = 384

def setup_inputs(seed: int = 0) -> dict:
    key = jax.random.key(seed)
    k1, k2, k3 = jax.random.split(key, 3)
    x = jax.random.normal(k1, (4, 768, 2048), dtype=jnp.float32)
    Wq = jax.random.normal(k2, (768, 768), dtype=jnp.float32) * 0.01
    Wk = jax.random.normal(k3, (768, 768), dtype=jnp.float32) * 0.01
    return {"x": x, "Wq": Wq, "Wk": Wk}

def reference(x, Wq, Wk):
    tau = 1e-08
    B, C, T = x.shape
    s = jnp.mean(x, axis=2)[..., None]  # [B, C, 1]
    Q = s * Wq  # [B, C, C]
    K = s * Wk  # [B, C, C]
    att = jnp.matmul(Q, jnp.swapaxes(K, -1, -2)) / math.sqrt(Wq.shape[1])
    att = jax.nn.softmax(att, axis=-1)
    scores = jnp.mean(att, axis=1)  # [B, C]
    u = jax.random.uniform(jax.random.key(42), scores.shape, minval=1e-20, maxval=1.0)
    g = -jnp.log(-jnp.log(u))
    noisy = scores + tau * g
    _, idx = jax.lax.top_k(noisy, CH_OUT)
    hard_mask = jnp.zeros_like(scores).at[jnp.arange(B)[:, None], idx].set(1.0).reshape(B, C, 1)
    y_hard = x * hard_mask
    soft_mask = jax.nn.softmax(scores / max(tau, 1e-08), axis=-1).reshape(B, C, 1)
    y_soft = x * soft_mask
    return y_hard + (y_soft - jax.lax.stop_gradient(y_soft))

if __name__ == "__main__":
    import jax
    _d = setup_inputs()
    print(jax.jit(kernel)(*tuple(_d.values())))

</pallas_src>

<mosaic_0001>
#map = affine_map<(d0, d1) -> (0, 0)>
module attributes {stable_mosaic.version = 14 : i64} {
  func.func @_select_body(%arg0: i32, %arg1: i32, %arg2: memref<4x768xi32, #tpu.memory_space<hbm>>, %arg3: memref<4x768xf32, #tpu.memory_space<hbm>>, %arg4: memref<768xi32, #tpu.memory_space<vmem>>, %arg5: memref<768xf32, #tpu.memory_space<vmem>>, %arg6: memref<48xi32, #tpu.memory_space<vmem>>, %arg7: memref<!tpu.dma_semaphore, #tpu.memory_space<semaphore_mem>>) attributes {dimension_semantics = [#tpu.dimension_semantics<core_parallel>, #tpu.dimension_semantics<subcore_parallel>], iteration_bounds = array<i64: 2, 16>, scalar_prefetch = 0 : i64, scratch_operands = 4 : i64, tpu.core_type = #tpu.core_type<sc_vector_subcore>, window_params = [{transform_indices = #map}, {transform_indices = #map}]} {
    %mul3A = arith.constant 2 : i32
    %mul3A_0 = arith.muli %arg1, %mul3A : i32
    %add3A = arith.addi %mul3A_0, %arg0 : i32
    %broadcast_in_dim3A = arith.constant 1 : i32
    %broadcast_in_dim3A_1 = vector.broadcast %broadcast_in_dim3A : i32 to vector<16xi32>
    %broadcast_in_dim3A_2 = arith.constant 0 : i32
    %broadcast_in_dim3A_3 = vector.broadcast %broadcast_in_dim3A_2 : i32 to vector<16xi32>
    %broadcast_in_dim3A_4 = arith.constant 1.000000e+00 : f32
    %broadcast_in_dim3A_5 = vector.broadcast %broadcast_in_dim3A_4 : f32 to vector<16xf32>
    %broadcast_in_dim3A_6 = arith.constant 0.000000e+00 : f32
    %broadcast_in_dim3A_7 = vector.broadcast %broadcast_in_dim3A_6 : f32 to vector<16xf32>
    %lt3A = arith.constant 4 : i32
    %lt3A_8 = arith.cmpi slt, %add3A, %lt3A : i32
    %convert_element_type3A = arith.extui %lt3A_8 : i1 to i32
    %cond3A = arith.constant 0 : i32
    %cond3A_9 = arith.cmpi ne, %convert_element_type3A, %cond3A : i32
    scf.if %cond3A_9 {
      %dma_start3A = arith.constant 0 : i32
      %dma_start3A_10 = tpu.memref_slice %arg2[%add3A, %dma_start3A] : memref<4x768xi32, #tpu.memory_space<hbm>> -> memref<1x768xi32, #tpu.memory_space<hbm>>
      %dma_start3A_11 = tpu.memref_squeeze %dma_start3A_10 : memref<1x768xi32, #tpu.memory_space<hbm>> -> memref<768xi32, #tpu.memory_space<hbm>>
      %dma_start3A_12 = arith.constant 0 : i32
      %dma_start3A_13 = tpu.memref_slice %arg2[%add3A, %dma_start3A_12] : memref<4x768xi32, #tpu.memory_space<hbm>> -> memref<1x768xi32, #tpu.memory_space<hbm>>
      %dma_start3A_14 = tpu.memref_squeeze %dma_start3A_13 : memref<1x768xi32, #tpu.memory_space<hbm>> -> memref<768xi32, #tpu.memory_space<hbm>>
      tpu.enqueue_dma source(%dma_start3A_14 : memref<768xi32, #tpu.memory_space<hbm>>) target(%arg4 : memref<768xi32, #tpu.memory_space<vmem>>) target_semaphore(%arg7 : memref<!tpu.dma_semaphore, #tpu.memory_space<semaphore_mem>>)
      %dma_wait3A = arith.constant 0 : i32
      %dma_wait3A_15 = tpu.memref_slice %arg2[%add3A, %dma_wait3A] : memref<4x768xi32, #tpu.memory_space<hbm>> -> memref<1x768xi32, #tpu.memory_space<hbm>>
      %dma_wait3A_16 = tpu.memref_squeeze %dma_wait3A_15 : memref<1x768xi32, #tpu.memory_space<hbm>> -> memref<768xi32, #tpu.memory_space<hbm>>
      %dma_wait3A_17 = arith.constant 0 : i32
      %dma_wait3A_18 = tpu.memref_slice %arg2[%add3A, %dma_wait3A_17] : memref<4x768xi32, #tpu.memory_space<hbm>> -> memref<1x768xi32, #tpu.memory_space<hbm>>
      %dma_wait3A_19 = tpu.memref_squeeze %dma_wait3A_18 : memref<1x768xi32, #tpu.memory_space<hbm>> -> memref<768xi32, #tpu.memory_space<hbm>>
      tpu.wait_dma2 semaphore(%arg7 : memref<!tpu.dma_semaphore, #tpu.memory_space<semaphore_mem>>) src(%dma_wait3A_19 : memref<768xi32, #tpu.memory_space<hbm>>) dst(%arg4 : memref<768xi32, #tpu.memory_space<vmem>>)
      %swap3A = arith.constant 0 : index
      %swap3A_20 = tpu.vector_load %arg6[%swap3A] {strides = array<i32>} : memref<48xi32, #tpu.memory_space<vmem>>, vector<16xi32>,
      %swap3A_21 = vector.shape_cast %swap3A_20 : vector<16xi32> to vector<16xi32>
      %swap3A_22 = vector.shape_cast %broadcast_in_dim3A_3 : vector<16xi32> to vector<16xi32>
      tpu.vector_store %arg6[%swap3A], %swap3A_22 {strides = array<i32>} : memref<48xi32, #tpu.memory_space<vmem>>, vector<16xi32>,
      %swap3A_23 = arith.constant 32 : index
      %swap3A_24 = tpu.vector_load %arg6[%swap3A_23] {strides = array<i32>} : memref<48xi32, #tpu.memory_space<vmem>>, vector<16xi32>,
      %swap3A_25 = vector.shape_cast %swap3A_24 : vector<16xi32> to vector<16xi32>
      %swap3A_26 = vector.shape_cast %broadcast_in_dim3A_3 : vector<16xi32> to vector<16xi32>
      tpu.vector_store %arg6[%swap3A_23], %swap3A_26 {strides = array<i32>} : memref<48xi32, #tpu.memory_space<vmem>>, vector<16xi32>,
      %scan3A = arith.constant 0 : i32
      %scan3A_27 = arith.constant 0 : i32
      %scan3A_28 = arith.constant 31 : i32
      %scan3A_29 = arith.addi %scan3A_27, %scan3A_28 : i32
      %scan3A_30 = arith.constant 1 : i32
      %scan3A_31 = scf.for %scan3A_2858 = %scan3A_27 to %scan3A_29 step %scan3A_30 iter_args(%scan3A_2859 = %scan3A) -> (i32)  : i32 {
        %sub3A_2860 = arith.constant 30 : i32
        %sub3A_2861 = arith.subi %sub3A_2860, %scan3A_2858 : i32
        %shift_left3A = arith.constant 1 : i32
        %shift_left3A_2862 = arith.shli %shift_left3A, %sub3A_2861 : i32
        %or3A_2863 = arith.ori %scan3A_2859, %shift_left3A_2862 : i32
        %broadcast_in_dim3A_2864 = vector.broadcast %or3A_2863 : i32 to vector<16xi32>
        %get3A_2865 = arith.constant 0 : index
        %get3A_2866 = tpu.vector_load %arg4[%get3A_2865] {strides = array<i32>} : memref<768xi32, #tpu.memory_space<vmem>>, vector<16xi32>,
        %get3A_2867 = vector.shape_cast %get3A_2866 : vector<16xi32> to vector<16xi32>
        %ge3A = arith.cmpi sge, %get3A_2867, %broadcast_in_dim3A_2864 : vector<16xi32>
        %select_n3A_2868 = arith.select %ge3A, %broadcast_in_dim3A_1, %broadcast_in_dim3A_3 : vector<16xi1>, vector<16xi32>
        %add3A_2869 = arith.addi %broadcast_in_dim3A_3, %select_n3A_2868 : vector<16xi32>
        %get3A_2870 = arith.constant 16 : index
        %get3A_2871 = tpu.vector_load %arg4[%get3A_2870] {strides = array<i32>} : memref<768xi32, #tpu.memory_space<vmem>>, vector<16xi32>,
        %get3A_2872 = vector.shape_cast %get3A_2871 : vector<16xi32> to vector<16xi32>
        %ge3A_2873 = arith.cmpi sge, %get3A_2872, %broadcast_in_dim3A_2864 : vector<16xi32>
        %select_n3A_2874 = arith.select %ge3A_2873, %broadcast_in_dim3A_1, %broadcast_in_dim3A_3 : vector<16xi1>, vector<16xi32>
        %add3A_2875 = arith.addi %add3A_2869, %select_n3A_2874 : vector<16xi32>
        %get3A_2876 = arith.constant 32 : index
        %get3A_2877 = tpu.vector_load %arg4[%get3A_2876] {strides = array<i32>} : memref<768xi32, #tpu.memory_space<vmem>>, vector<16xi32>,
        %get3A_2878 = vector.shape_cast %get3A_2877 : vector<16xi32> to vector<16xi32>
        %ge3A_2879 = arith.cmpi sge, %get3A_2878, %broadcast_in_dim3A_2864 : vector<16xi32>
        %select_n3A_2880 = arith.select %ge3A_2879, %broadcast_in_dim3A_1, %broadcast_in_dim3A_3 : vector<16xi1>, vector<16xi32>
        %add3A_2881 = arith.addi %add3A_2875, %select_n3A_2880 : vector<16xi32>
        %get3A_2882 = arith.constant 48 : index
        %get3A_2883 = tpu.vector_load %arg4[%get3A_2882] {strides = array<i32>} : memref<768xi32, #tpu.memory_space<vmem>>, vector<16xi32>,
        %get3A_2884 = vector.shape_cast %get3A_2883 : vector<16xi32> to vector<16xi32>
        %ge3A_2885 = arith.cmpi sge, %get3A_2884, %broadcast_in_dim3A_2864 : vector<16xi32>
        %select_n3A_2886 = arith.select %ge3A_2885, %broadcast_in_dim3A_1, %broadcast_in_dim3A_3 : vector<16xi1>, vector<16xi32>
        %add3A_2887 = arith.addi %add3A_2881, %select_n3A_2886 : vector<16xi32>
        %get3A_2888 = arith.constant 64 : index
        %get3A_2889 = tpu.vector_load %arg4[%get3A_2888] {strides = array<i32>} : memref<768xi32, #tpu.memory_space<vmem>>, vector<16xi32>,
        %get3A_2890 = vector.shape_cast %get3A_2889 : vector<16xi32> to vector<16xi32>
        %ge3A_2891 = arith.cmpi sge, %get3A_2890, %broadcast_in_dim3A_2864 : vector<16xi32>
        %select_n3A_2892 = arith.select %ge3A_2891, %broadcast_in_dim3A_1, %broadcast_in_dim3A_3 : vector<16xi1>, vector<16xi32>
        %add3A_2893 = arith.addi %add3A_2887, %select_n3A_2892 : vector<16xi32>
        %get3A_2894 = arith.constant 80 : index
        %get3A_2895 = tpu.vector_load %arg4[%get3A_2894] {strides = array<i32>} : memref<768xi32, #tpu.memory_space<vmem>>, vector<16xi32>,
        %get3A_2896 = vector.shape_cast %get3A_2895 : vector<16xi32> to vector<16xi32>
        %ge3A_2897 = arith.cmpi sge, %get3A_2896, %broadcast_in_dim3A_2864 : vector<16xi32>
        %select_n3A_2898 = arith.select %ge3A_2897, %broadcast_in_dim3A_1, %broadcast_in_dim3A_3 : vector<16xi1>, vector<16xi32>
        %add3A_2899 = arith.addi %add3A_2893, %select_n3A_2898 : vector<16xi32>
        %get3A_2900 = arith.constant 96 : index
        %get3A_2901 = tpu.vector_load %arg4[%get3A_2900] {strides = array<i32>} : memref<768xi32, #tpu.memory_space<vmem>>, vector<16xi32>,
        %get3A_2902 = vector.shape_cast %get3A_2901 : vector<16xi32> to vector<16xi32>
        %ge3A_2903 = arith.cmpi sge, %get3A_2902, %broadcast_in_dim3A_2864 : vector<16xi32>
        %select_n3A_2904 = arith.select %ge3A_2903, %broadcast_in_dim3A_1, %broadcast_in_dim3A_3 : vector<16xi1>, vector<16xi32>
        %add3A_2905 = arith.addi %add3A_2899, %select_n3A_2904 : vector<16xi32>
        %get3A_2906 = arith.constant 112 : index
        %get3A_2907 = tpu.vector_load %arg4[%get3A_2906] {strides = array<i32>} : memref<768xi32, #tpu.memory_space<vmem>>, vector<16xi32>,
        %get3A_2908 = vector.shape_cast %get3A_2907 : vector<16xi32> to vector<16xi32>
        %ge3A_2909 = arith.cmpi sge, %get3A_2908, %broadcast_in_dim3A_2864 : vector<16xi32>
        %select_n3A_2910 = arith.select %ge3A_2909, %broadcast_in_dim3A_1, %broadcast_in_dim3A_3 : vector<16xi1>, vector<16xi32>
        %add3A_2911 = arith.addi %add3A_2905, %select_n3A_2910 : vector<16xi32>
        %get3A_2912 = arith.constant 128 : index
        %get3A_2913 = tpu.vector_load %arg4[%get3A_2912] {strides = array<i32>} : memref<768xi32, #tpu.memory_space<vmem>>, vector<16xi32>,
        %get3A_2914 = vector.shape_cast %get3A_2913 : vector<16xi32> to vector<16xi32>
        %ge3A_2915 = arith.cmpi sge, %get3A_2914, %broadcast_in_dim3A_2864 : vector<16xi32>
        %select_n3A_2916 = arith.select %ge3A_2915, %broadcast_in_dim3A_1, %broadcast_in_dim3A_3 : vector<16xi1>, vector<16xi32>
        %add3A_2917 = arith.addi %add3A_2911, %select_n3A_2916 : vector<16xi32>
        %get3A_2918 = arith.constant 144 : index
        %get3A_2919 = tpu.vector_load %arg4[%get3A_2918] {strides = array<i32>} : memref<768xi32, #tpu.memory_space<vmem>>, vector<16xi32>,
        %get3A_2920 = vector.shape_cast %get3A_2919 : vector<16xi32> to vector<16xi32>
        %ge3A_2921 = arith.cmpi sge, %get3A_2920, %broadcast_in_dim3A_2864 : vector<16xi32>
        %select_n3A_2922 = arith.select %ge3A_2921, %broadcast_in_dim3A_1, %broadcast_in_dim3A_3 : vector<16xi1>, vector<16xi32>
        %add3A_2923 = arith.addi %add3A_2917, %select_n3A_2922 : vector<16xi32>
        %get3A_2924 = arith.constant 160 : index
        %get3A_2925 = tpu.vector_load %arg4[%get3A_2924] {strides = array<i32>} : memref<768xi32, #tpu.memory_space<vmem>>, vector<16xi32>,
        %get3A_2926 = vector.shape_cast %get3A_2925 : vector<16xi32> to vector<16xi32>
        %ge3A_2927 = arith.cmpi sge, %get3A_2926, %broadcast_in_dim3A_2864 : vector<16xi32>
        %select_n3A_2928 = arith.select %ge3A_2927, %broadcast_in_dim3A_1, %broadcast_in_dim3A_3 : vector<16xi1>, vector<16xi32>
        %add3A_2929 = arith.addi %add3A_2923, %select_n3A_2928 : vector<16xi32>
        %get3A_2930 = arith.constant 176 : index
        %get3A_2931 = tpu.vector_load %arg4[%get3A_2930] {strides = array<i32>} : memref<768xi32, #tpu.memory_space<vmem>>, vector<16xi32>,
        %get3A_2932 = vector.shape_cast %get3A_2931 : vector<16xi32> to vector<16xi32>
        %ge3A_2933 = arith.cmpi sge, %get3A_2932, %broadcast_in_dim3A_2864 : vector<16xi32>
        %select_n3A_2934 = arith.select %ge3A_2933, %broadcast_in_dim3A_1, %broadcast_in_dim3A_3 : vector<16xi1>, vector<16xi32>
        %add3A_2935 = arith.addi %add3A_2929, %select_n3A_2934 : vector<16xi32>
        %get3A_2936 = arith.constant 192 : index
        %get3A_2937 = tpu.vector_load %arg4[%get3A_2936] {strides = array<i32>} : memref<768xi32, #tpu.memory_space<vmem>>, vector<16xi32>,
        %get3A_2938 = vector.shape_cast %get3A_2937 : vector<16xi32> to vector<16xi32>
        %ge3A_2939 = arith.cmpi sge, %get3A_2938, %broadcast_in_dim3A_2864 : vector<16xi32>
        %select_n3A_2940 = arith.select %ge3A_2939, %broadcast_in_dim3A_1, %broadcast_in_dim3A_3 : vector<16xi1>, vector<16xi32>
        %add3A_2941 = arith.addi %add3A_2935, %select_n3A_2940 : vector<16xi32>
        %get3A_2942 = arith.constant 208 : index
        %get3A_2943 = tpu.vector_load %arg4[%get3A_2942] {strides = array<i32>} : memref<768xi32, #tpu.memory_space<vmem>>, vector<16xi32>,
        %get3A_2944 = vector.shape_cast %get3A_2943 : vector<16xi32> to vector<16xi32>
        %ge3A_2945 = arith.cmpi sge, %get3A_2944, %broadcast_in_dim3A_2864 : vector<16xi32>
        %select_n3A_2946 = arith.select %ge3A_2945, %broadcast_in_dim3A_1, %broadcast_in_dim3A_3 : vector<16xi1>, vector<16xi32>
        %add3A_2947 = arith.addi %add3A_2941, %select_n3A_2946 : vector<16xi32>
        %get3A_2948 = arith.constant 224 : index
        %get3A_2949 = tpu.vector_load %arg4[%get3A_2948] {strides = array<i32>} : memref<768xi32, #tpu.memory_space<vmem>>, vector<16xi32>,
        %get3A_2950 = vector.shape_cast %get3A_2949 : vector<16xi32> to vector<16xi32>
        %ge3A_2951 = arith.cmpi sge, %get3A_2950, %broadcast_in_dim3A_2864 : vector<16xi32>
        %select_n3A_2952 = arith.select %ge3A_2951, %broadcast_in_dim3A_1, %broadcast_in_dim3A_3 : vector<16xi1>, vector<16xi32>
        %add3A_2953 = arith.addi %add3A_2947, %select_n3A_2952 : vector<16xi32>
        %get3A_2954 = arith.constant 240 : index
        %get3A_2955 = tpu.vector_load %arg4[%get3A_2954] {strides = array<i32>} : memref<768xi32, #tpu.memory_space<vmem>>, vector<16xi32>,
        %get3A_2956 = vector.shape_cast %get3A_2955 : vector<16xi32> to vector<16xi32>
        %ge3A_2957 = arith.cmpi sge, %get3A_2956, %broadcast_in_dim3A_2864 : vector<16xi32>
        %select_n3A_2958 = arith.select %ge3A_2957, %broadcast_in_dim3A_1, %broadcast_in_dim3A_3 : vector<16xi1>, vector<16xi32>
        %add3A_2959 = arith.addi %add3A_2953, %select_n3A_2958 : vector<16xi32>
        %get3A_2960 = arith.constant 256 : index
        %get3A_2961 = tpu.vector_load %arg4[%get3A_2960] {strides = array<i32>} : memref<768xi32, #tpu.memory_space<vmem>>, vector<16xi32>,
        %get3A_2962 = vector.shape_cast %get3A_2961 : vector<16xi32> to vector<16xi32>
        %ge3A_2963 = arith.cmpi sge, %get3A_2962, %broadcast_in_dim3A_2864 : vector<16xi32>
        %select_n3A_2964 = arith.select %ge3A_2963, %broadcast_in_dim3A_1, %broadcast_in_dim3A_3 : vector<16xi1>, vector<16xi32>
        %add3A_2965 = arith.addi %add3A_2959, %select_n3A_2964 : vector<16xi32>
        %get3A_2966 = arith.constant 272 : index
        %get3A_2967 = tpu.vector_load %arg4[%get3A_2966] {strides = array<i32>} : memref<768xi32, #tpu.memory_space<vmem>>, vector<16xi32>,
        %get3A_2968 = vector.shape_cast %get3A_2967 : vector<16xi32> to vector<16xi32>
        %ge3A_2969 = arith.cmpi sge, %get3A_2968, %broadcast_in_dim3A_2864 : vector<16xi32>
        %select_n3A_2970 = arith.select %ge3A_2969, %broadcast_in_dim3A_1, %broadcast_in_dim3A_3 : vector<16xi1>, vector<16xi32>
        %add3A_2971 = arith.addi %add3A_2965, %select_n3A_2970 : vector<16xi32>
        %get3A_2972 = arith.constant 288 : index
        %get3A_2973 = tpu.vector_load %arg4[%get3A_2972] {strides = array<i32>} : memref<768xi32, #tpu.memory_space<vmem>>, vector<16xi32>,
        %get3A_2974 = vector.shape_cast %get3A_2973 : vector<16xi32> to vector<16xi32>
        %ge3A_2975 = arith.cmpi sge, %get3A_2974, %broadcast_in_dim3A_2864 : vector<16xi32>
        %select_n3A_2976 = arith.select %ge3A_2975, %broadcast_in_dim3A_1, %broadcast_in_dim3A_3 : vector<16xi1>, vector<16xi32>
        %add3A_2977 = arith.addi %add3A_2971, %select_n3A_2976 : vector<16xi32>
        %get3A_2978 = arith.constant 304 : index
        %get3A_2979 = tpu.vector_load %arg4[%get3A_2978] {strides = array<i32>} : memref<768xi32, #tpu.memory_space<vmem>>, vector<16xi32>,
        %get3A_2980 = vector.shape_cast %get3A_2979 : vector<16xi32> to vector<16xi32>
        %ge3A_2981 = arith.cmpi sge, %get3A_2980, %broadcast_in_dim3A_2864 : vector<16xi32>
        %select_n3A_2982 = arith.select %ge3A_2981, %broadcast_in_dim3A_1, %broadcast_in_dim3A_3 : vector<16xi1>, vector<16xi32>
        %add3A_2983 = arith.addi %add3A_2977, %select_n3A_2982 : vector<16xi32>
        %get3A_2984 = arith.constant 320 : index
        %get3A_2985 = tpu.vector_load %arg4[%get3A_2984] {strides = array<i32>} : memref<768xi32, #tpu.memory_space<vmem>>, vector<16xi32>,
        %get3A_2986 = vector.shape_cast %get3A_2985 : vector<16xi32> to vector<16xi32>
        %ge3A_2987 = arith.cmpi sge, %get3A_2986, %broadcast_in_dim3A_2864 : vector<16xi32>
        %select_n3A_2988 = arith.select %ge3A_2987, %broadcast_in_dim3A_1, %broadcast_in_dim3A_3 : vector<16xi1>, vector<16xi32>
        %add3A_2989 = arith.addi %add3A_2983, %select_n3A_2988 : vector<16xi32>
        %get3A_2990 = arith.constant 336 : index
        %get3A_2991 = tpu.vector_load %arg4[%get3A_2990] {strides = array<i32>} : memref<768xi32, #tpu.memory_space<vmem>>, vector<16xi32>,
        %get3A_2992 = vector.shape_cast %get3A_2991 : vector<16xi32> to vector<16xi32>
        %ge3A_2993 = arith.cmpi sge, %get3A_2992, %broadcast_in_dim3A_2864 : vector<16xi32>
        %select_n3A_2994 = arith.select %ge3A_2993, %broadcast_in_dim3A_1, %broadcast_in_dim3A_3 : vector<16xi1>, vector<16xi32>
        %add3A_2995 = arith.addi %add3A_2989, %select_n3A_2994 : vector<16xi32>
        %get3A_2996 = arith.constant 352 : index
        %get3A_2997 = tpu.vector_load %arg4[%get3A_2996] {strides = array<i32>} : memref<768xi32, #tpu.memory_space<vmem>>, vector<16xi32>,
        %get3A_2998 = vector.shape_cast %get3A_2997 : vector<16xi32> to vector<16xi32>
        %ge3A_2999 = arith.cmpi sge, %get3A_2998, %broadcast_in_dim3A_2864 : vector<16xi32>
        %select_n3A_3000 = arith.select %ge3A_2999, %broadcast_in_dim3A_1, %broadcast_in_dim3A_3 : vector<16xi1>, vector<16xi32>
        %add3A_3001 = arith.addi %add3A_2995, %select_n3A_3000 : vector<16xi32>
        %get3A_3002 = arith.constant 368 : index
        %get3A_3003 = tpu.vector_load %arg4[%get3A_3002] {strides = array<i32>} : memref<768xi32, #tpu.memory_space<vmem>>, vector<16xi32>,
        %get3A_3004 = vector.shape_cast %get3A_3003 : vector<16xi32> to vector<16xi32>
        %ge3A_3005 = arith.cmpi sge, %get3A_3004, %broadcast_in_dim3A_2864 : vector<16xi32>
        %select_n3A_3006 = arith.select %ge3A_3005, %broadcast_in_dim3A_1, %broadcast_in_dim3A_3 : vector<16xi1>, vector<16xi32>
        %add3A_3007 = arith.addi %add3A_3001, %select_n3A_3006 : vector<16xi32>
        %get3A_3008 = arith.constant 384 : index
        %get3A_3009 = tpu.vector_load %arg4[%get3A_3008] {strides = array<i32>} : memref<768xi32, #tpu.memory_space<vmem>>, vector<16xi32>,
        %get3A_3010 = vector.shape_cast %get3A_3009 : vector<16xi32> to vector<16xi32>
        %ge3A_3011 = arith.cmpi sge, %get3A_3010, %broadcast_in_dim3A_2864 : vector<16xi32>
        %select_n3A_3012 = arith.select %ge3A_3011, %broadcast_in_dim3A_1, %broadcast_in_dim3A_3 : vector<16xi1>, vector<16xi32>
        %add3A_3013 = arith.addi %add3A_3007, %select_n3A_3012 : vector<16xi32>
        %get3A_3014 = arith.constant 400 : index
        %get3A_3015 = tpu.vector_load %arg4[%get3A_3014] {strides = array<i32>} : memref<768xi32, #tpu.memory_space<vmem>>, vector<16xi32>,
        %get3A_3016 = vector.shape_cast %get3A_3015 : vector<16xi32> to vector<16xi32>
        %ge3A_3017 = arith.cmpi sge, %get3A_3016, %broadcast_in_dim3A_2864 : vector<16xi32>
        %select_n3A_3018 = arith.select %ge3A_3017, %broadcast_in_dim3A_1, %broadcast_in_dim3A_3 : vector<16xi1>, vector<16xi32>
        %add3A_3019 = arith.addi %add3A_3013, %select_n3A_3018 : vector<16xi32>
        %get3A_3020 = arith.constant 416 : index
        %get3A_3021 = tpu.vector_load %arg4[%get3A_3020] {strides = array<i32>} : memref<768xi32, #tpu.memory_space<vmem>>, vector<16xi32>,
        %get3A_3022 = vector.shape_cast %get3A_3021 : vector<16xi32> to vector<16xi32>
        %ge3A_3023 = arith.cmpi sge, %get3A_3022, %broadcast_in_dim3A_2864 : vector<16xi32>
        %select_n3A_3024 = arith.select %ge3A_3023, %broadcast_in_dim3A_1, %broadcast_in_dim3A_3 : vector<16xi1>, vector<16xi32>
        %add3A_3025 = arith.addi %add3A_3019, %select_n3A_3024 : vector<16xi32>
        %get3A_3026 = arith.constant 432 : index
        %get3A_3027 = tpu.vector_load %arg4[%get3A_3026] {strides = array<i32>} : memref<768xi32, #tpu.memory_space<vmem>>, vector<16xi32>,
        %get3A_3028 = vector.shape_cast %get3A_3027 : vector<16xi32> to vector<16xi32>
        %ge3A_3029 = arith.cmpi sge, %get3A_3028, %broadcast_in_dim3A_2864 : vector<16xi32>
        %select_n3A_3030 = arith.select %ge3A_3029, %broadcast_in_dim3A_1, %broadcast_in_dim3A_3 : vector<16xi1>, vector<16xi32>
        %add3A_3031 = arith.addi %add3A_3025, %select_n3A_3030 : vector<16xi32>
        %get3A_3032 = arith.constant 448 : index
        %get3A_3033 = tpu.vector_load %arg4[%get3A_3032] {strides = array<i32>} : memref<768xi32, #tpu.memory_space<vmem>>, vector<16xi32>,
        %get3A_3034 = vector.shape_cast %get3A_3033 : vector<16xi32> to vector<16xi32>
        %ge3A_3035 = arith.cmpi sge, %get3A_3034, %broadcast_in_dim3A_2864 : vector<16xi32>
        %select_n3A_3036 = arith.select %ge3A_3035, %broadcast_in_dim3A_1, %broadcast_in_dim3A_3 : vector<16xi1>, vector<16xi32>
        %add3A_3037 = arith.addi %add3A_3031, %select_n3A_3036 : vector<16xi32>
        %get3A_3038 = arith.constant 464 : index
        %get3A_3039 = tpu.vector_load %arg4[%get3A_3038] {strides = array<i32>} : memref<768xi32, #tpu.memory_space<vmem>>, vector<16xi32>,
        %get3A_3040 = vector.shape_cast %get3A_3039 : vector<16xi32> to vector<16xi32>
        %ge3A_3041 = arith.cmpi sge, %get3A_3040, %broadcast_in_dim3A_2864 : vector<16xi32>
        %select_n3A_3042 = arith.select %ge3A_3041, %broadcast_in_dim3A_1, %broadcast_in_dim3A_3 : vector<16xi1>, vector<16xi32>
        %add3A_3043 = arith.addi %add3A_3037, %select_n3A_3042 : vector<16xi32>
        %get3A_3044 = arith.constant 480 : index
        %get3A_3045 = tpu.vector_load %arg4[%get3A_3044] {strides = array<i32>} : memref<768xi32, #tpu.memory_space<vmem>>, vector<16xi32>,
        %get3A_3046 = vector.shape_cast %get3A_3045 : vector<16xi32> to vector<16xi32>
        %ge3A_3047 = arith.cmpi sge, %get3A_3046, %broadcast_in_dim3A_2864 : vector<16xi32>
        %select_n3A_3048 = arith.select %ge3A_3047, %broadcast_in_dim3A_1, %broadcast_in_dim3A_3 : vector<16xi1>, vector<16xi32>
        %add3A_3049 = arith.addi %add3A_3043, %select_n3A_3048 : vector<16xi32>
        %get3A_3050 = arith.constant 496 : index
        %get3A_3051 = tpu.vector_load %arg4[%get3A_3050] {strides = array<i32>} : memref<768xi32, #tpu.memory_space<vmem>>, vector<16xi32>,
        %get3A_3052 = vector.shape_cast %get3A_3051 : vector<16xi32> to vector<16xi32>
        %ge3A_3053 = arith.cmpi sge, %get3A_3052, %broadcast_in_dim3A_2864 : vector<16xi32>
        %select_n3A_3054 = arith.select %ge3A_3053, %broadcast_in_dim3A_1, %broadcast_in_dim3A_3 : vector<16xi1>, vector<16xi32>
        %add3A_3055 = arith.addi %add3A_3049, %select_n3A_3054 : vector<16xi32>
        %get3A_3056 = arith.constant 512 : index
        %get3A_3057 = tpu.vector_load %arg4[%get3A_3056] {strides = array<i32>} : memref<768xi32, #tpu.memory_space<vmem>>, vector<16xi32>,
        %get3A_3058 = vector.shape_cast %get3A_3057 : vector<16xi32> to vector<16xi32>
        %ge3A_3059 = arith.cmpi sge, %get3A_3058, %broadcast_in_dim3A_2864 : vector<16xi32>
        %select_n3A_3060 = arith.select %ge3A_3059, %broadcast_in_dim3A_1, %broadcast_in_dim3A_3 : vector<16xi1>, vector<16xi32>
        %add3A_3061 = arith.addi %add3A_3055, %select_n3A_3060 : vector<16xi32>
        %get3A_3062 = arith.constant 528 : index
        %get3A_3063 = tpu.vector_load %arg4[%get3A_3062] {strides = array<i32>} : memref<768xi32, #tpu.memory_space<vmem>>, vector<16xi32>,
        %get3A_3064 = vector.shape_cast %get3A_3063 : vector<16xi32> to vector<16xi32>
        %ge3A_3065 = arith.cmpi sge, %get3A_3064, %broadcast_in_dim3A_2864 : vector<16xi32>
        %select_n3A_3066 = arith.select %ge3A_3065, %broadcast_in_dim3A_1, %broadcast_in_dim3A_3 : vector<16xi1>, vector<16xi32>
        %add3A_3067 = arith.addi %add3A_3061, %select_n3A_3066 : vector<16xi32>
        %get3A_3068 = arith.constant 544 : index
        %get3A_3069 = tpu.vector_load %arg4[%get3A_3068] {strides = array<i32>} : memref<768xi32, #tpu.memory_space<vmem>>, vector<16xi32>,
        %get3A_3070 = vector.shape_cast %get3A_3069 : vector<16xi32> to vector<16xi32>
        %ge3A_3071 = arith.cmpi sge, %get3A_3070, %broadcast_in_dim3A_2864 : vector<16xi32>
        %select_n3A_3072 = arith.select %ge3A_3071, %broadcast_in_dim3A_1, %broadcast_in_dim3A_3 : vector<16xi1>, vector<16xi32>
        %add3A_3073 = arith.addi %add3A_3067, %select_n3A_3072 : vector<16xi32>
        %get3A_3074 = arith.constant 560 : index
        %get3A_3075 = tpu.vector_load %arg4[%get3A_3074] {strides = array<i32>} : memref<768xi32, #tpu.memory_space<vmem>>, vector<16xi32>,
        %get3A_3076 = vector.shape_cast %get3A_3075 : vector<16xi32> to vector<16xi32>
        %ge3A_3077 = arith.cmpi sge, %get3A_3076, %broadcast_in_dim3A_2864 : vector<16xi32>
        %select_n3A_3078 = arith.select %ge3A_3077, %broadcast_in_dim3A_1, %broadcast_in_dim3A_3 : vector<16xi1>, vector<16xi32>
        %add3A_3079 = arith.addi %add3A_3073, %select_n3A_3078 : vector<16xi32>
        %get3A_3080 = arith.constant 576 : index
        %get3A_3081 = tpu.vector_load %arg4[%get3A_3080] {strides = array<i32>} : memref<768xi32, #tpu.memory_space<vmem>>, vector<16xi32>,
        %get3A_3082 = vector.shape_cast %get3A_3081 : vector<16xi32> to vector<16xi32>
        %ge3A_3083 = arith.cmpi sge, %get3A_3082, %broadcast_in_dim3A_2864 : vector<16xi32>
        %select_n3A_3084 = arith.select %ge3A_3083, %broadcast_in_dim3A_1, %broadcast_in_dim3A_3 : vector<16xi1>, vector<16xi32>
        %add3A_3085 = arith.addi %add3A_3079, %select_n3A_3084 : vector<16xi32>
        %get3A_3086 = arith.constant 592 : index
        %get3A_3087 = tpu.vector_load %arg4[%get3A_3086] {strides = array<i32>} : memref<768xi32, #tpu.memory_space<vmem>>, vector<16xi32>,
        %get3A_3088 = vector.shape_cast %get3A_3087 : vector<16xi32> to vector<16xi32>
        %ge3A_3089 = arith.cmpi sge, %get3A_3088, %broadcast_in_dim3A_2864 : vector<16xi32>
        %select_n3A_3090 = arith.select %ge3A_3089, %broadcast_in_dim3A_1, %broadcast_in_dim3A_3 : vector<16xi1>, vector<16xi32>
        %add3A_3091 = arith.addi %add3A_3085, %select_n3A_3090 : vector<16xi32>
        %get3A_3092 = arith.constant 608 : index
        %get3A_3093 = tpu.vector_load %arg4[%get3A_3092] {strides = array<i32>} : memref<768xi32, #tpu.memory_space<vmem>>, vector<16xi32>,
        %get3A_3094 = vector.shape_cast %get3A_3093 : vector<16xi32> to vector<16xi32>
        %ge3A_3095 = arith.cmpi sge, %get3A_3094, %broadcast_in_dim3A_2864 : vector<16xi32>
        %select_n3A_3096 = arith.select %ge3A_3095, %broadcast_in_dim3A_1, %broadcast_in_dim3A_3 : vector<16xi1>, vector<16xi32>
        %add3A_3097 = arith.addi %add3A_3091, %select_n3A_3096 : vector<16xi32>
        %get3A_3098 = arith.constant 624 : index
        %get3A_3099 = tpu.vector_load %arg4[%get3A_3098] {strides = array<i32>} : memref<768xi32, #tpu.memory_space<vmem>>, vector<16xi32>,
        %get3A_3100 = vector.shape_cast %get3A_3099 : vector<16xi32> to vector<16xi32>
        %ge3A_3101 = arith.cmpi sge, %get3A_3100, %broadcast_in_dim3A_2864 : vector<16xi32>
        %select_n3A_3102 = arith.select %ge3A_3101, %broadcast_in_dim3A_1, %broadcast_in_dim3A_3 : vector<16xi1>, vector<16xi32>
        %add3A_3103 = arith.addi %add3A_3097, %select_n3A_3102 : vector<16xi32>
        %get3A_3104 = arith.constant 640 : index
        %get3A_3105 = tpu.vector_load %arg4[%get3A_3104] {strides = array<i32>} : memref<768xi32, #tpu.memory_space<vmem>>, vector<16xi32>,
        %get3A_3106 = vector.shape_cast %get3A_3105 : vector<16xi32> to vector<16xi32>
        %ge3A_3107 = arith.cmpi sge, %get3A_3106, %broadcast_in_dim3A_2864 : vector<16xi32>
        %select_n3A_3108 = arith.select %ge3A_3107, %broadcast_in_dim3A_1, %broadcast_in_dim3A_3 : vector<16xi1>, vector<16xi32>
        %add3A_3109 = arith.addi %add3A_3103, %select_n3A_3108 : vector<16xi32>
        %get3A_3110 = arith.constant 656 : index
        %get3A_3111 = tpu.vector_load %arg4[%get3A_3110] {strides = array<i32>} : memref<768xi32, #tpu.memory_space<vmem>>, vector<16xi32>,
        %get3A_3112 = vector.shape_cast %get3A_3111 : vector<16xi32> to vector<16xi32>
        %ge3A_3113 = arith.cmpi sge, %get3A_3112, %broadcast_in_dim3A_2864 : vector<16xi32>
        %select_n3A_3114 = arith.select %ge3A_3113, %broadcast_in_dim3A_1, %broadcast_in_dim3A_3 : vector<16xi1>, vector<16xi32>
        %add3A_3115 = arith.addi %add3A_3109, %select_n3A_3114 : vector<16xi32>
        %get3A_3116 = arith.constant 672 : index
        %get3A_3117 = tpu.vector_load %arg4[%get3A_3116] {strides = array<i32>} : memref<768xi32, #tpu.memory_space<vmem>>, vector<16xi32>,
        %get3A_3118 = vector.shape_cast %get3A_3117 : vector<16xi32> to vector<16xi32>
        %ge3A_3119 = arith.cmpi sge, %get3A_3118, %broadcast_in_dim3A_2864 : vector<16xi32>
        %select_n3A_3120 = arith.select %ge3A_3119, %broadcast_in_dim3A_1, %broadcast_in_dim3A_3 : vector<16xi1>, vector<16xi32>
        %add3A_3121 = arith.addi %add3A_3115, %select_n3A_3120 : vector<16xi32>
        %get3A_3122 = arith.constant 688 : index
        %get3A_3123 = tpu.vector_load %arg4[%get3A_3122] {strides = array<i32>} : memref<768xi32, #tpu.memory_space<vmem>>, vector<16xi32>,
        %get3A_3124 = vector.shape_cast %get3A_3123 : vector<16xi32> to vector<16xi32>
        %ge3A_3125 = arith.cmpi sge, %get3A_3124, %broadcast_in_dim3A_2864 : vector<16xi32>
        %select_n3A_3126 = arith.select %ge3A_3125, %broadcast_in_dim3A_1, %broadcast_in_dim3A_3 : vector<16xi1>, vector<16xi32>
        %add3A_3127 = arith.addi %add3A_3121, %select_n3A_3126 : vector<16xi32>
        %get3A_3128 = arith.constant 704 : index
        %get3A_3129 = tpu.vector_load %arg4[%get3A_3128] {strides = array<i32>} : memref<768xi32, #tpu.memory_space<vmem>>, vector<16xi32>,
        %get3A_3130 = vector.shape_cast %get3A_3129 : vector<16xi32> to vector<16xi32>
        %ge3A_3131 = arith.cmpi sge, %get3A_3130, %broadcast_in_dim3A_2864 : vector<16xi32>
        %select_n3A_3132 = arith.select %ge3A_3131, %broadcast_in_dim3A_1, %broadcast_in_dim3A_3 : vector<16xi1>, vector<16xi32>
        %add3A_3133 = arith.addi %add3A_3127, %select_n3A_3132 : vector<16xi32>
        %get3A_3134 = arith.constant 720 : index
        %get3A_3135 = tpu.vector_load %arg4[%get3A_3134] {strides = array<i32>} : memref<768xi32, #tpu.memory_space<vmem>>, vector<16xi32>,
        %get3A_3136 = vector.shape_cast %get3A_3135 : vector<16xi32> to vector<16xi32>
        %ge3A_3137 = arith.cmpi sge, %get3A_3136, %broadcast_in_dim3A_2864 : vector<16xi32>
        %select_n3A_3138 = arith.select %ge3A_3137, %broadcast_in_dim3A_1, %broadcast_in_dim3A_3 : vector<16xi1>, vector<16xi32>
        %add3A_3139 = arith.addi %add3A_3133, %select_n3A_3138 : vector<16xi32>
        %get3A_3140 = arith.constant 736 : index
        %get3A_3141 = tpu.vector_load %arg4[%get3A_3140] {strides = array<i32>} : memref<768xi32, #tpu.memory_space<vmem>>, vector<16xi32>,
        %get3A_3142 = vector.shape_cast %get3A_3141 : vector<16xi32> to vector<16xi32>
        %ge3A_3143 = arith.cmpi sge, %get3A_3142, %broadcast_in_dim3A_2864 : vector<16xi32>
        %select_n3A_3144 = arith.select %ge3A_3143, %broadcast_in_dim3A_1, %broadcast_in_dim3A_3 : vector<16xi1>, vector<16xi32>
        %add3A_3145 = arith.addi %add3A_3139, %select_n3A_3144 : vector<16xi32>
        %get3A_3146 = arith.constant 752 : index
        %get3A_3147 = tpu.vector_load %arg4[%get3A_3146] {strides = array<i32>} : memref<768xi32, #tpu.memory_space<vmem>>, vector<16xi32>,
        %get3A_3148 = vector.shape_cast %get3A_3147 : vector<16xi32> to vector<16xi32>
        %ge3A_3149 = arith.cmpi sge, %get3A_3148, %broadcast_in_dim3A_2864 : vector<16xi32>
        %select_n3A_3150 = arith.select %ge3A_3149, %broadcast_in_dim3A_1, %broadcast_in_dim3A_3 : vector<16xi1>, vector<16xi32>
        %add3A_3151 = arith.addi %add3A_3145, %select_n3A_3150 : vector<16xi32>
        %swap3A_3152 = arith.constant 16 : index
        %swap3A_3153 = tpu.vector_load %arg6[%swap3A_3152] {strides = array<i32>} : memref<48xi32, #tpu.memory_space<vmem>>, vector<16xi32>,
        %swap3A_3154 = vector.shape_cast %swap3A_3153 : vector<16xi32> to vector<16xi32>
        %swap3A_3155 = vector.shape_cast %add3A_3151 : vector<16xi32> to vector<16xi32>
        tpu.vector_store %arg6[%swap3A_3152], %swap3A_3155 {strides = array<i32>} : memref<48xi32, #tpu.memory_space<vmem>>, vector<16xi32>,
        %get3A_3156 = arith.constant 24 : index
        %get3A_3157 = tpu.vector_load %arg6[%get3A_3156] {strides = array<i32>} : memref<48xi32, #tpu.memory_space<vmem>>, vector<16xi32>,
        %get3A_3158 = vector.shape_cast %get3A_3157 : vector<16xi32> to vector<16xi32>
        %add3A_3159 = arith.addi %add3A_3151, %get3A_3158 : vector<16xi32>
        %swap3A_3160 = arith.constant 16 : index
        %swap3A_3161 = tpu.vector_load %arg6[%swap3A_3160] {strides = array<i32>} : memref<48xi32, #tpu.memory_space<vmem>>, vector<16xi32>,
        %swap3A_3162 = vector.shape_cast %swap3A_3161 : vector<16xi32> to vector<16xi32>
        %swap3A_3163 = vector.shape_cast %add3A_3159 : vector<16xi32> to vector<16xi32>
        tpu.vector_store %arg6[%swap3A_3160], %swap3A_3163 {strides = array<i32>} : memref<48xi32, #tpu.memory_space<vmem>>, vector<16xi32>,
        %get3A_3164 = arith.constant 20 : index
        %get3A_3165 = tpu.vector_load %arg6[%get3A_3164] {strides = array<i32>} : memref<48xi32, #tpu.memory_space<vmem>>, vector<16xi32>,
        %get3A_3166 = vector.shape_cast %get3A_3165 : vector<16xi32> to vector<16xi32>
        %add3A_3167 = arith.addi %add3A_3159, %get3A_3166 : vector<16xi32>
        %swap3A_3168 = arith.constant 16 : index
        %swap3A_3169 = tpu.vector_load %arg6[%swap3A_3168] {strides = array<i32>} : memref<48xi32, #tpu.memory_space<vmem>>, vector<16xi32>,
        %swap3A_3170 = vector.shape_cast %swap3A_3169 : vector<16xi32> to vector<16xi32>
        %swap3A_3171 = vector.shape_cast %add3A_3167 : vector<16xi32> to vector<16xi32>
        tpu.vector_store %arg6[%swap3A_3168], %swap3A_3171 {strides = array<i32>} : memref<48xi32, #tpu.memory_space<vmem>>, vector<16xi32>,
        %get3A_3172 = arith.constant 18 : index
        %get3A_3173 = tpu.vector_load %arg6[%get3A_3172] {strides = array<i32>} : memref<48xi32, #tpu.memory_space<vmem>>, vector<16xi32>,
        %get3A_3174 = vector.shape_cast %get3A_3173 : vector<16xi32> to vector<16xi32>
        %add3A_3175 = arith.addi %add3A_3167, %get3A_3174 : vector<16xi32>
        %swap3A_3176 = arith.constant 16 : index
        %swap3A_3177 = tpu.vector_load %arg6[%swap3A_3176] {strides = array<i32>} : memref<48xi32, #tpu.memory_space<vmem>>, vector<16xi32>,
        %swap3A_3178 = vector.shape_cast %swap3A_3177 : vector<16xi32> to vector<16xi32>
        %swap3A_3179 = vector.shape_cast %add3A_3175 : vector<16xi32> to vector<16xi32>
        tpu.vector_store %arg6[%swap3A_3176], %swap3A_3179 {strides = array<i32>} : memref<48xi32, #tpu.memory_space<vmem>>, vector<16xi32>,
        %get3A_3180 = arith.constant 17 : index
        %get3A_3181 = tpu.vector_load %arg6[%get3A_3180] {strides = array<i32>} : memref<48xi32, #tpu.memory_space<vmem>>, vector<16xi32>,
        %get3A_3182 = vector.shape_cast %get3A_3181 : vector<16xi32> to vector<16xi32>
        %add3A_3183 = arith.addi %add3A_3175, %get3A_3182 : vector<16xi32>
        %slice3A_3184 = vector.extract_strided_slice %add3A_3183 {offsets = [0], sizes = [1], strides = [1]} : vector<16xi32> to vector<1xi32>
        %squeeze3A_3185 = vector.extract %slice3A_3184[0] : i32 from vector<1xi32>
        %ge3A_3186 = arith.constant 384 : i32
        %ge3A_3187 = arith.cmpi sge, %squeeze3A_3185, %ge3A_3186 : i32
        %select_n3A_3188 = arith.select %ge3A_3187, %or3A_2863, %scan3A_2859 : i32
        scf.yield %select_n3A_3188 : i32
      }
      %scan3A_32 = arith.constant 31 : i32
      %broadcast_in_dim3A_33 = vector.broadcast %scan3A_31 : i32 to vector<16xi32>
      %get3A = arith.constant 0 : index
      %get3A_34 = tpu.vector_load %arg4[%get3A] {strides = array<i32>} : memref<768xi32, #tpu.memory_space<vmem>>, vector<16xi32>,
      %get3A_35 = vector.shape_cast %get3A_34 : vector<16xi32> to vector<16xi32>
      %gt3A = arith.cmpi sgt, %get3A_35, %broadcast_in_dim3A_33 : vector<16xi32>
      %select_n3A = arith.select %gt3A, %broadcast_in_dim3A_1, %broadcast_in_dim3A_3 : vector<16xi1>, vector<16xi32>
      %add3A_36 = arith.addi %broadcast_in_dim3A_3, %select_n3A : vector<16xi32>
      %get3A_37 = arith.constant 16 : index
      %get3A_38 = tpu.vector_load %arg4[%get3A_37] {strides = array<i32>} : memref<768xi32, #tpu.memory_space<vmem>>, vector<16xi32>,
      %get3A_39 = vector.shape_cast %get3A_38 : vector<16xi32> to vector<16xi32>
      %gt3A_40 = arith.cmpi sgt, %get3A_39, %broadcast_in_dim3A_33 : vector<16xi32>
      %select_n3A_41 = arith.select %gt3A_40, %broadcast_in_dim3A_1, %broadcast_in_dim3A_3 : vector<16xi1>, vector<16xi32>
      %add3A_42 = arith.addi %add3A_36, %select_n3A_41 : vector<16xi32>
      %get3A_43 = arith.constant 32 : index
      %get3A_44 = tpu.vector_load %arg4[%get3A_43] {strides = array<i32>} : memref<768xi32, #tpu.memory_space<vmem>>, vector<16xi32>,
      %get3A_45 = vector.shape_cast %get3A_44 : vector<16xi32> to vector<16xi32>
      %gt3A_46 = arith.cmpi sgt, %get3A_45, %broadcast_in_dim3A_33 : vector<16xi32>
      %select_n3A_47 = arith.select %gt3A_46, %broadcast_in_dim3A_1, %broadcast_in_dim3A_3 : vector<16xi1>, vector<16xi32>
      %add3A_48 = arith.addi %add3A_42, %select_n3A_47 : vector<16xi32>
      %get3A_49 = arith.constant 48 : index
      %get3A_50 = tpu.vector_load %arg4[%get3A_49] {strides = array<i32>} : memref<768xi32, #tpu.memory_space<vmem>>, vector<16xi32>,
      %get3A_51 = vector.shape_cast %get3A_50 : vector<16xi32> to vector<16xi32>
      %gt3A_52 = arith.cmpi sgt, %get3A_51, %broadcast_in_dim3A_33 : vector<16xi32>
      %select_n3A_53 = arith.select %gt3A_52, %broadcast_in_dim3A_1, %broadcast_in_dim3A_3 : vector<16xi1>, vector<16xi32>
      %add3A_54 = arith.addi %add3A_48, %select_n3A_53 : vector<16xi32>
      %get3A_55 = arith.constant 64 : index
      %get3A_56 = tpu.vector_load %arg4[%get3A_55] {strides = array<i32>} : memref<768xi32, #tpu.memory_space<vmem>>, vector<16xi32>,
      %get3A_57 = vector.shape_cast %get3A_56 : vector<16xi32> to vector<16xi32>
      %gt3A_58 = arith.cmpi sgt, %get3A_57, %broadcast_in_dim3A_33 : vector<16xi32>
      %select_n3A_59 = arith.select %gt3A_58, %broadcast_in_dim3A_1, %broadcast_in_dim3A_3 : vector<16xi1>, vector<16xi32>
      %add3A_60 = arith.addi %add3A_54, %select_n3A_59 : vector<16xi32>
      %get3A_61 = arith.constant 80 : index
      %get3A_62 = tpu.vector_load %arg4[%get3A_61] {strides = array<i32>} : memref<768xi32, #tpu.memory_space<vmem>>, vector<16xi32>,
      %get3A_63 = vector.shape_cast %get3A_62 : vector<16xi32> to vector<16xi32>
      %gt3A_64 = arith.cmpi sgt, %get3A_63, %broadcast_in_dim3A_33 : vector<16xi32>
      %select_n3A_65 = arith.select %gt3A_64, %broadcast_in_dim3A_1, %broadcast_in_dim3A_3 : vector<16xi1>, vector<16xi32>
      %add3A_66 = arith.addi %add3A_60, %select_n3A_65 : vector<16xi32>
      %get3A_67 = arith.constant 96 : index
      %get3A_68 = tpu.vector_load %arg4[%get3A_67] {strides = array<i32>} : memref<768xi32, #tpu.memory_space<vmem>>, vector<16xi32>,
      %get3A_69 = vector.shape_cast %get3A_68 : vector<16xi32> to vector<16xi32>
      %gt3A_70 = arith.cmpi sgt, %get3A_69, %broadcast_in_dim3A_33 : vector<16xi32>
      %select_n3A_71 = arith.select %gt3A_70, %broadcast_in_dim3A_1, %broadcast_in_dim3A_3 : vector<16xi1>, vector<16xi32>
      %add3A_72 = arith.addi %add3A_66, %select_n3A_71 : vector<16xi32>
      %get3A_73 = arith.constant 112 : index
      %get3A_74 = tpu.vector_load %arg4[%get3A_73] {strides = array<i32>} : memref<768xi32, #tpu.memory_space<vmem>>, vector<16xi32>,
      %get3A_75 = vector.shape_cast %get3A_74 : vector<16xi32> to vector<16xi32>
      %gt3A_76 = arith.cmpi sgt, %get3A_75, %broadcast_in_dim3A_33 : vector<16xi32>
      %select_n3A_77 = arith.select %gt3A_76, %broadcast_in_dim3A_1, %broadcast_in_dim3A_3 : vector<16xi1>, vector<16xi32>
      %add3A_78 = arith.addi %add3A_72, %select_n3A_77 : vector<16xi32>
      %get3A_79 = arith.constant 128 : index
      %get3A_80 = tpu.vector_load %arg4[%get3A_79] {strides = array<i32>} : memref<768xi32, #tpu.memory_space<vmem>>, vector<16xi32>,
      %get3A_81 = vector.shape_cast %get3A_80 : vector<16xi32> to vector<16xi32>
      %gt3A_82 = arith.cmpi sgt, %get3A_81, %broadcast_in_dim3A_33 : vector<16xi32>
      %select_n3A_83 = arith.select %gt3A_82, %broadcast_in_dim3A_1, %broadcast_in_dim3A_3 : vector<16xi1>, vector<16xi32>
      %add3A_84 = arith.addi %add3A_78, %select_n3A_83 : vector<16xi32>
      %get3A_85 = arith.constant 144 : index
      %get3A_86 = tpu.vector_load %arg4[%get3A_85] {strides = array<i32>} : memref<768xi32, #tpu.memory_space<vmem>>, vector<16xi32>,
      %get3A_87 = vector.shape_cast %get3A_86 : vector<16xi32> to vector<16xi32>
      %gt3A_88 = arith.cmpi sgt, %get3A_87, %broadcast_in_dim3A_33 : vector<16xi32>
      %select_n3A_89 = arith.select %gt3A_88, %broadcast_in_dim3A_1, %broadcast_in_dim3A_3 : vector<16xi1>, vector<16xi32>
      %add3A_90 = arith.addi %add3A_84, %select_n3A_89 : vector<16xi32>
      %get3A_91 = arith.constant 160 : index
      %get3A_92 = tpu.vector_load %arg4[%get3A_91] {strides = array<i32>} : memref<768xi32, #tpu.memory_space<vmem>>, vector<16xi32>,
      %get3A_93 = vector.shape_cast %get3A_92 : vector<16xi32> to vector<16xi32>
      %gt3A_94 = arith.cmpi sgt, %get3A_93, %broadcast_in_dim3A_33 : vector<16xi32>
      %select_n3A_95 = arith.select %gt3A_94, %broadcast_in_dim3A_1, %broadcast_in_dim3A_3 : vector<16xi1>, vector<16xi32>
      %add3A_96 = arith.addi %add3A_90, %select_n3A_95 : vector<16xi32>
      %get3A_97 = arith.constant 176 : index
      %get3A_98 = tpu.vector_load %arg4[%get3A_97] {strides = array<i32>} : memref<768xi32, #tpu.memory_space<vmem>>, vector<16xi32>,
      %get3A_99 = vector.shape_cast %get3A_98 : vector<16xi32> to vector<16xi32>
      %gt3A_100 = arith.cmpi sgt, %get3A_99, %broadcast_in_dim3A_33 : vector<16xi32>
      %select_n3A_101 = arith.select %gt3A_100, %broadcast_in_dim3A_1, %broadcast_in_dim3A_3 : vector<16xi1>, vector<16xi32>
      %add3A_102 = arith.addi %add3A_96, %select_n3A_101 : vector<16xi32>
      %get3A_103 = arith.constant 192 : index
      %get3A_104 = tpu.vector_load %arg4[%get3A_103] {strides = array<i32>} : memref<768xi32, #tpu.memory_space<vmem>>, vector<16xi32>,
      %get3A_105 = vector.shape_cast %get3A_104 : vector<16xi32> to vector<16xi32>
      %gt3A_106 = arith.cmpi sgt, %get3A_105, %broadcast_in_dim3A_33 : vector<16xi32>
      %select_n3A_107 = arith.select %gt3A_106, %broadcast_in_dim3A_1, %broadcast_in_dim3A_3 : vector<16xi1>, vector<16xi32>
      %add3A_108 = arith.addi %add3A_102, %select_n3A_107 : vector<16xi32>
      %get3A_109 = arith.constant 208 : index
      %get3A_110 = tpu.vector_load %arg4[%get3A_109] {strides = array<i32>} : memref<768xi32, #tpu.memory_space<vmem>>, vector<16xi32>,
      %get3A_111 = vector.shape_cast %get3A_110 : vector<16xi32> to vector<16xi32>
      %gt3A_112 = arith.cmpi sgt, %get3A_111, %broadcast_in_dim3A_33 : vector<16xi32>
      %select_n3A_113 = arith.select %gt3A_112, %broadcast_in_dim3A_1, %broadcast_in_dim3A_3 : vector<16xi1>, vector<16xi32>
      %add3A_114 = arith.addi %add3A_108, %select_n3A_113 : vector<16xi32>
      %get3A_115 = arith.constant 224 : index
      %get3A_116 = tpu.vector_load %arg4[%get3A_115] {strides = array<i32>} : memref<768xi32, #tpu.memory_space<vmem>>, vector<16xi32>,
      %get3A_117 = vector.shape_cast %get3A_116 : vector<16xi32> to vector<16xi32>
      %gt3A_118 = arith.cmpi sgt, %get3A_117, %broadcast_in_dim3A_33 : vector<16xi32>
      %select_n3A_119 = arith.select %gt3A_118, %broadcast_in_dim3A_1, %broadcast_in_dim3A_3 : vector<16xi1>, vector<16xi32>
      %add3A_120 = arith.addi %add3A_114, %select_n3A_119 : vector<16xi32>
      %get3A_121 = arith.constant 240 : index
      %get3A_122 = tpu.vector_load %arg4[%get3A_121] {strides = array<i32>} : memref<768xi32, #tpu.memory_space<vmem>>, vector<16xi32>,
      %get3A_123 = vector.shape_cast %get3A_122 : vector<16xi32> to vector<16xi32>
      %gt3A_124 = arith.cmpi sgt, %get3A_123, %broadcast_in_dim3A_33 : vector<16xi32>
      %select_n3A_125 = arith.select %gt3A_124, %broadcast_in_dim3A_1, %broadcast_in_dim3A_3 : vector<16xi1>, vector<16xi32>
      %add3A_126 = arith.addi %add3A_120, %select_n3A_125 : vector<16xi32>
      %get3A_127 = arith.constant 256 : index
      %get3A_128 = tpu.vector_load %arg4[%get3A_127] {strides = array<i32>} : memref<768xi32, #tpu.memory_space<vmem>>, vector<16xi32>,
      %get3A_129 = vector.shape_cast %get3A_128 : vector<16xi32> to vector<16xi32>
      %gt3A_130 = arith.cmpi sgt, %get3A_129, %broadcast_in_dim3A_33 : vector<16xi32>
      %select_n3A_131 = arith.select %gt3A_130, %broadcast_in_dim3A_1, %broadcast_in_dim3A_3 : vector<16xi1>, vector<16xi32>
      %add3A_132 = arith.addi %add3A_126, %select_n3A_131 : vector<16xi32>
      %get3A_133 = arith.constant 272 : index
      %get3A_134 = tpu.vector_load %arg4[%get3A_133] {strides = array<i32>} : memref<768xi32, #tpu.memory_space<vmem>>, vector<16xi32>,
      %get3A_135 = vector.shape_cast %get3A_134 : vector<16xi32> to vector<16xi32>
      %gt3A_136 = arith.cmpi sgt, %get3A_135, %broadcast_in_dim3A_33 : vector<16xi32>
      %select_n3A_137 = arith.select %gt3A_136, %broadcast_in_dim3A_1, %broadcast_in_dim3A_3 : vector<16xi1>, vector<16xi32>
      %add3A_138 = arith.addi %add3A_132, %select_n3A_137 : vector<16xi32>
      %get3A_139 = arith.constant 288 : index
      %get3A_140 = tpu.vector_load %arg4[%get3A_139] {strides = array<i32>} : memref<768xi32, #tpu.memory_space<vmem>>, vector<16xi32>,
      %get3A_141 = vector.shape_cast %get3A_140 : vector<16xi32> to vector<16xi32>
      %gt3A_142 = arith.cmpi sgt, %get3A_141, %broadcast_in_dim3A_33 : vector<16xi32>
      %select_n3A_143 = arith.select %gt3A_142, %broadcast_in_dim3A_1, %broadcast_in_dim3A_3 : vector<16xi1>, vector<16xi32>
      %add3A_144 = arith.addi %add3A_138, %select_n3A_143 : vector<16xi32>
      %get3A_145 = arith.constant 304 : index
      %get3A_146 = tpu.vector_load %arg4[%get3A_145] {strides = array<i32>} : memref<768xi32, #tpu.memory_space<vmem>>, vector<16xi32>,
      %get3A_147 = vector.shape_cast %get3A_146 : vector<16xi32> to vector<16xi32>
      %gt3A_148 = arith.cmpi sgt, %get3A_147, %broadcast_in_dim3A_33 : vector<16xi32>
      %select_n3A_149 = arith.select %gt3A_148, %broadcast_in_dim3A_1, %broadcast_in_dim3A_3 : vector<16xi1>, vector<16xi32>
      %add3A_150 = arith.addi %add3A_144, %select_n3A_149 : vector<16xi32>
      %get3A_151 = arith.constant 320 : index
      %get3A_152 = tpu.vector_load %arg4[%get3A_151] {strides = array<i32>} : memref<768xi32, #tpu.memory_space<vmem>>, vector<16xi32>,
      %get3A_153 = vector.shape_cast %get3A_152 : vector<16xi32> to vector<16xi32>
      %gt3A_154 = arith.cmpi sgt, %get3A_153, %broadcast_in_dim3A_33 : vector<16xi32>
      %select_n3A_155 = arith.select %gt3A_154, %broadcast_in_dim3A_1, %broadcast_in_dim3A_3 : vector<16xi1>, vector<16xi32>
      %add3A_156 = arith.addi %add3A_150, %select_n3A_155 : vector<16xi32>
      %get3A_157 = arith.constant 336 : index
      %get3A_158 = tpu.vector_load %arg4[%get3A_157] {strides = array<i32>} : memref<768xi32, #tpu.memory_space<vmem>>, vector<16xi32>,
      %get3A_159 = vector.shape_cast %get3A_158 : vector<16xi32> to vector<16xi32>
      %gt3A_160 = arith.cmpi sgt, %get3A_159, %broadcast_in_dim3A_33 : vector<16xi32>
      %select_n3A_161 = arith.select %gt3A_160, %broadcast_in_dim3A_1, %broadcast_in_dim3A_3 : vector<16xi1>, vector<16xi32>
      %add3A_162 = arith.addi %add3A_156, %select_n3A_161 : vector<16xi32>
      %get3A_163 = arith.constant 352 : index
      %get3A_164 = tpu.vector_load %arg4[%get3A_163] {strides = array<i32>} : memref<768xi32, #tpu.memory_space<vmem>>, vector<16xi32>,
      %get3A_165 = vector.shape_cast %get3A_164 : vector<16xi32> to vector<16xi32>
      %gt3A_166 = arith.cmpi sgt, %get3A_165, %broadcast_in_dim3A_33 : vector<16xi32>
      %select_n3A_167 = arith.select %gt3A_166, %broadcast_in_dim3A_1, %broadcast_in_dim3A_3 : vector<16xi1>, vector<16xi32>
      %add3A_168 = arith.addi %add3A_162, %select_n3A_167 : vector<16xi32>
      %get3A_169 = arith.constant 368 : index
      %get3A_170 = tpu.vector_load %arg4[%get3A_169] {strides = array<i32>} : memref<768xi32, #tpu.memory_space<vmem>>, vector<16xi32>,
      %get3A_171 = vector.shape_cast %get3A_170 : vector<16xi32> to vector<16xi32>
      %gt3A_172 = arith.cmpi sgt, %get3A_171, %broadcast_in_dim3A_33 : vector<16xi32>
      %select_n3A_173 = arith.select %gt3A_172, %broadcast_in_dim3A_1, %broadcast_in_dim3A_3 : vector<16xi1>, vector<16xi32>
      %add3A_174 = arith.addi %add3A_168, %select_n3A_173 : vector<16xi32>
      %get3A_175 = arith.constant 384 : index
      %get3A_176 = tpu.vector_load %arg4[%get3A_175] {strides = array<i32>} : memref<768xi32, #tpu.memory_space<vmem>>, vector<16xi32>,
      %get3A_177 = vector.shape_cast %get3A_176 : vector<16xi32> to vector<16xi32>
      %gt3A_178 = arith.cmpi sgt, %get3A_177, %broadcast_in_dim3A_33 : vector<16xi32>
      %select_n3A_179 = arith.select %gt3A_178, %broadcast_in_dim3A_1, %broadcast_in_dim3A_3 : vector<16xi1>, vector<16xi32>
      %add3A_180 = arith.addi %add3A_174, %select_n3A_179 : vector<16xi32>
      %get3A_181 = arith.constant 400 : index
      %get3A_182 = tpu.vector_load %arg4[%get3A_181] {strides = array<i32>} : memref<768xi32, #tpu.memory_space<vmem>>, vector<16xi32>,
      %get3A_183 = vector.shape_cast %get3A_182 : vector<16xi32> to vector<16xi32>
      %gt3A_184 = arith.cmpi sgt, %get3A_183, %broadcast_in_dim3A_33 : vector<16xi32>
      %select_n3A_185 = arith.select %gt3A_184, %broadcast_in_dim3A_1, %broadcast_in_dim3A_3 : vector<16xi1>, vector<16xi32>
      %add3A_186 = arith.addi %add3A_180, %select_n3A_185 : vector<16xi32>
      %get3A_187 = arith.constant 416 : index
      %get3A_188 = tpu.vector_load %arg4[%get3A_187] {strides = array<i32>} : memref<768xi32, #tpu.memory_space<vmem>>, vector<16xi32>,
      %get3A_189 = vector.shape_cast %get3A_188 : vector<16xi32> to vector<16xi32>
      %gt3A_190 = arith.cmpi sgt, %get3A_189, %broadcast_in_dim3A_33 : vector<16xi32>
      %select_n3A_191 = arith.select %gt3A_190, %broadcast_in_dim3A_1, %broadcast_in_dim3A_3 : vector<16xi1>, vector<16xi32>
      %add3A_192 = arith.addi %add3A_186, %select_n3A_191 : vector<16xi32>
      %get3A_193 = arith.constant 432 : index
      %get3A_194 = tpu.vector_load %arg4[%get3A_193] {strides = array<i32>} : memref<768xi32, #tpu.memory_space<vmem>>, vector<16xi32>,
      %get3A_195 = vector.shape_cast %get3A_194 : vector<16xi32> to vector<16xi32>
      %gt3A_196 = arith.cmpi sgt, %get3A_195, %broadcast_in_dim3A_33 : vector<16xi32>
      %select_n3A_197 = arith.select %gt3A_196, %broadcast_in_dim3A_1, %broadcast_in_dim3A_3 : vector<16xi1>, vector<16xi32>
      %add3A_198 = arith.addi %add3A_192, %select_n3A_197 : vector<16xi32>
      %get3A_199 = arith.constant 448 : index
      %get3A_200 = tpu.vector_load %arg4[%get3A_199] {strides = array<i32>} : memref<768xi32, #tpu.memory_space<vmem>>, vector<16xi32>,
      %get3A_201 = vector.shape_cast %get3A_200 : vector<16xi32> to vector<16xi32>
      %gt3A_202 = arith.cmpi sgt, %get3A_201, %broadcast_in_dim3A_33 : vector<16xi32>
      %select_n3A_203 = arith.select %gt3A_202, %broadcast_in_dim3A_1, %broadcast_in_dim3A_3 : vector<16xi1>, vector<16xi32>
      %add3A_204 = arith.addi %add3A_198, %select_n3A_203 : vector<16xi32>
      %get3A_205 = arith.constant 464 : index
      %get3A_206 = tpu.vector_load %arg4[%get3A_205] {strides = array<i32>} : memref<768xi32, #tpu.memory_space<vmem>>, vector<16xi32>,
      %get3A_207 = vector.shape_cast %get3A_206 : vector<16xi32> to vector<16xi32>
      %gt3A_208 = arith.cmpi sgt, %get3A_207, %broadcast_in_dim3A_33 : vector<16xi32>
      %select_n3A_209 = arith.select %gt3A_208, %broadcast_in_dim3A_1, %broadcast_in_dim3A_3 : vector<16xi1>, vector<16xi32>
      %add3A_210 = arith.addi %add3A_204, %select_n3A_209 : vector<16xi32>
      %get3A_211 = arith.constant 480 : index
      %get3A_212 = tpu.vector_load %arg4[%get3A_211] {strides = array<i32>} : memref<768xi32, #tpu.memory_space<vmem>>, vector<16xi32>,
      %get3A_213 = vector.shape_cast %get3A_212 : vector<16xi32> to vector<16xi32>
      %gt3A_214 = arith.cmpi sgt, %get3A_213, %broadcast_in_dim3A_33 : vector<16xi32>
      %select_n3A_215 = arith.select %gt3A_214, %broadcast_in_dim3A_1, %broadcast_in_dim3A_3 : vector<16xi1>, vector<16xi32>
      %add3A_216 = arith.addi %add3A_210, %select_n3A_215 : vector<16xi32>
      %get3A_217 = arith.constant 496 : index
      %get3A_218 = tpu.vector_load %arg4[%get3A_217] {strides = array<i32>} : memref<768xi32, #tpu.memory_space<vmem>>, vector<16xi32>,
      %get3A_219 = vector.shape_cast %get3A_218 : vector<16xi32> to vector<16xi32>
      %gt3A_220 = arith.cmpi sgt, %get3A_219, %broadcast_in_dim3A_33 : vector<16xi32>
      %select_n3A_221 = arith.select %gt3A_220, %broadcast_in_dim3A_1, %broadcast_in_dim3A_3 : vector<16xi1>, vector<16xi32>
      %add3A_222 = arith.addi %add3A_216, %select_n3A_221 : vector<16xi32>
      %get3A_223 = arith.constant 512 : index
      %get3A_224 = tpu.vector_load %arg4[%get3A_223] {strides = array<i32>} : memref<768xi32, #tpu.memory_space<vmem>>, vector<16xi32>,
      %get3A_225 = vector.shape_cast %get3A_224 : vector<16xi32> to vector<16xi32>
      %gt3A_226 = arith.cmpi sgt, %get3A_225, %broadcast_in_dim3A_33 : vector<16xi32>
      %select_n3A_227 = arith.select %gt3A_226, %broadcast_in_dim3A_1, %broadcast_in_dim3A_3 : vector<16xi1>, vector<16xi32>
      %add3A_228 = arith.addi %add3A_222, %select_n3A_227 : vector<16xi32>
      %get3A_229 = arith.constant 528 : index
      %get3A_230 = tpu.vector_load %arg4[%get3A_229] {strides = array<i32>} : memref<768xi32, #tpu.memory_space<vmem>>, vector<16xi32>,
      %get3A_231 = vector.shape_cast %get3A_230 : vector<16xi32> to vector<16xi32>
      %gt3A_232 = arith.cmpi sgt, %get3A_231, %broadcast_in_dim3A_33 : vector<16xi32>
      %select_n3A_233 = arith.select %gt3A_232, %broadcast_in_dim3A_1, %broadcast_in_dim3A_3 : vector<16xi1>, vector<16xi32>
      %add3A_234 = arith.addi %add3A_228, %select_n3A_233 : vector<16xi32>
      %get3A_235 = arith.constant 544 : index
      %get3A_236 = tpu.vector_load %arg4[%get3A_235] {strides = array<i32>} : memref<768xi32, #tpu.memory_space<vmem>>, vector<16xi32>,
      %get3A_237 = vector.shape_cast %get3A_236 : vector<16xi32> to vector<16xi32>
      %gt3A_238 = arith.cmpi sgt, %get3A_237, %broadcast_in_dim3A_33 : vector<16xi32>
      %select_n3A_239 = arith.select %gt3A_238, %broadcast_in_dim3A_1, %broadcast_in_dim3A_3 : vector<16xi1>, vector<16xi32>
      %add3A_240 = arith.addi %add3A_234, %select_n3A_239 : vector<16xi32>
      %get3A_241 = arith.constant 560 : index
      %get3A_242 = tpu.vector_load %arg4[%get3A_241] {strides = array<i32>} : memref<768xi32, #tpu.memory_space<vmem>>, vector<16xi32>,
      %get3A_243 = vector.shape_cast %get3A_242 : vector<16xi32> to vector<16xi32>
      %gt3A_244 = arith.cmpi sgt, %get3A_243, %broadcast_in_dim3A_33 : vector<16xi32>
      %select_n3A_245 = arith.select %gt3A_244, %broadcast_in_dim3A_1, %broadcast_in_dim3A_3 : vector<16xi1>, vector<16xi32>
      %add3A_246 = arith.addi %add3A_240, %select_n3A_245 : vector<16xi32>
      %get3A_247 = arith.constant 576 : index
      %get3A_248 = tpu.vector_load %arg4[%get3A_247] {strides = array<i32>} : memref<768xi32, #tpu.memory_space<vmem>>, vector<16xi32>,
      %get3A_249 = vector.shape_cast %get3A_248 : vector<16xi32> to vector<16xi32>
      %gt3A_250 = arith.cmpi sgt, %get3A_249, %broadcast_in_dim3A_33 : vector<16xi32>
      %select_n3A_251 = arith.select %gt3A_250, %broadcast_in_dim3A_1, %broadcast_in_dim3A_3 : vector<16xi1>, vector<16xi32>
      %add3A_252 = arith.addi %add3A_246, %select_n3A_251 : vector<16xi32>
      %get3A_253 = arith.constant 592 : index
      %get3A_254 = tpu.vector_load %arg4[%get3A_253] {strides = array<i32>} : memref<768xi32, #tpu.memory_space<vmem>>, vector<16xi32>,
      %get3A_255 = vector.shape_cast %get3A_254 : vector<16xi32> to vector<16xi32>
      %gt3A_256 = arith.cmpi sgt, %get3A_255, %broadcast_in_dim3A_33 : vector<16xi32>
      %select_n3A_257 = arith.select %gt3A_256, %broadcast_in_dim3A_1, %broadcast_in_dim3A_3 : vector<16xi1>, vector<16xi32>
      %add3A_258 = arith.addi %add3A_252, %select_n3A_257 : vector<16xi32>
      %get3A_259 = arith.constant 608 : index
      %get3A_260 = tpu.vector_load %arg4[%get3A_259] {strides = array<i32>} : memref<768xi32, #tpu.memory_space<vmem>>, vector<16xi32>,
      %get3A_261 = vector.shape_cast %get3A_260 : vector<16xi32> to vector<16xi32>
      %gt3A_262 = arith.cmpi sgt, %get3A_261, %broadcast_in_dim3A_33 : vector<16xi32>
      %select_n3A_263 = arith.select %gt3A_262, %broadcast_in_dim3A_1, %broadcast_in_dim3A_3 : vector<16xi1>, vector<16xi32>
      %add3A_264 = arith.addi %add3A_258, %select_n3A_263 : vector<16xi32>
      %get3A_265 = arith.constant 624 : index
      %get3A_266 = tpu.vector_load %arg4[%get3A_265] {strides = array<i32>} : memref<768xi32, #tpu.memory_space<vmem>>, vector<16xi32>,
      %get3A_267 = vector.shape_cast %get3A_266 : vector<16xi32> to vector<16xi32>
      %gt3A_268 = arith.cmpi sgt, %get3A_267, %broadcast_in_dim3A_33 : vector<16xi32>
      %select_n3A_269 = arith.select %gt3A_268, %broadcast_in_dim3A_1, %broadcast_in_dim3A_3 : vector<16xi1>, vector<16xi32>
      %add3A_270 = arith.addi %add3A_264, %select_n3A_269 : vector<16xi32>
      %get3A_271 = arith.constant 640 : index
      %get3A_272 = tpu.vector_load %arg4[%get3A_271] {strides = array<i32>} : memref<768xi32, #tpu.memory_space<vmem>>, vector<16xi32>,
      %get3A_273 = vector.shape_cast %get3A_272 : vector<16xi32> to vector<16xi32>
      %gt3A_274 = arith.cmpi sgt, %get3A_273, %broadcast_in_dim3A_33 : vector<16xi32>
      %select_n3A_275 = arith.select %gt3A_274, %broadcast_in_dim3A_1, %broadcast_in_dim3A_3 : vector<16xi1>, vector<16xi32>
      %add3A_276 = arith.addi %add3A_270, %select_n3A_275 : vector<16xi32>
      %get3A_277 = arith.constant 656 : index
      %get3A_278 = tpu.vector_load %arg4[%get3A_277] {strides = array<i32>} : memref<768xi32, #tpu.memory_space<vmem>>, vector<16xi32>,
      %get3A_279 = vector.shape_cast %get3A_278 : vector<16xi32> to vector<16xi32>
      %gt3A_280 = arith.cmpi sgt, %get3A_279, %broadcast_in_dim3A_33 : vector<16xi32>
      %select_n3A_281 = arith.select %gt3A_280, %broadcast_in_dim3A_1, %broadcast_in_dim3A_3 : vector<16xi1>, vector<16xi32>
      %add3A_282 = arith.addi %add3A_276, %select_n3A_281 : vector<16xi32>
      %get3A_283 = arith.constant 672 : index
      %get3A_284 = tpu.vector_load %arg4[%get3A_283] {strides = array<i32>} : memref<768xi32, #tpu.memory_space<vmem>>, vector<16xi32>,
      %get3A_285 = vector.shape_cast %get3A_284 : vector<16xi32> to vector<16xi32>
      %gt3A_286 = arith.cmpi sgt, %get3A_285, %broadcast_in_dim3A_33 : vector<16xi32>
      %select_n3A_287 = arith.select %gt3A_286, %broadcast_in_dim3A_1, %broadcast_in_dim3A_3 : vector<16xi1>, vector<16xi32>
      %add3A_288 = arith.addi %add3A_282, %select_n3A_287 : vector<16xi32>
      %get3A_289 = arith.constant 688 : index
      %get3A_290 = tpu.vector_load %arg4[%get3A_289] {strides = array<i32>} : memref<768xi32, #tpu.memory_space<vmem>>, vector<16xi32>,
      %get3A_291 = vector.shape_cast %get3A_290 : vector<16xi32> to vector<16xi32>
      %gt3A_292 = arith.cmpi sgt, %get3A_291, %broadcast_in_dim3A_33 : vector<16xi32>
      %select_n3A_293 = arith.select %gt3A_292, %broadcast_in_dim3A_1, %broadcast_in_dim3A_3 : vector<16xi1>, vector<16xi32>
      %add3A_294 = arith.addi %add3A_288, %select_n3A_293 : vector<16xi32>
      %get3A_295 = arith.constant 704 : index
      %get3A_296 = tpu.vector_load %arg4[%get3A_295] {strides = array<i32>} : memref<768xi32, #tpu.memory_space<vmem>>, vector<16xi32>,
      %get3A_297 = vector.shape_cast %get3A_296 : vector<16xi32> to vector<16xi32>
      %gt3A_298 = arith.cmpi sgt, %get3A_297, %broadcast_in_dim3A_33 : vector<16xi32>
      %select_n3A_299 = arith.select %gt3A_298, %broadcast_in_dim3A_1, %broadcast_in_dim3A_3 : vector<16xi1>, vector<16xi32>
      %add3A_300 = arith.addi %add3A_294, %select_n3A_299 : vector<16xi32>
      %get3A_301 = arith.constant 720 : index
      %get3A_302 = tpu.vector_load %arg4[%get3A_301] {strides = array<i32>} : memref<768xi32, #tpu.memory_space<vmem>>, vector<16xi32>,
      %get3A_303 = vector.shape_cast %get3A_302 : vector<16xi32> to vector<16xi32>
      %gt3A_304 = arith.cmpi sgt, %get3A_303, %broadcast_in_dim3A_33 : vector<16xi32>
      %select_n3A_305 = arith.select %gt3A_304, %broadcast_in_dim3A_1, %broadcast_in_dim3A_3 : vector<16xi1>, vector<16xi32>
      %add3A_306 = arith.addi %add3A_300, %select_n3A_305 : vector<16xi32>
      %get3A_307 = arith.constant 736 : index
      %get3A_308 = tpu.vector_load %arg4[%get3A_307] {strides = array<i32>} : memref<768xi32, #tpu.memory_space<vmem>>, vector<16xi32>,
      %get3A_309 = vector.shape_cast %get3A_308 : vector<16xi32> to vector<16xi32>
      %gt3A_310 = arith.cmpi sgt, %get3A_309, %broadcast_in_dim3A_33 : vector<16xi32>
      %select_n3A_311 = arith.select %gt3A_310, %broadcast_in_dim3A_1, %broadcast_in_dim3A_3 : vector<16xi1>, vector<16xi32>
      %add3A_312 = arith.addi %add3A_306, %select_n3A_311 : vector<16xi32>
      %get3A_313 = arith.constant 752 : index
      %get3A_314 = tpu.vector_load %arg4[%get3A_313] {strides = array<i32>} : memref<768xi32, #tpu.memory_space<vmem>>, vector<16xi32>,
      %get3A_315 = vector.shape_cast %get3A_314 : vector<16xi32> to vector<16xi32>
      %gt3A_316 = arith.cmpi sgt, %get3A_315, %broadcast_in_dim3A_33 : vector<16xi32>
      %select_n3A_317 = arith.select %gt3A_316, %broadcast_in_dim3A_1, %broadcast_in_dim3A_3 : vector<16xi1>, vector<16xi32>
      %add3A_318 = arith.addi %add3A_312, %select_n3A_317 : vector<16xi32>
      %swap3A_319 = arith.constant 16 : index
      %swap3A_320 = tpu.vector_load %arg6[%swap3A_319] {strides = array<i32>} : memref<48xi32, #tpu.memory_space<vmem>>, vector<16xi32>,
      %swap3A_321 = vector.shape_cast %swap3A_320 : vector<16xi32> to vector<16xi32>
      %swap3A_322 = vector.shape_cast %add3A_318 : vector<16xi32> to vector<16xi32>
      tpu.vector_store %arg6[%swap3A_319], %swap3A_322 {strides = array<i32>} : memref<48xi32, #tpu.memory_space<vmem>>, vector<16xi32>,
      %get3A_323 = arith.constant 24 : index
      %get3A_324 = tpu.vector_load %arg6[%get3A_323] {strides = array<i32>} : memref<48xi32, #tpu.memory_space<vmem>>, vector<16xi32>,
      %get3A_325 = vector.shape_cast %get3A_324 : vector<16xi32> to vector<16xi32>
      %add3A_326 = arith.addi %add3A_318, %get3A_325 : vector<16xi32>
      %swap3A_327 = arith.constant 16 : index
      %swap3A_328 = tpu.vector_load %arg6[%swap3A_327] {strides = array<i32>} : memref<48xi32, #tpu.memory_space<vmem>>, vector<16xi32>,
      %swap3A_329 = vector.shape_cast %swap3A_328 : vector<16xi32> to vector<16xi32>
      %swap3A_330 = vector.shape_cast %add3A_326 : vector<16xi32> to vector<16xi32>
      tpu.vector_store %arg6[%swap3A_327], %swap3A_330 {strides = array<i32>} : memref<48xi32, #tpu.memory_space<vmem>>, vector<16xi32>,
      %get3A_331 = arith.constant 20 : index
      %get3A_332 = tpu.vector_load %arg6[%get3A_331] {strides = array<i32>} : memref<48xi32, #tpu.memory_space<vmem>>, vector<16xi32>,
      %get3A_333 = vector.shape_cast %get3A_332 : vector<16xi32> to vector<16xi32>
      %add3A_334 = arith.addi %add3A_326, %get3A_333 : vector<16xi32>
      %swap3A_335 = arith.constant 16 : index
      %swap3A_336 = tpu.vector_load %arg6[%swap3A_335] {strides = array<i32>} : memref<48xi32, #tpu.memory_space<vmem>>, vector<16xi32>,
      %swap3A_337 = vector.shape_cast %swap3A_336 : vector<16xi32> to vector<16xi32>
      %swap3A_338 = vector.shape_cast %add3A_334 : vector<16xi32> to vector<16xi32>
      tpu.vector_store %arg6[%swap3A_335], %swap3A_338 {strides = array<i32>} : memref<48xi32, #tpu.memory_space<vmem>>, vector<16xi32>,
      %get3A_339 = arith.constant 18 : index
      %get3A_340 = tpu.vector_load %arg6[%get3A_339] {strides = array<i32>} : memref<48xi32, #tpu.memory_space<vmem>>, vector<16xi32>,
      %get3A_341 = vector.shape_cast %get3A_340 : vector<16xi32> to vector<16xi32>
      %add3A_342 = arith.addi %add3A_334, %get3A_341 : vector<16xi32>
      %swap3A_343 = arith.constant 16 : index
      %swap3A_344 = tpu.vector_load %arg6[%swap3A_343] {strides = array<i32>} : memref<48xi32, #tpu.memory_space<vmem>>, vector<16xi32>,
      %swap3A_345 = vector.shape_cast %swap3A_344 : vector<16xi32> to vector<16xi32>
      %swap3A_346 = vector.shape_cast %add3A_342 : vector<16xi32> to vector<16xi32>
      tpu.vector_store %arg6[%swap3A_343], %swap3A_346 {strides = array<i32>} : memref<48xi32, #tpu.memory_space<vmem>>, vector<16xi32>,
      %get3A_347 = arith.constant 17 : index
      %get3A_348 = tpu.vector_load %arg6[%get3A_347] {strides = array<i32>} : memref<48xi32, #tpu.memory_space<vmem>>, vector<16xi32>,
      %get3A_349 = vector.shape_cast %get3A_348 : vector<16xi32> to vector<16xi32>
      %add3A_350 = arith.addi %add3A_342, %get3A_349 : vector<16xi32>
      %slice3A = vector.extract_strided_slice %add3A_350 {offsets = [0], sizes = [1], strides = [1]} : vector<16xi32> to vector<1xi32>
      %squeeze3A = vector.extract %slice3A[0] : i32 from vector<1xi32>
      %sub3A = arith.constant 384 : i32
      %sub3A_351 = arith.subi %sub3A, %squeeze3A : i32
      %broadcast_in_dim3A_352 = vector.broadcast %sub3A_351 : i32 to vector<16xi32>
      %get3A_353 = arith.constant 0 : index
      %get3A_354 = tpu.vector_load %arg4[%get3A_353] {strides = array<i32>} : memref<768xi32, #tpu.memory_space<vmem>>, vector<16xi32>,
      %get3A_355 = vector.shape_cast %get3A_354 : vector<16xi32> to vector<16xi32>
      %gt3A_356 = arith.cmpi sgt, %get3A_355, %broadcast_in_dim3A_33 : vector<16xi32>
      %eq3A = arith.cmpi eq, %get3A_355, %broadcast_in_dim3A_33 : vector<16xi32>
      %select_n3A_357 = arith.select %eq3A, %broadcast_in_dim3A_1, %broadcast_in_dim3A_3 : vector<16xi1>, vector<16xi32>
      %swap3A_358 = arith.constant 16 : index
      %swap3A_359 = tpu.vector_load %arg6[%swap3A_358] {strides = array<i32>} : memref<48xi32, #tpu.memory_space<vmem>>, vector<16xi32>,
      %swap3A_360 = vector.shape_cast %swap3A_359 : vector<16xi32> to vector<16xi32>
      %swap3A_361 = vector.shape_cast %select_n3A_357 : vector<16xi32> to vector<16xi32>
      tpu.vector_store %arg6[%swap3A_358], %swap3A_361 {strides = array<i32>} : memref<48xi32, #tpu.memory_space<vmem>>, vector<16xi32>,
      %get3A_362 = arith.constant 15 : index
      %get3A_363 = tpu.vector_load %arg6[%get3A_362] {strides = array<i32>} : memref<48xi32, #tpu.memory_space<vmem>>, vector<16xi32>,
      %get3A_364 = vector.shape_cast %get3A_363 : vector<16xi32> to vector<16xi32>
      %add3A_365 = arith.addi %select_n3A_357, %get3A_364 : vector<16xi32>
      %swap3A_366 = arith.constant 16 : index
      %swap3A_367 = tpu.vector_load %arg6[%swap3A_366] {strides = array<i32>} : memref<48xi32, #tpu.memory_space<vmem>>, vector<16xi32>,
      %swap3A_368 = vector.shape_cast %swap3A_367 : vector<16xi32> to vector<16xi32>
      %swap3A_369 = vector.shape_cast %add3A_365 : vector<16xi32> to vector<16xi32>
      tpu.vector_store %arg6[%swap3A_366], %swap3A_369 {strides = array<i32>} : memref<48xi32, #tpu.memory_space<vmem>>, vector<16xi32>,
      %get3A_370 = arith.constant 14 : index
      %get3A_371 = tpu.vector_load %arg6[%get3A_370] {strides = array<i32>} : memref<48xi32, #tpu.memory_space<vmem>>, vector<16xi32>,
      %get3A_372 = vector.shape_cast %get3A_371 : vector<16xi32> to vector<16xi32>
      %add3A_373 = arith.addi %add3A_365, %get3A_372 : vector<16xi32>
      %swap3A_374 = arith.constant 16 : index
      %swap3A_375 = tpu.vector_load %arg6[%swap3A_374] {strides = array<i32>} : memref<48xi32, #tpu.memory_space<vmem>>, vector<16xi32>,
      %swap3A_376 = vector.shape_cast %swap3A_375 : vector<16xi32> to vector<16xi32>
      %swap3A_377 = vector.shape_cast %add3A_373 : vector<16xi32> to vector<16xi32>
      tpu.vector_store %arg6[%swap3A_374], %swap3A_377 {strides = array<i32>} : memref<48xi32, #tpu.memory_space<vmem>>, vector<16xi32>,
      %get3A_378 = arith.constant 12 : index
      %get3A_379 = tpu.vector_load %arg6[%get3A_378] {strides = array<i32>} : memref<48xi32, #tpu.memory_space<vmem>>, vector<16xi32>,
      %get3A_380 = vector.shape_cast %get3A_379 : vector<16xi32> to vector<16xi32>
      %add3A_381 = arith.addi %add3A_373, %get3A_380 : vector<16xi32>
      %swap3A_382 = arith.constant 16 : index
      %swap3A_383 = tpu.vector_load %arg6[%swap3A_382] {strides = array<i32>} : memref<48xi32, #tpu.memory_space<vmem>>, vector<16xi32>,
      %swap3A_384 = vector.shape_cast %swap3A_383 : vector<16xi32> to vector<16xi32>
      %swap3A_385 = vector.shape_cast %add3A_381 : vector<16xi32> to vector<16xi32>
      tpu.vector_store %arg6[%swap3A_382], %swap3A_385 {strides = array<i32>} : memref<48xi32, #tpu.memory_space<vmem>>, vector<16xi32>,
      %get3A_386 = arith.constant 8 : index
      %get3A_387 = tpu.vector_load %arg6[%get3A_386] {strides = array<i32>} : memref<48xi32, #tpu.memory_space<vmem>>, vector<16xi32>,
      %get3A_388 = vector.shape_cast %get3A_387 : vector<16xi32> to vector<16xi32>
      %add3A_389 = arith.addi %add3A_381, %get3A_388 : vector<16xi32>
      %sub3A_390 = arith.subi %add3A_389, %select_n3A_357 : vector<16xi32>
      %add3A_391 = arith.addi %sub3A_390, %broadcast_in_dim3A_3 : vector<16xi32>
      %lt3A_392 = arith.cmpi slt, %add3A_391, %broadcast_in_dim3A_352 : vector<16xi32>
      %and3A = arith.andi %eq3A, %lt3A_392 : vector<16xi1>
      %or3A = arith.ori %gt3A_356, %and3A : vector<16xi1>
      %select_n3A_393 = arith.select %or3A, %broadcast_in_dim3A_5, %broadcast_in_dim3A_7 : vector<16xi1>, vector<16xf32>
      %swap3A_394 = arith.constant 0 : index
      %swap3A_395 = tpu.vector_load %arg5[%swap3A_394] {strides = array<i32>} : memref<768xf32, #tpu.memory_space<vmem>>, vector<16xf32>,
      %swap3A_396 = vector.shape_cast %swap3A_395 : vector<16xf32> to vector<16xf32>
      %swap3A_397 = vector.shape_cast %select_n3A_393 : vector<16xf32> to vector<16xf32>
      tpu.vector_store %arg5[%swap3A_394], %swap3A_397 {strides = array<i32>} : memref<768xf32, #tpu.memory_space<vmem>>, vector<16xf32>,
      %slice3A_398 = vector.extract_strided_slice %add3A_389 {offsets = [15], sizes = [1], strides = [1]} : vector<16xi32> to vector<1xi32>
      %squeeze3A_399 = vector.extract %slice3A_398[0] : i32 from vector<1xi32>
      %broadcast_in_dim3A_400 = vector.broadcast %squeeze3A_399 : i32 to vector<16xi32>
      %add3A_401 = arith.addi %broadcast_in_dim3A_3, %broadcast_in_dim3A_400 : vector<16xi32>
      %get3A_402 = arith.constant 16 : index
      %get3A_403 = tpu.vector_load %arg4[%get3A_402] {strides = array<i32>} : memref<768xi32, #tpu.memory_space<vmem>>, vector<16xi32>,
      %get3A_404 = vector.shape_cast %get3A_403 : vector<16xi32> to vector<16xi32>
      %gt3A_405 = arith.cmpi sgt, %get3A_404, %broadcast_in_dim3A_33 : vector<16xi32>
      %eq3A_406 = arith.cmpi eq, %get3A_404, %broadcast_in_dim3A_33 : vector<16xi32>
      %select_n3A_407 = arith.select %eq3A_406, %broadcast_in_dim3A_1, %broadcast_in_dim3A_3 : vector<16xi1>, vector<16xi32>
      %swap3A_408 = arith.constant 16 : index
      %swap3A_409 = tpu.vector_load %arg6[%swap3A_408] {strides = array<i32>} : memref<48xi32, #tpu.memory_space<vmem>>, vector<16xi32>,
      %swap3A_410 = vector.shape_cast %swap3A_409 : vector<16xi32> to vector<16xi32>
      %swap3A_411 = vector.shape_cast %select_n3A_407 : vector<16xi32> to vector<16xi32>
      tpu.vector_store %arg6[%swap3A_408], %swap3A_411 {strides = array<i32>} : memref<48xi32, #tpu.memory_space<vmem>>, vector<16xi32>,
      %get3A_412 = arith.constant 15 : index
      %get3A_413 = tpu.vector_load %arg6[%get3A_412] {strides = array<i32>} : memref<48xi32, #tpu.memory_space<vmem>>, vector<16xi32>,
      %get3A_414 = vector.shape_cast %get3A_413 : vector<16xi32> to vector<16xi32>
      %add3A_415 = arith.addi %select_n3A_407, %get3A_414 : vector<16xi32>
      %swap3A_416 = arith.constant 16 : index
      %swap3A_417 = tpu.vector_load %arg6[%swap3A_416] {strides = array<i32>} : memref<48xi32, #tpu.memory_space<vmem>>, vector<16xi32>,
      %swap3A_418 = vector.shape_cast %swap3A_417 : vector<16xi32> to vector<16xi32>
      %swap3A_419 = vector.shape_cast %add3A_415 : vector<16xi32> to vector<16xi32>
      tpu.vector_store %arg6[%swap3A_416], %swap3A_419 {strides = array<i32>} : memref<48xi32, #tpu.memory_space<vmem>>, vector<16xi32>,
      %get3A_420 = arith.constant 14 : index
      %get3A_421 = tpu.vector_load %arg6[%get3A_420] {strides = array<i32>} : memref<48xi32, #tpu.memory_space<vmem>>, vector<16xi32>,
      %get3A_422 = vector.shape_cast %get3A_421 : vector<16xi32> to vector<16xi32>
      %add3A_423 = arith.addi %add3A_415, %get3A_422 : vector<16xi32>
      %swap3A_424 = arith.constant 16 : index
      %swap3A_425 = tpu.vector_load %arg6[%swap3A_424] {strides = array<i32>} : memref<48xi32, #tpu.memory_space<vmem>>, vector<16xi32>,
      %swap3A_426 = vector.shape_cast %swap3A_425 : vector<16xi32> to vector<16xi32>
      %swap3A_427 = vector.shape_cast %add3A_423 : vector<16xi32> to vector<16xi32>
      tpu.vector_store %arg6[%swap3A_424], %swap3A_427 {strides = array<i32>} : memref<48xi32, #tpu.memory_space<vmem>>, vector<16xi32>,
      %get3A_428 = arith.constant 12 : index
      %get3A_429 = tpu.vector_load %arg6[%get3A_428] {strides = array<i32>} : memref<48xi32, #tpu.memory_space<vmem>>, vector<16xi32>,
      %get3A_430 = vector.shape_cast %get3A_429 : vector<16xi32> to vector<16xi32>
      %add3A_431 = arith.addi %add3A_423, %get3A_430 : vector<16xi32>
      %swap3A_432 = arith.constant 16 : index
      %swap3A_433 = tpu.vector_load %arg6[%swap3A_432] {strides = array<i32>} : memref<48xi32, #tpu.memory_space<vmem>>, vector<16xi32>,
      %swap3A_434 = vector.shape_cast %swap3A_433 : vector<16xi32> to vector<16xi32>
      %swap3A_435 = vector.shape_cast %add3A_431 : vector<16xi32> to vector<16xi32>
      tpu.vector_store %arg6[%swap3A_432], %swap3A_435 {strides = array<i32>} : memref<48xi32, #tpu.memory_space<vmem>>, vector<16xi32>,
      %get3A_436 = arith.constant 8 : index
      %get3A_437 = tpu.vector_load %arg6[%get3A_436] {strides = array<i32>} : memref<48xi32, #tpu.memory_space<vmem>>, vector<16xi32>,
      %get3A_438 = vector.shape_cast %get3A_437 : vector<16xi32> to vector<16xi32>
      %add3A_439 = arith.addi %add3A_431, %get3A_438 : vector<16xi32>
      %sub3A_440 = arith.subi %add3A_439, %select_n3A_407 : vector<16xi32>
      %add3A_441 = arith.addi %sub3A_440, %add3A_401 : vector<16xi32>
      %lt3A_442 = arith.cmpi slt, %add3A_441, %broadcast_in_dim3A_352 : vector<16xi32>
      %and3A_443 = arith.andi %eq3A_406, %lt3A_442 : vector<16xi1>
      %or3A_444 = arith.ori %gt3A_405, %and3A_443 : vector<16xi1>
      %select_n3A_445 = arith.select %or3A_444, %broadcast_in_dim3A_5, %broadcast_in_dim3A_7 : vector<16xi1>, vector<16xf32>
      %swap3A_446 = arith.constant 16 : index
      %swap3A_447 = tpu.vector_load %arg5[%swap3A_446] {strides = array<i32>} : memref<768xf32, #tpu.memory_space<vmem>>, vector<16xf32>,
      %swap3A_448 = vector.shape_cast %swap3A_447 : vector<16xf32> to vector<16xf32>
      %swap3A_449 = vector.shape_cast %select_n3A_445 : vector<16xf32> to vector<16xf32>
      tpu.vector_store %arg5[%swap3A_446], %swap3A_449 {strides = array<i32>} : memref<768xf32, #tpu.memory_space<vmem>>, vector<16xf32>,
      %slice3A_450 = vector.extract_strided_slice %add3A_439 {offsets = [15], sizes = [1], strides = [1]} : vector<16xi32> to vector<1xi32>
      %squeeze3A_451 = vector.extract %slice3A_450[0] : i32 from vector<1xi32>
      %broadcast_in_dim3A_452 = vector.broadcast %squeeze3A_451 : i32 to vector<16xi32>
      %add3A_453 = arith.addi %add3A_401, %broadcast_in_dim3A_452 : vector<16xi32>
      %get3A_454 = arith.constant 32 : index
      %get3A_455 = tpu.vector_load %arg4[%get3A_454] {strides = array<i32>} : memref<768xi32, #tpu.memory_space<vmem>>, vector<16xi32>,
      %get3A_456 = vector.shape_cast %get3A_455 : vector<16xi32> to vector<16xi32>
      %gt3A_457 = arith.cmpi sgt, %get3A_456, %broadcast_in_dim3A_33 : vector<16xi32>
      %eq3A_458 = arith.cmpi eq, %get3A_456, %broadcast_in_dim3A_33 : vector<16xi32>
      %select_n3A_459 = arith.select %eq3A_458, %broadcast_in_dim3A_1, %broadcast_in_dim3A_3 : vector<16xi1>, vector<16xi32>
      %swap3A_460 = arith.constant 16 : index
      %swap3A_461 = tpu.vector_load %arg6[%swap3A_460] {strides = array<i32>} : memref<48xi32, #tpu.memory_space<vmem>>, vector<16xi32>,
      %swap3A_462 = vector.shape_cast %swap3A_461 : vector<16xi32> to vector<16xi32>
      %swap3A_463 = vector.shape_cast %select_n3A_459 : vector<16xi32> to vector<16xi32>
      tpu.vector_store %arg6[%swap3A_460], %swap3A_463 {strides = array<i32>} : memref<48xi32, #tpu.memory_space<vmem>>, vector<16xi32>,
      %get3A_464 = arith.constant 15 : index
      %get3A_465 = tpu.vector_load %arg6[%get3A_464] {strides = array<i32>} : memref<48xi32, #tpu.memory_space<vmem>>, vector<16xi32>,
      %get3A_466 = vector.shape_cast %get3A_465 : vector<16xi32> to vector<16xi32>
      %add3A_467 = arith.addi %select_n3A_459, %get3A_466 : vector<16xi32>
      %swap3A_468 = arith.constant 16 : index
      %swap3A_469 = tpu.vector_load %arg6[%swap3A_468] {strides = array<i32>} : memref<48xi32, #tpu.memory_space<vmem>>, vector<16xi32>,
      %swap3A_470 = vector.shape_cast %swap3A_469 : vector<16xi32> to vector<16xi32>
      %swap3A_471 = vector.shape_cast %add3A_467 : vector<16xi32> to vector<16xi32>
      tpu.vector_store %arg6[%swap3A_468], %swap3A_471 {strides = array<i32>} : memref<48xi32, #tpu.memory_space<vmem>>, vector<16xi32>,
      %get3A_472 = arith.constant 14 : index
      %get3A_473 = tpu.vector_load %arg6[%get3A_472] {strides = array<i32>} : memref<48xi32, #tpu.memory_space<vmem>>, vector<16xi32>,
      %get3A_474 = vector.shape_cast %get3A_473 : vector<16xi32> to vector<16xi32>
      %add3A_475 = arith.addi %add3A_467, %get3A_474 : vector<16xi32>
      %swap3A_476 = arith.constant 16 : index
      %swap3A_477 = tpu.vector_load %arg6[%swap3A_476] {strides = array<i32>} : memref<48xi32, #tpu.memory_space<vmem>>, vector<16xi32>,
      %swap3A_478 = vector.shape_cast %swap3A_477 : vector<16xi32> to vector<16xi32>
      %swap3A_479 = vector.shape_cast %add3A_475 : vector<16xi32> to vector<16xi32>
      tpu.vector_store %arg6[%swap3A_476], %swap3A_479 {strides = array<i32>} : memref<48xi32, #tpu.memory_space<vmem>>, vector<16xi32>,
      %get3A_480 = arith.constant 12 : index
      %get3A_481 = tpu.vector_load %arg6[%get3A_480] {strides = array<i32>} : memref<48xi32, #tpu.memory_space<vmem>>, vector<16xi32>,
      %get3A_482 = vector.shape_cast %get3A_481 : vector<16xi32> to vector<16xi32>
      %add3A_483 = arith.addi %add3A_475, %get3A_482 : vector<16xi32>
      %swap3A_484 = arith.constant 16 : index
      %swap3A_485 = tpu.vector_load %arg6[%swap3A_484] {strides = array<i32>} : memref<48xi32, #tpu.memory_space<vmem>>, vector<16xi32>,
      %swap3A_486 = vector.shape_cast %swap3A_485 : vector<16xi32> to vector<16xi32>
      %swap3A_487 = vector.shape_cast %add3A_483 : vector<16xi32> to vector<16xi32>
      tpu.vector_store %arg6[%swap3A_484], %swap3A_487 {strides = array<i32>} : memref<48xi32, #tpu.memory_space<vmem>>, vector<16xi32>,
      %get3A_488 = arith.constant 8 : index
      %get3A_489 = tpu.vector_load %arg6[%get3A_488] {strides = array<i32>} : memref<48xi32, #tpu.memory_space<vmem>>, vector<16xi32>,
      %get3A_490 = vector.shape_cast %get3A_489 : vector<16xi32> to vector<16xi32>
      %add3A_491 = arith.addi %add3A_483, %get3A_490 : vector<16xi32>
      %sub3A_492 = arith.subi %add3A_491, %select_n3A_459 : vector<16xi32>
      %add3A_493 = arith.addi %sub3A_492, %add3A_453 : vector<16xi32>
      %lt3A_494 = arith.cmpi slt, %add3A_493, %broadcast_in_dim3A_352 : vector<16xi32>
      %and3A_495 = arith.andi %eq3A_458, %lt3A_494 : vector<16xi1>
      %or3A_496 = arith.ori %gt3A_457, %and3A_495 : vector<16xi1>
      %select_n3A_497 = arith.select %or3A_496, %broadcast_in_dim3A_5, %broadcast_in_dim3A_7 : vector<16xi1>, vector<16xf32>
      %swap3A_498 = arith.constant 32 : index
      %swap3A_499 = tpu.vector_load %arg5[%swap3A_498] {strides = array<i32>} : memref<768xf32, #tpu.memory_space<vmem>>, vector<16xf32>,
      %swap3A_500 = vector.shape_cast %swap3A_499 : vector<16xf32> to vector<16xf32>
      %swap3A_501 = vector.shape_cast %select_n3A_497 : vector<16xf32> to vector<16xf32>
      tpu.vector_store %arg5[%swap3A_498], %swap3A_501 {strides = array<i32>} : memref<768xf32, #tpu.memory_space<vmem>>, vector<16xf32>,
      %slice3A_502 = vector.extract_strided_slice %add3A_491 {offsets = [15], sizes = [1], strides = [1]} : vector<16xi32> to vector<1xi32>
      %squeeze3A_503 = vector.extract %slice3A_502[0] : i32 from vector<1xi32>
      %broadcast_in_dim3A_504 = vector.broadcast %squeeze3A_503 : i32 to vector<16xi32>
      %add3A_505 = arith.addi %add3A_453, %broadcast_in_dim3A_504 : vector<16xi32>
      %get3A_506 = arith.constant 48 : index
      %get3A_507 = tpu.vector_load %arg4[%get3A_506] {strides = array<i32>} : memref<768xi32, #tpu.memory_space<vmem>>, vector<16xi32>,
      %get3A_508 = vector.shape_cast %get3A_507 : vector<16xi32> to vector<16xi32>
      %gt3A_509 = arith.cmpi sgt, %get3A_508, %broadcast_in_dim3A_33 : vector<16xi32>
      %eq3A_510 = arith.cmpi eq, %get3A_508, %broadcast_in_dim3A_33 : vector<16xi32>
      %select_n3A_511 = arith.select %eq3A_510, %broadcast_in_dim3A_1, %broadcast_in_dim3A_3 : vector<16xi1>, vector<16xi32>
      %swap3A_512 = arith.constant 16 : index
      %swap3A_513 = tpu.vector_load %arg6[%swap3A_512] {strides = array<i32>} : memref<48xi32, #tpu.memory_space<vmem>>, vector<16xi32>,
      %swap3A_514 = vector.shape_cast %swap3A_513 : vector<16xi32> to vector<16xi32>
      %swap3A_515 = vector.shape_cast %select_n3A_511 : vector<16xi32> to vector<16xi32>
      tpu.vector_store %arg6[%swap3A_512], %swap3A_515 {strides = array<i32>} : memref<48xi32, #tpu.memory_space<vmem>>, vector<16xi32>,
      %get3A_516 = arith.constant 15 : index
      %get3A_517 = tpu.vector_load %arg6[%get3A_516] {strides = array<i32>} : memref<48xi32, #tpu.memory_space<vmem>>, vector<16xi32>,
      %get3A_518 = vector.shape_cast %get3A_517 : vector<16xi32> to vector<16xi32>
      %add3A_519 = arith.addi %select_n3A_511, %get3A_518 : vector<16xi32>
      %swap3A_520 = arith.constant 16 : index
      %swap3A_521 = tpu.vector_load %arg6[%swap3A_520] {strides = array<i32>} : memref<48xi32, #tpu.memory_space<vmem>>, vector<16xi32>,
      %swap3A_522 = vector.shape_cast %swap3A_521 : vector<16xi32> to vector<16xi32>
      %swap3A_523 = vector.shape_cast %add3A_519 : vector<16xi32> to vector<16xi32>
      tpu.vector_store %arg6[%swap3A_520], %swap3A_523 {strides = array<i32>} : memref<48xi32, #tpu.memory_space<vmem>>, vector<16xi32>,
      %get3A_524 = arith.constant 14 : index
      %get3A_525 = tpu.vector_load %arg6[%get3A_524] {strides = array<i32>} : memref<48xi32, #tpu.memory_space<vmem>>, vector<16xi32>,
      %get3A_526 = vector.shape_cast %get3A_525 : vector<16xi32> to vector<16xi32>
      %add3A_527 = arith.addi %add3A_519, %get3A_526 : vector<16xi32>
      %swap3A_528 = arith.constant 16 : index
      %swap3A_529 = tpu.vector_load %arg6[%swap3A_528] {strides = array<i32>} : memref<48xi32, #tpu.memory_space<vmem>>, vector<16xi32>,
      %swap3A_530 = vector.shape_cast %swap3A_529 : vector<16xi32> to vector<16xi32>
      %swap3A_531 = vector.shape_cast %add3A_527 : vector<16xi32> to vector<16xi32>
      tpu.vector_store %arg6[%swap3A_528], %swap3A_531 {strides = array<i32>} : memref<48xi32, #tpu.memory_space<vmem>>, vector<16xi32>,
      %get3A_532 = arith.constant 12 : index
      %get3A_533 = tpu.vector_load %arg6[%get3A_532] {strides = array<i32>} : memref<48xi32, #tpu.memory_space<vmem>>, vector<16xi32>,
      %get3A_534 = vector.shape_cast %get3A_533 : vector<16xi32> to vector<16xi32>
      %add3A_535 = arith.addi %add3A_527, %get3A_534 : vector<16xi32>
      %swap3A_536 = arith.constant 16 : index
      %swap3A_537 = tpu.vector_load %arg6[%swap3A_536] {strides = array<i32>} : memref<48xi32, #tpu.memory_space<vmem>>, vector<16xi32>,
      %swap3A_538 = vector.shape_cast %swap3A_537 : vector<16xi32> to vector<16xi32>
      %swap3A_539 = vector.shape_cast %add3A_535 : vector<16xi32> to vector<16xi32>
      tpu.vector_store %arg6[%swap3A_536], %swap3A_539 {strides = array<i32>} : memref<48xi32, #tpu.memory_space<vmem>>, vector<16xi32>,
      %get3A_540 = arith.constant 8 : index
      %get3A_541 = tpu.vector_load %arg6[%get3A_540] {strides = array<i32>} : memref<48xi32, #tpu.memory_space<vmem>>, vector<16xi32>,
      %get3A_542 = vector.shape_cast %get3A_541 : vector<16xi32> to vector<16xi32>
      %add3A_543 = arith.addi %add3A_535, %get3A_542 : vector<16xi32>
      %sub3A_544 = arith.subi %add3A_543, %select_n3A_511 : vector<16xi32>
      %add3A_545 = arith.addi %sub3A_544, %add3A_505 : vector<16xi32>
      %lt3A_546 = arith.cmpi slt, %add3A_545, %broadcast_in_dim3A_352 : vector<16xi32>
      %and3A_547 = arith.andi %eq3A_510, %lt3A_546 : vector<16xi1>
      %or3A_548 = arith.ori %gt3A_509, %and3A_547 : vector<16xi1>
      %select_n3A_549 = arith.select %or3A_548, %broadcast_in_dim3A_5, %broadcast_in_dim3A_7 : vector<16xi1>, vector<16xf32>
      %swap3A_550 = arith.constant 48 : index
      %swap3A_551 = tpu.vector_load %arg5[%swap3A_550] {strides = array<i32>} : memref<768xf32, #tpu.memory_space<vmem>>, vector<16xf32>,
      %swap3A_552 = vector.shape_cast %swap3A_551 : vector<16xf32> to vector<16xf32>
      %swap3A_553 = vector.shape_cast %select_n3A_549 : vector<16xf32> to vector<16xf32>
      tpu.vector_store %arg5[%swap3A_550], %swap3A_553 {strides = array<i32>} : memref<768xf32, #tpu.memory_space<vmem>>, vector<16xf32>,
      %slice3A_554 = vector.extract_strided_slice %add3A_543 {offsets = [15], sizes = [1], strides = [1]} : vector<16xi32> to vector<1xi32>
      %squeeze3A_555 = vector.extract %slice3A_554[0] : i32 from vector<1xi32>
      %broadcast_in_dim3A_556 = vector.broadcast %squeeze3A_555 : i32 to vector<16xi32>
      %add3A_557 = arith.addi %add3A_505, %broadcast_in_dim3A_556 : vector<16xi32>
      %get3A_558 = arith.constant 64 : index
      %get3A_559 = tpu.vector_load %arg4[%get3A_558] {strides = array<i32>} : memref<768xi32, #tpu.memory_space<vmem>>, vector<16xi32>,
      %get3A_560 = vector.shape_cast %get3A_559 : vector<16xi32> to vector<16xi32>
      %gt3A_561 = arith.cmpi sgt, %get3A_560, %broadcast_in_dim3A_33 : vector<16xi32>
      %eq3A_562 = arith.cmpi eq, %get3A_560, %broadcast_in_dim3A_33 : vector<16xi32>
      %select_n3A_563 = arith.select %eq3A_562, %broadcast_in_dim3A_1, %broadcast_in_dim3A_3 : vector<16xi1>, vector<16xi32>
      %swap3A_564 = arith.constant 16 : index
      %swap3A_565 = tpu.vector_load %arg6[%swap3A_564] {strides = array<i32>} : memref<48xi32, #tpu.memory_space<vmem>>, vector<16xi32>,
      %swap3A_566 = vector.shape_cast %swap3A_565 : vector<16xi32> to vector<16xi32>
      %swap3A_567 = vector.shape_cast %select_n3A_563 : vector<16xi32> to vector<16xi32>
      tpu.vector_store %arg6[%swap3A_564], %swap3A_567 {strides = array<i32>} : memref<48xi32, #tpu.memory_space<vmem>>, vector<16xi32>,
      %get3A_568 = arith.constant 15 : index
      %get3A_569 = tpu.vector_load %arg6[%get3A_568] {strides = array<i32>} : memref<48xi32, #tpu.memory_space<vmem>>, vector<16xi32>,
      %get3A_570 = vector.shape_cast %get3A_569 : vector<16xi32> to vector<16xi32>
      %add3A_571 = arith.addi %select_n3A_563, %get3A_570 : vector<16xi32>
      %swap3A_572 = arith.constant 16 : index
      %swap3A_573 = tpu.vector_load %arg6[%swap3A_572] {strides = array<i32>} : memref<48xi32, #tpu.memory_space<vmem>>, vector<16xi32>,
      %swap3A_574 = vector.shape_cast %swap3A_573 : vector<16xi32> to vector<16xi32>
      %swap3A_575 = vector.shape_cast %add3A_571 : vector<16xi32> to vector<16xi32>
      tpu.vector_store %arg6[%swap3A_572], %swap3A_575 {strides = array<i32>} : memref<48xi32, #tpu.memory_space<vmem>>, vector<16xi32>,
      %get3A_576 = arith.constant 14 : index
      %get3A_577 = tpu.vector_load %arg6[%get3A_576] {strides = array<i32>} : memref<48xi32, #tpu.memory_space<vmem>>, vector<16xi32>,
      %get3A_578 = vector.shape_cast %get3A_577 : vector<16xi32> to vector<16xi32>
      %add3A_579 = arith.addi %add3A_571, %get3A_578 : vector<16xi32>
      %swap3A_580 = arith.constant 16 : index
      %swap3A_581 = tpu.vector_load %arg6[%swap3A_580] {strides = array<i32>} : memref<48xi32, #tpu.memory_space<vmem>>, vector<16xi32>,
      %swap3A_582 = vector.shape_cast %swap3A_581 : vector<16xi32> to vector<16xi32>
      %swap3A_583 = vector.shape_cast %add3A_579 : vector<16xi32> to vector<16xi32>
      tpu.vector_store %arg6[%swap3A_580], %swap3A_583 {strides = array<i32>} : memref<48xi32, #tpu.memory_space<vmem>>, vector<16xi32>,
      %get3A_584 = arith.constant 12 : index
      %get3A_585 = tpu.vector_load %arg6[%get3A_584] {strides = array<i32>} : memref<48xi32, #tpu.memory_space<vmem>>, vector<16xi32>,
      %get3A_586 = vector.shape_cast %get3A_585 : vector<16xi32> to vector<16xi32>
      %add3A_587 = arith.addi %add3A_579, %get3A_586 : vector<16xi32>
      %swap3A_588 = arith.constant 16 : index
      %swap3A_589 = tpu.vector_load %arg6[%swap3A_588] {strides = array<i32>} : memref<48xi32, #tpu.memory_space<vmem>>, vector<16xi32>,
      %swap3A_590 = vector.shape_cast %swap3A_589 : vector<16xi32> to vector<16xi32>
      %swap3A_591 = vector.shape_cast %add3A_587 : vector<16xi32> to vector<16xi32>
      tpu.vector_store %arg6[%swap3A_588], %swap3A_591 {strides = array<i32>} : memref<48xi32, #tpu.memory_space<vmem>>, vector<16xi32>,
      %get3A_592 = arith.constant 8 : index
      %get3A_593 = tpu.vector_load %arg6[%get3A_592] {strides = array<i32>} : memref<48xi32, #tpu.memory_space<vmem>>, vector<16xi32>,
      %get3A_594 = vector.shape_cast %get3A_593 : vector<16xi32> to vector<16xi32>
      %add3A_595 = arith.addi %add3A_587, %get3A_594 : vector<16xi32>
      %sub3A_596 = arith.subi %add3A_595, %select_n3A_563 : vector<16xi32>
      %add3A_597 = arith.addi %sub3A_596, %add3A_557 : vector<16xi32>
      %lt3A_598 = arith.cmpi slt, %add3A_597, %broadcast_in_dim3A_352 : vector<16xi32>
      %and3A_599 = arith.andi %eq3A_562, %lt3A_598 : vector<16xi1>
      %or3A_600 = arith.ori %gt3A_561, %and3A_599 : vector<16xi1>
      %select_n3A_601 = arith.select %or3A_600, %broadcast_in_dim3A_5, %broadcast_in_dim3A_7 : vector<16xi1>, vector<16xf32>
      %swap3A_602 = arith.constant 64 : index
      %swap3A_603 = tpu.vector_load %arg5[%swap3A_602] {strides = array<i32>} : memref<768xf32, #tpu.memory_space<vmem>>, vector<16xf32>,
      %swap3A_604 = vector.shape_cast %swap3A_603 : vector<16xf32> to vector<16xf32>
      %swap3A_605 = vector.shape_cast %select_n3A_601 : vector<16xf32> to vector<16xf32>
      tpu.vector_store %arg5[%swap3A_602], %swap3A_605 {strides = array<i32>} : memref<768xf32, #tpu.memory_space<vmem>>, vector<16xf32>,
      %slice3A_606 = vector.extract_strided_slice %add3A_595 {offsets = [15], sizes = [1], strides = [1]} : vector<16xi32> to vector<1xi32>
      %squeeze3A_607 = vector.extract %slice3A_606[0] : i32 from vector<1xi32>
      %broadcast_in_dim3A_608 = vector.broadcast %squeeze3A_607 : i32 to vector<16xi32>
      %add3A_609 = arith.addi %add3A_557, %broadcast_in_dim3A_608 : vector<16xi32>
      %get3A_610 = arith.constant 80 : index
      %get3A_611 = tpu.vector_load %arg4[%get3A_610] {strides = array<i32>} : memref<768xi32, #tpu.memory_space<vmem>>, vector<16xi32>,
      %get3A_612 = vector.shape_cast %get3A_611 : vector<16xi32> to vector<16xi32>
      %gt3A_613 = arith.cmpi sgt, %get3A_612, %broadcast_in_dim3A_33 : vector<16xi32>
      %eq3A_614 = arith.cmpi eq, %get3A_612, %broadcast_in_dim3A_33 : vector<16xi32>
      %select_n3A_615 = arith.select %eq3A_614, %broadcast_in_dim3A_1, %broadcast_in_dim3A_3 : vector<16xi1>, vector<16xi32>
      %swap3A_616 = arith.constant 16 : index
      %swap3A_617 = tpu.vector_load %arg6[%swap3A_616] {strides = array<i32>} : memref<48xi32, #tpu.memory_space<vmem>>, vector<16xi32>,
      %swap3A_618 = vector.shape_cast %swap3A_617 : vector<16xi32> to vector<16xi32>
      %swap3A_619 = vector.shape_cast %select_n3A_615 : vector<16xi32> to vector<16xi32>
      tpu.vector_store %arg6[%swap3A_616], %swap3A_619 {strides = array<i32>} : memref<48xi32, #tpu.memory_space<vmem>>, vector<16xi32>,
      %get3A_620 = arith.constant 15 : index
      %get3A_621 = tpu.vector_load %arg6[%get3A_620] {strides = array<i32>} : memref<48xi32, #tpu.memory_space<vmem>>, vector<16xi32>,
      %get3A_622 = vector.shape_cast %get3A_621 : vector<16xi32> to vector<16xi32>
      %add3A_623 = arith.addi %select_n3A_615, %get3A_622 : vector<16xi32>
      %swap3A_624 = arith.constant 16 : index
      %swap3A_625 = tpu.vector_load %arg6[%swap3A_624] {strides = array<i32>} : memref<48xi32, #tpu.memory_space<vmem>>, vector<16xi32>,
      %swap3A_626 = vector.shape_cast %swap3A_625 : vector<16xi32> to vector<16xi32>
      %swap3A_627 = vector.shape_cast %add3A_623 : vector<16xi32> to vector<16xi32>
      tpu.vector_store %arg6[%swap3A_624], %swap3A_627 {strides = array<i32>} : memref<48xi32, #tpu.memory_space<vmem>>, vector<16xi32>,
      %get3A_628 = arith.constant 14 : index
      %get3A_629 = tpu.vector_load %arg6[%get3A_628] {strides = array<i32>} : memref<48xi32, #tpu.memory_space<vmem>>, vector<16xi32>,
      %get3A_630 = vector.shape_cast %get3A_629 : vector<16xi32> to vector<16xi32>
      %add3A_631 = arith.addi %add3A_623, %get3A_630 : vector<16xi32>
      %swap3A_632 = arith.constant 16 : index
      %swap3A_633 = tpu.vector_load %arg6[%swap3A_632] {strides = array<i32>} : memref<48xi32, #tpu.memory_space<vmem>>, vector<16xi32>,
      %swap3A_634 = vector.shape_cast %swap3A_633 : vector<16xi32> to vector<16xi32>
      %swap3A_635 = vector.shape_cast %add3A_631 : vector<16xi32> to vector<16xi32>
      tpu.vector_store %arg6[%swap3A_632], %swap3A_635 {strides = array<i32>} : memref<48xi32, #tpu.memory_space<vmem>>, vector<16xi32>,
      %get3A_636 = arith.constant 12 : index
      %get3A_637 = tpu.vector_load %arg6[%get3A_636] {strides = array<i32>} : memref<48xi32, #tpu.memory_space<vmem>>, vector<16xi32>,
      %get3A_638 = vector.shape_cast %get3A_637 : vector<16xi32> to vector<16xi32>
      %add3A_639 = arith.addi %add3A_631, %get3A_638 : vector<16xi32>
      %swap3A_640 = arith.constant 16 : index
      %swap3A_641 = tpu.vector_load %arg6[%swap3A_640] {strides = array<i32>} : memref<48xi32, #tpu.memory_space<vmem>>, vector<16xi32>,
      %swap3A_642 = vector.shape_cast %swap3A_641 : vector<16xi32> to vector<16xi32>
      %swap3A_643 = vector.shape_cast %add3A_639 : vector<16xi32> to vector<16xi32>
      tpu.vector_store %arg6[%swap3A_640], %swap3A_643 {strides = array<i32>} : memref<48xi32, #tpu.memory_space<vmem>>, vector<16xi32>,
      %get3A_644 = arith.constant 8 : index
      %get3A_645 = tpu.vector_load %arg6[%get3A_644] {strides = array<i32>} : memref<48xi32, #tpu.memory_space<vmem>>, vector<16xi32>,
      %get3A_646 = vector.shape_cast %get3A_645 : vector<16xi32> to vector<16xi32>
      %add3A_647 = arith.addi %add3A_639, %get3A_646 : vector<16xi32>
      %sub3A_648 = arith.subi %add3A_647, %select_n3A_615 : vector<16xi32>
      %add3A_649 = arith.addi %sub3A_648, %add3A_609 : vector<16xi32>
      %lt3A_650 = arith.cmpi slt, %add3A_649, %broadcast_in_dim3A_352 : vector<16xi32>
      %and3A_651 = arith.andi %eq3A_614, %lt3A_650 : vector<16xi1>
      %or3A_652 = arith.ori %gt3A_613, %and3A_651 : vector<16xi1>
      %select_n3A_653 = arith.select %or3A_652, %broadcast_in_dim3A_5, %broadcast_in_dim3A_7 : vector<16xi1>, vector<16xf32>
      %swap3A_654 = arith.constant 80 : index
      %swap3A_655 = tpu.vector_load %arg5[%swap3A_654] {strides = array<i32>} : memref<768xf32, #tpu.memory_space<vmem>>, vector<16xf32>,
      %swap3A_656 = vector.shape_cast %swap3A_655 : vector<16xf32> to vector<16xf32>
      %swap3A_657 = vector.shape_cast %select_n3A_653 : vector<16xf32> to vector<16xf32>
      tpu.vector_store %arg5[%swap3A_654], %swap3A_657 {strides = array<i32>} : memref<768xf32, #tpu.memory_space<vmem>>, vector<16xf32>,
      %slice3A_658 = vector.extract_strided_slice %add3A_647 {offsets = [15], sizes = [1], strides = [1]} : vector<16xi32> to vector<1xi32>
      %squeeze3A_659 = vector.extract %slice3A_658[0] : i32 from vector<1xi32>
      %broadcast_in_dim3A_660 = vector.broadcast %squeeze3A_659 : i32 to vector<16xi32>
      %add3A_661 = arith.addi %add3A_609, %broadcast_in_dim3A_660 : vector<16xi32>
      %get3A_662 = arith.constant 96 : index
      %get3A_663 = tpu.vector_load %arg4[%get3A_662] {strides = array<i32>} : memref<768xi32, #tpu.memory_space<vmem>>, vector<16xi32>,
      %get3A_664 = vector.shape_cast %get3A_663 : vector<16xi32> to vector<16xi32>
      %gt3A_665 = arith.cmpi sgt, %get3A_664, %broadcast_in_dim3A_33 : vector<16xi32>
      %eq3A_666 = arith.cmpi eq, %get3A_664, %broadcast_in_dim3A_33 : vector<16xi32>
      %select_n3A_667 = arith.select %eq3A_666, %broadcast_in_dim3A_1, %broadcast_in_dim3A_3 : vector<16xi1>, vector<16xi32>
      %swap3A_668 = arith.constant 16 : index
      %swap3A_669 = tpu.vector_load %arg6[%swap3A_668] {strides = array<i32>} : memref<48xi32, #tpu.memory_space<vmem>>, vector<16xi32>,
      %swap3A_670 = vector.shape_cast %swap3A_669 : vector<16xi32> to vector<16xi32>
      %swap3A_671 = vector.shape_cast %select_n3A_667 : vector<16xi32> to vector<16xi32>
      tpu.vector_store %arg6[%swap3A_668], %swap3A_671 {strides = array<i32>} : memref<48xi32, #tpu.memory_space<vmem>>, vector<16xi32>,
      %get3A_672 = arith.constant 15 : index
      %get3A_673 = tpu.vector_load %arg6[%get3A_672] {strides = array<i32>} : memref<48xi32, #tpu.memory_space<vmem>>, vector<16xi32>,
      %get3A_674 = vector.shape_cast %get3A_673 : vector<16xi32> to vector<16xi32>
      %add3A_675 = arith.addi %select_n3A_667, %get3A_674 : vector<16xi32>
      %swap3A_676 = arith.constant 16 : index
      %swap3A_677 = tpu.vector_load %arg6[%swap3A_676] {strides = array<i32>} : memref<48xi32, #tpu.memory_space<vmem>>, vector<16xi32>,
      %swap3A_678 = vector.shape_cast %swap3A_677 : vector<16xi32> to vector<16xi32>
      %swap3A_679 = vector.shape_cast %add3A_675 : vector<16xi32> to vector<16xi32>
      tpu.vector_store %arg6[%swap3A_676], %swap3A_679 {strides = array<i32>} : memref<48xi32, #tpu.memory_space<vmem>>, vector<16xi32>,
      %get3A_680 = arith.constant 14 : index
      %get3A_681 = tpu.vector_load %arg6[%get3A_680] {strides = array<i32>} : memref<48xi32, #tpu.memory_space<vmem>>, vector<16xi32>,
      %get3A_682 = vector.shape_cast %get3A_681 : vector<16xi32> to vector<16xi32>
      %add3A_683 = arith.addi %add3A_675, %get3A_682 : vector<16xi32>
      %swap3A_684 = arith.constant 16 : index
      %swap3A_685 = tpu.vector_load %arg6[%swap3A_684] {strides = array<i32>} : memref<48xi32, #tpu.memory_space<vmem>>, vector<16xi32>,
      %swap3A_686 = vector.shape_cast %swap3A_685 : vector<16xi32> to vector<16xi32>
      %swap3A_687 = vector.shape_cast %add3A_683 : vector<16xi32> to vector<16xi32>
      tpu.vector_store %arg6[%swap3A_684], %swap3A_687 {strides = array<i32>} : memref<48xi32, #tpu.memory_space<vmem>>, vector<16xi32>,
      %get3A_688 = arith.constant 12 : index
      %get3A_689 = tpu.vector_load %arg6[%get3A_688] {strides = array<i32>} : memref<48xi32, #tpu.memory_space<vmem>>, vector<16xi32>,
      %get3A_690 = vector.shape_cast %get3A_689 : vector<16xi32> to vector<16xi32>
      %add3A_691 = arith.addi %add3A_683, %get3A_690 : vector<16xi32>
      %swap3A_692 = arith.constant 16 : index
      %swap3A_693 = tpu.vector_load %arg6[%swap3A_692] {strides = array<i32>} : memref<48xi32, #tpu.memory_space<vmem>>, vector<16xi32>,
      %swap3A_694 = vector.shape_cast %swap3A_693 : vector<16xi32> to vector<16xi32>
      %swap3A_695 = vector.shape_cast %add3A_691 : vector<16xi32> to vector<16xi32>
      tpu.vector_store %arg6[%swap3A_692], %swap3A_695 {strides = array<i32>} : memref<48xi32, #tpu.memory_space<vmem>>, vector<16xi32>,
      %get3A_696 = arith.constant 8 : index
      %get3A_697 = tpu.vector_load %arg6[%get3A_696] {strides = array<i32>} : memref<48xi32, #tpu.memory_space<vmem>>, vector<16xi32>,
      %get3A_698 = vector.shape_cast %get3A_697 : vector<16xi32> to vector<16xi32>
      %add3A_699 = arith.addi %add3A_691, %get3A_698 : vector<16xi32>
      %sub3A_700 = arith.subi %add3A_699, %select_n3A_667 : vector<16xi32>
      %add3A_701 = arith.addi %sub3A_700, %add3A_661 : vector<16xi32>
      %lt3A_702 = arith.cmpi slt, %add3A_701, %broadcast_in_dim3A_352 : vector<16xi32>
      %and3A_703 = arith.andi %eq3A_666, %lt3A_702 : vector<16xi1>
      %or3A_704 = arith.ori %gt3A_665, %and3A_703 : vector<16xi1>
      %select_n3A_705 = arith.select %or3A_704, %broadcast_in_dim3A_5, %broadcast_in_dim3A_7 : vector<16xi1>, vector<16xf32>
      %swap3A_706 = arith.constant 96 : index
      %swap3A_707 = tpu.vector_load %arg5[%swap3A_706] {strides = array<i32>} : memref<768xf32, #tpu.memory_space<vmem>>, vector<16xf32>,
      %swap3A_708 = vector.shape_cast %swap3A_707 : vector<16xf32> to vector<16xf32>
      %swap3A_709 = vector.shape_cast %select_n3A_705 : vector<16xf32> to vector<16xf32>
      tpu.vector_store %arg5[%swap3A_706], %swap3A_709 {strides = array<i32>} : memref<768xf32, #tpu.memory_space<vmem>>, vector<16xf32>,
      %slice3A_710 = vector.extract_strided_slice %add3A_699 {offsets = [15], sizes = [1], strides = [1]} : vector<16xi32> to vector<1xi32>
      %squeeze3A_711 = vector.extract %slice3A_710[0] : i32 from vector<1xi32>
      %broadcast_in_dim3A_712 = vector.broadcast %squeeze3A_711 : i32 to vector<16xi32>
      %add3A_713 = arith.addi %add3A_661, %broadcast_in_dim3A_712 : vector<16xi32>
      %get3A_714 = arith.constant 112 : index
      %get3A_715 = tpu.vector_load %arg4[%get3A_714] {strides = array<i32>} : memref<768xi32, #tpu.memory_space<vmem>>, vector<16xi32>,
      %get3A_716 = vector.shape_cast %get3A_715 : vector<16xi32> to vector<16xi32>
      %gt3A_717 = arith.cmpi sgt, %get3A_716, %broadcast_in_dim3A_33 : vector<16xi32>
      %eq3A_718 = arith.cmpi eq, %get3A_716, %broadcast_in_dim3A_33 : vector<16xi32>
      %select_n3A_719 = arith.select %eq3A_718, %broadcast_in_dim3A_1, %broadcast_in_dim3A_3 : vector<16xi1>, vector<16xi32>
      %swap3A_720 = arith.constant 16 : index
      %swap3A_721 = tpu.vector_load %arg6[%swap3A_720] {strides = array<i32>} : memref<48xi32, #tpu.memory_space<vmem>>, vector<16xi32>,
      %swap3A_722 = vector.shape_cast %swap3A_721 : vector<16xi32> to vector<16xi32>
      %swap3A_723 = vector.shape_cast %select_n3A_719 : vector<16xi32> to vector<16xi32>
      tpu.vector_store %arg6[%swap3A_720], %swap3A_723 {strides = array<i32>} : memref<48xi32, #tpu.memory_space<vmem>>, vector<16xi32>,
      %get3A_724 = arith.constant 15 : index
      %get3A_725 = tpu.vector_load %arg6[%get3A_724] {strides = array<i32>} : memref<48xi32, #tpu.memory_space<vmem>>, vector<16xi32>,
      %get3A_726 = vector.shape_cast %get3A_725 : vector<16xi32> to vector<16xi32>
      %add3A_727 = arith.addi %select_n3A_719, %get3A_726 : vector<16xi32>
      %swap3A_728 = arith.constant 16 : index
      %swap3A_729 = tpu.vector_load %arg6[%swap3A_728] {strides = array<i32>} : memref<48xi32, #tpu.memory_space<vmem>>, vector<16xi32>,
      %swap3A_730 = vector.shape_cast %swap3A_729 : vector<16xi32> to vector<16xi32>
      %swap3A_731 = vector.shape_cast %add3A_727 : vector<16xi32> to vector<16xi32>
      tpu.vector_store %arg6[%swap3A_728], %swap3A_731 {strides = array<i32>} : memref<48xi32, #tpu.memory_space<vmem>>, vector<16xi32>,
      %get3A_732 = arith.constant 14 : index
      %get3A_733 = tpu.vector_load %arg6[%get3A_732] {strides = array<i32>} : memref<48xi32, #tpu.memory_space<vmem>>, vector<16xi32>,
      %get3A_734 = vector.shape_cast %get3A_733 : vector<16xi32> to vector<16xi32>
      %add3A_735 = arith.addi %add3A_727, %get3A_734 : vector<16xi32>
      %swap3A_736 = arith.constant 16 : index
      %swap3A_737 = tpu.vector_load %arg6[%swap3A_736] {strides = array<i32>} : memref<48xi32, #tpu.memory_space<vmem>>, vector<16xi32>,
      %swap3A_738 = vector.shape_cast %swap3A_737 : vector<16xi32> to vector<16xi32>
      %swap3A_739 = vector.shape_cast %add3A_735 : vector<16xi32> to vector<16xi32>
      tpu.vector_store %arg6[%swap3A_736], %swap3A_739 {strides = array<i32>} : memref<48xi32, #tpu.memory_space<vmem>>, vector<16xi32>,
      %get3A_740 = arith.constant 12 : index
      %get3A_741 = tpu.vector_load %arg6[%get3A_740] {strides = array<i32>} : memref<48xi32, #tpu.memory_space<vmem>>, vector<16xi32>,
      %get3A_742 = vector.shape_cast %get3A_741 : vector<16xi32> to vector<16xi32>
      %add3A_743 = arith.addi %add3A_735, %get3A_742 : vector<16xi32>
      %swap3A_744 = arith.constant 16 : index
      %swap3A_745 = tpu.vector_load %arg6[%swap3A_744] {strides = array<i32>} : memref<48xi32, #tpu.memory_space<vmem>>, vector<16xi32>,
      %swap3A_746 = vector.shape_cast %swap3A_745 : vector<16xi32> to vector<16xi32>
      %swap3A_747 = vector.shape_cast %add3A_743 : vector<16xi32> to vector<16xi32>
      tpu.vector_store %arg6[%swap3A_744], %swap3A_747 {strides = array<i32>} : memref<48xi32, #tpu.memory_space<vmem>>, vector<16xi32>,
      %get3A_748 = arith.constant 8 : index
      %get3A_749 = tpu.vector_load %arg6[%get3A_748] {strides = array<i32>} : memref<48xi32, #tpu.memory_space<vmem>>, vector<16xi32>,
      %get3A_750 = vector.shape_cast %get3A_749 : vector<16xi32> to vector<16xi32>
      %add3A_751 = arith.addi %add3A_743, %get3A_750 : vector<16xi32>
      %sub3A_752 = arith.subi %add3A_751, %select_n3A_719 : vector<16xi32>
      %add3A_753 = arith.addi %sub3A_752, %add3A_713 : vector<16xi32>
      %lt3A_754 = arith.cmpi slt, %add3A_753, %broadcast_in_dim3A_352 : vector<16xi32>
      %and3A_755 = arith.andi %eq3A_718, %lt3A_754 : vector<16xi1>
      %or3A_756 = arith.ori %gt3A_717, %and3A_755 : vector<16xi1>
      %select_n3A_757 = arith.select %or3A_756, %broadcast_in_dim3A_5, %broadcast_in_dim3A_7 : vector<16xi1>, vector<16xf32>
      %swap3A_758 = arith.constant 112 : index
      %swap3A_759 = tpu.vector_load %arg5[%swap3A_758] {strides = array<i32>} : memref<768xf32, #tpu.memory_space<vmem>>, vector<16xf32>,
      %swap3A_760 = vector.shape_cast %swap3A_759 : vector<16xf32> to vector<16xf32>
      %swap3A_761 = vector.shape_cast %select_n3A_757 : vector<16xf32> to vector<16xf32>
      tpu.vector_store %arg5[%swap3A_758], %swap3A_761 {strides = array<i32>} : memref<768xf32, #tpu.memory_space<vmem>>, vector<16xf32>,
      %slice3A_762 = vector.extract_strided_slice %add3A_751 {offsets = [15], sizes = [1], strides = [1]} : vector<16xi32> to vector<1xi32>
      %squeeze3A_763 = vector.extract %slice3A_762[0] : i32 from vector<1xi32>
      %broadcast_in_dim3A_764 = vector.broadcast %squeeze3A_763 : i32 to vector<16xi32>
      %add3A_765 = arith.addi %add3A_713, %broadcast_in_dim3A_764 : vector<16xi32>
      %get3A_766 = arith.constant 128 : index
      %get3A_767 = tpu.vector_load %arg4[%get3A_766] {strides = array<i32>} : memref<768xi32, #tpu.memory_space<vmem>>, vector<16xi32>,
      %get3A_768 = vector.shape_cast %get3A_767 : vector<16xi32> to vector<16xi32>
      %gt3A_769 = arith.cmpi sgt, %get3A_768, %broadcast_in_dim3A_33 : vector<16xi32>
      %eq3A_770 = arith.cmpi eq, %get3A_768, %broadcast_in_dim3A_33 : vector<16xi32>
      %select_n3A_771 = arith.select %eq3A_770, %broadcast_in_dim3A_1, %broadcast_in_dim3A_3 : vector<16xi1>, vector<16xi32>
      %swap3A_772 = arith.constant 16 : index
      %swap3A_773 = tpu.vector_load %arg6[%swap3A_772] {strides = array<i32>} : memref<48xi32, #tpu.memory_space<vmem>>, vector<16xi32>,
      %swap3A_774 = vector.shape_cast %swap3A_773 : vector<16xi32> to vector<16xi32>
      %swap3A_775 = vector.shape_cast %select_n3A_771 : vector<16xi32> to vector<16xi32>
      tpu.vector_store %arg6[%swap3A_772], %swap3A_775 {strides = array<i32>} : memref<48xi32, #tpu.memory_space<vmem>>, vector<16xi32>,
      %get3A_776 = arith.constant 15 : index
      %get3A_777 = tpu.vector_load %arg6[%get3A_776] {strides = array<i32>} : memref<48xi32, #tpu.memory_space<vmem>>, vector<16xi32>,
      %get3A_778 = vector.shape_cast %get3A_777 : vector<16xi32> to vector<16xi32>
      %add3A_779 = arith.addi %select_n3A_771, %get3A_778 : vector<16xi32>
      %swap3A_780 = arith.constant 16 : index
      %swap3A_781 = tpu.vector_load %arg6[%swap3A_780] {strides = array<i32>} : memref<48xi32, #tpu.memory_space<vmem>>, vector<16xi32>,
      %swap3A_782 = vector.shape_cast %swap3A_781 : vector<16xi32> to vector<16xi32>
      %swap3A_783 = vector.shape_cast %add3A_779 : vector<16xi32> to vector<16xi32>
      tpu.vector_store %arg6[%swap3A_780], %swap3A_783 {strides = array<i32>} : memref<48xi32, #tpu.memory_space<vmem>>, vector<16xi32>,
      %get3A_784 = arith.constant 14 : index
      %get3A_785 = tpu.vector_load %arg6[%get3A_784] {strides = array<i32>} : memref<48xi32, #tpu.memory_space<vmem>>, vector<16xi32>,
      %get3A_786 = vector.shape_cast %get3A_785 : vector<16xi32> to vector<16xi32>
      %add3A_787 = arith.addi %add3A_779, %get3A_786 : vector<16xi32>
      %swap3A_788 = arith.constant 16 : index
      %swap3A_789 = tpu.vector_load %arg6[%swap3A_788] {strides = array<i32>} : memref<48xi32, #tpu.memory_space<vmem>>, vector<16xi32>,
      %swap3A_790 = vector.shape_cast %swap3A_789 : vector<16xi32> to vector<16xi32>
      %swap3A_791 = vector.shape_cast %add3A_787 : vector<16xi32> to vector<16xi32>
      tpu.vector_store %arg6[%swap3A_788], %swap3A_791 {strides = array<i32>} : memref<48xi32, #tpu.memory_space<vmem>>, vector<16xi32>,
      %get3A_792 = arith.constant 12 : index
      %get3A_793 = tpu.vector_load %arg6[%get3A_792] {strides = array<i32>} : memref<48xi32, #tpu.memory_space<vmem>>, vector<16xi32>,
      %get3A_794 = vector.shape_cast %get3A_793 : vector<16xi32> to vector<16xi32>
      %add3A_795 = arith.addi %add3A_787, %get3A_794 : vector<16xi32>
      %swap3A_796 = arith.constant 16 : index
      %swap3A_797 = tpu.vector_load %arg6[%swap3A_796] {strides = array<i32>} : memref<48xi32, #tpu.memory_space<vmem>>, vector<16xi32>,
      %swap3A_798 = vector.shape_cast %swap3A_797 : vector<16xi32> to vector<16xi32>
      %swap3A_799 = vector.shape_cast %add3A_795 : vector<16xi32> to vector<16xi32>
      tpu.vector_store %arg6[%swap3A_796], %swap3A_799 {strides = array<i32>} : memref<48xi32, #tpu.memory_space<vmem>>, vector<16xi32>,
      %get3A_800 = arith.constant 8 : index
      %get3A_801 = tpu.vector_load %arg6[%get3A_800] {strides = array<i32>} : memref<48xi32, #tpu.memory_space<vmem>>, vector<16xi32>,
      %get3A_802 = vector.shape_cast %get3A_801 : vector<16xi32> to vector<16xi32>
      %add3A_803 = arith.addi %add3A_795, %get3A_802 : vector<16xi32>
      %sub3A_804 = arith.subi %add3A_803, %select_n3A_771 : vector<16xi32>
      %add3A_805 = arith.addi %sub3A_804, %add3A_765 : vector<16xi32>
      %lt3A_806 = arith.cmpi slt, %add3A_805, %broadcast_in_dim3A_352 : vector<16xi32>
      %and3A_807 = arith.andi %eq3A_770, %lt3A_806 : vector<16xi1>
      %or3A_808 = arith.ori %gt3A_769, %and3A_807 : vector<16xi1>
      %select_n3A_809 = arith.select %or3A_808, %broadcast_in_dim3A_5, %broadcast_in_dim3A_7 : vector<16xi1>, vector<16xf32>
      %swap3A_810 = arith.constant 128 : index
      %swap3A_811 = tpu.vector_load %arg5[%swap3A_810] {strides = array<i32>} : memref<768xf32, #tpu.memory_space<vmem>>, vector<16xf32>,
      %swap3A_812 = vector.shape_cast %swap3A_811 : vector<16xf32> to vector<16xf32>
      %swap3A_813 = vector.shape_cast %select_n3A_809 : vector<16xf32> to vector<16xf32>
      tpu.vector_store %arg5[%swap3A_810], %swap3A_813 {strides = array<i32>} : memref<768xf32, #tpu.memory_space<vmem>>, vector<16xf32>,
      %slice3A_814 = vector.extract_strided_slice %add3A_803 {offsets = [15], sizes = [1], strides = [1]} : vector<16xi32> to vector<1xi32>
      %squeeze3A_815 = vector.extract %slice3A_814[0] : i32 from vector<1xi32>
      %broadcast_in_dim3A_816 = vector.broadcast %squeeze3A_815 : i32 to vector<16xi32>
      %add3A_817 = arith.addi %add3A_765, %broadcast_in_dim3A_816 : vector<16xi32>
      %get3A_818 = arith.constant 144 : index
      %get3A_819 = tpu.vector_load %arg4[%get3A_818] {strides = array<i32>} : memref<768xi32, #tpu.memory_space<vmem>>, vector<16xi32>,
      %get3A_820 = vector.shape_cast %get3A_819 : vector<16xi32> to vector<16xi32>
      %gt3A_821 = arith.cmpi sgt, %get3A_820, %broadcast_in_dim3A_33 : vector<16xi32>
      %eq3A_822 = arith.cmpi eq, %get3A_820, %broadcast_in_dim3A_33 : vector<16xi32>
      %select_n3A_823 = arith.select %eq3A_822, %broadcast_in_dim3A_1, %broadcast_in_dim3A_3 : vector<16xi1>, vector<16xi32>
      %swap3A_824 = arith.constant 16 : index
      %swap3A_825 = tpu.vector_load %arg6[%swap3A_824] {strides = array<i32>} : memref<48xi32, #tpu.memory_space<vmem>>, vector<16xi32>,
      %swap3A_826 = vector.shape_cast %swap3A_825 : vector<16xi32> to vector<16xi32>
      %swap3A_827 = vector.shape_cast %select_n3A_823 : vector<16xi32> to vector<16xi32>
      tpu.vector_store %arg6[%swap3A_824], %swap3A_827 {strides = array<i32>} : memref<48xi32, #tpu.memory_space<vmem>>, vector<16xi32>,
      %get3A_828 = arith.constant 15 : index
      %get3A_829 = tpu.vector_load %arg6[%get3A_828] {strides = array<i32>} : memref<48xi32, #tpu.memory_space<vmem>>, vector<16xi32>,
      %get3A_830 = vector.shape_cast %get3A_829 : vector<16xi32> to vector<16xi32>
      %add3A_831 = arith.addi %select_n3A_823, %get3A_830 : vector<16xi32>
      %swap3A_832 = arith.constant 16 : index
      %swap3A_833 = tpu.vector_load %arg6[%swap3A_832] {strides = array<i32>} : memref<48xi32, #tpu.memory_space<vmem>>, vector<16xi32>,
      %swap3A_834 = vector.shape_cast %swap3A_833 : vector<16xi32> to vector<16xi32>
      %swap3A_835 = vector.shape_cast %add3A_831 : vector<16xi32> to vector<16xi32>
      tpu.vector_store %arg6[%swap3A_832], %swap3A_835 {strides = array<i32>} : memref<48xi32, #tpu.memory_space<vmem>>, vector<16xi32>,
      %get3A_836 = arith.constant 14 : index
      %get3A_837 = tpu.vector_load %arg6[%get3A_836] {strides = array<i32>} : memref<48xi32, #tpu.memory_space<vmem>>, vector<16xi32>,
      %get3A_838 = vector.shape_cast %get3A_837 : vector<16xi32> to vector<16xi32>
      %add3A_839 = arith.addi %add3A_831, %get3A_838 : vector<16xi32>
      %swap3A_840 = arith.constant 16 : index
      %swap3A_841 = tpu.vector_load %arg6[%swap3A_840] {strides = array<i32>} : memref<48xi32, #tpu.memory_space<vmem>>, vector<16xi32>,
      %swap3A_842 = vector.shape_cast %swap3A_841 : vector<16xi32> to vector<16xi32>
      %swap3A_843 = vector.shape_cast %add3A_839 : vector<16xi32> to vector<16xi32>
      tpu.vector_store %arg6[%swap3A_840], %swap3A_843 {strides = array<i32>} : memref<48xi32, #tpu.memory_space<vmem>>, vector<16xi32>,
      %get3A_844 = arith.constant 12 : index
      %get3A_845 = tpu.vector_load %arg6[%get3A_844] {strides = array<i32>} : memref<48xi32, #tpu.memory_space<vmem>>, vector<16xi32>,
      %get3A_846 = vector.shape_cast %get3A_845 : vector<16xi32> to vector<16xi32>
      %add3A_847 = arith.addi %add3A_839, %get3A_846 : vector<16xi32>
      %swap3A_848 = arith.constant 16 : index
      %swap3A_849 = tpu.vector_load %arg6[%swap3A_848] {strides = array<i32>} : memref<48xi32, #tpu.memory_space<vmem>>, vector<16xi32>,
      %swap3A_850 = vector.shape_cast %swap3A_849 : vector<16xi32> to vector<16xi32>
      %swap3A_851 = vector.shape_cast %add3A_847 : vector<16xi32> to vector<16xi32>
      tpu.vector_store %arg6[%swap3A_848], %swap3A_851 {strides = array<i32>} : memref<48xi32, #tpu.memory_space<vmem>>, vector<16xi32>,
      %get3A_852 = arith.constant 8 : index
      %get3A_853 = tpu.vector_load %arg6[%get3A_852] {strides = array<i32>} : memref<48xi32, #tpu.memory_space<vmem>>, vector<16xi32>,
      %get3A_854 = vector.shape_cast %get3A_853 : vector<16xi32> to vector<16xi32>
      %add3A_855 = arith.addi %add3A_847, %get3A_854 : vector<16xi32>
      %sub3A_856 = arith.subi %add3A_855, %select_n3A_823 : vector<16xi32>
      %add3A_857 = arith.addi %sub3A_856, %add3A_817 : vector<16xi32>
      %lt3A_858 = arith.cmpi slt, %add3A_857, %broadcast_in_dim3A_352 : vector<16xi32>
      %and3A_859 = arith.andi %eq3A_822, %lt3A_858 : vector<16xi1>
      %or3A_860 = arith.ori %gt3A_821, %and3A_859 : vector<16xi1>
      %select_n3A_861 = arith.select %or3A_860, %broadcast_in_dim3A_5, %broadcast_in_dim3A_7 : vector<16xi1>, vector<16xf32>
      %swap3A_862 = arith.constant 144 : index
      %swap3A_863 = tpu.vector_load %arg5[%swap3A_862] {strides = array<i32>} : memref<768xf32, #tpu.memory_space<vmem>>, vector<16xf32>,
      %swap3A_864 = vector.shape_cast %swap3A_863 : vector<16xf32> to vector<16xf32>
      %swap3A_865 = vector.shape_cast %select_n3A_861 : vector<16xf32> to vector<16xf32>
      tpu.vector_store %arg5[%swap3A_862], %swap3A_865 {strides = array<i32>} : memref<768xf32, #tpu.memory_space<vmem>>, vector<16xf32>,
      %slice3A_866 = vector.extract_strided_slice %add3A_855 {offsets = [15], sizes = [1], strides = [1]} : vector<16xi32> to vector<1xi32>
      %squeeze3A_867 = vector.extract %slice3A_866[0] : i32 from vector<1xi32>
      %broadcast_in_dim3A_868 = vector.broadcast %squeeze3A_867 : i32 to vector<16xi32>
      %add3A_869 = arith.addi %add3A_817, %broadcast_in_dim3A_868 : vector<16xi32>
      %get3A_870 = arith.constant 160 : index
      %get3A_871 = tpu.vector_load %arg4[%get3A_870] {strides = array<i32>} : memref<768xi32, #tpu.memory_space<vmem>>, vector<16xi32>,
      %get3A_872 = vector.shape_cast %get3A_871 : vector<16xi32> to vector<16xi32>
      %gt3A_873 = arith.cmpi sgt, %get3A_872, %broadcast_in_dim3A_33 : vector<16xi32>
      %eq3A_874 = arith.cmpi eq, %get3A_872, %broadcast_in_dim3A_33 : vector<16xi32>
      %select_n3A_875 = arith.select %eq3A_874, %broadcast_in_dim3A_1, %broadcast_in_dim3A_3 : vector<16xi1>, vector<16xi32>
      %swap3A_876 = arith.constant 16 : index
      %swap3A_877 = tpu.vector_load %arg6[%swap3A_876] {strides = array<i32>} : memref<48xi32, #tpu.memory_space<vmem>>, vector<16xi32>,
      %swap3A_878 = vector.shape_cast %swap3A_877 : vector<16xi32> to vector<16xi32>
      %swap3A_879 = vector.shape_cast %select_n3A_875 : vector<16xi32> to vector<16xi32>
      tpu.vector_store %arg6[%swap3A_876], %swap3A_879 {strides = array<i32>} : memref<48xi32, #tpu.memory_space<vmem>>, vector<16xi32>,
      %get3A_880 = arith.constant 15 : index
      %get3A_881 = tpu.vector_load %arg6[%get3A_880] {strides = array<i32>} : memref<48xi32, #tpu.memory_space<vmem>>, vector<16xi32>,
      %get3A_882 = vector.shape_cast %get3A_881 : vector<16xi32> to vector<16xi32>
      %add3A_883 = arith.addi %select_n3A_875, %get3A_882 : vector<16xi32>
      %swap3A_884 = arith.constant 16 : index
      %swap3A_885 = tpu.vector_load %arg6[%swap3A_884] {strides = array<i32>} : memref<48xi32, #tpu.memory_space<vmem>>, vector<16xi32>,
      %swap3A_886 = vector.shape_cast %swap3A_885 : vector<16xi32> to vector<16xi32>
      %swap3A_887 = vector.shape_cast %add3A_883 : vector<16xi32> to vector<16xi32>
      tpu.vector_store %arg6[%swap3A_884], %swap3A_887 {strides = array<i32>} : memref<48xi32, #tpu.memory_space<vmem>>, vector<16xi32>,
      %get3A_888 = arith.constant 14 : index
      %get3A_889 = tpu.vector_load %arg6[%get3A_888] {strides = array<i32>} : memref<48xi32, #tpu.memory_space<vmem>>, vector<16xi32>,
      %get3A_890 = vector.shape_cast %get3A_889 : vector<16xi32> to vector<16xi32>
      %add3A_891 = arith.addi %add3A_883, %get3A_890 : vector<16xi32>
      %swap3A_892 = arith.constant 16 : index
      %swap3A_893 = tpu.vector_load %arg6[%swap3A_892] {strides = array<i32>} : memref<48xi32, #tpu.memory_space<vmem>>, vector<16xi32>,
      %swap3A_894 = vector.shape_cast %swap3A_893 : vector<16xi32> to vector<16xi32>
      %swap3A_895 = vector.shape_cast %add3A_891 : vector<16xi32> to vector<16xi32>
      tpu.vector_store %arg6[%swap3A_892], %swap3A_895 {strides = array<i32>} : memref<48xi32, #tpu.memory_space<vmem>>, vector<16xi32>,
      %get3A_896 = arith.constant 12 : index
      %get3A_897 = tpu.vector_load %arg6[%get3A_896] {strides = array<i32>} : memref<48xi32, #tpu.memory_space<vmem>>, vector<16xi32>,
      %get3A_898 = vector.shape_cast %get3A_897 : vector<16xi32> to vector<16xi32>
      %add3A_899 = arith.addi %add3A_891, %get3A_898 : vector<16xi32>
      %swap3A_900 = arith.constant 16 : index
      %swap3A_901 = tpu.vector_load %arg6[%swap3A_900] {strides = array<i32>} : memref<48xi32, #tpu.memory_space<vmem>>, vector<16xi32>,
      %swap3A_902 = vector.shape_cast %swap3A_901 : vector<16xi32> to vector<16xi32>
      %swap3A_903 = vector.shape_cast %add3A_899 : vector<16xi32> to vector<16xi32>
      tpu.vector_store %arg6[%swap3A_900], %swap3A_903 {strides = array<i32>} : memref<48xi32, #tpu.memory_space<vmem>>, vector<16xi32>,
      %get3A_904 = arith.constant 8 : index
      %get3A_905 = tpu.vector_load %arg6[%get3A_904] {strides = array<i32>} : memref<48xi32, #tpu.memory_space<vmem>>, vector<16xi32>,
      %get3A_906 = vector.shape_cast %get3A_905 : vector<16xi32> to vector<16xi32>
      %add3A_907 = arith.addi %add3A_899, %get3A_906 : vector<16xi32>
      %sub3A_908 = arith.subi %add3A_907, %select_n3A_875 : vector<16xi32>
      %add3A_909 = arith.addi %sub3A_908, %add3A_869 : vector<16xi32>
      %lt3A_910 = arith.cmpi slt, %add3A_909, %broadcast_in_dim3A_352 : vector<16xi32>
      %and3A_911 = arith.andi %eq3A_874, %lt3A_910 : vector<16xi1>
      %or3A_912 = arith.ori %gt3A_873, %and3A_911 : vector<16xi1>
      %select_n3A_913 = arith.select %or3A_912, %broadcast_in_dim3A_5, %broadcast_in_dim3A_7 : vector<16xi1>, vector<16xf32>
      %swap3A_914 = arith.constant 160 : index
      %swap3A_915 = tpu.vector_load %arg5[%swap3A_914] {strides = array<i32>} : memref<768xf32, #tpu.memory_space<vmem>>, vector<16xf32>,
      %swap3A_916 = vector.shape_cast %swap3A_915 : vector<16xf32> to vector<16xf32>
      %swap3A_917 = vector.shape_cast %select_n3A_913 : vector<16xf32> to vector<16xf32>
      tpu.vector_store %arg5[%swap3A_914], %swap3A_917 {strides = array<i32>} : memref<768xf32, #tpu.memory_space<vmem>>, vector<16xf32>,
      %slice3A_918 = vector.extract_strided_slice %add3A_907 {offsets = [15], sizes = [1], strides = [1]} : vector<16xi32> to vector<1xi32>
      %squeeze3A_919 = vector.extract %slice3A_918[0] : i32 from vector<1xi32>
      %broadcast_in_dim3A_920 = vector.broadcast %squeeze3A_919 : i32 to vector<16xi32>
      %add3A_921 = arith.addi %add3A_869, %broadcast_in_dim3A_920 : vector<16xi32>
      %get3A_922 = arith.constant 176 : index
      %get3A_923 = tpu.vector_load %arg4[%get3A_922] {strides = array<i32>} : memref<768xi32, #tpu.memory_space<vmem>>, vector<16xi32>,
      %get3A_924 = vector.shape_cast %get3A_923 : vector<16xi32> to vector<16xi32>
      %gt3A_925 = arith.cmpi sgt, %get3A_924, %broadcast_in_dim3A_33 : vector<16xi32>
      %eq3A_926 = arith.cmpi eq, %get3A_924, %broadcast_in_dim3A_33 : vector<16xi32>
      %select_n3A_927 = arith.select %eq3A_926, %broadcast_in_dim3A_1, %broadcast_in_dim3A_3 : vector<16xi1>, vector<16xi32>
      %swap3A_928 = arith.constant 16 : index
      %swap3A_929 = tpu.vector_load %arg6[%swap3A_928] {strides = array<i32>} : memref<48xi32, #tpu.memory_space<vmem>>, vector<16xi32>,
      %swap3A_930 = vector.shape_cast %swap3A_929 : vector<16xi32> to vector<16xi32>
      %swap3A_931 = vector.shape_cast %select_n3A_927 : vector<16xi32> to vector<16xi32>
      tpu.vector_store %arg6[%swap3A_928], %swap3A_931 {strides = array<i32>} : memref<48xi32, #tpu.memory_space<vmem>>, vector<16xi32>,
      %get3A_932 = arith.constant 15 : index
      %get3A_933 = tpu.vector_load %arg6[%get3A_932] {strides = array<i32>} : memref<48xi32, #tpu.memory_space<vmem>>, vector<16xi32>,
      %get3A_934 = vector.shape_cast %get3A_933 : vector<16xi32> to vector<16xi32>
      %add3A_935 = arith.addi %select_n3A_927, %get3A_934 : vector<16xi32>
      %swap3A_936 = arith.constant 16 : index
      %swap3A_937 = tpu.vector_load %arg6[%swap3A_936] {strides = array<i32>} : memref<48xi32, #tpu.memory_space<vmem>>, vector<16xi32>,
      %swap3A_938 = vector.shape_cast %swap3A_937 : vector<16xi32> to vector<16xi32>
      %swap3A_939 = vector.shape_cast %add3A_935 : vector<16xi32> to vector<16xi32>
      tpu.vector_store %arg6[%swap3A_936], %swap3A_939 {strides = array<i32>} : memref<48xi32, #tpu.memory_space<vmem>>, vector<16xi32>,
      %get3A_940 = arith.constant 14 : index
      %get3A_941 = tpu.vector_load %arg6[%get3A_940] {strides = array<i32>} : memref<48xi32, #tpu.memory_space<vmem>>, vector<16xi32>,
      %get3A_942 = vector.shape_cast %get3A_941 : vector<16xi32> to vector<16xi32>
      %add3A_943 = arith.addi %add3A_935, %get3A_942 : vector<16xi32>
      %swap3A_944 = arith.constant 16 : index
      %swap3A_945 = tpu.vector_load %arg6[%swap3A_944] {strides = array<i32>} : memref<48xi32, #tpu.memory_space<vmem>>, vector<16xi32>,
      %swap3A_946 = vector.shape_cast %swap3A_945 : vector<16xi32> to vector<16xi32>
      %swap3A_947 = vector.shape_cast %add3A_943 : vector<16xi32> to vector<16xi32>
      tpu.vector_store %arg6[%swap3A_944], %swap3A_947 {strides = array<i32>} : memref<48xi32, #tpu.memory_space<vmem>>, vector<16xi32>,
      %get3A_948 = arith.constant 12 : index
      %get3A_949 = tpu.vector_load %arg6[%get3A_948] {strides = array<i32>} : memref<48xi32, #tpu.memory_space<vmem>>, vector<16xi32>,
      %get3A_950 = vector.shape_cast %get3A_949 : vector<16xi32> to vector<16xi32>
      %add3A_951 = arith.addi %add3A_943, %get3A_950 : vector<16xi32>
      %swap3A_952 = arith.constant 16 : index
      %swap3A_953 = tpu.vector_load %arg6[%swap3A_952] {strides = array<i32>} : memref<48xi32, #tpu.memory_space<vmem>>, vector<16xi32>,
      %swap3A_954 = vector.shape_cast %swap3A_953 : vector<16xi32> to vector<16xi32>
      %swap3A_955 = vector.shape_cast %add3A_951 : vector<16xi32> to vector<16xi32>
      tpu.vector_store %arg6[%swap3A_952], %swap3A_955 {strides = array<i32>} : memref<48xi32, #tpu.memory_space<vmem>>, vector<16xi32>,
      %get3A_956 = arith.constant 8 : index
      %get3A_957 = tpu.vector_load %arg6[%get3A_956] {strides = array<i32>} : memref<48xi32, #tpu.memory_space<vmem>>, vector<16xi32>,
      %get3A_958 = vector.shape_cast %get3A_957 : vector<16xi32> to vector<16xi32>
      %add3A_959 = arith.addi %add3A_951, %get3A_958 : vector<16xi32>
      %sub3A_960 = arith.subi %add3A_959, %select_n3A_927 : vector<16xi32>
      %add3A_961 = arith.addi %sub3A_960, %add3A_921 : vector<16xi32>
      %lt3A_962 = arith.cmpi slt, %add3A_961, %broadcast_in_dim3A_352 : vector<16xi32>
      %and3A_963 = arith.andi %eq3A_926, %lt3A_962 : vector<16xi1>
      %or3A_964 = arith.ori %gt3A_925, %and3A_963 : vector<16xi1>
      %select_n3A_965 = arith.select %or3A_964, %broadcast_in_dim3A_5, %broadcast_in_dim3A_7 : vector<16xi1>, vector<16xf32>
      %swap3A_966 = arith.constant 176 : index
      %swap3A_967 = tpu.vector_load %arg5[%swap3A_966] {strides = array<i32>} : memref<768xf32, #tpu.memory_space<vmem>>, vector<16xf32>,
      %swap3A_968 = vector.shape_cast %swap3A_967 : vector<16xf32> to vector<16xf32>
      %swap3A_969 = vector.shape_cast %select_n3A_965 : vector<16xf32> to vector<16xf32>
      tpu.vector_store %arg5[%swap3A_966], %swap3A_969 {strides = array<i32>} : memref<768xf32, #tpu.memory_space<vmem>>, vector<16xf32>,
      %slice3A_970 = vector.extract_strided_slice %add3A_959 {offsets = [15], sizes = [1], strides = [1]} : vector<16xi32> to vector<1xi32>
      %squeeze3A_971 = vector.extract %slice3A_970[0] : i32 from vector<1xi32>
      %broadcast_in_dim3A_972 = vector.broadcast %squeeze3A_971 : i32 to vector<16xi32>
      %add3A_973 = arith.addi %add3A_921, %broadcast_in_dim3A_972 : vector<16xi32>
      %get3A_974 = arith.constant 192 : index
      %get3A_975 = tpu.vector_load %arg4[%get3A_974] {strides = array<i32>} : memref<768xi32, #tpu.memory_space<vmem>>, vector<16xi32>,
      %get3A_976 = vector.shape_cast %get3A_975 : vector<16xi32> to vector<16xi32>
      %gt3A_977 = arith.cmpi sgt, %get3A_976, %broadcast_in_dim3A_33 : vector<16xi32>
      %eq3A_978 = arith.cmpi eq, %get3A_976, %broadcast_in_dim3A_33 : vector<16xi32>
      %select_n3A_979 = arith.select %eq3A_978, %broadcast_in_dim3A_1, %broadcast_in_dim3A_3 : vector<16xi1>, vector<16xi32>
      %swap3A_980 = arith.constant 16 : index
      %swap3A_981 = tpu.vector_load %arg6[%swap3A_980] {strides = array<i32>} : memref<48xi32, #tpu.memory_space<vmem>>, vector<16xi32>,
      %swap3A_982 = vector.shape_cast %swap3A_981 : vector<16xi32> to vector<16xi32>
      %swap3A_983 = vector.shape_cast %select_n3A_979 : vector<16xi32> to vector<16xi32>
      tpu.vector_store %arg6[%swap3A_980], %swap3A_983 {strides = array<i32>} : memref<48xi32, #tpu.memory_space<vmem>>, vector<16xi32>,
      %get3A_984 = arith.constant 15 : index
      %get3A_985 = tpu.vector_load %arg6[%get3A_984] {strides = array<i32>} : memref<48xi32, #tpu.memory_space<vmem>>, vector<16xi32>,
      %get3A_986 = vector.shape_cast %get3A_985 : vector<16xi32> to vector<16xi32>
      %add3A_987 = arith.addi %select_n3A_979, %get3A_986 : vector<16xi32>
      %swap3A_988 = arith.constant 16 : index
      %swap3A_989 = tpu.vector_load %arg6[%swap3A_988] {strides = array<i32>} : memref<48xi32, #tpu.memory_space<vmem>>, vector<16xi32>,
      %swap3A_990 = vector.shape_cast %swap3A_989 : vector<16xi32> to vector<16xi32>
      %swap3A_991 = vector.shape_cast %add3A_987 : vector<16xi32> to vector<16xi32>
      tpu.vector_store %arg6[%swap3A_988], %swap3A_991 {strides = array<i32>} : memref<48xi32, #tpu.memory_space<vmem>>, vector<16xi32>,
      %get3A_992 = arith.constant 14 : index
      %get3A_993 = tpu.vector_load %arg6[%get3A_992] {strides = array<i32>} : memref<48xi32, #tpu.memory_space<vmem>>, vector<16xi32>,
      %get3A_994 = vector.shape_cast %get3A_993 : vector<16xi32> to vector<16xi32>
      %add3A_995 = arith.addi %add3A_987, %get3A_994 : vector<16xi32>
      %swap3A_996 = arith.constant 16 : index
      %swap3A_997 = tpu.vector_load %arg6[%swap3A_996] {strides = array<i32>} : memref<48xi32, #tpu.memory_space<vmem>>, vector<16xi32>,
      %swap3A_998 = vector.shape_cast %swap3A_997 : vector<16xi32> to vector<16xi32>
      %swap3A_999 = vector.shape_cast %add3A_995 : vector<16xi32> to vector<16xi32>
      tpu.vector_store %arg6[%swap3A_996], %swap3A_999 {strides = array<i32>} : memref<48xi32, #tpu.memory_space<vmem>>, vector<16xi32>,
      %get3A_1000 = arith.constant 12 : index
      %get3A_1001 = tpu.vector_load %arg6[%get3A_1000] {strides = array<i32>} : memref<48xi32, #tpu.memory_space<vmem>>, vector<16xi32>,
      %get3A_1002 = vector.shape_cast %get3A_1001 : vector<16xi32> to vector<16xi32>
      %add3A_1003 = arith.addi %add3A_995, %get3A_1002 : vector<16xi32>
      %swap3A_1004 = arith.constant 16 : index
      %swap3A_1005 = tpu.vector_load %arg6[%swap3A_1004] {strides = array<i32>} : memref<48xi32, #tpu.memory_space<vmem>>, vector<16xi32>,
      %swap3A_1006 = vector.shape_cast %swap3A_1005 : vector<16xi32> to vector<16xi32>
      %swap3A_1007 = vector.shape_cast %add3A_1003 : vector<16xi32> to vector<16xi32>
      tpu.vector_store %arg6[%swap3A_1004], %swap3A_1007 {strides = array<i32>} : memref<48xi32, #tpu.memory_space<vmem>>, vector<16xi32>,
      %get3A_1008 = arith.constant 8 : index
      %get3A_1009 = tpu.vector_load %arg6[%get3A_1008] {strides = array<i32>} : memref<48xi32, #tpu.memory_space<vmem>>, vector<16xi32>,
      %get3A_1010 = vector.shape_cast %get3A_1009 : vector<16xi32> to vector<16xi32>
      %add3A_1011 = arith.addi %add3A_1003, %get3A_1010 : vector<16xi32>
      %sub3A_1012 = arith.subi %add3A_1011, %select_n3A_979 : vector<16xi32>
      %add3A_1013 = arith.addi %sub3A_1012, %add3A_973 : vector<16xi32>
      %lt3A_1014 = arith.cmpi slt, %add3A_1013, %broadcast_in_dim3A_352 : vector<16xi32>
      %and3A_1015 = arith.andi %eq3A_978, %lt3A_1014 : vector<16xi1>
      %or3A_1016 = arith.ori %gt3A_977, %and3A_1015 : vector<16xi1>
      %select_n3A_1017 = arith.select %or3A_1016, %broadcast_in_dim3A_5, %broadcast_in_dim3A_7 : vector<16xi1>, vector<16xf32>
      %swap3A_1018 = arith.constant 192 : index
      %swap3A_1019 = tpu.vector_load %arg5[%swap3A_1018] {strides = array<i32>} : memref<768xf32, #tpu.memory_space<vmem>>, vector<16xf32>,
      %swap3A_1020 = vector.shape_cast %swap3A_1019 : vector<16xf32> to vector<16xf32>
      %swap3A_1021 = vector.shape_cast %select_n3A_1017 : vector<16xf32> to vector<16xf32>
      tpu.vector_store %arg5[%swap3A_1018], %swap3A_1021 {strides = array<i32>} : memref<768xf32, #tpu.memory_space<vmem>>, vector<16xf32>,
      %slice3A_1022 = vector.extract_strided_slice %add3A_1011 {offsets = [15], sizes = [1], strides = [1]} : vector<16xi32> to vector<1xi32>
      %squeeze3A_1023 = vector.extract %slice3A_1022[0] : i32 from vector<1xi32>
      %broadcast_in_dim3A_1024 = vector.broadcast %squeeze3A_1023 : i32 to vector<16xi32>
      %add3A_1025 = arith.addi %add3A_973, %broadcast_in_dim3A_1024 : vector<16xi32>
      %get3A_1026 = arith.constant 208 : index
      %get3A_1027 = tpu.vector_load %arg4[%get3A_1026] {strides = array<i32>} : memref<768xi32, #tpu.memory_space<vmem>>, vector<16xi32>,
      %get3A_1028 = vector.shape_cast %get3A_1027 : vector<16xi32> to vector<16xi32>
      %gt3A_1029 = arith.cmpi sgt, %get3A_1028, %broadcast_in_dim3A_33 : vector<16xi32>
      %eq3A_1030 = arith.cmpi eq, %get3A_1028, %broadcast_in_dim3A_33 : vector<16xi32>
      %select_n3A_1031 = arith.select %eq3A_1030, %broadcast_in_dim3A_1, %broadcast_in_dim3A_3 : vector<16xi1>, vector<16xi32>
      %swap3A_1032 = arith.constant 16 : index
      %swap3A_1033 = tpu.vector_load %arg6[%swap3A_1032] {strides = array<i32>} : memref<48xi32, #tpu.memory_space<vmem>>, vector<16xi32>,
      %swap3A_1034 = vector.shape_cast %swap3A_1033 : vector<16xi32> to vector<16xi32>
      %swap3A_1035 = vector.shape_cast %select_n3A_1031 : vector<16xi32> to vector<16xi32>
      tpu.vector_store %arg6[%swap3A_1032], %swap3A_1035 {strides = array<i32>} : memref<48xi32, #tpu.memory_space<vmem>>, vector<16xi32>,
      %get3A_1036 = arith.constant 15 : index
      %get3A_1037 = tpu.vector_load %arg6[%get3A_1036] {strides = array<i32>} : memref<48xi32, #tpu.memory_space<vmem>>, vector<16xi32>,
      %get3A_1038 = vector.shape_cast %get3A_1037 : vector<16xi32> to vector<16xi32>
      %add3A_1039 = arith.addi %select_n3A_1031, %get3A_1038 : vector<16xi32>
      %swap3A_1040 = arith.constant 16 : index
      %swap3A_1041 = tpu.vector_load %arg6[%swap3A_1040] {strides = array<i32>} : memref<48xi32, #tpu.memory_space<vmem>>, vector<16xi32>,
      %swap3A_1042 = vector.shape_cast %swap3A_1041 : vector<16xi32> to vector<16xi32>
      %swap3A_1043 = vector.shape_cast %add3A_1039 : vector<16xi32> to vector<16xi32>
      tpu.vector_store %arg6[%swap3A_1040], %swap3A_1043 {strides = array<i32>} : memref<48xi32, #tpu.memory_space<vmem>>, vector<16xi32>,
      %get3A_1044 = arith.constant 14 : index
      %get3A_1045 = tpu.vector_load %arg6[%get3A_1044] {strides = array<i32>} : memref<48xi32, #tpu.memory_space<vmem>>, vector<16xi32>,
      %get3A_1046 = vector.shape_cast %get3A_1045 : vector<16xi32> to vector<16xi32>
      %add3A_1047 = arith.addi %add3A_1039, %get3A_1046 : vector<16xi32>
      %swap3A_1048 = arith.constant 16 : index
      %swap3A_1049 = tpu.vector_load %arg6[%swap3A_1048] {strides = array<i32>} : memref<48xi32, #tpu.memory_space<vmem>>, vector<16xi32>,
      %swap3A_1050 = vector.shape_cast %swap3A_1049 : vector<16xi32> to vector<16xi32>
      %swap3A_1051 = vector.shape_cast %add3A_1047 : vector<16xi32> to vector<16xi32>
      tpu.vector_store %arg6[%swap3A_1048], %swap3A_1051 {strides = array<i32>} : memref<48xi32, #tpu.memory_space<vmem>>, vector<16xi32>,
      %get3A_1052 = arith.constant 12 : index
      %get3A_1053 = tpu.vector_load %arg6[%get3A_1052] {strides = array<i32>} : memref<48xi32, #tpu.memory_space<vmem>>, vector<16xi32>,
      %get3A_1054 = vector.shape_cast %get3A_1053 : vector<16xi32> to vector<16xi32>
      %add3A_1055 = arith.addi %add3A_1047, %get3A_1054 : vector<16xi32>
      %swap3A_1056 = arith.constant 16 : index
      %swap3A_1057 = tpu.vector_load %arg6[%swap3A_1056] {strides = array<i32>} : memref<48xi32, #tpu.memory_space<vmem>>, vector<16xi32>,
      %swap3A_1058 = vector.shape_cast %swap3A_1057 : vector<16xi32> to vector<16xi32>
      %swap3A_1059 = vector.shape_cast %add3A_1055 : vector<16xi32> to vector<16xi32>
      tpu.vector_store %arg6[%swap3A_1056], %swap3A_1059 {strides = array<i32>} : memref<48xi32, #tpu.memory_space<vmem>>, vector<16xi32>,
      %get3A_1060 = arith.constant 8 : index
      %get3A_1061 = tpu.vector_load %arg6[%get3A_1060] {strides = array<i32>} : memref<48xi32, #tpu.memory_space<vmem>>, vector<16xi32>,
      %get3A_1062 = vector.shape_cast %get3A_1061 : vector<16xi32> to vector<16xi32>
      %add3A_1063 = arith.addi %add3A_1055, %get3A_1062 : vector<16xi32>
      %sub3A_1064 = arith.subi %add3A_1063, %select_n3A_1031 : vector<16xi32>
      %add3A_1065 = arith.addi %sub3A_1064, %add3A_1025 : vector<16xi32>
      %lt3A_1066 = arith.cmpi slt, %add3A_1065, %broadcast_in_dim3A_352 : vector<16xi32>
      %and3A_1067 = arith.andi %eq3A_1030, %lt3A_1066 : vector<16xi1>
      %or3A_1068 = arith.ori %gt3A_1029, %and3A_1067 : vector<16xi1>
      %select_n3A_1069 = arith.select %or3A_1068, %broadcast_in_dim3A_5, %broadcast_in_dim3A_7 : vector<16xi1>, vector<16xf32>
      %swap3A_1070 = arith.constant 208 : index
      %swap3A_1071 = tpu.vector_load %arg5[%swap3A_1070] {strides = array<i32>} : memref<768xf32, #tpu.memory_space<vmem>>, vector<16xf32>,
      %swap3A_1072 = vector.shape_cast %swap3A_1071 : vector<16xf32> to vector<16xf32>
      %swap3A_1073 = vector.shape_cast %select_n3A_1069 : vector<16xf32> to vector<16xf32>
      tpu.vector_store %arg5[%swap3A_1070], %swap3A_1073 {strides = array<i32>} : memref<768xf32, #tpu.memory_space<vmem>>, vector<16xf32>,
      %slice3A_1074 = vector.extract_strided_slice %add3A_1063 {offsets = [15], sizes = [1], strides = [1]} : vector<16xi32> to vector<1xi32>
      %squeeze3A_1075 = vector.extract %slice3A_1074[0] : i32 from vector<1xi32>
      %broadcast_in_dim3A_1076 = vector.broadcast %squeeze3A_1075 : i32 to vector<16xi32>
      %add3A_1077 = arith.addi %add3A_1025, %broadcast_in_dim3A_1076 : vector<16xi32>
      %get3A_1078 = arith.constant 224 : index
      %get3A_1079 = tpu.vector_load %arg4[%get3A_1078] {strides = array<i32>} : memref<768xi32, #tpu.memory_space<vmem>>, vector<16xi32>,
      %get3A_1080 = vector.shape_cast %get3A_1079 : vector<16xi32> to vector<16xi32>
      %gt3A_1081 = arith.cmpi sgt, %get3A_1080, %broadcast_in_dim3A_33 : vector<16xi32>
      %eq3A_1082 = arith.cmpi eq, %get3A_1080, %broadcast_in_dim3A_33 : vector<16xi32>
      %select_n3A_1083 = arith.select %eq3A_1082, %broadcast_in_dim3A_1, %broadcast_in_dim3A_3 : vector<16xi1>, vector<16xi32>
      %swap3A_1084 = arith.constant 16 : index
      %swap3A_1085 = tpu.vector_load %arg6[%swap3A_1084] {strides = array<i32>} : memref<48xi32, #tpu.memory_space<vmem>>, vector<16xi32>,
      %swap3A_1086 = vector.shape_cast %swap3A_1085 : vector<16xi32> to vector<16xi32>
      %swap3A_1087 = vector.shape_cast %select_n3A_1083 : vector<16xi32> to vector<16xi32>
      tpu.vector_store %arg6[%swap3A_1084], %swap3A_1087 {strides = array<i32>} : memref<48xi32, #tpu.memory_space<vmem>>, vector<16xi32>,
      %get3A_1088 = arith.constant 15 : index
      %get3A_1089 = tpu.vector_load %arg6[%get3A_1088] {strides = array<i32>} : memref<48xi32, #tpu.memory_space<vmem>>, vector<16xi32>,
      %get3A_1090 = vector.shape_cast %get3A_1089 : vector<16xi32> to vector<16xi32>
      %add3A_1091 = arith.addi %select_n3A_1083, %get3A_1090 : vector<16xi32>
      %swap3A_1092 = arith.constant 16 : index
      %swap3A_1093 = tpu.vector_load %arg6[%swap3A_1092] {strides = array<i32>} : memref<48xi32, #tpu.memory_space<vmem>>, vector<16xi32>,
      %swap3A_1094 = vector.shape_cast %swap3A_1093 : vector<16xi32> to vector<16xi32>
      %swap3A_1095 = vector.shape_cast %add3A_1091 : vector<16xi32> to vector<16xi32>
      tpu.vector_store %arg6[%swap3A_1092], %swap3A_1095 {strides = array<i32>} : memref<48xi32, #tpu.memory_space<vmem>>, vector<16xi32>,
      %get3A_1096 = arith.constant 14 : index
      %get3A_1097 = tpu.vector_load %arg6[%get3A_1096] {strides = array<i32>} : memref<48xi32, #tpu.memory_space<vmem>>, vector<16xi32>,
      %get3A_1098 = vector.shape_cast %get3A_1097 : vector<16xi32> to vector<16xi32>
      %add3A_1099 = arith.addi %add3A_1091, %get3A_1098 : vector<16xi32>
      %swap3A_1100 = arith.constant 16 : index
      %swap3A_1101 = tpu.vector_load %arg6[%swap3A_1100] {strides = array<i32>} : memref<48xi32, #tpu.memory_space<vmem>>, vector<16xi32>,
      %swap3A_1102 = vector.shape_cast %swap3A_1101 : vector<16xi32> to vector<16xi32>
      %swap3A_1103 = vector.shape_cast %add3A_1099 : vector<16xi32> to vector<16xi32>
      tpu.vector_store %arg6[%swap3A_1100], %swap3A_1103 {strides = array<i32>} : memref<48xi32, #tpu.memory_space<vmem>>, vector<16xi32>,
      %get3A_1104 = arith.constant 12 : index
      %get3A_1105 = tpu.vector_load %arg6[%get3A_1104] {strides = array<i32>} : memref<48xi32, #tpu.memory_space<vmem>>, vector<16xi32>,
      %get3A_1106 = vector.shape_cast %get3A_1105 : vector<16xi32> to vector<16xi32>
      %add3A_1107 = arith.addi %add3A_1099, %get3A_1106 : vector<16xi32>
      %swap3A_1108 = arith.constant 16 : index
      %swap3A_1109 = tpu.vector_load %arg6[%swap3A_1108] {strides = array<i32>} : memref<48xi32, #tpu.memory_space<vmem>>, vector<16xi32>,
      %swap3A_1110 = vector.shape_cast %swap3A_1109 : vector<16xi32> to vector<16xi32>
      %swap3A_1111 = vector.shape_cast %add3A_1107 : vector<16xi32> to vector<16xi32>
      tpu.vector_store %arg6[%swap3A_1108], %swap3A_1111 {strides = array<i32>} : memref<48xi32, #tpu.memory_space<vmem>>, vector<16xi32>,
      %get3A_1112 = arith.constant 8 : index
      %get3A_1113 = tpu.vector_load %arg6[%get3A_1112] {strides = array<i32>} : memref<48xi32, #tpu.memory_space<vmem>>, vector<16xi32>,
      %get3A_1114 = vector.shape_cast %get3A_1113 : vector<16xi32> to vector<16xi32>
      %add3A_1115 = arith.addi %add3A_1107, %get3A_1114 : vector<16xi32>
      %sub3A_1116 = arith.subi %add3A_1115, %select_n3A_1083 : vector<16xi32>
      %add3A_1117 = arith.addi %sub3A_1116, %add3A_1077 : vector<16xi32>
      %lt3A_1118 = arith.cmpi slt, %add3A_1117, %broadcast_in_dim3A_352 : vector<16xi32>
      %and3A_1119 = arith.andi %eq3A_1082, %lt3A_1118 : vector<16xi1>
      %or3A_1120 = arith.ori %gt3A_1081, %and3A_1119 : vector<16xi1>
      %select_n3A_1121 = arith.select %or3A_1120, %broadcast_in_dim3A_5, %broadcast_in_dim3A_7 : vector<16xi1>, vector<16xf32>
      %swap3A_1122 = arith.constant 224 : index
      %swap3A_1123 = tpu.vector_load %arg5[%swap3A_1122] {strides = array<i32>} : memref<768xf32, #tpu.memory_space<vmem>>, vector<16xf32>,
      %swap3A_1124 = vector.shape_cast %swap3A_1123 : vector<16xf32> to vector<16xf32>
      %swap3A_1125 = vector.shape_cast %select_n3A_1121 : vector<16xf32> to vector<16xf32>
      tpu.vector_store %arg5[%swap3A_1122], %swap3A_1125 {strides = array<i32>} : memref<768xf32, #tpu.memory_space<vmem>>, vector<16xf32>,
      %slice3A_1126 = vector.extract_strided_slice %add3A_1115 {offsets = [15], sizes = [1], strides = [1]} : vector<16xi32> to vector<1xi32>
      %squeeze3A_1127 = vector.extract %slice3A_1126[0] : i32 from vector<1xi32>
      %broadcast_in_dim3A_1128 = vector.broadcast %squeeze3A_1127 : i32 to vector<16xi32>
      %add3A_1129 = arith.addi %add3A_1077, %broadcast_in_dim3A_1128 : vector<16xi32>
      %get3A_1130 = arith.constant 240 : index
      %get3A_1131 = tpu.vector_load %arg4[%get3A_1130] {strides = array<i32>} : memref<768xi32, #tpu.memory_space<vmem>>, vector<16xi32>,
      %get3A_1132 = vector.shape_cast %get3A_1131 : vector<16xi32> to vector<16xi32>
      %gt3A_1133 = arith.cmpi sgt, %get3A_1132, %broadcast_in_dim3A_33 : vector<16xi32>
      %eq3A_1134 = arith.cmpi eq, %get3A_1132, %broadcast_in_dim3A_33 : vector<16xi32>
      %select_n3A_1135 = arith.select %eq3A_1134, %broadcast_in_dim3A_1, %broadcast_in_dim3A_3 : vector<16xi1>, vector<16xi32>
      %swap3A_1136 = arith.constant 16 : index
      %swap3A_1137 = tpu.vector_load %arg6[%swap3A_1136] {strides = array<i32>} : memref<48xi32, #tpu.memory_space<vmem>>, vector<16xi32>,
      %swap3A_1138 = vector.shape_cast %swap3A_1137 : vector<16xi32> to vector<16xi32>
      %swap3A_1139 = vector.shape_cast %select_n3A_1135 : vector<16xi32> to vector<16xi32>
      tpu.vector_store %arg6[%swap3A_1136], %swap3A_1139 {strides = array<i32>} : memref<48xi32, #tpu.memory_space<vmem>>, vector<16xi32>,
      %get3A_1140 = arith.constant 15 : index
      %get3A_1141 = tpu.vector_load %arg6[%get3A_1140] {strides = array<i32>} : memref<48xi32, #tpu.memory_space<vmem>>, vector<16xi32>,
      %get3A_1142 = vector.shape_cast %get3A_1141 : vector<16xi32> to vector<16xi32>
      %add3A_1143 = arith.addi %select_n3A_1135, %get3A_1142 : vector<16xi32>
      %swap3A_1144 = arith.constant 16 : index
      %swap3A_1145 = tpu.vector_load %arg6[%swap3A_1144] {strides = array<i32>} : memref<48xi32, #tpu.memory_space<vmem>>, vector<16xi32>,
      %swap3A_1146 = vector.shape_cast %swap3A_1145 : vector<16xi32> to vector<16xi32>
      %swap3A_1147 = vector.shape_cast %add3A_1143 : vector<16xi32> to vector<16xi32>
      tpu.vector_store %arg6[%swap3A_1144], %swap3A_1147 {strides = array<i32>} : memref<48xi32, #tpu.memory_space<vmem>>, vector<16xi32>,
      %get3A_1148 = arith.constant 14 : index
      %get3A_1149 = tpu.vector_load %arg6[%get3A_1148] {strides = array<i32>} : memref<48xi32, #tpu.memory_space<vmem>>, vector<16xi32>,
      %get3A_1150 = vector.shape_cast %get3A_1149 : vector<16xi32> to vector<16xi32>
      %add3A_1151 = arith.addi %add3A_1143, %get3A_1150 : vector<16xi32>
      %swap3A_1152 = arith.constant 16 : index
      %swap3A_1153 = tpu.vector_load %arg6[%swap3A_1152] {strides = array<i32>} : memref<48xi32, #tpu.memory_space<vmem>>, vector<16xi32>,
      %swap3A_1154 = vector.shape_cast %swap3A_1153 : vector<16xi32> to vector<16xi32>
      %swap3A_1155 = vector.shape_cast %add3A_1151 : vector<16xi32> to vector<16xi32>
      tpu.vector_store %arg6[%swap3A_1152], %swap3A_1155 {strides = array<i32>} : memref<48xi32, #tpu.memory_space<vmem>>, vector<16xi32>,
      %get3A_1156 = arith.constant 12 : index
      %get3A_1157 = tpu.vector_load %arg6[%get3A_1156] {strides = array<i32>} : memref<48xi32, #tpu.memory_space<vmem>>, vector<16xi32>,
      %get3A_1158 = vector.shape_cast %get3A_1157 : vector<16xi32> to vector<16xi32>
      %add3A_1159 = arith.addi %add3A_1151, %get3A_1158 : vector<16xi32>
      %swap3A_1160 = arith.constant 16 : index
      %swap3A_1161 = tpu.vector_load %arg6[%swap3A_1160] {strides = array<i32>} : memref<48xi32, #tpu.memory_space<vmem>>, vector<16xi32>,
      %swap3A_1162 = vector.shape_cast %swap3A_1161 : vector<16xi32> to vector<16xi32>
      %swap3A_1163 = vector.shape_cast %add3A_1159 : vector<16xi32> to vector<16xi32>
      tpu.vector_store %arg6[%swap3A_1160], %swap3A_1163 {strides = array<i32>} : memref<48xi32, #tpu.memory_space<vmem>>, vector<16xi32>,
      %get3A_1164 = arith.constant 8 : index
      %get3A_1165 = tpu.vector_load %arg6[%get3A_1164] {strides = array<i32>} : memref<48xi32, #tpu.memory_space<vmem>>, vector<16xi32>,
      %get3A_1166 = vector.shape_cast %get3A_1165 : vector<16xi32> to vector<16xi32>
      %add3A_1167 = arith.addi %add3A_1159, %get3A_1166 : vector<16xi32>
      %sub3A_1168 = arith.subi %add3A_1167, %select_n3A_1135 : vector<16xi32>
      %add3A_1169 = arith.addi %sub3A_1168, %add3A_1129 : vector<16xi32>
      %lt3A_1170 = arith.cmpi slt, %add3A_1169, %broadcast_in_dim3A_352 : vector<16xi32>
      %and3A_1171 = arith.andi %eq3A_1134, %lt3A_1170 : vector<16xi1>
      %or3A_1172 = arith.ori %gt3A_1133, %and3A_1171 : vector<16xi1>
      %select_n3A_1173 = arith.select %or3A_1172, %broadcast_in_dim3A_5, %broadcast_in_dim3A_7 : vector<16xi1>, vector<16xf32>
      %swap3A_1174 = arith.constant 240 : index
      %swap3A_1175 = tpu.vector_load %arg5[%swap3A_1174] {strides = array<i32>} : memref<768xf32, #tpu.memory_space<vmem>>, vector<16xf32>,
      %swap3A_1176 = vector.shape_cast %swap3A_1175 : vector<16xf32> to vector<16xf32>
      %swap3A_1177 = vector.shape_cast %select_n3A_1173 : vector<16xf32> to vector<16xf32>
      tpu.vector_store %arg5[%swap3A_1174], %swap3A_1177 {strides = array<i32>} : memref<768xf32, #tpu.memory_space<vmem>>, vector<16xf32>,
      %slice3A_1178 = vector.extract_strided_slice %add3A_1167 {offsets = [15], sizes = [1], strides = [1]} : vector<16xi32> to vector<1xi32>
      %squeeze3A_1179 = vector.extract %slice3A_1178[0] : i32 from vector<1xi32>
      %broadcast_in_dim3A_1180 = vector.broadcast %squeeze3A_1179 : i32 to vector<16xi32>
      %add3A_1181 = arith.addi %add3A_1129, %broadcast_in_dim3A_1180 : vector<16xi32>
      %get3A_1182 = arith.constant 256 : index
      %get3A_1183 = tpu.vector_load %arg4[%get3A_1182] {strides = array<i32>} : memref<768xi32, #tpu.memory_space<vmem>>, vector<16xi32>,
      %get3A_1184 = vector.shape_cast %get3A_1183 : vector<16xi32> to vector<16xi32>
      %gt3A_1185 = arith.cmpi sgt, %get3A_1184, %broadcast_in_dim3A_33 : vector<16xi32>
      %eq3A_1186 = arith.cmpi eq, %get3A_1184, %broadcast_in_dim3A_33 : vector<16xi32>
      %select_n3A_1187 = arith.select %eq3A_1186, %broadcast_in_dim3A_1, %broadcast_in_dim3A_3 : vector<16xi1>, vector<16xi32>
      %swap3A_1188 = arith.constant 16 : index
      %swap3A_1189 = tpu.vector_load %arg6[%swap3A_1188] {strides = array<i32>} : memref<48xi32, #tpu.memory_space<vmem>>, vector<16xi32>,
      %swap3A_1190 = vector.shape_cast %swap3A_1189 : vector<16xi32> to vector<16xi32>
      %swap3A_1191 = vector.shape_cast %select_n3A_1187 : vector<16xi32> to vector<16xi32>
      tpu.vector_store %arg6[%swap3A_1188], %swap3A_1191 {strides = array<i32>} : memref<48xi32, #tpu.memory_space<vmem>>, vector<16xi32>,
      %get3A_1192 = arith.constant 15 : index
      %get3A_1193 = tpu.vector_load %arg6[%get3A_1192] {strides = array<i32>} : memref<48xi32, #tpu.memory_space<vmem>>, vector<16xi32>,
      %get3A_1194 = vector.shape_cast %get3A_1193 : vector<16xi32> to vector<16xi32>
      %add3A_1195 = arith.addi %select_n3A_1187, %get3A_1194 : vector<16xi32>
      %swap3A_1196 = arith.constant 16 : index
      %swap3A_1197 = tpu.vector_load %arg6[%swap3A_1196] {strides = array<i32>} : memref<48xi32, #tpu.memory_space<vmem>>, vector<16xi32>,
      %swap3A_1198 = vector.shape_cast %swap3A_1197 : vector<16xi32> to vector<16xi32>
      %swap3A_1199 = vector.shape_cast %add3A_1195 : vector<16xi32> to vector<16xi32>
      tpu.vector_store %arg6[%swap3A_1196], %swap3A_1199 {strides = array<i32>} : memref<48xi32, #tpu.memory_space<vmem>>, vector<16xi32>,
      %get3A_1200 = arith.constant 14 : index
      %get3A_1201 = tpu.vector_load %arg6[%get3A_1200] {strides = array<i32>} : memref<48xi32, #tpu.memory_space<vmem>>, vector<16xi32>,
      %get3A_1202 = vector.shape_cast %get3A_1201 : vector<16xi32> to vector<16xi32>
      %add3A_1203 = arith.addi %add3A_1195, %get3A_1202 : vector<16xi32>
      %swap3A_1204 = arith.constant 16 : index
      %swap3A_1205 = tpu.vector_load %arg6[%swap3A_1204] {strides = array<i32>} : memref<48xi32, #tpu.memory_space<vmem>>, vector<16xi32>,
      %swap3A_1206 = vector.shape_cast %swap3A_1205 : vector<16xi32> to vector<16xi32>
      %swap3A_1207 = vector.shape_cast %add3A_1203 : vector<16xi32> to vector<16xi32>
      tpu.vector_store %arg6[%swap3A_1204], %swap3A_1207 {strides = array<i32>} : memref<48xi32, #tpu.memory_space<vmem>>, vector<16xi32>,
      %get3A_1208 = arith.constant 12 : index
      %get3A_1209 = tpu.vector_load %arg6[%get3A_1208] {strides = array<i32>} : memref<48xi32, #tpu.memory_space<vmem>>, vector<16xi32>,
      %get3A_1210 = vector.shape_cast %get3A_1209 : vector<16xi32> to vector<16xi32>
      %add3A_1211 = arith.addi %add3A_1203, %get3A_1210 : vector<16xi32>
      %swap3A_1212 = arith.constant 16 : index
      %swap3A_1213 = tpu.vector_load %arg6[%swap3A_1212] {strides = array<i32>} : memref<48xi32, #tpu.memory_space<vmem>>, vector<16xi32>,
      %swap3A_1214 = vector.shape_cast %swap3A_1213 : vector<16xi32> to vector<16xi32>
      %swap3A_1215 = vector.shape_cast %add3A_1211 : vector<16xi32> to vector<16xi32>
      tpu.vector_store %arg6[%swap3A_1212], %swap3A_1215 {strides = array<i32>} : memref<48xi32, #tpu.memory_space<vmem>>, vector<16xi32>,
      %get3A_1216 = arith.constant 8 : index
      %get3A_1217 = tpu.vector_load %arg6[%get3A_1216] {strides = array<i32>} : memref<48xi32, #tpu.memory_space<vmem>>, vector<16xi32>,
      %get3A_1218 = vector.shape_cast %get3A_1217 : vector<16xi32> to vector<16xi32>
      %add3A_1219 = arith.addi %add3A_1211, %get3A_1218 : vector<16xi32>
      %sub3A_1220 = arith.subi %add3A_1219, %select_n3A_1187 : vector<16xi32>
      %add3A_1221 = arith.addi %sub3A_1220, %add3A_1181 : vector<16xi32>
      %lt3A_1222 = arith.cmpi slt, %add3A_1221, %broadcast_in_dim3A_352 : vector<16xi32>
      %and3A_1223 = arith.andi %eq3A_1186, %lt3A_1222 : vector<16xi1>
      %or3A_1224 = arith.ori %gt3A_1185, %and3A_1223 : vector<16xi1>
      %select_n3A_1225 = arith.select %or3A_1224, %broadcast_in_dim3A_5, %broadcast_in_dim3A_7 : vector<16xi1>, vector<16xf32>
      %swap3A_1226 = arith.constant 256 : index
      %swap3A_1227 = tpu.vector_load %arg5[%swap3A_1226] {strides = array<i32>} : memref<768xf32, #tpu.memory_space<vmem>>, vector<16xf32>,
      %swap3A_1228 = vector.shape_cast %swap3A_1227 : vector<16xf32> to vector<16xf32>
      %swap3A_1229 = vector.shape_cast %select_n3A_1225 : vector<16xf32> to vector<16xf32>
      tpu.vector_store %arg5[%swap3A_1226], %swap3A_1229 {strides = array<i32>} : memref<768xf32, #tpu.memory_space<vmem>>, vector<16xf32>,
      %slice3A_1230 = vector.extract_strided_slice %add3A_1219 {offsets = [15], sizes = [1], strides = [1]} : vector<16xi32> to vector<1xi32>
      %squeeze3A_1231 = vector.extract %slice3A_1230[0] : i32 from vector<1xi32>
      %broadcast_in_dim3A_1232 = vector.broadcast %squeeze3A_1231 : i32 to vector<16xi32>
      %add3A_1233 = arith.addi %add3A_1181, %broadcast_in_dim3A_1232 : vector<16xi32>
      %get3A_1234 = arith.constant 272 : index
      %get3A_1235 = tpu.vector_load %arg4[%get3A_1234] {strides = array<i32>} : memref<768xi32, #tpu.memory_space<vmem>>, vector<16xi32>,
      %get3A_1236 = vector.shape_cast %get3A_1235 : vector<16xi32> to vector<16xi32>
      %gt3A_1237 = arith.cmpi sgt, %get3A_1236, %broadcast_in_dim3A_33 : vector<16xi32>
      %eq3A_1238 = arith.cmpi eq, %get3A_1236, %broadcast_in_dim3A_33 : vector<16xi32>
      %select_n3A_1239 = arith.select %eq3A_1238, %broadcast_in_dim3A_1, %broadcast_in_dim3A_3 : vector<16xi1>, vector<16xi32>
      %swap3A_1240 = arith.constant 16 : index
      %swap3A_1241 = tpu.vector_load %arg6[%swap3A_1240] {strides = array<i32>} : memref<48xi32, #tpu.memory_space<vmem>>, vector<16xi32>,
      %swap3A_1242 = vector.shape_cast %swap3A_1241 : vector<16xi32> to vector<16xi32>
      %swap3A_1243 = vector.shape_cast %select_n3A_1239 : vector<16xi32> to vector<16xi32>
      tpu.vector_store %arg6[%swap3A_1240], %swap3A_1243 {strides = array<i32>} : memref<48xi32, #tpu.memory_space<vmem>>, vector<16xi32>,
      %get3A_1244 = arith.constant 15 : index
      %get3A_1245 = tpu.vector_load %arg6[%get3A_1244] {strides = array<i32>} : memref<48xi32, #tpu.memory_space<vmem>>, vector<16xi32>,
      %get3A_1246 = vector.shape_cast %get3A_1245 : vector<16xi32> to vector<16xi32>
      %add3A_1247 = arith.addi %select_n3A_1239, %get3A_1246 : vector<16xi32>
      %swap3A_1248 = arith.constant 16 : index
      %swap3A_1249 = tpu.vector_load %arg6[%swap3A_1248] {strides = array<i32>} : memref<48xi32, #tpu.memory_space<vmem>>, vector<16xi32>,
      %swap3A_1250 = vector.shape_cast %swap3A_1249 : vector<16xi32> to vector<16xi32>
      %swap3A_1251 = vector.shape_cast %add3A_1247 : vector<16xi32> to vector<16xi32>
      tpu.vector_store %arg6[%swap3A_1248], %swap3A_1251 {strides = array<i32>} : memref<48xi32, #tpu.memory_space<vmem>>, vector<16xi32>,
      %get3A_1252 = arith.constant 14 : index
      %get3A_1253 = tpu.vector_load %arg6[%get3A_1252] {strides = array<i32>} : memref<48xi32, #tpu.memory_space<vmem>>, vector<16xi32>,
      %get3A_1254 = vector.shape_cast %get3A_1253 : vector<16xi32> to vector<16xi32>
      %add3A_1255 = arith.addi %add3A_1247, %get3A_1254 : vector<16xi32>
      %swap3A_1256 = arith.constant 16 : index
      %swap3A_1257 = tpu.vector_load %arg6[%swap3A_1256] {strides = array<i32>} : memref<48xi32, #tpu.memory_space<vmem>>, vector<16xi32>,
      %swap3A_1258 = vector.shape_cast %swap3A_1257 : vector<16xi32> to vector<16xi32>
      %swap3A_1259 = vector.shape_cast %add3A_1255 : vector<16xi32> to vector<16xi32>
      tpu.vector_store %arg6[%swap3A_1256], %swap3A_1259 {strides = array<i32>} : memref<48xi32, #tpu.memory_space<vmem>>, vector<16xi32>,
      %get3A_1260 = arith.constant 12 : index
      %get3A_1261 = tpu.vector_load %arg6[%get3A_1260] {strides = array<i32>} : memref<48xi32, #tpu.memory_space<vmem>>, vector<16xi32>,
      %get3A_1262 = vector.shape_cast %get3A_1261 : vector<16xi32> to vector<16xi32>
      %add3A_1263 = arith.addi %add3A_1255, %get3A_1262 : vector<16xi32>
      %swap3A_1264 = arith.constant 16 : index
      %swap3A_1265 = tpu.vector_load %arg6[%swap3A_1264] {strides = array<i32>} : memref<48xi32, #tpu.memory_space<vmem>>, vector<16xi32>,
      %swap3A_1266 = vector.shape_cast %swap3A_1265 : vector<16xi32> to vector<16xi32>
      %swap3A_1267 = vector.shape_cast %add3A_1263 : vector<16xi32> to vector<16xi32>
      tpu.vector_store %arg6[%swap3A_1264], %swap3A_1267 {strides = array<i32>} : memref<48xi32, #tpu.memory_space<vmem>>, vector<16xi32>,
      %get3A_1268 = arith.constant 8 : index
      %get3A_1269 = tpu.vector_load %arg6[%get3A_1268] {strides = array<i32>} : memref<48xi32, #tpu.memory_space<vmem>>, vector<16xi32>,
      %get3A_1270 = vector.shape_cast %get3A_1269 : vector<16xi32> to vector<16xi32>
      %add3A_1271 = arith.addi %add3A_1263, %get3A_1270 : vector<16xi32>
      %sub3A_1272 = arith.subi %add3A_1271, %select_n3A_1239 : vector<16xi32>
      %add3A_1273 = arith.addi %sub3A_1272, %add3A_1233 : vector<16xi32>
      %lt3A_1274 = arith.cmpi slt, %add3A_1273, %broadcast_in_dim3A_352 : vector<16xi32>
      %and3A_1275 = arith.andi %eq3A_1238, %lt3A_1274 : vector<16xi1>
      %or3A_1276 = arith.ori %gt3A_1237, %and3A_1275 : vector<16xi1>
      %select_n3A_1277 = arith.select %or3A_1276, %broadcast_in_dim3A_5, %broadcast_in_dim3A_7 : vector<16xi1>, vector<16xf32>
      %swap3A_1278 = arith.constant 272 : index
      %swap3A_1279 = tpu.vector_load %arg5[%swap3A_1278] {strides = array<i32>} : memref<768xf32, #tpu.memory_space<vmem>>, vector<16xf32>,
      %swap3A_1280 = vector.shape_cast %swap3A_1279 : vector<16xf32> to vector<16xf32>
      %swap3A_1281 = vector.shape_cast %select_n3A_1277 : vector<16xf32> to vector<16xf32>
      tpu.vector_store %arg5[%swap3A_1278], %swap3A_1281 {strides = array<i32>} : memref<768xf32, #tpu.memory_space<vmem>>, vector<16xf32>,
      %slice3A_1282 = vector.extract_strided_slice %add3A_1271 {offsets = [15], sizes = [1], strides = [1]} : vector<16xi32> to vector<1xi32>
      %squeeze3A_1283 = vector.extract %slice3A_1282[0] : i32 from vector<1xi32>
      %broadcast_in_dim3A_1284 = vector.broadcast %squeeze3A_1283 : i32 to vector<16xi32>
      %add3A_1285 = arith.addi %add3A_1233, %broadcast_in_dim3A_1284 : vector<16xi32>
      %get3A_1286 = arith.constant 288 : index
      %get3A_1287 = tpu.vector_load %arg4[%get3A_1286] {strides = array<i32>} : memref<768xi32, #tpu.memory_space<vmem>>, vector<16xi32>,
      %get3A_1288 = vector.shape_cast %get3A_1287 : vector<16xi32> to vector<16xi32>
      %gt3A_1289 = arith.cmpi sgt, %get3A_1288, %broadcast_in_dim3A_33 : vector<16xi32>
      %eq3A_1290 = arith.cmpi eq, %get3A_1288, %broadcast_in_dim3A_33 : vector<16xi32>
      %select_n3A_1291 = arith.select %eq3A_1290, %broadcast_in_dim3A_1, %broadcast_in_dim3A_3 : vector<16xi1>, vector<16xi32>
      %swap3A_1292 = arith.constant 16 : index
      %swap3A_1293 = tpu.vector_load %arg6[%swap3A_1292] {strides = array<i32>} : memref<48xi32, #tpu.memory_space<vmem>>, vector<16xi32>,
      %swap3A_1294 = vector.shape_cast %swap3A_1293 : vector<16xi32> to vector<16xi32>
      %swap3A_1295 = vector.shape_cast %select_n3A_1291 : vector<16xi32> to vector<16xi32>
      tpu.vector_store %arg6[%swap3A_1292], %swap3A_1295 {strides = array<i32>} : memref<48xi32, #tpu.memory_space<vmem>>, vector<16xi32>,
      %get3A_1296 = arith.constant 15 : index
      %get3A_1297 = tpu.vector_load %arg6[%get3A_1296] {strides = array<i32>} : memref<48xi32, #tpu.memory_space<vmem>>, vector<16xi32>,
      %get3A_1298 = vector.shape_cast %get3A_1297 : vector<16xi32> to vector<16xi32>
      %add3A_1299 = arith.addi %select_n3A_1291, %get3A_1298 : vector<16xi32>
      %swap3A_1300 = arith.constant 16 : index
      %swap3A_1301 = tpu.vector_load %arg6[%swap3A_1300] {strides = array<i32>} : memref<48xi32, #tpu.memory_space<vmem>>, vector<16xi32>,
      %swap3A_1302 = vector.shape_cast %swap3A_1301 : vector<16xi32> to vector<16xi32>
      %swap3A_1303 = vector.shape_cast %add3A_1299 : vector<16xi32> to vector<16xi32>
      tpu.vector_store %arg6[%swap3A_1300], %swap3A_1303 {strides = array<i32>} : memref<48xi32, #tpu.memory_space<vmem>>, vector<16xi32>,
      %get3A_1304 = arith.constant 14 : index
      %get3A_1305 = tpu.vector_load %arg6[%get3A_1304] {strides = array<i32>} : memref<48xi32, #tpu.memory_space<vmem>>, vector<16xi32>,
      %get3A_1306 = vector.shape_cast %get3A_1305 : vector<16xi32> to vector<16xi32>
      %add3A_1307 = arith.addi %add3A_1299, %get3A_1306 : vector<16xi32>
      %swap3A_1308 = arith.constant 16 : index
      %swap3A_1309 = tpu.vector_load %arg6[%swap3A_1308] {strides = array<i32>} : memref<48xi32, #tpu.memory_space<vmem>>, vector<16xi32>,
      %swap3A_1310 = vector.shape_cast %swap3A_1309 : vector<16xi32> to vector<16xi32>
      %swap3A_1311 = vector.shape_cast %add3A_1307 : vector<16xi32> to vector<16xi32>
      tpu.vector_store %arg6[%swap3A_1308], %swap3A_1311 {strides = array<i32>} : memref<48xi32, #tpu.memory_space<vmem>>, vector<16xi32>,
      %get3A_1312 = arith.constant 12 : index
      %get3A_1313 = tpu.vector_load %arg6[%get3A_1312] {strides = array<i32>} : memref<48xi32, #tpu.memory_space<vmem>>, vector<16xi32>,
      %get3A_1314 = vector.shape_cast %get3A_1313 : vector<16xi32> to vector<16xi32>
      %add3A_1315 = arith.addi %add3A_1307, %get3A_1314 : vector<16xi32>
      %swap3A_1316 = arith.constant 16 : index
      %swap3A_1317 = tpu.vector_load %arg6[%swap3A_1316] {strides = array<i32>} : memref<48xi32, #tpu.memory_space<vmem>>, vector<16xi32>,
      %swap3A_1318 = vector.shape_cast %swap3A_1317 : vector<16xi32> to vector<16xi32>
      %swap3A_1319 = vector.shape_cast %add3A_1315 : vector<16xi32> to vector<16xi32>
      tpu.vector_store %arg6[%swap3A_1316], %swap3A_1319 {strides = array<i32>} : memref<48xi32, #tpu.memory_space<vmem>>, vector<16xi32>,
      %get3A_1320 = arith.constant 8 : index
      %get3A_1321 = tpu.vector_load %arg6[%get3A_1320] {strides = array<i32>} : memref<48xi32, #tpu.memory_space<vmem>>, vector<16xi32>,
      %get3A_1322 = vector.shape_cast %get3A_1321 : vector<16xi32> to vector<16xi32>
      %add3A_1323 = arith.addi %add3A_1315, %get3A_1322 : vector<16xi32>
      %sub3A_1324 = arith.subi %add3A_1323, %select_n3A_1291 : vector<16xi32>
      %add3A_1325 = arith.addi %sub3A_1324, %add3A_1285 : vector<16xi32>
      %lt3A_1326 = arith.cmpi slt, %add3A_1325, %broadcast_in_dim3A_352 : vector<16xi32>
      %and3A_1327 = arith.andi %eq3A_1290, %lt3A_1326 : vector<16xi1>
      %or3A_1328 = arith.ori %gt3A_1289, %and3A_1327 : vector<16xi1>
      %select_n3A_1329 = arith.select %or3A_1328, %broadcast_in_dim3A_5, %broadcast_in_dim3A_7 : vector<16xi1>, vector<16xf32>
      %swap3A_1330 = arith.constant 288 : index
      %swap3A_1331 = tpu.vector_load %arg5[%swap3A_1330] {strides = array<i32>} : memref<768xf32, #tpu.memory_space<vmem>>, vector<16xf32>,
      %swap3A_1332 = vector.shape_cast %swap3A_1331 : vector<16xf32> to vector<16xf32>
      %swap3A_1333 = vector.shape_cast %select_n3A_1329 : vector<16xf32> to vector<16xf32>
      tpu.vector_store %arg5[%swap3A_1330], %swap3A_1333 {strides = array<i32>} : memref<768xf32, #tpu.memory_space<vmem>>, vector<16xf32>,
      %slice3A_1334 = vector.extract_strided_slice %add3A_1323 {offsets = [15], sizes = [1], strides = [1]} : vector<16xi32> to vector<1xi32>
      %squeeze3A_1335 = vector.extract %slice3A_1334[0] : i32 from vector<1xi32>
      %broadcast_in_dim3A_1336 = vector.broadcast %squeeze3A_1335 : i32 to vector<16xi32>
      %add3A_1337 = arith.addi %add3A_1285, %broadcast_in_dim3A_1336 : vector<16xi32>
      %get3A_1338 = arith.constant 304 : index
      %get3A_1339 = tpu.vector_load %arg4[%get3A_1338] {strides = array<i32>} : memref<768xi32, #tpu.memory_space<vmem>>, vector<16xi32>,
      %get3A_1340 = vector.shape_cast %get3A_1339 : vector<16xi32> to vector<16xi32>
      %gt3A_1341 = arith.cmpi sgt, %get3A_1340, %broadcast_in_dim3A_33 : vector<16xi32>
      %eq3A_1342 = arith.cmpi eq, %get3A_1340, %broadcast_in_dim3A_33 : vector<16xi32>
      %select_n3A_1343 = arith.select %eq3A_1342, %broadcast_in_dim3A_1, %broadcast_in_dim3A_3 : vector<16xi1>, vector<16xi32>
      %swap3A_1344 = arith.constant 16 : index
      %swap3A_1345 = tpu.vector_load %arg6[%swap3A_1344] {strides = array<i32>} : memref<48xi32, #tpu.memory_space<vmem>>, vector<16xi32>,
      %swap3A_1346 = vector.shape_cast %swap3A_1345 : vector<16xi32> to vector<16xi32>
      %swap3A_1347 = vector.shape_cast %select_n3A_1343 : vector<16xi32> to vector<16xi32>
      tpu.vector_store %arg6[%swap3A_1344], %swap3A_1347 {strides = array<i32>} : memref<48xi32, #tpu.memory_space<vmem>>, vector<16xi32>,
      %get3A_1348 = arith.constant 15 : index
      %get3A_1349 = tpu.vector_load %arg6[%get3A_1348] {strides = array<i32>} : memref<48xi32, #tpu.memory_space<vmem>>, vector<16xi32>,
      %get3A_1350 = vector.shape_cast %get3A_1349 : vector<16xi32> to vector<16xi32>
      %add3A_1351 = arith.addi %select_n3A_1343, %get3A_1350 : vector<16xi32>
      %swap3A_1352 = arith.constant 16 : index
      %swap3A_1353 = tpu.vector_load %arg6[%swap3A_1352] {strides = array<i32>} : memref<48xi32, #tpu.memory_space<vmem>>, vector<16xi32>,
      %swap3A_1354 = vector.shape_cast %swap3A_1353 : vector<16xi32> to vector<16xi32>
      %swap3A_1355 = vector.shape_cast %add3A_1351 : vector<16xi32> to vector<16xi32>
      tpu.vector_store %arg6[%swap3A_1352], %swap3A_1355 {strides = array<i32>} : memref<48xi32, #tpu.memory_space<vmem>>, vector<16xi32>,
      %get3A_1356 = arith.constant 14 : index
      %get3A_1357 = tpu.vector_load %arg6[%get3A_1356] {strides = array<i32>} : memref<48xi32, #tpu.memory_space<vmem>>, vector<16xi32>,
      %get3A_1358 = vector.shape_cast %get3A_1357 : vector<16xi32> to vector<16xi32>
      %add3A_1359 = arith.addi %add3A_1351, %get3A_1358 : vector<16xi32>
      %swap3A_1360 = arith.constant 16 : index
      %swap3A_1361 = tpu.vector_load %arg6[%swap3A_1360] {strides = array<i32>} : memref<48xi32, #tpu.memory_space<vmem>>, vector<16xi32>,
      %swap3A_1362 = vector.shape_cast %swap3A_1361 : vector<16xi32> to vector<16xi32>
      %swap3A_1363 = vector.shape_cast %add3A_1359 : vector<16xi32> to vector<16xi32>
      tpu.vector_store %arg6[%swap3A_1360], %swap3A_1363 {strides = array<i32>} : memref<48xi32, #tpu.memory_space<vmem>>, vector<16xi32>,
      %get3A_1364 = arith.constant 12 : index
      %get3A_1365 = tpu.vector_load %arg6[%get3A_1364] {strides = array<i32>} : memref<48xi32, #tpu.memory_space<vmem>>, vector<16xi32>,
      %get3A_1366 = vector.shape_cast %get3A_1365 : vector<16xi32> to vector<16xi32>
      %add3A_1367 = arith.addi %add3A_1359, %get3A_1366 : vector<16xi32>
      %swap3A_1368 = arith.constant 16 : index
      %swap3A_1369 = tpu.vector_load %arg6[%swap3A_1368] {strides = array<i32>} : memref<48xi32, #tpu.memory_space<vmem>>, vector<16xi32>,
      %swap3A_1370 = vector.shape_cast %swap3A_1369 : vector<16xi32> to vector<16xi32>
      %swap3A_1371 = vector.shape_cast %add3A_1367 : vector<16xi32> to vector<16xi32>
      tpu.vector_store %arg6[%swap3A_1368], %swap3A_1371 {strides = array<i32>} : memref<48xi32, #tpu.memory_space<vmem>>, vector<16xi32>,
      %get3A_1372 = arith.constant 8 : index
      %get3A_1373 = tpu.vector_load %arg6[%get3A_1372] {strides = array<i32>} : memref<48xi32, #tpu.memory_space<vmem>>, vector<16xi32>,
      %get3A_1374 = vector.shape_cast %get3A_1373 : vector<16xi32> to vector<16xi32>
      %add3A_1375 = arith.addi %add3A_1367, %get3A_1374 : vector<16xi32>
      %sub3A_1376 = arith.subi %add3A_1375, %select_n3A_1343 : vector<16xi32>
      %add3A_1377 = arith.addi %sub3A_1376, %add3A_1337 : vector<16xi32>
      %lt3A_1378 = arith.cmpi slt, %add3A_1377, %broadcast_in_dim3A_352 : vector<16xi32>
      %and3A_1379 = arith.andi %eq3A_1342, %lt3A_1378 : vector<16xi1>
      %or3A_1380 = arith.ori %gt3A_1341, %and3A_1379 : vector<16xi1>
      %select_n3A_1381 = arith.select %or3A_1380, %broadcast_in_dim3A_5, %broadcast_in_dim3A_7 : vector<16xi1>, vector<16xf32>
      %swap3A_1382 = arith.constant 304 : index
      %swap3A_1383 = tpu.vector_load %arg5[%swap3A_1382] {strides = array<i32>} : memref<768xf32, #tpu.memory_space<vmem>>, vector<16xf32>,
      %swap3A_1384 = vector.shape_cast %swap3A_1383 : vector<16xf32> to vector<16xf32>
      %swap3A_1385 = vector.shape_cast %select_n3A_1381 : vector<16xf32> to vector<16xf32>
      tpu.vector_store %arg5[%swap3A_1382], %swap3A_1385 {strides = array<i32>} : memref<768xf32, #tpu.memory_space<vmem>>, vector<16xf32>,
      %slice3A_1386 = vector.extract_strided_slice %add3A_1375 {offsets = [15], sizes = [1], strides = [1]} : vector<16xi32> to vector<1xi32>
      %squeeze3A_1387 = vector.extract %slice3A_1386[0] : i32 from vector<1xi32>
      %broadcast_in_dim3A_1388 = vector.broadcast %squeeze3A_1387 : i32 to vector<16xi32>
      %add3A_1389 = arith.addi %add3A_1337, %broadcast_in_dim3A_1388 : vector<16xi32>
      %get3A_1390 = arith.constant 320 : index
      %get3A_1391 = tpu.vector_load %arg4[%get3A_1390] {strides = array<i32>} : memref<768xi32, #tpu.memory_space<vmem>>, vector<16xi32>,
      %get3A_1392 = vector.shape_cast %get3A_1391 : vector<16xi32> to vector<16xi32>
      %gt3A_1393 = arith.cmpi sgt, %get3A_1392, %broadcast_in_dim3A_33 : vector<16xi32>
      %eq3A_1394 = arith.cmpi eq, %get3A_1392, %broadcast_in_dim3A_33 : vector<16xi32>
      %select_n3A_1395 = arith.select %eq3A_1394, %broadcast_in_dim3A_1, %broadcast_in_dim3A_3 : vector<16xi1>, vector<16xi32>
      %swap3A_1396 = arith.constant 16 : index
      %swap3A_1397 = tpu.vector_load %arg6[%swap3A_1396] {strides = array<i32>} : memref<48xi32, #tpu.memory_space<vmem>>, vector<16xi32>,
      %swap3A_1398 = vector.shape_cast %swap3A_1397 : vector<16xi32> to vector<16xi32>
      %swap3A_1399 = vector.shape_cast %select_n3A_1395 : vector<16xi32> to vector<16xi32>
      tpu.vector_store %arg6[%swap3A_1396], %swap3A_1399 {strides = array<i32>} : memref<48xi32, #tpu.memory_space<vmem>>, vector<16xi32>,
      %get3A_1400 = arith.constant 15 : index
      %get3A_1401 = tpu.vector_load %arg6[%get3A_1400] {strides = array<i32>} : memref<48xi32, #tpu.memory_space<vmem>>, vector<16xi32>,
      %get3A_1402 = vector.shape_cast %get3A_1401 : vector<16xi32> to vector<16xi32>
      %add3A_1403 = arith.addi %select_n3A_1395, %get3A_1402 : vector<16xi32>
      %swap3A_1404 = arith.constant 16 : index
      %swap3A_1405 = tpu.vector_load %arg6[%swap3A_1404] {strides = array<i32>} : memref<48xi32, #tpu.memory_space<vmem>>, vector<16xi32>,
      %swap3A_1406 = vector.shape_cast %swap3A_1405 : vector<16xi32> to vector<16xi32>
      %swap3A_1407 = vector.shape_cast %add3A_1403 : vector<16xi32> to vector<16xi32>
      tpu.vector_store %arg6[%swap3A_1404], %swap3A_1407 {strides = array<i32>} : memref<48xi32, #tpu.memory_space<vmem>>, vector<16xi32>,
      %get3A_1408 = arith.constant 14 : index
      %get3A_1409 = tpu.vector_load %arg6[%get3A_1408] {strides = array<i32>} : memref<48xi32, #tpu.memory_space<vmem>>, vector<16xi32>,
      %get3A_1410 = vector.shape_cast %get3A_1409 : vector<16xi32> to vector<16xi32>
      %add3A_1411 = arith.addi %add3A_1403, %get3A_1410 : vector<16xi32>
      %swap3A_1412 = arith.constant 16 : index
      %swap3A_1413 = tpu.vector_load %arg6[%swap3A_1412] {strides = array<i32>} : memref<48xi32, #tpu.memory_space<vmem>>, vector<16xi32>,
      %swap3A_1414 = vector.shape_cast %swap3A_1413 : vector<16xi32> to vector<16xi32>
      %swap3A_1415 = vector.shape_cast %add3A_1411 : vector<16xi32> to vector<16xi32>
      tpu.vector_store %arg6[%swap3A_1412], %swap3A_1415 {strides = array<i32>} : memref<48xi32, #tpu.memory_space<vmem>>, vector<16xi32>,
      %get3A_1416 = arith.constant 12 : index
      %get3A_1417 = tpu.vector_load %arg6[%get3A_1416] {strides = array<i32>} : memref<48xi32, #tpu.memory_space<vmem>>, vector<16xi32>,
      %get3A_1418 = vector.shape_cast %get3A_1417 : vector<16xi32> to vector<16xi32>
      %add3A_1419 = arith.addi %add3A_1411, %get3A_1418 : vector<16xi32>
      %swap3A_1420 = arith.constant 16 : index
      %swap3A_1421 = tpu.vector_load %arg6[%swap3A_1420] {strides = array<i32>} : memref<48xi32, #tpu.memory_space<vmem>>, vector<16xi32>,
      %swap3A_1422 = vector.shape_cast %swap3A_1421 : vector<16xi32> to vector<16xi32>
      %swap3A_1423 = vector.shape_cast %add3A_1419 : vector<16xi32> to vector<16xi32>
      tpu.vector_store %arg6[%swap3A_1420], %swap3A_1423 {strides = array<i32>} : memref<48xi32, #tpu.memory_space<vmem>>, vector<16xi32>,
      %get3A_1424 = arith.constant 8 : index
      %get3A_1425 = tpu.vector_load %arg6[%get3A_1424] {strides = array<i32>} : memref<48xi32, #tpu.memory_space<vmem>>, vector<16xi32>,
      %get3A_1426 = vector.shape_cast %get3A_1425 : vector<16xi32> to vector<16xi32>
      %add3A_1427 = arith.addi %add3A_1419, %get3A_1426 : vector<16xi32>
      %sub3A_1428 = arith.subi %add3A_1427, %select_n3A_1395 : vector<16xi32>
      %add3A_1429 = arith.addi %sub3A_1428, %add3A_1389 : vector<16xi32>
      %lt3A_1430 = arith.cmpi slt, %add3A_1429, %broadcast_in_dim3A_352 : vector<16xi32>
      %and3A_1431 = arith.andi %eq3A_1394, %lt3A_1430 : vector<16xi1>
      %or3A_1432 = arith.ori %gt3A_1393, %and3A_1431 : vector<16xi1>
      %select_n3A_1433 = arith.select %or3A_1432, %broadcast_in_dim3A_5, %broadcast_in_dim3A_7 : vector<16xi1>, vector<16xf32>
      %swap3A_1434 = arith.constant 320 : index
      %swap3A_1435 = tpu.vector_load %arg5[%swap3A_1434] {strides = array<i32>} : memref<768xf32, #tpu.memory_space<vmem>>, vector<16xf32>,
      %swap3A_1436 = vector.shape_cast %swap3A_1435 : vector<16xf32> to vector<16xf32>
      %swap3A_1437 = vector.shape_cast %select_n3A_1433 : vector<16xf32> to vector<16xf32>
      tpu.vector_store %arg5[%swap3A_1434], %swap3A_1437 {strides = array<i32>} : memref<768xf32, #tpu.memory_space<vmem>>, vector<16xf32>,
      %slice3A_1438 = vector.extract_strided_slice %add3A_1427 {offsets = [15], sizes = [1], strides = [1]} : vector<16xi32> to vector<1xi32>
      %squeeze3A_1439 = vector.extract %slice3A_1438[0] : i32 from vector<1xi32>
      %broadcast_in_dim3A_1440 = vector.broadcast %squeeze3A_1439 : i32 to vector<16xi32>
      %add3A_1441 = arith.addi %add3A_1389, %broadcast_in_dim3A_1440 : vector<16xi32>
      %get3A_1442 = arith.constant 336 : index
      %get3A_1443 = tpu.vector_load %arg4[%get3A_1442] {strides = array<i32>} : memref<768xi32, #tpu.memory_space<vmem>>, vector<16xi32>,
      %get3A_1444 = vector.shape_cast %get3A_1443 : vector<16xi32> to vector<16xi32>
      %gt3A_1445 = arith.cmpi sgt, %get3A_1444, %broadcast_in_dim3A_33 : vector<16xi32>
      %eq3A_1446 = arith.cmpi eq, %get3A_1444, %broadcast_in_dim3A_33 : vector<16xi32>
      %select_n3A_1447 = arith.select %eq3A_1446, %broadcast_in_dim3A_1, %broadcast_in_dim3A_3 : vector<16xi1>, vector<16xi32>
      %swap3A_1448 = arith.constant 16 : index
      %swap3A_1449 = tpu.vector_load %arg6[%swap3A_1448] {strides = array<i32>} : memref<48xi32, #tpu.memory_space<vmem>>, vector<16xi32>,
      %swap3A_1450 = vector.shape_cast %swap3A_1449 : vector<16xi32> to vector<16xi32>
      %swap3A_1451 = vector.shape_cast %select_n3A_1447 : vector<16xi32> to vector<16xi32>
      tpu.vector_store %arg6[%swap3A_1448], %swap3A_1451 {strides = array<i32>} : memref<48xi32, #tpu.memory_space<vmem>>, vector<16xi32>,
      %get3A_1452 = arith.constant 15 : index
      %get3A_1453 = tpu.vector_load %arg6[%get3A_1452] {strides = array<i32>} : memref<48xi32, #tpu.memory_space<vmem>>, vector<16xi32>,
      %get3A_1454 = vector.shape_cast %get3A_1453 : vector<16xi32> to vector<16xi32>
      %add3A_1455 = arith.addi %select_n3A_1447, %get3A_1454 : vector<16xi32>
      %swap3A_1456 = arith.constant 16 : index
      %swap3A_1457 = tpu.vector_load %arg6[%swap3A_1456] {strides = array<i32>} : memref<48xi32, #tpu.memory_space<vmem>>, vector<16xi32>,
      %swap3A_1458 = vector.shape_cast %swap3A_1457 : vector<16xi32> to vector<16xi32>
      %swap3A_1459 = vector.shape_cast %add3A_1455 : vector<16xi32> to vector<16xi32>
      tpu.vector_store %arg6[%swap3A_1456], %swap3A_1459 {strides = array<i32>} : memref<48xi32, #tpu.memory_space<vmem>>, vector<16xi32>,
      %get3A_1460 = arith.constant 14 : index
      %get3A_1461 = tpu.vector_load %arg6[%get3A_1460] {strides = array<i32>} : memref<48xi32, #tpu.memory_space<vmem>>, vector<16xi32>,
      %get3A_1462 = vector.shape_cast %get3A_1461 : vector<16xi32> to vector<16xi32>
      %add3A_1463 = arith.addi %add3A_1455, %get3A_1462 : vector<16xi32>
      %swap3A_1464 = arith.constant 16 : index
      %swap3A_1465 = tpu.vector_load %arg6[%swap3A_1464] {strides = array<i32>} : memref<48xi32, #tpu.memory_space<vmem>>, vector<16xi32>,
      %swap3A_1466 = vector.shape_cast %swap3A_1465 : vector<16xi32> to vector<16xi32>
      %swap3A_1467 = vector.shape_cast %add3A_1463 : vector<16xi32> to vector<16xi32>
      tpu.vector_store %arg6[%swap3A_1464], %swap3A_1467 {strides = array<i32>} : memref<48xi32, #tpu.memory_space<vmem>>, vector<16xi32>,
      %get3A_1468 = arith.constant 12 : index
      %get3A_1469 = tpu.vector_load %arg6[%get3A_1468] {strides = array<i32>} : memref<48xi32, #tpu.memory_space<vmem>>, vector<16xi32>,
      %get3A_1470 = vector.shape_cast %get3A_1469 : vector<16xi32> to vector<16xi32>
      %add3A_1471 = arith.addi %add3A_1463, %get3A_1470 : vector<16xi32>
      %swap3A_1472 = arith.constant 16 : index
      %swap3A_1473 = tpu.vector_load %arg6[%swap3A_1472] {strides = array<i32>} : memref<48xi32, #tpu.memory_space<vmem>>, vector<16xi32>,
      %swap3A_1474 = vector.shape_cast %swap3A_1473 : vector<16xi32> to vector<16xi32>
      %swap3A_1475 = vector.shape_cast %add3A_1471 : vector<16xi32> to vector<16xi32>
      tpu.vector_store %arg6[%swap3A_1472], %swap3A_1475 {strides = array<i32>} : memref<48xi32, #tpu.memory_space<vmem>>, vector<16xi32>,
      %get3A_1476 = arith.constant 8 : index
      %get3A_1477 = tpu.vector_load %arg6[%get3A_1476] {strides = array<i32>} : memref<48xi32, #tpu.memory_space<vmem>>, vector<16xi32>,
      %get3A_1478 = vector.shape_cast %get3A_1477 : vector<16xi32> to vector<16xi32>
      %add3A_1479 = arith.addi %add3A_1471, %get3A_1478 : vector<16xi32>
      %sub3A_1480 = arith.subi %add3A_1479, %select_n3A_1447 : vector<16xi32>
      %add3A_1481 = arith.addi %sub3A_1480, %add3A_1441 : vector<16xi32>
      %lt3A_1482 = arith.cmpi slt, %add3A_1481, %broadcast_in_dim3A_352 : vector<16xi32>
      %and3A_1483 = arith.andi %eq3A_1446, %lt3A_1482 : vector<16xi1>
      %or3A_1484 = arith.ori %gt3A_1445, %and3A_1483 : vector<16xi1>
      %select_n3A_1485 = arith.select %or3A_1484, %broadcast_in_dim3A_5, %broadcast_in_dim3A_7 : vector<16xi1>, vector<16xf32>
      %swap3A_1486 = arith.constant 336 : index
      %swap3A_1487 = tpu.vector_load %arg5[%swap3A_1486] {strides = array<i32>} : memref<768xf32, #tpu.memory_space<vmem>>, vector<16xf32>,
      %swap3A_1488 = vector.shape_cast %swap3A_1487 : vector<16xf32> to vector<16xf32>
      %swap3A_1489 = vector.shape_cast %select_n3A_1485 : vector<16xf32> to vector<16xf32>
      tpu.vector_store %arg5[%swap3A_1486], %swap3A_1489 {strides = array<i32>} : memref<768xf32, #tpu.memory_space<vmem>>, vector<16xf32>,
      %slice3A_1490 = vector.extract_strided_slice %add3A_1479 {offsets = [15], sizes = [1], strides = [1]} : vector<16xi32> to vector<1xi32>
      %squeeze3A_1491 = vector.extract %slice3A_1490[0] : i32 from vector<1xi32>
      %broadcast_in_dim3A_1492 = vector.broadcast %squeeze3A_1491 : i32 to vector<16xi32>
      %add3A_1493 = arith.addi %add3A_1441, %broadcast_in_dim3A_1492 : vector<16xi32>
      %get3A_1494 = arith.constant 352 : index
      %get3A_1495 = tpu.vector_load %arg4[%get3A_1494] {strides = array<i32>} : memref<768xi32, #tpu.memory_space<vmem>>, vector<16xi32>,
      %get3A_1496 = vector.shape_cast %get3A_1495 : vector<16xi32> to vector<16xi32>
      %gt3A_1497 = arith.cmpi sgt, %get3A_1496, %broadcast_in_dim3A_33 : vector<16xi32>
      %eq3A_1498 = arith.cmpi eq, %get3A_1496, %broadcast_in_dim3A_33 : vector<16xi32>
      %select_n3A_1499 = arith.select %eq3A_1498, %broadcast_in_dim3A_1, %broadcast_in_dim3A_3 : vector<16xi1>, vector<16xi32>
      %swap3A_1500 = arith.constant 16 : index
      %swap3A_1501 = tpu.vector_load %arg6[%swap3A_1500] {strides = array<i32>} : memref<48xi32, #tpu.memory_space<vmem>>, vector<16xi32>,
      %swap3A_1502 = vector.shape_cast %swap3A_1501 : vector<16xi32> to vector<16xi32>
      %swap3A_1503 = vector.shape_cast %select_n3A_1499 : vector<16xi32> to vector<16xi32>
      tpu.vector_store %arg6[%swap3A_1500], %swap3A_1503 {strides = array<i32>} : memref<48xi32, #tpu.memory_space<vmem>>, vector<16xi32>,
      %get3A_1504 = arith.constant 15 : index
      %get3A_1505 = tpu.vector_load %arg6[%get3A_1504] {strides = array<i32>} : memref<48xi32, #tpu.memory_space<vmem>>, vector<16xi32>,
      %get3A_1506 = vector.shape_cast %get3A_1505 : vector<16xi32> to vector<16xi32>
      %add3A_1507 = arith.addi %select_n3A_1499, %get3A_1506 : vector<16xi32>
      %swap3A_1508 = arith.constant 16 : index
      %swap3A_1509 = tpu.vector_load %arg6[%swap3A_1508] {strides = array<i32>} : memref<48xi32, #tpu.memory_space<vmem>>, vector<16xi32>,
      %swap3A_1510 = vector.shape_cast %swap3A_1509 : vector<16xi32> to vector<16xi32>
      %swap3A_1511 = vector.shape_cast %add3A_1507 : vector<16xi32> to vector<16xi32>
      tpu.vector_store %arg6[%swap3A_1508], %swap3A_1511 {strides = array<i32>} : memref<48xi32, #tpu.memory_space<vmem>>, vector<16xi32>,
      %get3A_1512 = arith.constant 14 : index
      %get3A_1513 = tpu.vector_load %arg6[%get3A_1512] {strides = array<i32>} : memref<48xi32, #tpu.memory_space<vmem>>, vector<16xi32>,
      %get3A_1514 = vector.shape_cast %get3A_1513 : vector<16xi32> to vector<16xi32>
      %add3A_1515 = arith.addi %add3A_1507, %get3A_1514 : vector<16xi32>
      %swap3A_1516 = arith.constant 16 : index
      %swap3A_1517 = tpu.vector_load %arg6[%swap3A_1516] {strides = array<i32>} : memref<48xi32, #tpu.memory_space<vmem>>, vector<16xi32>,
      %swap3A_1518 = vector.shape_cast %swap3A_1517 : vector<16xi32> to vector<16xi32>
      %swap3A_1519 = vector.shape_cast %add3A_1515 : vector<16xi32> to vector<16xi32>
      tpu.vector_store %arg6[%swap3A_1516], %swap3A_1519 {strides = array<i32>} : memref<48xi32, #tpu.memory_space<vmem>>, vector<16xi32>,
      %get3A_1520 = arith.constant 12 : index
      %get3A_1521 = tpu.vector_load %arg6[%get3A_1520] {strides = array<i32>} : memref<48xi32, #tpu.memory_space<vmem>>, vector<16xi32>,
      %get3A_1522 = vector.shape_cast %get3A_1521 : vector<16xi32> to vector<16xi32>
      %add3A_1523 = arith.addi %add3A_1515, %get3A_1522 : vector<16xi32>
      %swap3A_1524 = arith.constant 16 : index
      %swap3A_1525 = tpu.vector_load %arg6[%swap3A_1524] {strides = array<i32>} : memref<48xi32, #tpu.memory_space<vmem>>, vector<16xi32>,
      %swap3A_1526 = vector.shape_cast %swap3A_1525 : vector<16xi32> to vector<16xi32>
      %swap3A_1527 = vector.shape_cast %add3A_1523 : vector<16xi32> to vector<16xi32>
      tpu.vector_store %arg6[%swap3A_1524], %swap3A_1527 {strides = array<i32>} : memref<48xi32, #tpu.memory_space<vmem>>, vector<16xi32>,
      %get3A_1528 = arith.constant 8 : index
      %get3A_1529 = tpu.vector_load %arg6[%get3A_1528] {strides = array<i32>} : memref<48xi32, #tpu.memory_space<vmem>>, vector<16xi32>,
      %get3A_1530 = vector.shape_cast %get3A_1529 : vector<16xi32> to vector<16xi32>
      %add3A_1531 = arith.addi %add3A_1523, %get3A_1530 : vector<16xi32>
      %sub3A_1532 = arith.subi %add3A_1531, %select_n3A_1499 : vector<16xi32>
      %add3A_1533 = arith.addi %sub3A_1532, %add3A_1493 : vector<16xi32>
      %lt3A_1534 = arith.cmpi slt, %add3A_1533, %broadcast_in_dim3A_352 : vector<16xi32>
      %and3A_1535 = arith.andi %eq3A_1498, %lt3A_1534 : vector<16xi1>
      %or3A_1536 = arith.ori %gt3A_1497, %and3A_1535 : vector<16xi1>
      %select_n3A_1537 = arith.select %or3A_1536, %broadcast_in_dim3A_5, %broadcast_in_dim3A_7 : vector<16xi1>, vector<16xf32>
      %swap3A_1538 = arith.constant 352 : index
      %swap3A_1539 = tpu.vector_load %arg5[%swap3A_1538] {strides = array<i32>} : memref<768xf32, #tpu.memory_space<vmem>>, vector<16xf32>,
      %swap3A_1540 = vector.shape_cast %swap3A_1539 : vector<16xf32> to vector<16xf32>
      %swap3A_1541 = vector.shape_cast %select_n3A_1537 : vector<16xf32> to vector<16xf32>
      tpu.vector_store %arg5[%swap3A_1538], %swap3A_1541 {strides = array<i32>} : memref<768xf32, #tpu.memory_space<vmem>>, vector<16xf32>,
      %slice3A_1542 = vector.extract_strided_slice %add3A_1531 {offsets = [15], sizes = [1], strides = [1]} : vector<16xi32> to vector<1xi32>
      %squeeze3A_1543 = vector.extract %slice3A_1542[0] : i32 from vector<1xi32>
      %broadcast_in_dim3A_1544 = vector.broadcast %squeeze3A_1543 : i32 to vector<16xi32>
      %add3A_1545 = arith.addi %add3A_1493, %broadcast_in_dim3A_1544 : vector<16xi32>
      %get3A_1546 = arith.constant 368 : index
      %get3A_1547 = tpu.vector_load %arg4[%get3A_1546] {strides = array<i32>} : memref<768xi32, #tpu.memory_space<vmem>>, vector<16xi32>,
      %get3A_1548 = vector.shape_cast %get3A_1547 : vector<16xi32> to vector<16xi32>
      %gt3A_1549 = arith.cmpi sgt, %get3A_1548, %broadcast_in_dim3A_33 : vector<16xi32>
      %eq3A_1550 = arith.cmpi eq, %get3A_1548, %broadcast_in_dim3A_33 : vector<16xi32>
      %select_n3A_1551 = arith.select %eq3A_1550, %broadcast_in_dim3A_1, %broadcast_in_dim3A_3 : vector<16xi1>, vector<16xi32>
      %swap3A_1552 = arith.constant 16 : index
      %swap3A_1553 = tpu.vector_load %arg6[%swap3A_1552] {strides = array<i32>} : memref<48xi32, #tpu.memory_space<vmem>>, vector<16xi32>,
      %swap3A_1554 = vector.shape_cast %swap3A_1553 : vector<16xi32> to vector<16xi32>
      %swap3A_1555 = vector.shape_cast %select_n3A_1551 : vector<16xi32> to vector<16xi32>
      tpu.vector_store %arg6[%swap3A_1552], %swap3A_1555 {strides = array<i32>} : memref<48xi32, #tpu.memory_space<vmem>>, vector<16xi32>,
      %get3A_1556 = arith.constant 15 : index
      %get3A_1557 = tpu.vector_load %arg6[%get3A_1556] {strides = array<i32>} : memref<48xi32, #tpu.memory_space<vmem>>, vector<16xi32>,
      %get3A_1558 = vector.shape_cast %get3A_1557 : vector<16xi32> to vector<16xi32>
      %add3A_1559 = arith.addi %select_n3A_1551, %get3A_1558 : vector<16xi32>
      %swap3A_1560 = arith.constant 16 : index
      %swap3A_1561 = tpu.vector_load %arg6[%swap3A_1560] {strides = array<i32>} : memref<48xi32, #tpu.memory_space<vmem>>, vector<16xi32>,
      %swap3A_1562 = vector.shape_cast %swap3A_1561 : vector<16xi32> to vector<16xi32>
      %swap3A_1563 = vector.shape_cast %add3A_1559 : vector<16xi32> to vector<16xi32>
      tpu.vector_store %arg6[%swap3A_1560], %swap3A_1563 {strides = array<i32>} : memref<48xi32, #tpu.memory_space<vmem>>, vector<16xi32>,
      %get3A_1564 = arith.constant 14 : index
      %get3A_1565 = tpu.vector_load %arg6[%get3A_1564] {strides = array<i32>} : memref<48xi32, #tpu.memory_space<vmem>>, vector<16xi32>,
      %get3A_1566 = vector.shape_cast %get3A_1565 : vector<16xi32> to vector<16xi32>
      %add3A_1567 = arith.addi %add3A_1559, %get3A_1566 : vector<16xi32>
      %swap3A_1568 = arith.constant 16 : index
      %swap3A_1569 = tpu.vector_load %arg6[%swap3A_1568] {strides = array<i32>} : memref<48xi32, #tpu.memory_space<vmem>>, vector<16xi32>,
      %swap3A_1570 = vector.shape_cast %swap3A_1569 : vector<16xi32> to vector<16xi32>
      %swap3A_1571 = vector.shape_cast %add3A_1567 : vector<16xi32> to vector<16xi32>
      tpu.vector_store %arg6[%swap3A_1568], %swap3A_1571 {strides = array<i32>} : memref<48xi32, #tpu.memory_space<vmem>>, vector<16xi32>,
      %get3A_1572 = arith.constant 12 : index
      %get3A_1573 = tpu.vector_load %arg6[%get3A_1572] {strides = array<i32>} : memref<48xi32, #tpu.memory_space<vmem>>, vector<16xi32>,
      %get3A_1574 = vector.shape_cast %get3A_1573 : vector<16xi32> to vector<16xi32>
      %add3A_1575 = arith.addi %add3A_1567, %get3A_1574 : vector<16xi32>
      %swap3A_1576 = arith.constant 16 : index
      %swap3A_1577 = tpu.vector_load %arg6[%swap3A_1576] {strides = array<i32>} : memref<48xi32, #tpu.memory_space<vmem>>, vector<16xi32>,
      %swap3A_1578 = vector.shape_cast %swap3A_1577 : vector<16xi32> to vector<16xi32>
      %swap3A_1579 = vector.shape_cast %add3A_1575 : vector<16xi32> to vector<16xi32>
      tpu.vector_store %arg6[%swap3A_1576], %swap3A_1579 {strides = array<i32>} : memref<48xi32, #tpu.memory_space<vmem>>, vector<16xi32>,
      %get3A_1580 = arith.constant 8 : index
      %get3A_1581 = tpu.vector_load %arg6[%get3A_1580] {strides = array<i32>} : memref<48xi32, #tpu.memory_space<vmem>>, vector<16xi32>,
      %get3A_1582 = vector.shape_cast %get3A_1581 : vector<16xi32> to vector<16xi32>
      %add3A_1583 = arith.addi %add3A_1575, %get3A_1582 : vector<16xi32>
      %sub3A_1584 = arith.subi %add3A_1583, %select_n3A_1551 : vector<16xi32>
      %add3A_1585 = arith.addi %sub3A_1584, %add3A_1545 : vector<16xi32>
      %lt3A_1586 = arith.cmpi slt, %add3A_1585, %broadcast_in_dim3A_352 : vector<16xi32>
      %and3A_1587 = arith.andi %eq3A_1550, %lt3A_1586 : vector<16xi1>
      %or3A_1588 = arith.ori %gt3A_1549, %and3A_1587 : vector<16xi1>
      %select_n3A_1589 = arith.select %or3A_1588, %broadcast_in_dim3A_5, %broadcast_in_dim3A_7 : vector<16xi1>, vector<16xf32>
      %swap3A_1590 = arith.constant 368 : index
      %swap3A_1591 = tpu.vector_load %arg5[%swap3A_1590] {strides = array<i32>} : memref<768xf32, #tpu.memory_space<vmem>>, vector<16xf32>,
      %swap3A_1592 = vector.shape_cast %swap3A_1591 : vector<16xf32> to vector<16xf32>
      %swap3A_1593 = vector.shape_cast %select_n3A_1589 : vector<16xf32> to vector<16xf32>
      tpu.vector_store %arg5[%swap3A_1590], %swap3A_1593 {strides = array<i32>} : memref<768xf32, #tpu.memory_space<vmem>>, vector<16xf32>,
      %slice3A_1594 = vector.extract_strided_slice %add3A_1583 {offsets = [15], sizes = [1], strides = [1]} : vector<16xi32> to vector<1xi32>
      %squeeze3A_1595 = vector.extract %slice3A_1594[0] : i32 from vector<1xi32>
      %broadcast_in_dim3A_1596 = vector.broadcast %squeeze3A_1595 : i32 to vector<16xi32>
      %add3A_1597 = arith.addi %add3A_1545, %broadcast_in_dim3A_1596 : vector<16xi32>
      %get3A_1598 = arith.constant 384 : index
      %get3A_1599 = tpu.vector_load %arg4[%get3A_1598] {strides = array<i32>} : memref<768xi32, #tpu.memory_space<vmem>>, vector<16xi32>,
      %get3A_1600 = vector.shape_cast %get3A_1599 : vector<16xi32> to vector<16xi32>
      %gt3A_1601 = arith.cmpi sgt, %get3A_1600, %broadcast_in_dim3A_33 : vector<16xi32>
      %eq3A_1602 = arith.cmpi eq, %get3A_1600, %broadcast_in_dim3A_33 : vector<16xi32>
      %select_n3A_1603 = arith.select %eq3A_1602, %broadcast_in_dim3A_1, %broadcast_in_dim3A_3 : vector<16xi1>, vector<16xi32>
      %swap3A_1604 = arith.constant 16 : index
      %swap3A_1605 = tpu.vector_load %arg6[%swap3A_1604] {strides = array<i32>} : memref<48xi32, #tpu.memory_space<vmem>>, vector<16xi32>,
      %swap3A_1606 = vector.shape_cast %swap3A_1605 : vector<16xi32> to vector<16xi32>
      %swap3A_1607 = vector.shape_cast %select_n3A_1603 : vector<16xi32> to vector<16xi32>
      tpu.vector_store %arg6[%swap3A_1604], %swap3A_1607 {strides = array<i32>} : memref<48xi32, #tpu.memory_space<vmem>>, vector<16xi32>,
      %get3A_1608 = arith.constant 15 : index
      %get3A_1609 = tpu.vector_load %arg6[%get3A_1608] {strides = array<i32>} : memref<48xi32, #tpu.memory_space<vmem>>, vector<16xi32>,
      %get3A_1610 = vector.shape_cast %get3A_1609 : vector<16xi32> to vector<16xi32>
      %add3A_1611 = arith.addi %select_n3A_1603, %get3A_1610 : vector<16xi32>
      %swap3A_1612 = arith.constant 16 : index
      %swap3A_1613 = tpu.vector_load %arg6[%swap3A_1612] {strides = array<i32>} : memref<48xi32, #tpu.memory_space<vmem>>, vector<16xi32>,
      %swap3A_1614 = vector.shape_cast %swap3A_1613 : vector<16xi32> to vector<16xi32>
      %swap3A_1615 = vector.shape_cast %add3A_1611 : vector<16xi32> to vector<16xi32>
      tpu.vector_store %arg6[%swap3A_1612], %swap3A_1615 {strides = array<i32>} : memref<48xi32, #tpu.memory_space<vmem>>, vector<16xi32>,
      %get3A_1616 = arith.constant 14 : index
      %get3A_1617 = tpu.vector_load %arg6[%get3A_1616] {strides = array<i32>} : memref<48xi32, #tpu.memory_space<vmem>>, vector<16xi32>,
      %get3A_1618 = vector.shape_cast %get3A_1617 : vector<16xi32> to vector<16xi32>
      %add3A_1619 = arith.addi %add3A_1611, %get3A_1618 : vector<16xi32>
      %swap3A_1620 = arith.constant 16 : index
      %swap3A_1621 = tpu.vector_load %arg6[%swap3A_1620] {strides = array<i32>} : memref<48xi32, #tpu.memory_space<vmem>>, vector<16xi32>,
      %swap3A_1622 = vector.shape_cast %swap3A_1621 : vector<16xi32> to vector<16xi32>
      %swap3A_1623 = vector.shape_cast %add3A_1619 : vector<16xi32> to vector<16xi32>
      tpu.vector_store %arg6[%swap3A_1620], %swap3A_1623 {strides = array<i32>} : memref<48xi32, #tpu.memory_space<vmem>>, vector<16xi32>,
      %get3A_1624 = arith.constant 12 : index
      %get3A_1625 = tpu.vector_load %arg6[%get3A_1624] {strides = array<i32>} : memref<48xi32, #tpu.memory_space<vmem>>, vector<16xi32>,
      %get3A_1626 = vector.shape_cast %get3A_1625 : vector<16xi32> to vector<16xi32>
      %add3A_1627 = arith.addi %add3A_1619, %get3A_1626 : vector<16xi32>
      %swap3A_1628 = arith.constant 16 : index
      %swap3A_1629 = tpu.vector_load %arg6[%swap3A_1628] {strides = array<i32>} : memref<48xi32, #tpu.memory_space<vmem>>, vector<16xi32>,
      %swap3A_1630 = vector.shape_cast %swap3A_1629 : vector<16xi32> to vector<16xi32>
      %swap3A_1631 = vector.shape_cast %add3A_1627 : vector<16xi32> to vector<16xi32>
      tpu.vector_store %arg6[%swap3A_1628], %swap3A_1631 {strides = array<i32>} : memref<48xi32, #tpu.memory_space<vmem>>, vector<16xi32>,
      %get3A_1632 = arith.constant 8 : index
      %get3A_1633 = tpu.vector_load %arg6[%get3A_1632] {strides = array<i32>} : memref<48xi32, #tpu.memory_space<vmem>>, vector<16xi32>,
      %get3A_1634 = vector.shape_cast %get3A_1633 : vector<16xi32> to vector<16xi32>
      %add3A_1635 = arith.addi %add3A_1627, %get3A_1634 : vector<16xi32>
      %sub3A_1636 = arith.subi %add3A_1635, %select_n3A_1603 : vector<16xi32>
      %add3A_1637 = arith.addi %sub3A_1636, %add3A_1597 : vector<16xi32>
      %lt3A_1638 = arith.cmpi slt, %add3A_1637, %broadcast_in_dim3A_352 : vector<16xi32>
      %and3A_1639 = arith.andi %eq3A_1602, %lt3A_1638 : vector<16xi1>
      %or3A_1640 = arith.ori %gt3A_1601, %and3A_1639 : vector<16xi1>
      %select_n3A_1641 = arith.select %or3A_1640, %broadcast_in_dim3A_5, %broadcast_in_dim3A_7 : vector<16xi1>, vector<16xf32>
      %swap3A_1642 = arith.constant 384 : index
      %swap3A_1643 = tpu.vector_load %arg5[%swap3A_1642] {strides = array<i32>} : memref<768xf32, #tpu.memory_space<vmem>>, vector<16xf32>,
      %swap3A_1644 = vector.shape_cast %swap3A_1643 : vector<16xf32> to vector<16xf32>
      %swap3A_1645 = vector.shape_cast %select_n3A_1641 : vector<16xf32> to vector<16xf32>
      tpu.vector_store %arg5[%swap3A_1642], %swap3A_1645 {strides = array<i32>} : memref<768xf32, #tpu.memory_space<vmem>>, vector<16xf32>,
      %slice3A_1646 = vector.extract_strided_slice %add3A_1635 {offsets = [15], sizes = [1], strides = [1]} : vector<16xi32> to vector<1xi32>
      %squeeze3A_1647 = vector.extract %slice3A_1646[0] : i32 from vector<1xi32>
      %broadcast_in_dim3A_1648 = vector.broadcast %squeeze3A_1647 : i32 to vector<16xi32>
      %add3A_1649 = arith.addi %add3A_1597, %broadcast_in_dim3A_1648 : vector<16xi32>
      %get3A_1650 = arith.constant 400 : index
      %get3A_1651 = tpu.vector_load %arg4[%get3A_1650] {strides = array<i32>} : memref<768xi32, #tpu.memory_space<vmem>>, vector<16xi32>,
      %get3A_1652 = vector.shape_cast %get3A_1651 : vector<16xi32> to vector<16xi32>
      %gt3A_1653 = arith.cmpi sgt, %get3A_1652, %broadcast_in_dim3A_33 : vector<16xi32>
      %eq3A_1654 = arith.cmpi eq, %get3A_1652, %broadcast_in_dim3A_33 : vector<16xi32>
      %select_n3A_1655 = arith.select %eq3A_1654, %broadcast_in_dim3A_1, %broadcast_in_dim3A_3 : vector<16xi1>, vector<16xi32>
      %swap3A_1656 = arith.constant 16 : index
      %swap3A_1657 = tpu.vector_load %arg6[%swap3A_1656] {strides = array<i32>} : memref<48xi32, #tpu.memory_space<vmem>>, vector<16xi32>,
      %swap3A_1658 = vector.shape_cast %swap3A_1657 : vector<16xi32> to vector<16xi32>
      %swap3A_1659 = vector.shape_cast %select_n3A_1655 : vector<16xi32> to vector<16xi32>
      tpu.vector_store %arg6[%swap3A_1656], %swap3A_1659 {strides = array<i32>} : memref<48xi32, #tpu.memory_space<vmem>>, vector<16xi32>,
      %get3A_1660 = arith.constant 15 : index
      %get3A_1661 = tpu.vector_load %arg6[%get3A_1660] {strides = array<i32>} : memref<48xi32, #tpu.memory_space<vmem>>, vector<16xi32>,
      %get3A_1662 = vector.shape_cast %get3A_1661 : vector<16xi32> to vector<16xi32>
      %add3A_1663 = arith.addi %select_n3A_1655, %get3A_1662 : vector<16xi32>
      %swap3A_1664 = arith.constant 16 : index
      %swap3A_1665 = tpu.vector_load %arg6[%swap3A_1664] {strides = array<i32>} : memref<48xi32, #tpu.memory_space<vmem>>, vector<16xi32>,
      %swap3A_1666 = vector.shape_cast %swap3A_1665 : vector<16xi32> to vector<16xi32>
      %swap3A_1667 = vector.shape_cast %add3A_1663 : vector<16xi32> to vector<16xi32>
      tpu.vector_store %arg6[%swap3A_1664], %swap3A_1667 {strides = array<i32>} : memref<48xi32, #tpu.memory_space<vmem>>, vector<16xi32>,
      %get3A_1668 = arith.constant 14 : index
      %get3A_1669 = tpu.vector_load %arg6[%get3A_1668] {strides = array<i32>} : memref<48xi32, #tpu.memory_space<vmem>>, vector<16xi32>,
      %get3A_1670 = vector.shape_cast %get3A_1669 : vector<16xi32> to vector<16xi32>
      %add3A_1671 = arith.addi %add3A_1663, %get3A_1670 : vector<16xi32>
      %swap3A_1672 = arith.constant 16 : index
      %swap3A_1673 = tpu.vector_load %arg6[%swap3A_1672] {strides = array<i32>} : memref<48xi32, #tpu.memory_space<vmem>>, vector<16xi32>,
      %swap3A_1674 = vector.shape_cast %swap3A_1673 : vector<16xi32> to vector<16xi32>
      %swap3A_1675 = vector.shape_cast %add3A_1671 : vector<16xi32> to vector<16xi32>
      tpu.vector_store %arg6[%swap3A_1672], %swap3A_1675 {strides = array<i32>} : memref<48xi32, #tpu.memory_space<vmem>>, vector<16xi32>,
      %get3A_1676 = arith.constant 12 : index
      %get3A_1677 = tpu.vector_load %arg6[%get3A_1676] {strides = array<i32>} : memref<48xi32, #tpu.memory_space<vmem>>, vector<16xi32>,
      %get3A_1678 = vector.shape_cast %get3A_1677 : vector<16xi32> to vector<16xi32>
      %add3A_1679 = arith.addi %add3A_1671, %get3A_1678 : vector<16xi32>
      %swap3A_1680 = arith.constant 16 : index
      %swap3A_1681 = tpu.vector_load %arg6[%swap3A_1680] {strides = array<i32>} : memref<48xi32, #tpu.memory_space<vmem>>, vector<16xi32>,
      %swap3A_1682 = vector.shape_cast %swap3A_1681 : vector<16xi32> to vector<16xi32>
      %swap3A_1683 = vector.shape_cast %add3A_1679 : vector<16xi32> to vector<16xi32>
      tpu.vector_store %arg6[%swap3A_1680], %swap3A_1683 {strides = array<i32>} : memref<48xi32, #tpu.memory_space<vmem>>, vector<16xi32>,
      %get3A_1684 = arith.constant 8 : index
      %get3A_1685 = tpu.vector_load %arg6[%get3A_1684] {strides = array<i32>} : memref<48xi32, #tpu.memory_space<vmem>>, vector<16xi32>,
      %get3A_1686 = vector.shape_cast %get3A_1685 : vector<16xi32> to vector<16xi32>
      %add3A_1687 = arith.addi %add3A_1679, %get3A_1686 : vector<16xi32>
      %sub3A_1688 = arith.subi %add3A_1687, %select_n3A_1655 : vector<16xi32>
      %add3A_1689 = arith.addi %sub3A_1688, %add3A_1649 : vector<16xi32>
      %lt3A_1690 = arith.cmpi slt, %add3A_1689, %broadcast_in_dim3A_352 : vector<16xi32>
      %and3A_1691 = arith.andi %eq3A_1654, %lt3A_1690 : vector<16xi1>
      %or3A_1692 = arith.ori %gt3A_1653, %and3A_1691 : vector<16xi1>
      %select_n3A_1693 = arith.select %or3A_1692, %broadcast_in_dim3A_5, %broadcast_in_dim3A_7 : vector<16xi1>, vector<16xf32>
      %swap3A_1694 = arith.constant 400 : index
      %swap3A_1695 = tpu.vector_load %arg5[%swap3A_1694] {strides = array<i32>} : memref<768xf32, #tpu.memory_space<vmem>>, vector<16xf32>,
      %swap3A_1696 = vector.shape_cast %swap3A_1695 : vector<16xf32> to vector<16xf32>
      %swap3A_1697 = vector.shape_cast %select_n3A_1693 : vector<16xf32> to vector<16xf32>
      tpu.vector_store %arg5[%swap3A_1694], %swap3A_1697 {strides = array<i32>} : memref<768xf32, #tpu.memory_space<vmem>>, vector<16xf32>,
      %slice3A_1698 = vector.extract_strided_slice %add3A_1687 {offsets = [15], sizes = [1], strides = [1]} : vector<16xi32> to vector<1xi32>
      %squeeze3A_1699 = vector.extract %slice3A_1698[0] : i32 from vector<1xi32>
      %broadcast_in_dim3A_1700 = vector.broadcast %squeeze3A_1699 : i32 to vector<16xi32>
      %add3A_1701 = arith.addi %add3A_1649, %broadcast_in_dim3A_1700 : vector<16xi32>
      %get3A_1702 = arith.constant 416 : index
      %get3A_1703 = tpu.vector_load %arg4[%get3A_1702] {strides = array<i32>} : memref<768xi32, #tpu.memory_space<vmem>>, vector<16xi32>,
      %get3A_1704 = vector.shape_cast %get3A_1703 : vector<16xi32> to vector<16xi32>
      %gt3A_1705 = arith.cmpi sgt, %get3A_1704, %broadcast_in_dim3A_33 : vector<16xi32>
      %eq3A_1706 = arith.cmpi eq, %get3A_1704, %broadcast_in_dim3A_33 : vector<16xi32>
      %select_n3A_1707 = arith.select %eq3A_1706, %broadcast_in_dim3A_1, %broadcast_in_dim3A_3 : vector<16xi1>, vector<16xi32>
      %swap3A_1708 = arith.constant 16 : index
      %swap3A_1709 = tpu.vector_load %arg6[%swap3A_1708] {strides = array<i32>} : memref<48xi32, #tpu.memory_space<vmem>>, vector<16xi32>,
      %swap3A_1710 = vector.shape_cast %swap3A_1709 : vector<16xi32> to vector<16xi32>
      %swap3A_1711 = vector.shape_cast %select_n3A_1707 : vector<16xi32> to vector<16xi32>
      tpu.vector_store %arg6[%swap3A_1708], %swap3A_1711 {strides = array<i32>} : memref<48xi32, #tpu.memory_space<vmem>>, vector<16xi32>,
      %get3A_1712 = arith.constant 15 : index
      %get3A_1713 = tpu.vector_load %arg6[%get3A_1712] {strides = array<i32>} : memref<48xi32, #tpu.memory_space<vmem>>, vector<16xi32>,
      %get3A_1714 = vector.shape_cast %get3A_1713 : vector<16xi32> to vector<16xi32>
      %add3A_1715 = arith.addi %select_n3A_1707, %get3A_1714 : vector<16xi32>
      %swap3A_1716 = arith.constant 16 : index
      %swap3A_1717 = tpu.vector_load %arg6[%swap3A_1716] {strides = array<i32>} : memref<48xi32, #tpu.memory_space<vmem>>, vector<16xi32>,
      %swap3A_1718 = vector.shape_cast %swap3A_1717 : vector<16xi32> to vector<16xi32>
      %swap3A_1719 = vector.shape_cast %add3A_1715 : vector<16xi32> to vector<16xi32>
      tpu.vector_store %arg6[%swap3A_1716], %swap3A_1719 {strides = array<i32>} : memref<48xi32, #tpu.memory_space<vmem>>, vector<16xi32>,
      %get3A_1720 = arith.constant 14 : index
      %get3A_1721 = tpu.vector_load %arg6[%get3A_1720] {strides = array<i32>} : memref<48xi32, #tpu.memory_space<vmem>>, vector<16xi32>,
      %get3A_1722 = vector.shape_cast %get3A_1721 : vector<16xi32> to vector<16xi32>
      %add3A_1723 = arith.addi %add3A_1715, %get3A_1722 : vector<16xi32>
      %swap3A_1724 = arith.constant 16 : index
      %swap3A_1725 = tpu.vector_load %arg6[%swap3A_1724] {strides = array<i32>} : memref<48xi32, #tpu.memory_space<vmem>>, vector<16xi32>,
      %swap3A_1726 = vector.shape_cast %swap3A_1725 : vector<16xi32> to vector<16xi32>
      %swap3A_1727 = vector.shape_cast %add3A_1723 : vector<16xi32> to vector<16xi32>
      tpu.vector_store %arg6[%swap3A_1724], %swap3A_1727 {strides = array<i32>} : memref<48xi32, #tpu.memory_space<vmem>>, vector<16xi32>,
      %get3A_1728 = arith.constant 12 : index
      %get3A_1729 = tpu.vector_load %arg6[%get3A_1728] {strides = array<i32>} : memref<48xi32, #tpu.memory_space<vmem>>, vector<16xi32>,
      %get3A_1730 = vector.shape_cast %get3A_1729 : vector<16xi32> to vector<16xi32>
      %add3A_1731 = arith.addi %add3A_1723, %get3A_1730 : vector<16xi32>
      %swap3A_1732 = arith.constant 16 : index
      %swap3A_1733 = tpu.vector_load %arg6[%swap3A_1732] {strides = array<i32>} : memref<48xi32, #tpu.memory_space<vmem>>, vector<16xi32>,
      %swap3A_1734 = vector.shape_cast %swap3A_1733 : vector<16xi32> to vector<16xi32>
      %swap3A_1735 = vector.shape_cast %add3A_1731 : vector<16xi32> to vector<16xi32>
      tpu.vector_store %arg6[%swap3A_1732], %swap3A_1735 {strides = array<i32>} : memref<48xi32, #tpu.memory_space<vmem>>, vector<16xi32>,
      %get3A_1736 = arith.constant 8 : index
      %get3A_1737 = tpu.vector_load %arg6[%get3A_1736] {strides = array<i32>} : memref<48xi32, #tpu.memory_space<vmem>>, vector<16xi32>,
      %get3A_1738 = vector.shape_cast %get3A_1737 : vector<16xi32> to vector<16xi32>
      %add3A_1739 = arith.addi %add3A_1731, %get3A_1738 : vector<16xi32>
      %sub3A_1740 = arith.subi %add3A_1739, %select_n3A_1707 : vector<16xi32>
      %add3A_1741 = arith.addi %sub3A_1740, %add3A_1701 : vector<16xi32>
      %lt3A_1742 = arith.cmpi slt, %add3A_1741, %broadcast_in_dim3A_352 : vector<16xi32>
      %and3A_1743 = arith.andi %eq3A_1706, %lt3A_1742 : vector<16xi1>
      %or3A_1744 = arith.ori %gt3A_1705, %and3A_1743 : vector<16xi1>
      %select_n3A_1745 = arith.select %or3A_1744, %broadcast_in_dim3A_5, %broadcast_in_dim3A_7 : vector<16xi1>, vector<16xf32>
      %swap3A_1746 = arith.constant 416 : index
      %swap3A_1747 = tpu.vector_load %arg5[%swap3A_1746] {strides = array<i32>} : memref<768xf32, #tpu.memory_space<vmem>>, vector<16xf32>,
      %swap3A_1748 = vector.shape_cast %swap3A_1747 : vector<16xf32> to vector<16xf32>
      %swap3A_1749 = vector.shape_cast %select_n3A_1745 : vector<16xf32> to vector<16xf32>
      tpu.vector_store %arg5[%swap3A_1746], %swap3A_1749 {strides = array<i32>} : memref<768xf32, #tpu.memory_space<vmem>>, vector<16xf32>,
      %slice3A_1750 = vector.extract_strided_slice %add3A_1739 {offsets = [15], sizes = [1], strides = [1]} : vector<16xi32> to vector<1xi32>
      %squeeze3A_1751 = vector.extract %slice3A_1750[0] : i32 from vector<1xi32>
      %broadcast_in_dim3A_1752 = vector.broadcast %squeeze3A_1751 : i32 to vector<16xi32>
      %add3A_1753 = arith.addi %add3A_1701, %broadcast_in_dim3A_1752 : vector<16xi32>
      %get3A_1754 = arith.constant 432 : index
      %get3A_1755 = tpu.vector_load %arg4[%get3A_1754] {strides = array<i32>} : memref<768xi32, #tpu.memory_space<vmem>>, vector<16xi32>,
      %get3A_1756 = vector.shape_cast %get3A_1755 : vector<16xi32> to vector<16xi32>
      %gt3A_1757 = arith.cmpi sgt, %get3A_1756, %broadcast_in_dim3A_33 : vector<16xi32>
      %eq3A_1758 = arith.cmpi eq, %get3A_1756, %broadcast_in_dim3A_33 : vector<16xi32>
      %select_n3A_1759 = arith.select %eq3A_1758, %broadcast_in_dim3A_1, %broadcast_in_dim3A_3 : vector<16xi1>, vector<16xi32>
      %swap3A_1760 = arith.constant 16 : index
      %swap3A_1761 = tpu.vector_load %arg6[%swap3A_1760] {strides = array<i32>} : memref<48xi32, #tpu.memory_space<vmem>>, vector<16xi32>,
      %swap3A_1762 = vector.shape_cast %swap3A_1761 : vector<16xi32> to vector<16xi32>
      %swap3A_1763 = vector.shape_cast %select_n3A_1759 : vector<16xi32> to vector<16xi32>
      tpu.vector_store %arg6[%swap3A_1760], %swap3A_1763 {strides = array<i32>} : memref<48xi32, #tpu.memory_space<vmem>>, vector<16xi32>,
      %get3A_1764 = arith.constant 15 : index
      %get3A_1765 = tpu.vector_load %arg6[%get3A_1764] {strides = array<i32>} : memref<48xi32, #tpu.memory_space<vmem>>, vector<16xi32>,
      %get3A_1766 = vector.shape_cast %get3A_1765 : vector<16xi32> to vector<16xi32>
      %add3A_1767 = arith.addi %select_n3A_1759, %get3A_1766 : vector<16xi32>
      %swap3A_1768 = arith.constant 16 : index
      %swap3A_1769 = tpu.vector_load %arg6[%swap3A_1768] {strides = array<i32>} : memref<48xi32, #tpu.memory_space<vmem>>, vector<16xi32>,
      %swap3A_1770 = vector.shape_cast %swap3A_1769 : vector<16xi32> to vector<16xi32>
      %swap3A_1771 = vector.shape_cast %add3A_1767 : vector<16xi32> to vector<16xi32>
      tpu.vector_store %arg6[%swap3A_1768], %swap3A_1771 {strides = array<i32>} : memref<48xi32, #tpu.memory_space<vmem>>, vector<16xi32>,
      %get3A_1772 = arith.constant 14 : index
      %get3A_1773 = tpu.vector_load %arg6[%get3A_1772] {strides = array<i32>} : memref<48xi32, #tpu.memory_space<vmem>>, vector<16xi32>,
      %get3A_1774 = vector.shape_cast %get3A_1773 : vector<16xi32> to vector<16xi32>
      %add3A_1775 = arith.addi %add3A_1767, %get3A_1774 : vector<16xi32>
      %swap3A_1776 = arith.constant 16 : index
      %swap3A_1777 = tpu.vector_load %arg6[%swap3A_1776] {strides = array<i32>} : memref<48xi32, #tpu.memory_space<vmem>>, vector<16xi32>,
      %swap3A_1778 = vector.shape_cast %swap3A_1777 : vector<16xi32> to vector<16xi32>
      %swap3A_1779 = vector.shape_cast %add3A_1775 : vector<16xi32> to vector<16xi32>
      tpu.vector_store %arg6[%swap3A_1776], %swap3A_1779 {strides = array<i32>} : memref<48xi32, #tpu.memory_space<vmem>>, vector<16xi32>,
      %get3A_1780 = arith.constant 12 : index
      %get3A_1781 = tpu.vector_load %arg6[%get3A_1780] {strides = array<i32>} : memref<48xi32, #tpu.memory_space<vmem>>, vector<16xi32>,
      %get3A_1782 = vector.shape_cast %get3A_1781 : vector<16xi32> to vector<16xi32>
      %add3A_1783 = arith.addi %add3A_1775, %get3A_1782 : vector<16xi32>
      %swap3A_1784 = arith.constant 16 : index
      %swap3A_1785 = tpu.vector_load %arg6[%swap3A_1784] {strides = array<i32>} : memref<48xi32, #tpu.memory_space<vmem>>, vector<16xi32>,
      %swap3A_1786 = vector.shape_cast %swap3A_1785 : vector<16xi32> to vector<16xi32>
      %swap3A_1787 = vector.shape_cast %add3A_1783 : vector<16xi32> to vector<16xi32>
      tpu.vector_store %arg6[%swap3A_1784], %swap3A_1787 {strides = array<i32>} : memref<48xi32, #tpu.memory_space<vmem>>, vector<16xi32>,
      %get3A_1788 = arith.constant 8 : index
      %get3A_1789 = tpu.vector_load %arg6[%get3A_1788] {strides = array<i32>} : memref<48xi32, #tpu.memory_space<vmem>>, vector<16xi32>,
      %get3A_1790 = vector.shape_cast %get3A_1789 : vector<16xi32> to vector<16xi32>
      %add3A_1791 = arith.addi %add3A_1783, %get3A_1790 : vector<16xi32>
      %sub3A_1792 = arith.subi %add3A_1791, %select_n3A_1759 : vector<16xi32>
      %add3A_1793 = arith.addi %sub3A_1792, %add3A_1753 : vector<16xi32>
      %lt3A_1794 = arith.cmpi slt, %add3A_1793, %broadcast_in_dim3A_352 : vector<16xi32>
      %and3A_1795 = arith.andi %eq3A_1758, %lt3A_1794 : vector<16xi1>
      %or3A_1796 = arith.ori %gt3A_1757, %and3A_1795 : vector<16xi1>
      %select_n3A_1797 = arith.select %or3A_1796, %broadcast_in_dim3A_5, %broadcast_in_dim3A_7 : vector<16xi1>, vector<16xf32>
      %swap3A_1798 = arith.constant 432 : index
      %swap3A_1799 = tpu.vector_load %arg5[%swap3A_1798] {strides = array<i32>} : memref<768xf32, #tpu.memory_space<vmem>>, vector<16xf32>,
      %swap3A_1800 = vector.shape_cast %swap3A_1799 : vector<16xf32> to vector<16xf32>
      %swap3A_1801 = vector.shape_cast %select_n3A_1797 : vector<16xf32> to vector<16xf32>
      tpu.vector_store %arg5[%swap3A_1798], %swap3A_1801 {strides = array<i32>} : memref<768xf32, #tpu.memory_space<vmem>>, vector<16xf32>,
      %slice3A_1802 = vector.extract_strided_slice %add3A_1791 {offsets = [15], sizes = [1], strides = [1]} : vector<16xi32> to vector<1xi32>
      %squeeze3A_1803 = vector.extract %slice3A_1802[0] : i32 from vector<1xi32>
      %broadcast_in_dim3A_1804 = vector.broadcast %squeeze3A_1803 : i32 to vector<16xi32>
      %add3A_1805 = arith.addi %add3A_1753, %broadcast_in_dim3A_1804 : vector<16xi32>
      %get3A_1806 = arith.constant 448 : index
      %get3A_1807 = tpu.vector_load %arg4[%get3A_1806] {strides = array<i32>} : memref<768xi32, #tpu.memory_space<vmem>>, vector<16xi32>,
      %get3A_1808 = vector.shape_cast %get3A_1807 : vector<16xi32> to vector<16xi32>
      %gt3A_1809 = arith.cmpi sgt, %get3A_1808, %broadcast_in_dim3A_33 : vector<16xi32>
      %eq3A_1810 = arith.cmpi eq, %get3A_1808, %broadcast_in_dim3A_33 : vector<16xi32>
      %select_n3A_1811 = arith.select %eq3A_1810, %broadcast_in_dim3A_1, %broadcast_in_dim3A_3 : vector<16xi1>, vector<16xi32>
      %swap3A_1812 = arith.constant 16 : index
      %swap3A_1813 = tpu.vector_load %arg6[%swap3A_1812] {strides = array<i32>} : memref<48xi32, #tpu.memory_space<vmem>>, vector<16xi32>,
      %swap3A_1814 = vector.shape_cast %swap3A_1813 : vector<16xi32> to vector<16xi32>
      %swap3A_1815 = vector.shape_cast %select_n3A_1811 : vector<16xi32> to vector<16xi32>
      tpu.vector_store %arg6[%swap3A_1812], %swap3A_1815 {strides = array<i32>} : memref<48xi32, #tpu.memory_space<vmem>>, vector<16xi32>,
      %get3A_1816 = arith.constant 15 : index
      %get3A_1817 = tpu.vector_load %arg6[%get3A_1816] {strides = array<i32>} : memref<48xi32, #tpu.memory_space<vmem>>, vector<16xi32>,
      %get3A_1818 = vector.shape_cast %get3A_1817 : vector<16xi32> to vector<16xi32>
      %add3A_1819 = arith.addi %select_n3A_1811, %get3A_1818 : vector<16xi32>
      %swap3A_1820 = arith.constant 16 : index
      %swap3A_1821 = tpu.vector_load %arg6[%swap3A_1820] {strides = array<i32>} : memref<48xi32, #tpu.memory_space<vmem>>, vector<16xi32>,
      %swap3A_1822 = vector.shape_cast %swap3A_1821 : vector<16xi32> to vector<16xi32>
      %swap3A_1823 = vector.shape_cast %add3A_1819 : vector<16xi32> to vector<16xi32>
      tpu.vector_store %arg6[%swap3A_1820], %swap3A_1823 {strides = array<i32>} : memref<48xi32, #tpu.memory_space<vmem>>, vector<16xi32>,
      %get3A_1824 = arith.constant 14 : index
      %get3A_1825 = tpu.vector_load %arg6[%get3A_1824] {strides = array<i32>} : memref<48xi32, #tpu.memory_space<vmem>>, vector<16xi32>,
      %get3A_1826 = vector.shape_cast %get3A_1825 : vector<16xi32> to vector<16xi32>
      %add3A_1827 = arith.addi %add3A_1819, %get3A_1826 : vector<16xi32>
      %swap3A_1828 = arith.constant 16 : index
      %swap3A_1829 = tpu.vector_load %arg6[%swap3A_1828] {strides = array<i32>} : memref<48xi32, #tpu.memory_space<vmem>>, vector<16xi32>,
      %swap3A_1830 = vector.shape_cast %swap3A_1829 : vector<16xi32> to vector<16xi32>
      %swap3A_1831 = vector.shape_cast %add3A_1827 : vector<16xi32> to vector<16xi32>
      tpu.vector_store %arg6[%swap3A_1828], %swap3A_1831 {strides = array<i32>} : memref<48xi32, #tpu.memory_space<vmem>>, vector<16xi32>,
      %get3A_1832 = arith.constant 12 : index
      %get3A_1833 = tpu.vector_load %arg6[%get3A_1832] {strides = array<i32>} : memref<48xi32, #tpu.memory_space<vmem>>, vector<16xi32>,
      %get3A_1834 = vector.shape_cast %get3A_1833 : vector<16xi32> to vector<16xi32>
      %add3A_1835 = arith.addi %add3A_1827, %get3A_1834 : vector<16xi32>
      %swap3A_1836 = arith.constant 16 : index
      %swap3A_1837 = tpu.vector_load %arg6[%swap3A_1836] {strides = array<i32>} : memref<48xi32, #tpu.memory_space<vmem>>, vector<16xi32>,
      %swap3A_1838 = vector.shape_cast %swap3A_1837 : vector<16xi32> to vector<16xi32>
      %swap3A_1839 = vector.shape_cast %add3A_1835 : vector<16xi32> to vector<16xi32>
      tpu.vector_store %arg6[%swap3A_1836], %swap3A_1839 {strides = array<i32>} : memref<48xi32, #tpu.memory_space<vmem>>, vector<16xi32>,
      %get3A_1840 = arith.constant 8 : index
      %get3A_1841 = tpu.vector_load %arg6[%get3A_1840] {strides = array<i32>} : memref<48xi32, #tpu.memory_space<vmem>>, vector<16xi32>,
      %get3A_1842 = vector.shape_cast %get3A_1841 : vector<16xi32> to vector<16xi32>
      %add3A_1843 = arith.addi %add3A_1835, %get3A_1842 : vector<16xi32>
      %sub3A_1844 = arith.subi %add3A_1843, %select_n3A_1811 : vector<16xi32>
      %add3A_1845 = arith.addi %sub3A_1844, %add3A_1805 : vector<16xi32>
      %lt3A_1846 = arith.cmpi slt, %add3A_1845, %broadcast_in_dim3A_352 : vector<16xi32>
      %and3A_1847 = arith.andi %eq3A_1810, %lt3A_1846 : vector<16xi1>
      %or3A_1848 = arith.ori %gt3A_1809, %and3A_1847 : vector<16xi1>
      %select_n3A_1849 = arith.select %or3A_1848, %broadcast_in_dim3A_5, %broadcast_in_dim3A_7 : vector<16xi1>, vector<16xf32>
      %swap3A_1850 = arith.constant 448 : index
      %swap3A_1851 = tpu.vector_load %arg5[%swap3A_1850] {strides = array<i32>} : memref<768xf32, #tpu.memory_space<vmem>>, vector<16xf32>,
      %swap3A_1852 = vector.shape_cast %swap3A_1851 : vector<16xf32> to vector<16xf32>
      %swap3A_1853 = vector.shape_cast %select_n3A_1849 : vector<16xf32> to vector<16xf32>
      tpu.vector_store %arg5[%swap3A_1850], %swap3A_1853 {strides = array<i32>} : memref<768xf32, #tpu.memory_space<vmem>>, vector<16xf32>,
      %slice3A_1854 = vector.extract_strided_slice %add3A_1843 {offsets = [15], sizes = [1], strides = [1]} : vector<16xi32> to vector<1xi32>
      %squeeze3A_1855 = vector.extract %slice3A_1854[0] : i32 from vector<1xi32>
      %broadcast_in_dim3A_1856 = vector.broadcast %squeeze3A_1855 : i32 to vector<16xi32>
      %add3A_1857 = arith.addi %add3A_1805, %broadcast_in_dim3A_1856 : vector<16xi32>
      %get3A_1858 = arith.constant 464 : index
      %get3A_1859 = tpu.vector_load %arg4[%get3A_1858] {strides = array<i32>} : memref<768xi32, #tpu.memory_space<vmem>>, vector<16xi32>,
      %get3A_1860 = vector.shape_cast %get3A_1859 : vector<16xi32> to vector<16xi32>
      %gt3A_1861 = arith.cmpi sgt, %get3A_1860, %broadcast_in_dim3A_33 : vector<16xi32>
      %eq3A_1862 = arith.cmpi eq, %get3A_1860, %broadcast_in_dim3A_33 : vector<16xi32>
      %select_n3A_1863 = arith.select %eq3A_1862, %broadcast_in_dim3A_1, %broadcast_in_dim3A_3 : vector<16xi1>, vector<16xi32>
      %swap3A_1864 = arith.constant 16 : index
      %swap3A_1865 = tpu.vector_load %arg6[%swap3A_1864] {strides = array<i32>} : memref<48xi32, #tpu.memory_space<vmem>>, vector<16xi32>,
      %swap3A_1866 = vector.shape_cast %swap3A_1865 : vector<16xi32> to vector<16xi32>
      %swap3A_1867 = vector.shape_cast %select_n3A_1863 : vector<16xi32> to vector<16xi32>
      tpu.vector_store %arg6[%swap3A_1864], %swap3A_1867 {strides = array<i32>} : memref<48xi32, #tpu.memory_space<vmem>>, vector<16xi32>,
      %get3A_1868 = arith.constant 15 : index
      %get3A_1869 = tpu.vector_load %arg6[%get3A_1868] {strides = array<i32>} : memref<48xi32, #tpu.memory_space<vmem>>, vector<16xi32>,
      %get3A_1870 = vector.shape_cast %get3A_1869 : vector<16xi32> to vector<16xi32>
      %add3A_1871 = arith.addi %select_n3A_1863, %get3A_1870 : vector<16xi32>
      %swap3A_1872 = arith.constant 16 : index
      %swap3A_1873 = tpu.vector_load %arg6[%swap3A_1872] {strides = array<i32>} : memref<48xi32, #tpu.memory_space<vmem>>, vector<16xi32>,
      %swap3A_1874 = vector.shape_cast %swap3A_1873 : vector<16xi32> to vector<16xi32>
      %swap3A_1875 = vector.shape_cast %add3A_1871 : vector<16xi32> to vector<16xi32>
      tpu.vector_store %arg6[%swap3A_1872], %swap3A_1875 {strides = array<i32>} : memref<48xi32, #tpu.memory_space<vmem>>, vector<16xi32>,
      %get3A_1876 = arith.constant 14 : index
      %get3A_1877 = tpu.vector_load %arg6[%get3A_1876] {strides = array<i32>} : memref<48xi32, #tpu.memory_space<vmem>>, vector<16xi32>,
      %get3A_1878 = vector.shape_cast %get3A_1877 : vector<16xi32> to vector<16xi32>
      %add3A_1879 = arith.addi %add3A_1871, %get3A_1878 : vector<16xi32>
      %swap3A_1880 = arith.constant 16 : index
      %swap3A_1881 = tpu.vector_load %arg6[%swap3A_1880] {strides = array<i32>} : memref<48xi32, #tpu.memory_space<vmem>>, vector<16xi32>,
      %swap3A_1882 = vector.shape_cast %swap3A_1881 : vector<16xi32> to vector<16xi32>
      %swap3A_1883 = vector.shape_cast %add3A_1879 : vector<16xi32> to vector<16xi32>
      tpu.vector_store %arg6[%swap3A_1880], %swap3A_1883 {strides = array<i32>} : memref<48xi32, #tpu.memory_space<vmem>>, vector<16xi32>,
      %get3A_1884 = arith.constant 12 : index
      %get3A_1885 = tpu.vector_load %arg6[%get3A_1884] {strides = array<i32>} : memref<48xi32, #tpu.memory_space<vmem>>, vector<16xi32>,
      %get3A_1886 = vector.shape_cast %get3A_1885 : vector<16xi32> to vector<16xi32>
      %add3A_1887 = arith.addi %add3A_1879, %get3A_1886 : vector<16xi32>
      %swap3A_1888 = arith.constant 16 : index
      %swap3A_1889 = tpu.vector_load %arg6[%swap3A_1888] {strides = array<i32>} : memref<48xi32, #tpu.memory_space<vmem>>, vector<16xi32>,
      %swap3A_1890 = vector.shape_cast %swap3A_1889 : vector<16xi32> to vector<16xi32>
      %swap3A_1891 = vector.shape_cast %add3A_1887 : vector<16xi32> to vector<16xi32>
      tpu.vector_store %arg6[%swap3A_1888], %swap3A_1891 {strides = array<i32>} : memref<48xi32, #tpu.memory_space<vmem>>, vector<16xi32>,
      %get3A_1892 = arith.constant 8 : index
      %get3A_1893 = tpu.vector_load %arg6[%get3A_1892] {strides = array<i32>} : memref<48xi32, #tpu.memory_space<vmem>>, vector<16xi32>,
      %get3A_1894 = vector.shape_cast %get3A_1893 : vector<16xi32> to vector<16xi32>
      %add3A_1895 = arith.addi %add3A_1887, %get3A_1894 : vector<16xi32>
      %sub3A_1896 = arith.subi %add3A_1895, %select_n3A_1863 : vector<16xi32>
      %add3A_1897 = arith.addi %sub3A_1896, %add3A_1857 : vector<16xi32>
      %lt3A_1898 = arith.cmpi slt, %add3A_1897, %broadcast_in_dim3A_352 : vector<16xi32>
      %and3A_1899 = arith.andi %eq3A_1862, %lt3A_1898 : vector<16xi1>
      %or3A_1900 = arith.ori %gt3A_1861, %and3A_1899 : vector<16xi1>
      %select_n3A_1901 = arith.select %or3A_1900, %broadcast_in_dim3A_5, %broadcast_in_dim3A_7 : vector<16xi1>, vector<16xf32>
      %swap3A_1902 = arith.constant 464 : index
      %swap3A_1903 = tpu.vector_load %arg5[%swap3A_1902] {strides = array<i32>} : memref<768xf32, #tpu.memory_space<vmem>>, vector<16xf32>,
      %swap3A_1904 = vector.shape_cast %swap3A_1903 : vector<16xf32> to vector<16xf32>
      %swap3A_1905 = vector.shape_cast %select_n3A_1901 : vector<16xf32> to vector<16xf32>
      tpu.vector_store %arg5[%swap3A_1902], %swap3A_1905 {strides = array<i32>} : memref<768xf32, #tpu.memory_space<vmem>>, vector<16xf32>,
      %slice3A_1906 = vector.extract_strided_slice %add3A_1895 {offsets = [15], sizes = [1], strides = [1]} : vector<16xi32> to vector<1xi32>
      %squeeze3A_1907 = vector.extract %slice3A_1906[0] : i32 from vector<1xi32>
      %broadcast_in_dim3A_1908 = vector.broadcast %squeeze3A_1907 : i32 to vector<16xi32>
      %add3A_1909 = arith.addi %add3A_1857, %broadcast_in_dim3A_1908 : vector<16xi32>
      %get3A_1910 = arith.constant 480 : index
      %get3A_1911 = tpu.vector_load %arg4[%get3A_1910] {strides = array<i32>} : memref<768xi32, #tpu.memory_space<vmem>>, vector<16xi32>,
      %get3A_1912 = vector.shape_cast %get3A_1911 : vector<16xi32> to vector<16xi32>
      %gt3A_1913 = arith.cmpi sgt, %get3A_1912, %broadcast_in_dim3A_33 : vector<16xi32>
      %eq3A_1914 = arith.cmpi eq, %get3A_1912, %broadcast_in_dim3A_33 : vector<16xi32>
      %select_n3A_1915 = arith.select %eq3A_1914, %broadcast_in_dim3A_1, %broadcast_in_dim3A_3 : vector<16xi1>, vector<16xi32>
      %swap3A_1916 = arith.constant 16 : index
      %swap3A_1917 = tpu.vector_load %arg6[%swap3A_1916] {strides = array<i32>} : memref<48xi32, #tpu.memory_space<vmem>>, vector<16xi32>,
      %swap3A_1918 = vector.shape_cast %swap3A_1917 : vector<16xi32> to vector<16xi32>
      %swap3A_1919 = vector.shape_cast %select_n3A_1915 : vector<16xi32> to vector<16xi32>
      tpu.vector_store %arg6[%swap3A_1916], %swap3A_1919 {strides = array<i32>} : memref<48xi32, #tpu.memory_space<vmem>>, vector<16xi32>,
      %get3A_1920 = arith.constant 15 : index
      %get3A_1921 = tpu.vector_load %arg6[%get3A_1920] {strides = array<i32>} : memref<48xi32, #tpu.memory_space<vmem>>, vector<16xi32>,
      %get3A_1922 = vector.shape_cast %get3A_1921 : vector<16xi32> to vector<16xi32>
      %add3A_1923 = arith.addi %select_n3A_1915, %get3A_1922 : vector<16xi32>
      %swap3A_1924 = arith.constant 16 : index
      %swap3A_1925 = tpu.vector_load %arg6[%swap3A_1924] {strides = array<i32>} : memref<48xi32, #tpu.memory_space<vmem>>, vector<16xi32>,
      %swap3A_1926 = vector.shape_cast %swap3A_1925 : vector<16xi32> to vector<16xi32>
      %swap3A_1927 = vector.shape_cast %add3A_1923 : vector<16xi32> to vector<16xi32>
      tpu.vector_store %arg6[%swap3A_1924], %swap3A_1927 {strides = array<i32>} : memref<48xi32, #tpu.memory_space<vmem>>, vector<16xi32>,
      %get3A_1928 = arith.constant 14 : index
      %get3A_1929 = tpu.vector_load %arg6[%get3A_1928] {strides = array<i32>} : memref<48xi32, #tpu.memory_space<vmem>>, vector<16xi32>,
      %get3A_1930 = vector.shape_cast %get3A_1929 : vector<16xi32> to vector<16xi32>
      %add3A_1931 = arith.addi %add3A_1923, %get3A_1930 : vector<16xi32>
      %swap3A_1932 = arith.constant 16 : index
      %swap3A_1933 = tpu.vector_load %arg6[%swap3A_1932] {strides = array<i32>} : memref<48xi32, #tpu.memory_space<vmem>>, vector<16xi32>,
      %swap3A_1934 = vector.shape_cast %swap3A_1933 : vector<16xi32> to vector<16xi32>
      %swap3A_1935 = vector.shape_cast %add3A_1931 : vector<16xi32> to vector<16xi32>
      tpu.vector_store %arg6[%swap3A_1932], %swap3A_1935 {strides = array<i32>} : memref<48xi32, #tpu.memory_space<vmem>>, vector<16xi32>,
      %get3A_1936 = arith.constant 12 : index
      %get3A_1937 = tpu.vector_load %arg6[%get3A_1936] {strides = array<i32>} : memref<48xi32, #tpu.memory_space<vmem>>, vector<16xi32>,
      %get3A_1938 = vector.shape_cast %get3A_1937 : vector<16xi32> to vector<16xi32>
      %add3A_1939 = arith.addi %add3A_1931, %get3A_1938 : vector<16xi32>
      %swap3A_1940 = arith.constant 16 : index
      %swap3A_1941 = tpu.vector_load %arg6[%swap3A_1940] {strides = array<i32>} : memref<48xi32, #tpu.memory_space<vmem>>, vector<16xi32>,
      %swap3A_1942 = vector.shape_cast %swap3A_1941 : vector<16xi32> to vector<16xi32>
      %swap3A_1943 = vector.shape_cast %add3A_1939 : vector<16xi32> to vector<16xi32>
      tpu.vector_store %arg6[%swap3A_1940], %swap3A_1943 {strides = array<i32>} : memref<48xi32, #tpu.memory_space<vmem>>, vector<16xi32>,
      %get3A_1944 = arith.constant 8 : index
      %get3A_1945 = tpu.vector_load %arg6[%get3A_1944] {strides = array<i32>} : memref<48xi32, #tpu.memory_space<vmem>>, vector<16xi32>,
      %get3A_1946 = vector.shape_cast %get3A_1945 : vector<16xi32> to vector<16xi32>
      %add3A_1947 = arith.addi %add3A_1939, %get3A_1946 : vector<16xi32>
      %sub3A_1948 = arith.subi %add3A_1947, %select_n3A_1915 : vector<16xi32>
      %add3A_1949 = arith.addi %sub3A_1948, %add3A_1909 : vector<16xi32>
      %lt3A_1950 = arith.cmpi slt, %add3A_1949, %broadcast_in_dim3A_352 : vector<16xi32>
      %and3A_1951 = arith.andi %eq3A_1914, %lt3A_1950 : vector<16xi1>
      %or3A_1952 = arith.ori %gt3A_1913, %and3A_1951 : vector<16xi1>
      %select_n3A_1953 = arith.select %or3A_1952, %broadcast_in_dim3A_5, %broadcast_in_dim3A_7 : vector<16xi1>, vector<16xf32>
      %swap3A_1954 = arith.constant 480 : index
      %swap3A_1955 = tpu.vector_load %arg5[%swap3A_1954] {strides = array<i32>} : memref<768xf32, #tpu.memory_space<vmem>>, vector<16xf32>,
      %swap3A_1956 = vector.shape_cast %swap3A_1955 : vector<16xf32> to vector<16xf32>
      %swap3A_1957 = vector.shape_cast %select_n3A_1953 : vector<16xf32> to vector<16xf32>
      tpu.vector_store %arg5[%swap3A_1954], %swap3A_1957 {strides = array<i32>} : memref<768xf32, #tpu.memory_space<vmem>>, vector<16xf32>,
      %slice3A_1958 = vector.extract_strided_slice %add3A_1947 {offsets = [15], sizes = [1], strides = [1]} : vector<16xi32> to vector<1xi32>
      %squeeze3A_1959 = vector.extract %slice3A_1958[0] : i32 from vector<1xi32>
      %broadcast_in_dim3A_1960 = vector.broadcast %squeeze3A_1959 : i32 to vector<16xi32>
      %add3A_1961 = arith.addi %add3A_1909, %broadcast_in_dim3A_1960 : vector<16xi32>
      %get3A_1962 = arith.constant 496 : index
      %get3A_1963 = tpu.vector_load %arg4[%get3A_1962] {strides = array<i32>} : memref<768xi32, #tpu.memory_space<vmem>>, vector<16xi32>,
      %get3A_1964 = vector.shape_cast %get3A_1963 : vector<16xi32> to vector<16xi32>
      %gt3A_1965 = arith.cmpi sgt, %get3A_1964, %broadcast_in_dim3A_33 : vector<16xi32>
      %eq3A_1966 = arith.cmpi eq, %get3A_1964, %broadcast_in_dim3A_33 : vector<16xi32>
      %select_n3A_1967 = arith.select %eq3A_1966, %broadcast_in_dim3A_1, %broadcast_in_dim3A_3 : vector<16xi1>, vector<16xi32>
      %swap3A_1968 = arith.constant 16 : index
      %swap3A_1969 = tpu.vector_load %arg6[%swap3A_1968] {strides = array<i32>} : memref<48xi32, #tpu.memory_space<vmem>>, vector<16xi32>,
      %swap3A_1970 = vector.shape_cast %swap3A_1969 : vector<16xi32> to vector<16xi32>
      %swap3A_1971 = vector.shape_cast %select_n3A_1967 : vector<16xi32> to vector<16xi32>
      tpu.vector_store %arg6[%swap3A_1968], %swap3A_1971 {strides = array<i32>} : memref<48xi32, #tpu.memory_space<vmem>>, vector<16xi32>,
      %get3A_1972 = arith.constant 15 : index
      %get3A_1973 = tpu.vector_load %arg6[%get3A_1972] {strides = array<i32>} : memref<48xi32, #tpu.memory_space<vmem>>, vector<16xi32>,
      %get3A_1974 = vector.shape_cast %get3A_1973 : vector<16xi32> to vector<16xi32>
      %add3A_1975 = arith.addi %select_n3A_1967, %get3A_1974 : vector<16xi32>
      %swap3A_1976 = arith.constant 16 : index
      %swap3A_1977 = tpu.vector_load %arg6[%swap3A_1976] {strides = array<i32>} : memref<48xi32, #tpu.memory_space<vmem>>, vector<16xi32>,
      %swap3A_1978 = vector.shape_cast %swap3A_1977 : vector<16xi32> to vector<16xi32>
      %swap3A_1979 = vector.shape_cast %add3A_1975 : vector<16xi32> to vector<16xi32>
      tpu.vector_store %arg6[%swap3A_1976], %swap3A_1979 {strides = array<i32>} : memref<48xi32, #tpu.memory_space<vmem>>, vector<16xi32>,
      %get3A_1980 = arith.constant 14 : index
      %get3A_1981 = tpu.vector_load %arg6[%get3A_1980] {strides = array<i32>} : memref<48xi32, #tpu.memory_space<vmem>>, vector<16xi32>,
      %get3A_1982 = vector.shape_cast %get3A_1981 : vector<16xi32> to vector<16xi32>
      %add3A_1983 = arith.addi %add3A_1975, %get3A_1982 : vector<16xi32>
      %swap3A_1984 = arith.constant 16 : index
      %swap3A_1985 = tpu.vector_load %arg6[%swap3A_1984] {strides = array<i32>} : memref<48xi32, #tpu.memory_space<vmem>>, vector<16xi32>,
      %swap3A_1986 = vector.shape_cast %swap3A_1985 : vector<16xi32> to vector<16xi32>
      %swap3A_1987 = vector.shape_cast %add3A_1983 : vector<16xi32> to vector<16xi32>
      tpu.vector_store %arg6[%swap3A_1984], %swap3A_1987 {strides = array<i32>} : memref<48xi32, #tpu.memory_space<vmem>>, vector<16xi32>,
      %get3A_1988 = arith.constant 12 : index
      %get3A_1989 = tpu.vector_load %arg6[%get3A_1988] {strides = array<i32>} : memref<48xi32, #tpu.memory_space<vmem>>, vector<16xi32>,
      %get3A_1990 = vector.shape_cast %get3A_1989 : vector<16xi32> to vector<16xi32>
      %add3A_1991 = arith.addi %add3A_1983, %get3A_1990 : vector<16xi32>
      %swap3A_1992 = arith.constant 16 : index
      %swap3A_1993 = tpu.vector_load %arg6[%swap3A_1992] {strides = array<i32>} : memref<48xi32, #tpu.memory_space<vmem>>, vector<16xi32>,
      %swap3A_1994 = vector.shape_cast %swap3A_1993 : vector<16xi32> to vector<16xi32>
      %swap3A_1995 = vector.shape_cast %add3A_1991 : vector<16xi32> to vector<16xi32>
      tpu.vector_store %arg6[%swap3A_1992], %swap3A_1995 {strides = array<i32>} : memref<48xi32, #tpu.memory_space<vmem>>, vector<16xi32>,
      %get3A_1996 = arith.constant 8 : index
      %get3A_1997 = tpu.vector_load %arg6[%get3A_1996] {strides = array<i32>} : memref<48xi32, #tpu.memory_space<vmem>>, vector<16xi32>,
      %get3A_1998 = vector.shape_cast %get3A_1997 : vector<16xi32> to vector<16xi32>
      %add3A_1999 = arith.addi %add3A_1991, %get3A_1998 : vector<16xi32>
      %sub3A_2000 = arith.subi %add3A_1999, %select_n3A_1967 : vector<16xi32>
      %add3A_2001 = arith.addi %sub3A_2000, %add3A_1961 : vector<16xi32>
      %lt3A_2002 = arith.cmpi slt, %add3A_2001, %broadcast_in_dim3A_352 : vector<16xi32>
      %and3A_2003 = arith.andi %eq3A_1966, %lt3A_2002 : vector<16xi1>
      %or3A_2004 = arith.ori %gt3A_1965, %and3A_2003 : vector<16xi1>
      %select_n3A_2005 = arith.select %or3A_2004, %broadcast_in_dim3A_5, %broadcast_in_dim3A_7 : vector<16xi1>, vector<16xf32>
      %swap3A_2006 = arith.constant 496 : index
      %swap3A_2007 = tpu.vector_load %arg5[%swap3A_2006] {strides = array<i32>} : memref<768xf32, #tpu.memory_space<vmem>>, vector<16xf32>,
      %swap3A_2008 = vector.shape_cast %swap3A_2007 : vector<16xf32> to vector<16xf32>
      %swap3A_2009 = vector.shape_cast %select_n3A_2005 : vector<16xf32> to vector<16xf32>
      tpu.vector_store %arg5[%swap3A_2006], %swap3A_2009 {strides = array<i32>} : memref<768xf32, #tpu.memory_space<vmem>>, vector<16xf32>,
      %slice3A_2010 = vector.extract_strided_slice %add3A_1999 {offsets = [15], sizes = [1], strides = [1]} : vector<16xi32> to vector<1xi32>
      %squeeze3A_2011 = vector.extract %slice3A_2010[0] : i32 from vector<1xi32>
      %broadcast_in_dim3A_2012 = vector.broadcast %squeeze3A_2011 : i32 to vector<16xi32>
      %add3A_2013 = arith.addi %add3A_1961, %broadcast_in_dim3A_2012 : vector<16xi32>
      %get3A_2014 = arith.constant 512 : index
      %get3A_2015 = tpu.vector_load %arg4[%get3A_2014] {strides = array<i32>} : memref<768xi32, #tpu.memory_space<vmem>>, vector<16xi32>,
      %get3A_2016 = vector.shape_cast %get3A_2015 : vector<16xi32> to vector<16xi32>
      %gt3A_2017 = arith.cmpi sgt, %get3A_2016, %broadcast_in_dim3A_33 : vector<16xi32>
      %eq3A_2018 = arith.cmpi eq, %get3A_2016, %broadcast_in_dim3A_33 : vector<16xi32>
      %select_n3A_2019 = arith.select %eq3A_2018, %broadcast_in_dim3A_1, %broadcast_in_dim3A_3 : vector<16xi1>, vector<16xi32>
      %swap3A_2020 = arith.constant 16 : index
      %swap3A_2021 = tpu.vector_load %arg6[%swap3A_2020] {strides = array<i32>} : memref<48xi32, #tpu.memory_space<vmem>>, vector<16xi32>,
      %swap3A_2022 = vector.shape_cast %swap3A_2021 : vector<16xi32> to vector<16xi32>
      %swap3A_2023 = vector.shape_cast %select_n3A_2019 : vector<16xi32> to vector<16xi32>
      tpu.vector_store %arg6[%swap3A_2020], %swap3A_2023 {strides = array<i32>} : memref<48xi32, #tpu.memory_space<vmem>>, vector<16xi32>,
      %get3A_2024 = arith.constant 15 : index
      %get3A_2025 = tpu.vector_load %arg6[%get3A_2024] {strides = array<i32>} : memref<48xi32, #tpu.memory_space<vmem>>, vector<16xi32>,
      %get3A_2026 = vector.shape_cast %get3A_2025 : vector<16xi32> to vector<16xi32>
      %add3A_2027 = arith.addi %select_n3A_2019, %get3A_2026 : vector<16xi32>
      %swap3A_2028 = arith.constant 16 : index
      %swap3A_2029 = tpu.vector_load %arg6[%swap3A_2028] {strides = array<i32>} : memref<48xi32, #tpu.memory_space<vmem>>, vector<16xi32>,
      %swap3A_2030 = vector.shape_cast %swap3A_2029 : vector<16xi32> to vector<16xi32>
      %swap3A_2031 = vector.shape_cast %add3A_2027 : vector<16xi32> to vector<16xi32>
      tpu.vector_store %arg6[%swap3A_2028], %swap3A_2031 {strides = array<i32>} : memref<48xi32, #tpu.memory_space<vmem>>, vector<16xi32>,
      %get3A_2032 = arith.constant 14 : index
      %get3A_2033 = tpu.vector_load %arg6[%get3A_2032] {strides = array<i32>} : memref<48xi32, #tpu.memory_space<vmem>>, vector<16xi32>,
      %get3A_2034 = vector.shape_cast %get3A_2033 : vector<16xi32> to vector<16xi32>
      %add3A_2035 = arith.addi %add3A_2027, %get3A_2034 : vector<16xi32>
      %swap3A_2036 = arith.constant 16 : index
      %swap3A_2037 = tpu.vector_load %arg6[%swap3A_2036] {strides = array<i32>} : memref<48xi32, #tpu.memory_space<vmem>>, vector<16xi32>,
      %swap3A_2038 = vector.shape_cast %swap3A_2037 : vector<16xi32> to vector<16xi32>
      %swap3A_2039 = vector.shape_cast %add3A_2035 : vector<16xi32> to vector<16xi32>
      tpu.vector_store %arg6[%swap3A_2036], %swap3A_2039 {strides = array<i32>} : memref<48xi32, #tpu.memory_space<vmem>>, vector<16xi32>,
      %get3A_2040 = arith.constant 12 : index
      %get3A_2041 = tpu.vector_load %arg6[%get3A_2040] {strides = array<i32>} : memref<48xi32, #tpu.memory_space<vmem>>, vector<16xi32>,
      %get3A_2042 = vector.shape_cast %get3A_2041 : vector<16xi32> to vector<16xi32>
      %add3A_2043 = arith.addi %add3A_2035, %get3A_2042 : vector<16xi32>
      %swap3A_2044 = arith.constant 16 : index
      %swap3A_2045 = tpu.vector_load %arg6[%swap3A_2044] {strides = array<i32>} : memref<48xi32, #tpu.memory_space<vmem>>, vector<16xi32>,
      %swap3A_2046 = vector.shape_cast %swap3A_2045 : vector<16xi32> to vector<16xi32>
      %swap3A_2047 = vector.shape_cast %add3A_2043 : vector<16xi32> to vector<16xi32>
      tpu.vector_store %arg6[%swap3A_2044], %swap3A_2047 {strides = array<i32>} : memref<48xi32, #tpu.memory_space<vmem>>, vector<16xi32>,
      %get3A_2048 = arith.constant 8 : index
      %get3A_2049 = tpu.vector_load %arg6[%get3A_2048] {strides = array<i32>} : memref<48xi32, #tpu.memory_space<vmem>>, vector<16xi32>,
      %get3A_2050 = vector.shape_cast %get3A_2049 : vector<16xi32> to vector<16xi32>
      %add3A_2051 = arith.addi %add3A_2043, %get3A_2050 : vector<16xi32>
      %sub3A_2052 = arith.subi %add3A_2051, %select_n3A_2019 : vector<16xi32>
      %add3A_2053 = arith.addi %sub3A_2052, %add3A_2013 : vector<16xi32>
      %lt3A_2054 = arith.cmpi slt, %add3A_2053, %broadcast_in_dim3A_352 : vector<16xi32>
      %and3A_2055 = arith.andi %eq3A_2018, %lt3A_2054 : vector<16xi1>
      %or3A_2056 = arith.ori %gt3A_2017, %and3A_2055 : vector<16xi1>
      %select_n3A_2057 = arith.select %or3A_2056, %broadcast_in_dim3A_5, %broadcast_in_dim3A_7 : vector<16xi1>, vector<16xf32>
      %swap3A_2058 = arith.constant 512 : index
      %swap3A_2059 = tpu.vector_load %arg5[%swap3A_2058] {strides = array<i32>} : memref<768xf32, #tpu.memory_space<vmem>>, vector<16xf32>,
      %swap3A_2060 = vector.shape_cast %swap3A_2059 : vector<16xf32> to vector<16xf32>
      %swap3A_2061 = vector.shape_cast %select_n3A_2057 : vector<16xf32> to vector<16xf32>
      tpu.vector_store %arg5[%swap3A_2058], %swap3A_2061 {strides = array<i32>} : memref<768xf32, #tpu.memory_space<vmem>>, vector<16xf32>,
      %slice3A_2062 = vector.extract_strided_slice %add3A_2051 {offsets = [15], sizes = [1], strides = [1]} : vector<16xi32> to vector<1xi32>
      %squeeze3A_2063 = vector.extract %slice3A_2062[0] : i32 from vector<1xi32>
      %broadcast_in_dim3A_2064 = vector.broadcast %squeeze3A_2063 : i32 to vector<16xi32>
      %add3A_2065 = arith.addi %add3A_2013, %broadcast_in_dim3A_2064 : vector<16xi32>
      %get3A_2066 = arith.constant 528 : index
      %get3A_2067 = tpu.vector_load %arg4[%get3A_2066] {strides = array<i32>} : memref<768xi32, #tpu.memory_space<vmem>>, vector<16xi32>,
      %get3A_2068 = vector.shape_cast %get3A_2067 : vector<16xi32> to vector<16xi32>
      %gt3A_2069 = arith.cmpi sgt, %get3A_2068, %broadcast_in_dim3A_33 : vector<16xi32>
      %eq3A_2070 = arith.cmpi eq, %get3A_2068, %broadcast_in_dim3A_33 : vector<16xi32>
      %select_n3A_2071 = arith.select %eq3A_2070, %broadcast_in_dim3A_1, %broadcast_in_dim3A_3 : vector<16xi1>, vector<16xi32>
      %swap3A_2072 = arith.constant 16 : index
      %swap3A_2073 = tpu.vector_load %arg6[%swap3A_2072] {strides = array<i32>} : memref<48xi32, #tpu.memory_space<vmem>>, vector<16xi32>,
      %swap3A_2074 = vector.shape_cast %swap3A_2073 : vector<16xi32> to vector<16xi32>
      %swap3A_2075 = vector.shape_cast %select_n3A_2071 : vector<16xi32> to vector<16xi32>
      tpu.vector_store %arg6[%swap3A_2072], %swap3A_2075 {strides = array<i32>} : memref<48xi32, #tpu.memory_space<vmem>>, vector<16xi32>,
      %get3A_2076 = arith.constant 15 : index
      %get3A_2077 = tpu.vector_load %arg6[%get3A_2076] {strides = array<i32>} : memref<48xi32, #tpu.memory_space<vmem>>, vector<16xi32>,
      %get3A_2078 = vector.shape_cast %get3A_2077 : vector<16xi32> to vector<16xi32>
      %add3A_2079 = arith.addi %select_n3A_2071, %get3A_2078 : vector<16xi32>
      %swap3A_2080 = arith.constant 16 : index
      %swap3A_2081 = tpu.vector_load %arg6[%swap3A_2080] {strides = array<i32>} : memref<48xi32, #tpu.memory_space<vmem>>, vector<16xi32>,
      %swap3A_2082 = vector.shape_cast %swap3A_2081 : vector<16xi32> to vector<16xi32>
      %swap3A_2083 = vector.shape_cast %add3A_2079 : vector<16xi32> to vector<16xi32>
      tpu.vector_store %arg6[%swap3A_2080], %swap3A_2083 {strides = array<i32>} : memref<48xi32, #tpu.memory_space<vmem>>, vector<16xi32>,
      %get3A_2084 = arith.constant 14 : index
      %get3A_2085 = tpu.vector_load %arg6[%get3A_2084] {strides = array<i32>} : memref<48xi32, #tpu.memory_space<vmem>>, vector<16xi32>,
      %get3A_2086 = vector.shape_cast %get3A_2085 : vector<16xi32> to vector<16xi32>
      %add3A_2087 = arith.addi %add3A_2079, %get3A_2086 : vector<16xi32>
      %swap3A_2088 = arith.constant 16 : index
      %swap3A_2089 = tpu.vector_load %arg6[%swap3A_2088] {strides = array<i32>} : memref<48xi32, #tpu.memory_space<vmem>>, vector<16xi32>,
      %swap3A_2090 = vector.shape_cast %swap3A_2089 : vector<16xi32> to vector<16xi32>
      %swap3A_2091 = vector.shape_cast %add3A_2087 : vector<16xi32> to vector<16xi32>
      tpu.vector_store %arg6[%swap3A_2088], %swap3A_2091 {strides = array<i32>} : memref<48xi32, #tpu.memory_space<vmem>>, vector<16xi32>,
      %get3A_2092 = arith.constant 12 : index
      %get3A_2093 = tpu.vector_load %arg6[%get3A_2092] {strides = array<i32>} : memref<48xi32, #tpu.memory_space<vmem>>, vector<16xi32>,
      %get3A_2094 = vector.shape_cast %get3A_2093 : vector<16xi32> to vector<16xi32>
      %add3A_2095 = arith.addi %add3A_2087, %get3A_2094 : vector<16xi32>
      %swap3A_2096 = arith.constant 16 : index
      %swap3A_2097 = tpu.vector_load %arg6[%swap3A_2096] {strides = array<i32>} : memref<48xi32, #tpu.memory_space<vmem>>, vector<16xi32>,
      %swap3A_2098 = vector.shape_cast %swap3A_2097 : vector<16xi32> to vector<16xi32>
      %swap3A_2099 = vector.shape_cast %add3A_2095 : vector<16xi32> to vector<16xi32>
      tpu.vector_store %arg6[%swap3A_2096], %swap3A_2099 {strides = array<i32>} : memref<48xi32, #tpu.memory_space<vmem>>, vector<16xi32>,
      %get3A_2100 = arith.constant 8 : index
      %get3A_2101 = tpu.vector_load %arg6[%get3A_2100] {strides = array<i32>} : memref<48xi32, #tpu.memory_space<vmem>>, vector<16xi32>,
      %get3A_2102 = vector.shape_cast %get3A_2101 : vector<16xi32> to vector<16xi32>
      %add3A_2103 = arith.addi %add3A_2095, %get3A_2102 : vector<16xi32>
      %sub3A_2104 = arith.subi %add3A_2103, %select_n3A_2071 : vector<16xi32>
      %add3A_2105 = arith.addi %sub3A_2104, %add3A_2065 : vector<16xi32>
      %lt3A_2106 = arith.cmpi slt, %add3A_2105, %broadcast_in_dim3A_352 : vector<16xi32>
      %and3A_2107 = arith.andi %eq3A_2070, %lt3A_2106 : vector<16xi1>
      %or3A_2108 = arith.ori %gt3A_2069, %and3A_2107 : vector<16xi1>
      %select_n3A_2109 = arith.select %or3A_2108, %broadcast_in_dim3A_5, %broadcast_in_dim3A_7 : vector<16xi1>, vector<16xf32>
      %swap3A_2110 = arith.constant 528 : index
      %swap3A_2111 = tpu.vector_load %arg5[%swap3A_2110] {strides = array<i32>} : memref<768xf32, #tpu.memory_space<vmem>>, vector<16xf32>,
      %swap3A_2112 = vector.shape_cast %swap3A_2111 : vector<16xf32> to vector<16xf32>
      %swap3A_2113 = vector.shape_cast %select_n3A_2109 : vector<16xf32> to vector<16xf32>
      tpu.vector_store %arg5[%swap3A_2110], %swap3A_2113 {strides = array<i32>} : memref<768xf32, #tpu.memory_space<vmem>>, vector<16xf32>,
      %slice3A_2114 = vector.extract_strided_slice %add3A_2103 {offsets = [15], sizes = [1], strides = [1]} : vector<16xi32> to vector<1xi32>
      %squeeze3A_2115 = vector.extract %slice3A_2114[0] : i32 from vector<1xi32>
      %broadcast_in_dim3A_2116 = vector.broadcast %squeeze3A_2115 : i32 to vector<16xi32>
      %add3A_2117 = arith.addi %add3A_2065, %broadcast_in_dim3A_2116 : vector<16xi32>
      %get3A_2118 = arith.constant 544 : index
      %get3A_2119 = tpu.vector_load %arg4[%get3A_2118] {strides = array<i32>} : memref<768xi32, #tpu.memory_space<vmem>>, vector<16xi32>,
      %get3A_2120 = vector.shape_cast %get3A_2119 : vector<16xi32> to vector<16xi32>
      %gt3A_2121 = arith.cmpi sgt, %get3A_2120, %broadcast_in_dim3A_33 : vector<16xi32>
      %eq3A_2122 = arith.cmpi eq, %get3A_2120, %broadcast_in_dim3A_33 : vector<16xi32>
      %select_n3A_2123 = arith.select %eq3A_2122, %broadcast_in_dim3A_1, %broadcast_in_dim3A_3 : vector<16xi1>, vector<16xi32>
      %swap3A_2124 = arith.constant 16 : index
      %swap3A_2125 = tpu.vector_load %arg6[%swap3A_2124] {strides = array<i32>} : memref<48xi32, #tpu.memory_space<vmem>>, vector<16xi32>,
      %swap3A_2126 = vector.shape_cast %swap3A_2125 : vector<16xi32> to vector<16xi32>
      %swap3A_2127 = vector.shape_cast %select_n3A_2123 : vector<16xi32> to vector<16xi32>
      tpu.vector_store %arg6[%swap3A_2124], %swap3A_2127 {strides = array<i32>} : memref<48xi32, #tpu.memory_space<vmem>>, vector<16xi32>,
      %get3A_2128 = arith.constant 15 : index
      %get3A_2129 = tpu.vector_load %arg6[%get3A_2128] {strides = array<i32>} : memref<48xi32, #tpu.memory_space<vmem>>, vector<16xi32>,
      %get3A_2130 = vector.shape_cast %get3A_2129 : vector<16xi32> to vector<16xi32>
      %add3A_2131 = arith.addi %select_n3A_2123, %get3A_2130 : vector<16xi32>
      %swap3A_2132 = arith.constant 16 : index
      %swap3A_2133 = tpu.vector_load %arg6[%swap3A_2132] {strides = array<i32>} : memref<48xi32, #tpu.memory_space<vmem>>, vector<16xi32>,
      %swap3A_2134 = vector.shape_cast %swap3A_2133 : vector<16xi32> to vector<16xi32>
      %swap3A_2135 = vector.shape_cast %add3A_2131 : vector<16xi32> to vector<16xi32>
      tpu.vector_store %arg6[%swap3A_2132], %swap3A_2135 {strides = array<i32>} : memref<48xi32, #tpu.memory_space<vmem>>, vector<16xi32>,
      %get3A_2136 = arith.constant 14 : index
      %get3A_2137 = tpu.vector_load %arg6[%get3A_2136] {strides = array<i32>} : memref<48xi32, #tpu.memory_space<vmem>>, vector<16xi32>,
      %get3A_2138 = vector.shape_cast %get3A_2137 : vector<16xi32> to vector<16xi32>
      %add3A_2139 = arith.addi %add3A_2131, %get3A_2138 : vector<16xi32>
      %swap3A_2140 = arith.constant 16 : index
      %swap3A_2141 = tpu.vector_load %arg6[%swap3A_2140] {strides = array<i32>} : memref<48xi32, #tpu.memory_space<vmem>>, vector<16xi32>,
      %swap3A_2142 = vector.shape_cast %swap3A_2141 : vector<16xi32> to vector<16xi32>
      %swap3A_2143 = vector.shape_cast %add3A_2139 : vector<16xi32> to vector<16xi32>
      tpu.vector_store %arg6[%swap3A_2140], %swap3A_2143 {strides = array<i32>} : memref<48xi32, #tpu.memory_space<vmem>>, vector<16xi32>,
      %get3A_2144 = arith.constant 12 : index
      %get3A_2145 = tpu.vector_load %arg6[%get3A_2144] {strides = array<i32>} : memref<48xi32, #tpu.memory_space<vmem>>, vector<16xi32>,
      %get3A_2146 = vector.shape_cast %get3A_2145 : vector<16xi32> to vector<16xi32>
      %add3A_2147 = arith.addi %add3A_2139, %get3A_2146 : vector<16xi32>
      %swap3A_2148 = arith.constant 16 : index
      %swap3A_2149 = tpu.vector_load %arg6[%swap3A_2148] {strides = array<i32>} : memref<48xi32, #tpu.memory_space<vmem>>, vector<16xi32>,
      %swap3A_2150 = vector.shape_cast %swap3A_2149 : vector<16xi32> to vector<16xi32>
      %swap3A_2151 = vector.shape_cast %add3A_2147 : vector<16xi32> to vector<16xi32>
      tpu.vector_store %arg6[%swap3A_2148], %swap3A_2151 {strides = array<i32>} : memref<48xi32, #tpu.memory_space<vmem>>, vector<16xi32>,
      %get3A_2152 = arith.constant 8 : index
      %get3A_2153 = tpu.vector_load %arg6[%get3A_2152] {strides = array<i32>} : memref<48xi32, #tpu.memory_space<vmem>>, vector<16xi32>,
      %get3A_2154 = vector.shape_cast %get3A_2153 : vector<16xi32> to vector<16xi32>
      %add3A_2155 = arith.addi %add3A_2147, %get3A_2154 : vector<16xi32>
      %sub3A_2156 = arith.subi %add3A_2155, %select_n3A_2123 : vector<16xi32>
      %add3A_2157 = arith.addi %sub3A_2156, %add3A_2117 : vector<16xi32>
      %lt3A_2158 = arith.cmpi slt, %add3A_2157, %broadcast_in_dim3A_352 : vector<16xi32>
      %and3A_2159 = arith.andi %eq3A_2122, %lt3A_2158 : vector<16xi1>
      %or3A_2160 = arith.ori %gt3A_2121, %and3A_2159 : vector<16xi1>
      %select_n3A_2161 = arith.select %or3A_2160, %broadcast_in_dim3A_5, %broadcast_in_dim3A_7 : vector<16xi1>, vector<16xf32>
      %swap3A_2162 = arith.constant 544 : index
      %swap3A_2163 = tpu.vector_load %arg5[%swap3A_2162] {strides = array<i32>} : memref<768xf32, #tpu.memory_space<vmem>>, vector<16xf32>,
      %swap3A_2164 = vector.shape_cast %swap3A_2163 : vector<16xf32> to vector<16xf32>
      %swap3A_2165 = vector.shape_cast %select_n3A_2161 : vector<16xf32> to vector<16xf32>
      tpu.vector_store %arg5[%swap3A_2162], %swap3A_2165 {strides = array<i32>} : memref<768xf32, #tpu.memory_space<vmem>>, vector<16xf32>,
      %slice3A_2166 = vector.extract_strided_slice %add3A_2155 {offsets = [15], sizes = [1], strides = [1]} : vector<16xi32> to vector<1xi32>
      %squeeze3A_2167 = vector.extract %slice3A_2166[0] : i32 from vector<1xi32>
      %broadcast_in_dim3A_2168 = vector.broadcast %squeeze3A_2167 : i32 to vector<16xi32>
      %add3A_2169 = arith.addi %add3A_2117, %broadcast_in_dim3A_2168 : vector<16xi32>
      %get3A_2170 = arith.constant 560 : index
      %get3A_2171 = tpu.vector_load %arg4[%get3A_2170] {strides = array<i32>} : memref<768xi32, #tpu.memory_space<vmem>>, vector<16xi32>,
      %get3A_2172 = vector.shape_cast %get3A_2171 : vector<16xi32> to vector<16xi32>
      %gt3A_2173 = arith.cmpi sgt, %get3A_2172, %broadcast_in_dim3A_33 : vector<16xi32>
      %eq3A_2174 = arith.cmpi eq, %get3A_2172, %broadcast_in_dim3A_33 : vector<16xi32>
      %select_n3A_2175 = arith.select %eq3A_2174, %broadcast_in_dim3A_1, %broadcast_in_dim3A_3 : vector<16xi1>, vector<16xi32>
      %swap3A_2176 = arith.constant 16 : index
      %swap3A_2177 = tpu.vector_load %arg6[%swap3A_2176] {strides = array<i32>} : memref<48xi32, #tpu.memory_space<vmem>>, vector<16xi32>,
      %swap3A_2178 = vector.shape_cast %swap3A_2177 : vector<16xi32> to vector<16xi32>
      %swap3A_2179 = vector.shape_cast %select_n3A_2175 : vector<16xi32> to vector<16xi32>
      tpu.vector_store %arg6[%swap3A_2176], %swap3A_2179 {strides = array<i32>} : memref<48xi32, #tpu.memory_space<vmem>>, vector<16xi32>,
      %get3A_2180 = arith.constant 15 : index
      %get3A_2181 = tpu.vector_load %arg6[%get3A_2180] {strides = array<i32>} : memref<48xi32, #tpu.memory_space<vmem>>, vector<16xi32>,
      %get3A_2182 = vector.shape_cast %get3A_2181 : vector<16xi32> to vector<16xi32>
      %add3A_2183 = arith.addi %select_n3A_2175, %get3A_2182 : vector<16xi32>
      %swap3A_2184 = arith.constant 16 : index
      %swap3A_2185 = tpu.vector_load %arg6[%swap3A_2184] {strides = array<i32>} : memref<48xi32, #tpu.memory_space<vmem>>, vector<16xi32>,
      %swap3A_2186 = vector.shape_cast %swap3A_2185 : vector<16xi32> to vector<16xi32>
      %swap3A_2187 = vector.shape_cast %add3A_2183 : vector<16xi32> to vector<16xi32>
      tpu.vector_store %arg6[%swap3A_2184], %swap3A_2187 {strides = array<i32>} : memref<48xi32, #tpu.memory_space<vmem>>, vector<16xi32>,
      %get3A_2188 = arith.constant 14 : index
      %get3A_2189 = tpu.vector_load %arg6[%get3A_2188] {strides = array<i32>} : memref<48xi32, #tpu.memory_space<vmem>>, vector<16xi32>,
      %get3A_2190 = vector.shape_cast %get3A_2189 : vector<16xi32> to vector<16xi32>
      %add3A_2191 = arith.addi %add3A_2183, %get3A_2190 : vector<16xi32>
      %swap3A_2192 = arith.constant 16 : index
      %swap3A_2193 = tpu.vector_load %arg6[%swap3A_2192] {strides = array<i32>} : memref<48xi32, #tpu.memory_space<vmem>>, vector<16xi32>,
      %swap3A_2194 = vector.shape_cast %swap3A_2193 : vector<16xi32> to vector<16xi32>
      %swap3A_2195 = vector.shape_cast %add3A_2191 : vector<16xi32> to vector<16xi32>
      tpu.vector_store %arg6[%swap3A_2192], %swap3A_2195 {strides = array<i32>} : memref<48xi32, #tpu.memory_space<vmem>>, vector<16xi32>,
      %get3A_2196 = arith.constant 12 : index
      %get3A_2197 = tpu.vector_load %arg6[%get3A_2196] {strides = array<i32>} : memref<48xi32, #tpu.memory_space<vmem>>, vector<16xi32>,
      %get3A_2198 = vector.shape_cast %get3A_2197 : vector<16xi32> to vector<16xi32>
      %add3A_2199 = arith.addi %add3A_2191, %get3A_2198 : vector<16xi32>
      %swap3A_2200 = arith.constant 16 : index
      %swap3A_2201 = tpu.vector_load %arg6[%swap3A_2200] {strides = array<i32>} : memref<48xi32, #tpu.memory_space<vmem>>, vector<16xi32>,
      %swap3A_2202 = vector.shape_cast %swap3A_2201 : vector<16xi32> to vector<16xi32>
      %swap3A_2203 = vector.shape_cast %add3A_2199 : vector<16xi32> to vector<16xi32>
      tpu.vector_store %arg6[%swap3A_2200], %swap3A_2203 {strides = array<i32>} : memref<48xi32, #tpu.memory_space<vmem>>, vector<16xi32>,
      %get3A_2204 = arith.constant 8 : index
      %get3A_2205 = tpu.vector_load %arg6[%get3A_2204] {strides = array<i32>} : memref<48xi32, #tpu.memory_space<vmem>>, vector<16xi32>,
      %get3A_2206 = vector.shape_cast %get3A_2205 : vector<16xi32> to vector<16xi32>
      %add3A_2207 = arith.addi %add3A_2199, %get3A_2206 : vector<16xi32>
      %sub3A_2208 = arith.subi %add3A_2207, %select_n3A_2175 : vector<16xi32>
      %add3A_2209 = arith.addi %sub3A_2208, %add3A_2169 : vector<16xi32>
      %lt3A_2210 = arith.cmpi slt, %add3A_2209, %broadcast_in_dim3A_352 : vector<16xi32>
      %and3A_2211 = arith.andi %eq3A_2174, %lt3A_2210 : vector<16xi1>
      %or3A_2212 = arith.ori %gt3A_2173, %and3A_2211 : vector<16xi1>
      %select_n3A_2213 = arith.select %or3A_2212, %broadcast_in_dim3A_5, %broadcast_in_dim3A_7 : vector<16xi1>, vector<16xf32>
      %swap3A_2214 = arith.constant 560 : index
      %swap3A_2215 = tpu.vector_load %arg5[%swap3A_2214] {strides = array<i32>} : memref<768xf32, #tpu.memory_space<vmem>>, vector<16xf32>,
      %swap3A_2216 = vector.shape_cast %swap3A_2215 : vector<16xf32> to vector<16xf32>
      %swap3A_2217 = vector.shape_cast %select_n3A_2213 : vector<16xf32> to vector<16xf32>
      tpu.vector_store %arg5[%swap3A_2214], %swap3A_2217 {strides = array<i32>} : memref<768xf32, #tpu.memory_space<vmem>>, vector<16xf32>,
      %slice3A_2218 = vector.extract_strided_slice %add3A_2207 {offsets = [15], sizes = [1], strides = [1]} : vector<16xi32> to vector<1xi32>
      %squeeze3A_2219 = vector.extract %slice3A_2218[0] : i32 from vector<1xi32>
      %broadcast_in_dim3A_2220 = vector.broadcast %squeeze3A_2219 : i32 to vector<16xi32>
      %add3A_2221 = arith.addi %add3A_2169, %broadcast_in_dim3A_2220 : vector<16xi32>
      %get3A_2222 = arith.constant 576 : index
      %get3A_2223 = tpu.vector_load %arg4[%get3A_2222] {strides = array<i32>} : memref<768xi32, #tpu.memory_space<vmem>>, vector<16xi32>,
      %get3A_2224 = vector.shape_cast %get3A_2223 : vector<16xi32> to vector<16xi32>
      %gt3A_2225 = arith.cmpi sgt, %get3A_2224, %broadcast_in_dim3A_33 : vector<16xi32>
      %eq3A_2226 = arith.cmpi eq, %get3A_2224, %broadcast_in_dim3A_33 : vector<16xi32>
      %select_n3A_2227 = arith.select %eq3A_2226, %broadcast_in_dim3A_1, %broadcast_in_dim3A_3 : vector<16xi1>, vector<16xi32>
      %swap3A_2228 = arith.constant 16 : index
      %swap3A_2229 = tpu.vector_load %arg6[%swap3A_2228] {strides = array<i32>} : memref<48xi32, #tpu.memory_space<vmem>>, vector<16xi32>,
      %swap3A_2230 = vector.shape_cast %swap3A_2229 : vector<16xi32> to vector<16xi32>
      %swap3A_2231 = vector.shape_cast %select_n3A_2227 : vector<16xi32> to vector<16xi32>
      tpu.vector_store %arg6[%swap3A_2228], %swap3A_2231 {strides = array<i32>} : memref<48xi32, #tpu.memory_space<vmem>>, vector<16xi32>,
      %get3A_2232 = arith.constant 15 : index
      %get3A_2233 = tpu.vector_load %arg6[%get3A_2232] {strides = array<i32>} : memref<48xi32, #tpu.memory_space<vmem>>, vector<16xi32>,
      %get3A_2234 = vector.shape_cast %get3A_2233 : vector<16xi32> to vector<16xi32>
      %add3A_2235 = arith.addi %select_n3A_2227, %get3A_2234 : vector<16xi32>
      %swap3A_2236 = arith.constant 16 : index
      %swap3A_2237 = tpu.vector_load %arg6[%swap3A_2236] {strides = array<i32>} : memref<48xi32, #tpu.memory_space<vmem>>, vector<16xi32>,
      %swap3A_2238 = vector.shape_cast %swap3A_2237 : vector<16xi32> to vector<16xi32>
      %swap3A_2239 = vector.shape_cast %add3A_2235 : vector<16xi32> to vector<16xi32>
      tpu.vector_store %arg6[%swap3A_2236], %swap3A_2239 {strides = array<i32>} : memref<48xi32, #tpu.memory_space<vmem>>, vector<16xi32>,
      %get3A_2240 = arith.constant 14 : index
      %get3A_2241 = tpu.vector_load %arg6[%get3A_2240] {strides = array<i32>} : memref<48xi32, #tpu.memory_space<vmem>>, vector<16xi32>,
      %get3A_2242 = vector.shape_cast %get3A_2241 : vector<16xi32> to vector<16xi32>
      %add3A_2243 = arith.addi %add3A_2235, %get3A_2242 : vector<16xi32>
      %swap3A_2244 = arith.constant 16 : index
      %swap3A_2245 = tpu.vector_load %arg6[%swap3A_2244] {strides = array<i32>} : memref<48xi32, #tpu.memory_space<vmem>>, vector<16xi32>,
      %swap3A_2246 = vector.shape_cast %swap3A_2245 : vector<16xi32> to vector<16xi32>
      %swap3A_2247 = vector.shape_cast %add3A_2243 : vector<16xi32> to vector<16xi32>
      tpu.vector_store %arg6[%swap3A_2244], %swap3A_2247 {strides = array<i32>} : memref<48xi32, #tpu.memory_space<vmem>>, vector<16xi32>,
      %get3A_2248 = arith.constant 12 : index
      %get3A_2249 = tpu.vector_load %arg6[%get3A_2248] {strides = array<i32>} : memref<48xi32, #tpu.memory_space<vmem>>, vector<16xi32>,
      %get3A_2250 = vector.shape_cast %get3A_2249 : vector<16xi32> to vector<16xi32>
      %add3A_2251 = arith.addi %add3A_2243, %get3A_2250 : vector<16xi32>
      %swap3A_2252 = arith.constant 16 : index
      %swap3A_2253 = tpu.vector_load %arg6[%swap3A_2252] {strides = array<i32>} : memref<48xi32, #tpu.memory_space<vmem>>, vector<16xi32>,
      %swap3A_2254 = vector.shape_cast %swap3A_2253 : vector<16xi32> to vector<16xi32>
      %swap3A_2255 = vector.shape_cast %add3A_2251 : vector<16xi32> to vector<16xi32>
      tpu.vector_store %arg6[%swap3A_2252], %swap3A_2255 {strides = array<i32>} : memref<48xi32, #tpu.memory_space<vmem>>, vector<16xi32>,
      %get3A_2256 = arith.constant 8 : index
      %get3A_2257 = tpu.vector_load %arg6[%get3A_2256] {strides = array<i32>} : memref<48xi32, #tpu.memory_space<vmem>>, vector<16xi32>,
      %get3A_2258 = vector.shape_cast %get3A_2257 : vector<16xi32> to vector<16xi32>
      %add3A_2259 = arith.addi %add3A_2251, %get3A_2258 : vector<16xi32>
      %sub3A_2260 = arith.subi %add3A_2259, %select_n3A_2227 : vector<16xi32>
      %add3A_2261 = arith.addi %sub3A_2260, %add3A_2221 : vector<16xi32>
      %lt3A_2262 = arith.cmpi slt, %add3A_2261, %broadcast_in_dim3A_352 : vector<16xi32>
      %and3A_2263 = arith.andi %eq3A_2226, %lt3A_2262 : vector<16xi1>
      %or3A_2264 = arith.ori %gt3A_2225, %and3A_2263 : vector<16xi1>
      %select_n3A_2265 = arith.select %or3A_2264, %broadcast_in_dim3A_5, %broadcast_in_dim3A_7 : vector<16xi1>, vector<16xf32>
      %swap3A_2266 = arith.constant 576 : index
      %swap3A_2267 = tpu.vector_load %arg5[%swap3A_2266] {strides = array<i32>} : memref<768xf32, #tpu.memory_space<vmem>>, vector<16xf32>,
      %swap3A_2268 = vector.shape_cast %swap3A_2267 : vector<16xf32> to vector<16xf32>
      %swap3A_2269 = vector.shape_cast %select_n3A_2265 : vector<16xf32> to vector<16xf32>
      tpu.vector_store %arg5[%swap3A_2266], %swap3A_2269 {strides = array<i32>} : memref<768xf32, #tpu.memory_space<vmem>>, vector<16xf32>,
      %slice3A_2270 = vector.extract_strided_slice %add3A_2259 {offsets = [15], sizes = [1], strides = [1]} : vector<16xi32> to vector<1xi32>
      %squeeze3A_2271 = vector.extract %slice3A_2270[0] : i32 from vector<1xi32>
      %broadcast_in_dim3A_2272 = vector.broadcast %squeeze3A_2271 : i32 to vector<16xi32>
      %add3A_2273 = arith.addi %add3A_2221, %broadcast_in_dim3A_2272 : vector<16xi32>
      %get3A_2274 = arith.constant 592 : index
      %get3A_2275 = tpu.vector_load %arg4[%get3A_2274] {strides = array<i32>} : memref<768xi32, #tpu.memory_space<vmem>>, vector<16xi32>,
      %get3A_2276 = vector.shape_cast %get3A_2275 : vector<16xi32> to vector<16xi32>
      %gt3A_2277 = arith.cmpi sgt, %get3A_2276, %broadcast_in_dim3A_33 : vector<16xi32>
      %eq3A_2278 = arith.cmpi eq, %get3A_2276, %broadcast_in_dim3A_33 : vector<16xi32>
      %select_n3A_2279 = arith.select %eq3A_2278, %broadcast_in_dim3A_1, %broadcast_in_dim3A_3 : vector<16xi1>, vector<16xi32>
      %swap3A_2280 = arith.constant 16 : index
      %swap3A_2281 = tpu.vector_load %arg6[%swap3A_2280] {strides = array<i32>} : memref<48xi32, #tpu.memory_space<vmem>>, vector<16xi32>,
      %swap3A_2282 = vector.shape_cast %swap3A_2281 : vector<16xi32> to vector<16xi32>
      %swap3A_2283 = vector.shape_cast %select_n3A_2279 : vector<16xi32> to vector<16xi32>
      tpu.vector_store %arg6[%swap3A_2280], %swap3A_2283 {strides = array<i32>} : memref<48xi32, #tpu.memory_space<vmem>>, vector<16xi32>,
      %get3A_2284 = arith.constant 15 : index
      %get3A_2285 = tpu.vector_load %arg6[%get3A_2284] {strides = array<i32>} : memref<48xi32, #tpu.memory_space<vmem>>, vector<16xi32>,
      %get3A_2286 = vector.shape_cast %get3A_2285 : vector<16xi32> to vector<16xi32>
      %add3A_2287 = arith.addi %select_n3A_2279, %get3A_2286 : vector<16xi32>
      %swap3A_2288 = arith.constant 16 : index
      %swap3A_2289 = tpu.vector_load %arg6[%swap3A_2288] {strides = array<i32>} : memref<48xi32, #tpu.memory_space<vmem>>, vector<16xi32>,
      %swap3A_2290 = vector.shape_cast %swap3A_2289 : vector<16xi32> to vector<16xi32>
      %swap3A_2291 = vector.shape_cast %add3A_2287 : vector<16xi32> to vector<16xi32>
      tpu.vector_store %arg6[%swap3A_2288], %swap3A_2291 {strides = array<i32>} : memref<48xi32, #tpu.memory_space<vmem>>, vector<16xi32>,
      %get3A_2292 = arith.constant 14 : index
      %get3A_2293 = tpu.vector_load %arg6[%get3A_2292] {strides = array<i32>} : memref<48xi32, #tpu.memory_space<vmem>>, vector<16xi32>,
      %get3A_2294 = vector.shape_cast %get3A_2293 : vector<16xi32> to vector<16xi32>
      %add3A_2295 = arith.addi %add3A_2287, %get3A_2294 : vector<16xi32>
      %swap3A_2296 = arith.constant 16 : index
      %swap3A_2297 = tpu.vector_load %arg6[%swap3A_2296] {strides = array<i32>} : memref<48xi32, #tpu.memory_space<vmem>>, vector<16xi32>,
      %swap3A_2298 = vector.shape_cast %swap3A_2297 : vector<16xi32> to vector<16xi32>
      %swap3A_2299 = vector.shape_cast %add3A_2295 : vector<16xi32> to vector<16xi32>
      tpu.vector_store %arg6[%swap3A_2296], %swap3A_2299 {strides = array<i32>} : memref<48xi32, #tpu.memory_space<vmem>>, vector<16xi32>,
      %get3A_2300 = arith.constant 12 : index
      %get3A_2301 = tpu.vector_load %arg6[%get3A_2300] {strides = array<i32>} : memref<48xi32, #tpu.memory_space<vmem>>, vector<16xi32>,
      %get3A_2302 = vector.shape_cast %get3A_2301 : vector<16xi32> to vector<16xi32>
      %add3A_2303 = arith.addi %add3A_2295, %get3A_2302 : vector<16xi32>
      %swap3A_2304 = arith.constant 16 : index
      %swap3A_2305 = tpu.vector_load %arg6[%swap3A_2304] {strides = array<i32>} : memref<48xi32, #tpu.memory_space<vmem>>, vector<16xi32>,
      %swap3A_2306 = vector.shape_cast %swap3A_2305 : vector<16xi32> to vector<16xi32>
      %swap3A_2307 = vector.shape_cast %add3A_2303 : vector<16xi32> to vector<16xi32>
      tpu.vector_store %arg6[%swap3A_2304], %swap3A_2307 {strides = array<i32>} : memref<48xi32, #tpu.memory_space<vmem>>, vector<16xi32>,
      %get3A_2308 = arith.constant 8 : index
      %get3A_2309 = tpu.vector_load %arg6[%get3A_2308] {strides = array<i32>} : memref<48xi32, #tpu.memory_space<vmem>>, vector<16xi32>,
      %get3A_2310 = vector.shape_cast %get3A_2309 : vector<16xi32> to vector<16xi32>
      %add3A_2311 = arith.addi %add3A_2303, %get3A_2310 : vector<16xi32>
      %sub3A_2312 = arith.subi %add3A_2311, %select_n3A_2279 : vector<16xi32>
      %add3A_2313 = arith.addi %sub3A_2312, %add3A_2273 : vector<16xi32>
      %lt3A_2314 = arith.cmpi slt, %add3A_2313, %broadcast_in_dim3A_352 : vector<16xi32>
      %and3A_2315 = arith.andi %eq3A_2278, %lt3A_2314 : vector<16xi1>
      %or3A_2316 = arith.ori %gt3A_2277, %and3A_2315 : vector<16xi1>
      %select_n3A_2317 = arith.select %or3A_2316, %broadcast_in_dim3A_5, %broadcast_in_dim3A_7 : vector<16xi1>, vector<16xf32>
      %swap3A_2318 = arith.constant 592 : index
      %swap3A_2319 = tpu.vector_load %arg5[%swap3A_2318] {strides = array<i32>} : memref<768xf32, #tpu.memory_space<vmem>>, vector<16xf32>,
      %swap3A_2320 = vector.shape_cast %swap3A_2319 : vector<16xf32> to vector<16xf32>
      %swap3A_2321 = vector.shape_cast %select_n3A_2317 : vector<16xf32> to vector<16xf32>
      tpu.vector_store %arg5[%swap3A_2318], %swap3A_2321 {strides = array<i32>} : memref<768xf32, #tpu.memory_space<vmem>>, vector<16xf32>,
      %slice3A_2322 = vector.extract_strided_slice %add3A_2311 {offsets = [15], sizes = [1], strides = [1]} : vector<16xi32> to vector<1xi32>
      %squeeze3A_2323 = vector.extract %slice3A_2322[0] : i32 from vector<1xi32>
      %broadcast_in_dim3A_2324 = vector.broadcast %squeeze3A_2323 : i32 to vector<16xi32>
      %add3A_2325 = arith.addi %add3A_2273, %broadcast_in_dim3A_2324 : vector<16xi32>
      %get3A_2326 = arith.constant 608 : index
      %get3A_2327 = tpu.vector_load %arg4[%get3A_2326] {strides = array<i32>} : memref<768xi32, #tpu.memory_space<vmem>>, vector<16xi32>,
      %get3A_2328 = vector.shape_cast %get3A_2327 : vector<16xi32> to vector<16xi32>
      %gt3A_2329 = arith.cmpi sgt, %get3A_2328, %broadcast_in_dim3A_33 : vector<16xi32>
      %eq3A_2330 = arith.cmpi eq, %get3A_2328, %broadcast_in_dim3A_33 : vector<16xi32>
      %select_n3A_2331 = arith.select %eq3A_2330, %broadcast_in_dim3A_1, %broadcast_in_dim3A_3 : vector<16xi1>, vector<16xi32>
      %swap3A_2332 = arith.constant 16 : index
      %swap3A_2333 = tpu.vector_load %arg6[%swap3A_2332] {strides = array<i32>} : memref<48xi32, #tpu.memory_space<vmem>>, vector<16xi32>,
      %swap3A_2334 = vector.shape_cast %swap3A_2333 : vector<16xi32> to vector<16xi32>
      %swap3A_2335 = vector.shape_cast %select_n3A_2331 : vector<16xi32> to vector<16xi32>
      tpu.vector_store %arg6[%swap3A_2332], %swap3A_2335 {strides = array<i32>} : memref<48xi32, #tpu.memory_space<vmem>>, vector<16xi32>,
      %get3A_2336 = arith.constant 15 : index
      %get3A_2337 = tpu.vector_load %arg6[%get3A_2336] {strides = array<i32>} : memref<48xi32, #tpu.memory_space<vmem>>, vector<16xi32>,
      %get3A_2338 = vector.shape_cast %get3A_2337 : vector<16xi32> to vector<16xi32>
      %add3A_2339 = arith.addi %select_n3A_2331, %get3A_2338 : vector<16xi32>
      %swap3A_2340 = arith.constant 16 : index
      %swap3A_2341 = tpu.vector_load %arg6[%swap3A_2340] {strides = array<i32>} : memref<48xi32, #tpu.memory_space<vmem>>, vector<16xi32>,
      %swap3A_2342 = vector.shape_cast %swap3A_2341 : vector<16xi32> to vector<16xi32>
      %swap3A_2343 = vector.shape_cast %add3A_2339 : vector<16xi32> to vector<16xi32>
      tpu.vector_store %arg6[%swap3A_2340], %swap3A_2343 {strides = array<i32>} : memref<48xi32, #tpu.memory_space<vmem>>, vector<16xi32>,
      %get3A_2344 = arith.constant 14 : index
      %get3A_2345 = tpu.vector_load %arg6[%get3A_2344] {strides = array<i32>} : memref<48xi32, #tpu.memory_space<vmem>>, vector<16xi32>,
      %get3A_2346 = vector.shape_cast %get3A_2345 : vector<16xi32> to vector<16xi32>
      %add3A_2347 = arith.addi %add3A_2339, %get3A_2346 : vector<16xi32>
      %swap3A_2348 = arith.constant 16 : index
      %swap3A_2349 = tpu.vector_load %arg6[%swap3A_2348] {strides = array<i32>} : memref<48xi32, #tpu.memory_space<vmem>>, vector<16xi32>,
      %swap3A_2350 = vector.shape_cast %swap3A_2349 : vector<16xi32> to vector<16xi32>
      %swap3A_2351 = vector.shape_cast %add3A_2347 : vector<16xi32> to vector<16xi32>
      tpu.vector_store %arg6[%swap3A_2348], %swap3A_2351 {strides = array<i32>} : memref<48xi32, #tpu.memory_space<vmem>>, vector<16xi32>,
      %get3A_2352 = arith.constant 12 : index
      %get3A_2353 = tpu.vector_load %arg6[%get3A_2352] {strides = array<i32>} : memref<48xi32, #tpu.memory_space<vmem>>, vector<16xi32>,
      %get3A_2354 = vector.shape_cast %get3A_2353 : vector<16xi32> to vector<16xi32>
      %add3A_2355 = arith.addi %add3A_2347, %get3A_2354 : vector<16xi32>
      %swap3A_2356 = arith.constant 16 : index
      %swap3A_2357 = tpu.vector_load %arg6[%swap3A_2356] {strides = array<i32>} : memref<48xi32, #tpu.memory_space<vmem>>, vector<16xi32>,
      %swap3A_2358 = vector.shape_cast %swap3A_2357 : vector<16xi32> to vector<16xi32>
      %swap3A_2359 = vector.shape_cast %add3A_2355 : vector<16xi32> to vector<16xi32>
      tpu.vector_store %arg6[%swap3A_2356], %swap3A_2359 {strides = array<i32>} : memref<48xi32, #tpu.memory_space<vmem>>, vector<16xi32>,
      %get3A_2360 = arith.constant 8 : index
      %get3A_2361 = tpu.vector_load %arg6[%get3A_2360] {strides = array<i32>} : memref<48xi32, #tpu.memory_space<vmem>>, vector<16xi32>,
      %get3A_2362 = vector.shape_cast %get3A_2361 : vector<16xi32> to vector<16xi32>
      %add3A_2363 = arith.addi %add3A_2355, %get3A_2362 : vector<16xi32>
      %sub3A_2364 = arith.subi %add3A_2363, %select_n3A_2331 : vector<16xi32>
      %add3A_2365 = arith.addi %sub3A_2364, %add3A_2325 : vector<16xi32>
      %lt3A_2366 = arith.cmpi slt, %add3A_2365, %broadcast_in_dim3A_352 : vector<16xi32>
      %and3A_2367 = arith.andi %eq3A_2330, %lt3A_2366 : vector<16xi1>
      %or3A_2368 = arith.ori %gt3A_2329, %and3A_2367 : vector<16xi1>
      %select_n3A_2369 = arith.select %or3A_2368, %broadcast_in_dim3A_5, %broadcast_in_dim3A_7 : vector<16xi1>, vector<16xf32>
      %swap3A_2370 = arith.constant 608 : index
      %swap3A_2371 = tpu.vector_load %arg5[%swap3A_2370] {strides = array<i32>} : memref<768xf32, #tpu.memory_space<vmem>>, vector<16xf32>,
      %swap3A_2372 = vector.shape_cast %swap3A_2371 : vector<16xf32> to vector<16xf32>
      %swap3A_2373 = vector.shape_cast %select_n3A_2369 : vector<16xf32> to vector<16xf32>
      tpu.vector_store %arg5[%swap3A_2370], %swap3A_2373 {strides = array<i32>} : memref<768xf32, #tpu.memory_space<vmem>>, vector<16xf32>,
      %slice3A_2374 = vector.extract_strided_slice %add3A_2363 {offsets = [15], sizes = [1], strides = [1]} : vector<16xi32> to vector<1xi32>
      %squeeze3A_2375 = vector.extract %slice3A_2374[0] : i32 from vector<1xi32>
      %broadcast_in_dim3A_2376 = vector.broadcast %squeeze3A_2375 : i32 to vector<16xi32>
      %add3A_2377 = arith.addi %add3A_2325, %broadcast_in_dim3A_2376 : vector<16xi32>
      %get3A_2378 = arith.constant 624 : index
      %get3A_2379 = tpu.vector_load %arg4[%get3A_2378] {strides = array<i32>} : memref<768xi32, #tpu.memory_space<vmem>>, vector<16xi32>,
      %get3A_2380 = vector.shape_cast %get3A_2379 : vector<16xi32> to vector<16xi32>
      %gt3A_2381 = arith.cmpi sgt, %get3A_2380, %broadcast_in_dim3A_33 : vector<16xi32>
      %eq3A_2382 = arith.cmpi eq, %get3A_2380, %broadcast_in_dim3A_33 : vector<16xi32>
      %select_n3A_2383 = arith.select %eq3A_2382, %broadcast_in_dim3A_1, %broadcast_in_dim3A_3 : vector<16xi1>, vector<16xi32>
      %swap3A_2384 = arith.constant 16 : index
      %swap3A_2385 = tpu.vector_load %arg6[%swap3A_2384] {strides = array<i32>} : memref<48xi32, #tpu.memory_space<vmem>>, vector<16xi32>,
      %swap3A_2386 = vector.shape_cast %swap3A_2385 : vector<16xi32> to vector<16xi32>
      %swap3A_2387 = vector.shape_cast %select_n3A_2383 : vector<16xi32> to vector<16xi32>
      tpu.vector_store %arg6[%swap3A_2384], %swap3A_2387 {strides = array<i32>} : memref<48xi32, #tpu.memory_space<vmem>>, vector<16xi32>,
      %get3A_2388 = arith.constant 15 : index
      %get3A_2389 = tpu.vector_load %arg6[%get3A_2388] {strides = array<i32>} : memref<48xi32, #tpu.memory_space<vmem>>, vector<16xi32>,
      %get3A_2390 = vector.shape_cast %get3A_2389 : vector<16xi32> to vector<16xi32>
      %add3A_2391 = arith.addi %select_n3A_2383, %get3A_2390 : vector<16xi32>
      %swap3A_2392 = arith.constant 16 : index
      %swap3A_2393 = tpu.vector_load %arg6[%swap3A_2392] {strides = array<i32>} : memref<48xi32, #tpu.memory_space<vmem>>, vector<16xi32>,
      %swap3A_2394 = vector.shape_cast %swap3A_2393 : vector<16xi32> to vector<16xi32>
      %swap3A_2395 = vector.shape_cast %add3A_2391 : vector<16xi32> to vector<16xi32>
      tpu.vector_store %arg6[%swap3A_2392], %swap3A_2395 {strides = array<i32>} : memref<48xi32, #tpu.memory_space<vmem>>, vector<16xi32>,
      %get3A_2396 = arith.constant 14 : index
      %get3A_2397 = tpu.vector_load %arg6[%get3A_2396] {strides = array<i32>} : memref<48xi32, #tpu.memory_space<vmem>>, vector<16xi32>,
      %get3A_2398 = vector.shape_cast %get3A_2397 : vector<16xi32> to vector<16xi32>
      %add3A_2399 = arith.addi %add3A_2391, %get3A_2398 : vector<16xi32>
      %swap3A_2400 = arith.constant 16 : index
      %swap3A_2401 = tpu.vector_load %arg6[%swap3A_2400] {strides = array<i32>} : memref<48xi32, #tpu.memory_space<vmem>>, vector<16xi32>,
      %swap3A_2402 = vector.shape_cast %swap3A_2401 : vector<16xi32> to vector<16xi32>
      %swap3A_2403 = vector.shape_cast %add3A_2399 : vector<16xi32> to vector<16xi32>
      tpu.vector_store %arg6[%swap3A_2400], %swap3A_2403 {strides = array<i32>} : memref<48xi32, #tpu.memory_space<vmem>>, vector<16xi32>,
      %get3A_2404 = arith.constant 12 : index
      %get3A_2405 = tpu.vector_load %arg6[%get3A_2404] {strides = array<i32>} : memref<48xi32, #tpu.memory_space<vmem>>, vector<16xi32>,
      %get3A_2406 = vector.shape_cast %get3A_2405 : vector<16xi32> to vector<16xi32>
      %add3A_2407 = arith.addi %add3A_2399, %get3A_2406 : vector<16xi32>
      %swap3A_2408 = arith.constant 16 : index
      %swap3A_2409 = tpu.vector_load %arg6[%swap3A_2408] {strides = array<i32>} : memref<48xi32, #tpu.memory_space<vmem>>, vector<16xi32>,
      %swap3A_2410 = vector.shape_cast %swap3A_2409 : vector<16xi32> to vector<16xi32>
      %swap3A_2411 = vector.shape_cast %add3A_2407 : vector<16xi32> to vector<16xi32>
      tpu.vector_store %arg6[%swap3A_2408], %swap3A_2411 {strides = array<i32>} : memref<48xi32, #tpu.memory_space<vmem>>, vector<16xi32>,
      %get3A_2412 = arith.constant 8 : index
      %get3A_2413 = tpu.vector_load %arg6[%get3A_2412] {strides = array<i32>} : memref<48xi32, #tpu.memory_space<vmem>>, vector<16xi32>,
      %get3A_2414 = vector.shape_cast %get3A_2413 : vector<16xi32> to vector<16xi32>
      %add3A_2415 = arith.addi %add3A_2407, %get3A_2414 : vector<16xi32>
      %sub3A_2416 = arith.subi %add3A_2415, %select_n3A_2383 : vector<16xi32>
      %add3A_2417 = arith.addi %sub3A_2416, %add3A_2377 : vector<16xi32>
      %lt3A_2418 = arith.cmpi slt, %add3A_2417, %broadcast_in_dim3A_352 : vector<16xi32>
      %and3A_2419 = arith.andi %eq3A_2382, %lt3A_2418 : vector<16xi1>
      %or3A_2420 = arith.ori %gt3A_2381, %and3A_2419 : vector<16xi1>
      %select_n3A_2421 = arith.select %or3A_2420, %broadcast_in_dim3A_5, %broadcast_in_dim3A_7 : vector<16xi1>, vector<16xf32>
      %swap3A_2422 = arith.constant 624 : index
      %swap3A_2423 = tpu.vector_load %arg5[%swap3A_2422] {strides = array<i32>} : memref<768xf32, #tpu.memory_space<vmem>>, vector<16xf32>,
      %swap3A_2424 = vector.shape_cast %swap3A_2423 : vector<16xf32> to vector<16xf32>
      %swap3A_2425 = vector.shape_cast %select_n3A_2421 : vector<16xf32> to vector<16xf32>
      tpu.vector_store %arg5[%swap3A_2422], %swap3A_2425 {strides = array<i32>} : memref<768xf32, #tpu.memory_space<vmem>>, vector<16xf32>,
      %slice3A_2426 = vector.extract_strided_slice %add3A_2415 {offsets = [15], sizes = [1], strides = [1]} : vector<16xi32> to vector<1xi32>
      %squeeze3A_2427 = vector.extract %slice3A_2426[0] : i32 from vector<1xi32>
      %broadcast_in_dim3A_2428 = vector.broadcast %squeeze3A_2427 : i32 to vector<16xi32>
      %add3A_2429 = arith.addi %add3A_2377, %broadcast_in_dim3A_2428 : vector<16xi32>
      %get3A_2430 = arith.constant 640 : index
      %get3A_2431 = tpu.vector_load %arg4[%get3A_2430] {strides = array<i32>} : memref<768xi32, #tpu.memory_space<vmem>>, vector<16xi32>,
      %get3A_2432 = vector.shape_cast %get3A_2431 : vector<16xi32> to vector<16xi32>
      %gt3A_2433 = arith.cmpi sgt, %get3A_2432, %broadcast_in_dim3A_33 : vector<16xi32>
      %eq3A_2434 = arith.cmpi eq, %get3A_2432, %broadcast_in_dim3A_33 : vector<16xi32>
      %select_n3A_2435 = arith.select %eq3A_2434, %broadcast_in_dim3A_1, %broadcast_in_dim3A_3 : vector<16xi1>, vector<16xi32>
      %swap3A_2436 = arith.constant 16 : index
      %swap3A_2437 = tpu.vector_load %arg6[%swap3A_2436] {strides = array<i32>} : memref<48xi32, #tpu.memory_space<vmem>>, vector<16xi32>,
      %swap3A_2438 = vector.shape_cast %swap3A_2437 : vector<16xi32> to vector<16xi32>
      %swap3A_2439 = vector.shape_cast %select_n3A_2435 : vector<16xi32> to vector<16xi32>
      tpu.vector_store %arg6[%swap3A_2436], %swap3A_2439 {strides = array<i32>} : memref<48xi32, #tpu.memory_space<vmem>>, vector<16xi32>,
      %get3A_2440 = arith.constant 15 : index
      %get3A_2441 = tpu.vector_load %arg6[%get3A_2440] {strides = array<i32>} : memref<48xi32, #tpu.memory_space<vmem>>, vector<16xi32>,
      %get3A_2442 = vector.shape_cast %get3A_2441 : vector<16xi32> to vector<16xi32>
      %add3A_2443 = arith.addi %select_n3A_2435, %get3A_2442 : vector<16xi32>
      %swap3A_2444 = arith.constant 16 : index
      %swap3A_2445 = tpu.vector_load %arg6[%swap3A_2444] {strides = array<i32>} : memref<48xi32, #tpu.memory_space<vmem>>, vector<16xi32>,
      %swap3A_2446 = vector.shape_cast %swap3A_2445 : vector<16xi32> to vector<16xi32>
      %swap3A_2447 = vector.shape_cast %add3A_2443 : vector<16xi32> to vector<16xi32>
      tpu.vector_store %arg6[%swap3A_2444], %swap3A_2447 {strides = array<i32>} : memref<48xi32, #tpu.memory_space<vmem>>, vector<16xi32>,
      %get3A_2448 = arith.constant 14 : index
      %get3A_2449 = tpu.vector_load %arg6[%get3A_2448] {strides = array<i32>} : memref<48xi32, #tpu.memory_space<vmem>>, vector<16xi32>,
      %get3A_2450 = vector.shape_cast %get3A_2449 : vector<16xi32> to vector<16xi32>
      %add3A_2451 = arith.addi %add3A_2443, %get3A_2450 : vector<16xi32>
      %swap3A_2452 = arith.constant 16 : index
      %swap3A_2453 = tpu.vector_load %arg6[%swap3A_2452] {strides = array<i32>} : memref<48xi32, #tpu.memory_space<vmem>>, vector<16xi32>,
      %swap3A_2454 = vector.shape_cast %swap3A_2453 : vector<16xi32> to vector<16xi32>
      %swap3A_2455 = vector.shape_cast %add3A_2451 : vector<16xi32> to vector<16xi32>
      tpu.vector_store %arg6[%swap3A_2452], %swap3A_2455 {strides = array<i32>} : memref<48xi32, #tpu.memory_space<vmem>>, vector<16xi32>,
      %get3A_2456 = arith.constant 12 : index
      %get3A_2457 = tpu.vector_load %arg6[%get3A_2456] {strides = array<i32>} : memref<48xi32, #tpu.memory_space<vmem>>, vector<16xi32>,
      %get3A_2458 = vector.shape_cast %get3A_2457 : vector<16xi32> to vector<16xi32>
      %add3A_2459 = arith.addi %add3A_2451, %get3A_2458 : vector<16xi32>
      %swap3A_2460 = arith.constant 16 : index
      %swap3A_2461 = tpu.vector_load %arg6[%swap3A_2460] {strides = array<i32>} : memref<48xi32, #tpu.memory_space<vmem>>, vector<16xi32>,
      %swap3A_2462 = vector.shape_cast %swap3A_2461 : vector<16xi32> to vector<16xi32>
      %swap3A_2463 = vector.shape_cast %add3A_2459 : vector<16xi32> to vector<16xi32>
      tpu.vector_store %arg6[%swap3A_2460], %swap3A_2463 {strides = array<i32>} : memref<48xi32, #tpu.memory_space<vmem>>, vector<16xi32>,
      %get3A_2464 = arith.constant 8 : index
      %get3A_2465 = tpu.vector_load %arg6[%get3A_2464] {strides = array<i32>} : memref<48xi32, #tpu.memory_space<vmem>>, vector<16xi32>,
      %get3A_2466 = vector.shape_cast %get3A_2465 : vector<16xi32> to vector<16xi32>
      %add3A_2467 = arith.addi %add3A_2459, %get3A_2466 : vector<16xi32>
      %sub3A_2468 = arith.subi %add3A_2467, %select_n3A_2435 : vector<16xi32>
      %add3A_2469 = arith.addi %sub3A_2468, %add3A_2429 : vector<16xi32>
      %lt3A_2470 = arith.cmpi slt, %add3A_2469, %broadcast_in_dim3A_352 : vector<16xi32>
      %and3A_2471 = arith.andi %eq3A_2434, %lt3A_2470 : vector<16xi1>
      %or3A_2472 = arith.ori %gt3A_2433, %and3A_2471 : vector<16xi1>
      %select_n3A_2473 = arith.select %or3A_2472, %broadcast_in_dim3A_5, %broadcast_in_dim3A_7 : vector<16xi1>, vector<16xf32>
      %swap3A_2474 = arith.constant 640 : index
      %swap3A_2475 = tpu.vector_load %arg5[%swap3A_2474] {strides = array<i32>} : memref<768xf32, #tpu.memory_space<vmem>>, vector<16xf32>,
      %swap3A_2476 = vector.shape_cast %swap3A_2475 : vector<16xf32> to vector<16xf32>
      %swap3A_2477 = vector.shape_cast %select_n3A_2473 : vector<16xf32> to vector<16xf32>
      tpu.vector_store %arg5[%swap3A_2474], %swap3A_2477 {strides = array<i32>} : memref<768xf32, #tpu.memory_space<vmem>>, vector<16xf32>,
      %slice3A_2478 = vector.extract_strided_slice %add3A_2467 {offsets = [15], sizes = [1], strides = [1]} : vector<16xi32> to vector<1xi32>
      %squeeze3A_2479 = vector.extract %slice3A_2478[0] : i32 from vector<1xi32>
      %broadcast_in_dim3A_2480 = vector.broadcast %squeeze3A_2479 : i32 to vector<16xi32>
      %add3A_2481 = arith.addi %add3A_2429, %broadcast_in_dim3A_2480 : vector<16xi32>
      %get3A_2482 = arith.constant 656 : index
      %get3A_2483 = tpu.vector_load %arg4[%get3A_2482] {strides = array<i32>} : memref<768xi32, #tpu.memory_space<vmem>>, vector<16xi32>,
      %get3A_2484 = vector.shape_cast %get3A_2483 : vector<16xi32> to vector<16xi32>
      %gt3A_2485 = arith.cmpi sgt, %get3A_2484, %broadcast_in_dim3A_33 : vector<16xi32>
      %eq3A_2486 = arith.cmpi eq, %get3A_2484, %broadcast_in_dim3A_33 : vector<16xi32>
      %select_n3A_2487 = arith.select %eq3A_2486, %broadcast_in_dim3A_1, %broadcast_in_dim3A_3 : vector<16xi1>, vector<16xi32>
      %swap3A_2488 = arith.constant 16 : index
      %swap3A_2489 = tpu.vector_load %arg6[%swap3A_2488] {strides = array<i32>} : memref<48xi32, #tpu.memory_space<vmem>>, vector<16xi32>,
      %swap3A_2490 = vector.shape_cast %swap3A_2489 : vector<16xi32> to vector<16xi32>
      %swap3A_2491 = vector.shape_cast %select_n3A_2487 : vector<16xi32> to vector<16xi32>
      tpu.vector_store %arg6[%swap3A_2488], %swap3A_2491 {strides = array<i32>} : memref<48xi32, #tpu.memory_space<vmem>>, vector<16xi32>,
      %get3A_2492 = arith.constant 15 : index
      %get3A_2493 = tpu.vector_load %arg6[%get3A_2492] {strides = array<i32>} : memref<48xi32, #tpu.memory_space<vmem>>, vector<16xi32>,
      %get3A_2494 = vector.shape_cast %get3A_2493 : vector<16xi32> to vector<16xi32>
      %add3A_2495 = arith.addi %select_n3A_2487, %get3A_2494 : vector<16xi32>
      %swap3A_2496 = arith.constant 16 : index
      %swap3A_2497 = tpu.vector_load %arg6[%swap3A_2496] {strides = array<i32>} : memref<48xi32, #tpu.memory_space<vmem>>, vector<16xi32>,
      %swap3A_2498 = vector.shape_cast %swap3A_2497 : vector<16xi32> to vector<16xi32>
      %swap3A_2499 = vector.shape_cast %add3A_2495 : vector<16xi32> to vector<16xi32>
      tpu.vector_store %arg6[%swap3A_2496], %swap3A_2499 {strides = array<i32>} : memref<48xi32, #tpu.memory_space<vmem>>, vector<16xi32>,
      %get3A_2500 = arith.constant 14 : index
      %get3A_2501 = tpu.vector_load %arg6[%get3A_2500] {strides = array<i32>} : memref<48xi32, #tpu.memory_space<vmem>>, vector<16xi32>,
      %get3A_2502 = vector.shape_cast %get3A_2501 : vector<16xi32> to vector<16xi32>
      %add3A_2503 = arith.addi %add3A_2495, %get3A_2502 : vector<16xi32>
      %swap3A_2504 = arith.constant 16 : index
      %swap3A_2505 = tpu.vector_load %arg6[%swap3A_2504] {strides = array<i32>} : memref<48xi32, #tpu.memory_space<vmem>>, vector<16xi32>,
      %swap3A_2506 = vector.shape_cast %swap3A_2505 : vector<16xi32> to vector<16xi32>
      %swap3A_2507 = vector.shape_cast %add3A_2503 : vector<16xi32> to vector<16xi32>
      tpu.vector_store %arg6[%swap3A_2504], %swap3A_2507 {strides = array<i32>} : memref<48xi32, #tpu.memory_space<vmem>>, vector<16xi32>,
      %get3A_2508 = arith.constant 12 : index
      %get3A_2509 = tpu.vector_load %arg6[%get3A_2508] {strides = array<i32>} : memref<48xi32, #tpu.memory_space<vmem>>, vector<16xi32>,
      %get3A_2510 = vector.shape_cast %get3A_2509 : vector<16xi32> to vector<16xi32>
      %add3A_2511 = arith.addi %add3A_2503, %get3A_2510 : vector<16xi32>
      %swap3A_2512 = arith.constant 16 : index
      %swap3A_2513 = tpu.vector_load %arg6[%swap3A_2512] {strides = array<i32>} : memref<48xi32, #tpu.memory_space<vmem>>, vector<16xi32>,
      %swap3A_2514 = vector.shape_cast %swap3A_2513 : vector<16xi32> to vector<16xi32>
      %swap3A_2515 = vector.shape_cast %add3A_2511 : vector<16xi32> to vector<16xi32>
      tpu.vector_store %arg6[%swap3A_2512], %swap3A_2515 {strides = array<i32>} : memref<48xi32, #tpu.memory_space<vmem>>, vector<16xi32>,
      %get3A_2516 = arith.constant 8 : index
      %get3A_2517 = tpu.vector_load %arg6[%get3A_2516] {strides = array<i32>} : memref<48xi32, #tpu.memory_space<vmem>>, vector<16xi32>,
      %get3A_2518 = vector.shape_cast %get3A_2517 : vector<16xi32> to vector<16xi32>
      %add3A_2519 = arith.addi %add3A_2511, %get3A_2518 : vector<16xi32>
      %sub3A_2520 = arith.subi %add3A_2519, %select_n3A_2487 : vector<16xi32>
      %add3A_2521 = arith.addi %sub3A_2520, %add3A_2481 : vector<16xi32>
      %lt3A_2522 = arith.cmpi slt, %add3A_2521, %broadcast_in_dim3A_352 : vector<16xi32>
      %and3A_2523 = arith.andi %eq3A_2486, %lt3A_2522 : vector<16xi1>
      %or3A_2524 = arith.ori %gt3A_2485, %and3A_2523 : vector<16xi1>
      %select_n3A_2525 = arith.select %or3A_2524, %broadcast_in_dim3A_5, %broadcast_in_dim3A_7 : vector<16xi1>, vector<16xf32>
      %swap3A_2526 = arith.constant 656 : index
      %swap3A_2527 = tpu.vector_load %arg5[%swap3A_2526] {strides = array<i32>} : memref<768xf32, #tpu.memory_space<vmem>>, vector<16xf32>,
      %swap3A_2528 = vector.shape_cast %swap3A_2527 : vector<16xf32> to vector<16xf32>
      %swap3A_2529 = vector.shape_cast %select_n3A_2525 : vector<16xf32> to vector<16xf32>
      tpu.vector_store %arg5[%swap3A_2526], %swap3A_2529 {strides = array<i32>} : memref<768xf32, #tpu.memory_space<vmem>>, vector<16xf32>,
      %slice3A_2530 = vector.extract_strided_slice %add3A_2519 {offsets = [15], sizes = [1], strides = [1]} : vector<16xi32> to vector<1xi32>
      %squeeze3A_2531 = vector.extract %slice3A_2530[0] : i32 from vector<1xi32>
      %broadcast_in_dim3A_2532 = vector.broadcast %squeeze3A_2531 : i32 to vector<16xi32>
      %add3A_2533 = arith.addi %add3A_2481, %broadcast_in_dim3A_2532 : vector<16xi32>
      %get3A_2534 = arith.constant 672 : index
      %get3A_2535 = tpu.vector_load %arg4[%get3A_2534] {strides = array<i32>} : memref<768xi32, #tpu.memory_space<vmem>>, vector<16xi32>,
      %get3A_2536 = vector.shape_cast %get3A_2535 : vector<16xi32> to vector<16xi32>
      %gt3A_2537 = arith.cmpi sgt, %get3A_2536, %broadcast_in_dim3A_33 : vector<16xi32>
      %eq3A_2538 = arith.cmpi eq, %get3A_2536, %broadcast_in_dim3A_33 : vector<16xi32>
      %select_n3A_2539 = arith.select %eq3A_2538, %broadcast_in_dim3A_1, %broadcast_in_dim3A_3 : vector<16xi1>, vector<16xi32>
      %swap3A_2540 = arith.constant 16 : index
      %swap3A_2541 = tpu.vector_load %arg6[%swap3A_2540] {strides = array<i32>} : memref<48xi32, #tpu.memory_space<vmem>>, vector<16xi32>,
      %swap3A_2542 = vector.shape_cast %swap3A_2541 : vector<16xi32> to vector<16xi32>
      %swap3A_2543 = vector.shape_cast %select_n3A_2539 : vector<16xi32> to vector<16xi32>
      tpu.vector_store %arg6[%swap3A_2540], %swap3A_2543 {strides = array<i32>} : memref<48xi32, #tpu.memory_space<vmem>>, vector<16xi32>,
      %get3A_2544 = arith.constant 15 : index
      %get3A_2545 = tpu.vector_load %arg6[%get3A_2544] {strides = array<i32>} : memref<48xi32, #tpu.memory_space<vmem>>, vector<16xi32>,
      %get3A_2546 = vector.shape_cast %get3A_2545 : vector<16xi32> to vector<16xi32>
      %add3A_2547 = arith.addi %select_n3A_2539, %get3A_2546 : vector<16xi32>
      %swap3A_2548 = arith.constant 16 : index
      %swap3A_2549 = tpu.vector_load %arg6[%swap3A_2548] {strides = array<i32>} : memref<48xi32, #tpu.memory_space<vmem>>, vector<16xi32>,
      %swap3A_2550 = vector.shape_cast %swap3A_2549 : vector<16xi32> to vector<16xi32>
      %swap3A_2551 = vector.shape_cast %add3A_2547 : vector<16xi32> to vector<16xi32>
      tpu.vector_store %arg6[%swap3A_2548], %swap3A_2551 {strides = array<i32>} : memref<48xi32, #tpu.memory_space<vmem>>, vector<16xi32>,
      %get3A_2552 = arith.constant 14 : index
      %get3A_2553 = tpu.vector_load %arg6[%get3A_2552] {strides = array<i32>} : memref<48xi32, #tpu.memory_space<vmem>>, vector<16xi32>,
      %get3A_2554 = vector.shape_cast %get3A_2553 : vector<16xi32> to vector<16xi32>
      %add3A_2555 = arith.addi %add3A_2547, %get3A_2554 : vector<16xi32>
      %swap3A_2556 = arith.constant 16 : index
      %swap3A_2557 = tpu.vector_load %arg6[%swap3A_2556] {strides = array<i32>} : memref<48xi32, #tpu.memory_space<vmem>>, vector<16xi32>,
      %swap3A_2558 = vector.shape_cast %swap3A_2557 : vector<16xi32> to vector<16xi32>
      %swap3A_2559 = vector.shape_cast %add3A_2555 : vector<16xi32> to vector<16xi32>
      tpu.vector_store %arg6[%swap3A_2556], %swap3A_2559 {strides = array<i32>} : memref<48xi32, #tpu.memory_space<vmem>>, vector<16xi32>,
      %get3A_2560 = arith.constant 12 : index
      %get3A_2561 = tpu.vector_load %arg6[%get3A_2560] {strides = array<i32>} : memref<48xi32, #tpu.memory_space<vmem>>, vector<16xi32>,
      %get3A_2562 = vector.shape_cast %get3A_2561 : vector<16xi32> to vector<16xi32>
      %add3A_2563 = arith.addi %add3A_2555, %get3A_2562 : vector<16xi32>
      %swap3A_2564 = arith.constant 16 : index
      %swap3A_2565 = tpu.vector_load %arg6[%swap3A_2564] {strides = array<i32>} : memref<48xi32, #tpu.memory_space<vmem>>, vector<16xi32>,
      %swap3A_2566 = vector.shape_cast %swap3A_2565 : vector<16xi32> to vector<16xi32>
      %swap3A_2567 = vector.shape_cast %add3A_2563 : vector<16xi32> to vector<16xi32>
      tpu.vector_store %arg6[%swap3A_2564], %swap3A_2567 {strides = array<i32>} : memref<48xi32, #tpu.memory_space<vmem>>, vector<16xi32>,
      %get3A_2568 = arith.constant 8 : index
      %get3A_2569 = tpu.vector_load %arg6[%get3A_2568] {strides = array<i32>} : memref<48xi32, #tpu.memory_space<vmem>>, vector<16xi32>,
      %get3A_2570 = vector.shape_cast %get3A_2569 : vector<16xi32> to vector<16xi32>
      %add3A_2571 = arith.addi %add3A_2563, %get3A_2570 : vector<16xi32>
      %sub3A_2572 = arith.subi %add3A_2571, %select_n3A_2539 : vector<16xi32>
      %add3A_2573 = arith.addi %sub3A_2572, %add3A_2533 : vector<16xi32>
      %lt3A_2574 = arith.cmpi slt, %add3A_2573, %broadcast_in_dim3A_352 : vector<16xi32>
      %and3A_2575 = arith.andi %eq3A_2538, %lt3A_2574 : vector<16xi1>
      %or3A_2576 = arith.ori %gt3A_2537, %and3A_2575 : vector<16xi1>
      %select_n3A_2577 = arith.select %or3A_2576, %broadcast_in_dim3A_5, %broadcast_in_dim3A_7 : vector<16xi1>, vector<16xf32>
      %swap3A_2578 = arith.constant 672 : index
      %swap3A_2579 = tpu.vector_load %arg5[%swap3A_2578] {strides = array<i32>} : memref<768xf32, #tpu.memory_space<vmem>>, vector<16xf32>,
      %swap3A_2580 = vector.shape_cast %swap3A_2579 : vector<16xf32> to vector<16xf32>
      %swap3A_2581 = vector.shape_cast %select_n3A_2577 : vector<16xf32> to vector<16xf32>
      tpu.vector_store %arg5[%swap3A_2578], %swap3A_2581 {strides = array<i32>} : memref<768xf32, #tpu.memory_space<vmem>>, vector<16xf32>,
      %slice3A_2582 = vector.extract_strided_slice %add3A_2571 {offsets = [15], sizes = [1], strides = [1]} : vector<16xi32> to vector<1xi32>
      %squeeze3A_2583 = vector.extract %slice3A_2582[0] : i32 from vector<1xi32>
      %broadcast_in_dim3A_2584 = vector.broadcast %squeeze3A_2583 : i32 to vector<16xi32>
      %add3A_2585 = arith.addi %add3A_2533, %broadcast_in_dim3A_2584 : vector<16xi32>
      %get3A_2586 = arith.constant 688 : index
      %get3A_2587 = tpu.vector_load %arg4[%get3A_2586] {strides = array<i32>} : memref<768xi32, #tpu.memory_space<vmem>>, vector<16xi32>,
      %get3A_2588 = vector.shape_cast %get3A_2587 : vector<16xi32> to vector<16xi32>
      %gt3A_2589 = arith.cmpi sgt, %get3A_2588, %broadcast_in_dim3A_33 : vector<16xi32>
      %eq3A_2590 = arith.cmpi eq, %get3A_2588, %broadcast_in_dim3A_33 : vector<16xi32>
      %select_n3A_2591 = arith.select %eq3A_2590, %broadcast_in_dim3A_1, %broadcast_in_dim3A_3 : vector<16xi1>, vector<16xi32>
      %swap3A_2592 = arith.constant 16 : index
      %swap3A_2593 = tpu.vector_load %arg6[%swap3A_2592] {strides = array<i32>} : memref<48xi32, #tpu.memory_space<vmem>>, vector<16xi32>,
      %swap3A_2594 = vector.shape_cast %swap3A_2593 : vector<16xi32> to vector<16xi32>
      %swap3A_2595 = vector.shape_cast %select_n3A_2591 : vector<16xi32> to vector<16xi32>
      tpu.vector_store %arg6[%swap3A_2592], %swap3A_2595 {strides = array<i32>} : memref<48xi32, #tpu.memory_space<vmem>>, vector<16xi32>,
      %get3A_2596 = arith.constant 15 : index
      %get3A_2597 = tpu.vector_load %arg6[%get3A_2596] {strides = array<i32>} : memref<48xi32, #tpu.memory_space<vmem>>, vector<16xi32>,
      %get3A_2598 = vector.shape_cast %get3A_2597 : vector<16xi32> to vector<16xi32>
      %add3A_2599 = arith.addi %select_n3A_2591, %get3A_2598 : vector<16xi32>
      %swap3A_2600 = arith.constant 16 : index
      %swap3A_2601 = tpu.vector_load %arg6[%swap3A_2600] {strides = array<i32>} : memref<48xi32, #tpu.memory_space<vmem>>, vector<16xi32>,
      %swap3A_2602 = vector.shape_cast %swap3A_2601 : vector<16xi32> to vector<16xi32>
      %swap3A_2603 = vector.shape_cast %add3A_2599 : vector<16xi32> to vector<16xi32>
      tpu.vector_store %arg6[%swap3A_2600], %swap3A_2603 {strides = array<i32>} : memref<48xi32, #tpu.memory_space<vmem>>, vector<16xi32>,
      %get3A_2604 = arith.constant 14 : index
      %get3A_2605 = tpu.vector_load %arg6[%get3A_2604] {strides = array<i32>} : memref<48xi32, #tpu.memory_space<vmem>>, vector<16xi32>,
      %get3A_2606 = vector.shape_cast %get3A_2605 : vector<16xi32> to vector<16xi32>
      %add3A_2607 = arith.addi %add3A_2599, %get3A_2606 : vector<16xi32>
      %swap3A_2608 = arith.constant 16 : index
      %swap3A_2609 = tpu.vector_load %arg6[%swap3A_2608] {strides = array<i32>} : memref<48xi32, #tpu.memory_space<vmem>>, vector<16xi32>,
      %swap3A_2610 = vector.shape_cast %swap3A_2609 : vector<16xi32> to vector<16xi32>
      %swap3A_2611 = vector.shape_cast %add3A_2607 : vector<16xi32> to vector<16xi32>
      tpu.vector_store %arg6[%swap3A_2608], %swap3A_2611 {strides = array<i32>} : memref<48xi32, #tpu.memory_space<vmem>>, vector<16xi32>,
      %get3A_2612 = arith.constant 12 : index
      %get3A_2613 = tpu.vector_load %arg6[%get3A_2612] {strides = array<i32>} : memref<48xi32, #tpu.memory_space<vmem>>, vector<16xi32>,
      %get3A_2614 = vector.shape_cast %get3A_2613 : vector<16xi32> to vector<16xi32>
      %add3A_2615 = arith.addi %add3A_2607, %get3A_2614 : vector<16xi32>
      %swap3A_2616 = arith.constant 16 : index
      %swap3A_2617 = tpu.vector_load %arg6[%swap3A_2616] {strides = array<i32>} : memref<48xi32, #tpu.memory_space<vmem>>, vector<16xi32>,
      %swap3A_2618 = vector.shape_cast %swap3A_2617 : vector<16xi32> to vector<16xi32>
      %swap3A_2619 = vector.shape_cast %add3A_2615 : vector<16xi32> to vector<16xi32>
      tpu.vector_store %arg6[%swap3A_2616], %swap3A_2619 {strides = array<i32>} : memref<48xi32, #tpu.memory_space<vmem>>, vector<16xi32>,
      %get3A_2620 = arith.constant 8 : index
      %get3A_2621 = tpu.vector_load %arg6[%get3A_2620] {strides = array<i32>} : memref<48xi32, #tpu.memory_space<vmem>>, vector<16xi32>,
      %get3A_2622 = vector.shape_cast %get3A_2621 : vector<16xi32> to vector<16xi32>
      %add3A_2623 = arith.addi %add3A_2615, %get3A_2622 : vector<16xi32>
      %sub3A_2624 = arith.subi %add3A_2623, %select_n3A_2591 : vector<16xi32>
      %add3A_2625 = arith.addi %sub3A_2624, %add3A_2585 : vector<16xi32>
      %lt3A_2626 = arith.cmpi slt, %add3A_2625, %broadcast_in_dim3A_352 : vector<16xi32>
      %and3A_2627 = arith.andi %eq3A_2590, %lt3A_2626 : vector<16xi1>
      %or3A_2628 = arith.ori %gt3A_2589, %and3A_2627 : vector<16xi1>
      %select_n3A_2629 = arith.select %or3A_2628, %broadcast_in_dim3A_5, %broadcast_in_dim3A_7 : vector<16xi1>, vector<16xf32>
      %swap3A_2630 = arith.constant 688 : index
      %swap3A_2631 = tpu.vector_load %arg5[%swap3A_2630] {strides = array<i32>} : memref<768xf32, #tpu.memory_space<vmem>>, vector<16xf32>,
      %swap3A_2632 = vector.shape_cast %swap3A_2631 : vector<16xf32> to vector<16xf32>
      %swap3A_2633 = vector.shape_cast %select_n3A_2629 : vector<16xf32> to vector<16xf32>
      tpu.vector_store %arg5[%swap3A_2630], %swap3A_2633 {strides = array<i32>} : memref<768xf32, #tpu.memory_space<vmem>>, vector<16xf32>,
      %slice3A_2634 = vector.extract_strided_slice %add3A_2623 {offsets = [15], sizes = [1], strides = [1]} : vector<16xi32> to vector<1xi32>
      %squeeze3A_2635 = vector.extract %slice3A_2634[0] : i32 from vector<1xi32>
      %broadcast_in_dim3A_2636 = vector.broadcast %squeeze3A_2635 : i32 to vector<16xi32>
      %add3A_2637 = arith.addi %add3A_2585, %broadcast_in_dim3A_2636 : vector<16xi32>
      %get3A_2638 = arith.constant 704 : index
      %get3A_2639 = tpu.vector_load %arg4[%get3A_2638] {strides = array<i32>} : memref<768xi32, #tpu.memory_space<vmem>>, vector<16xi32>,
      %get3A_2640 = vector.shape_cast %get3A_2639 : vector<16xi32> to vector<16xi32>
      %gt3A_2641 = arith.cmpi sgt, %get3A_2640, %broadcast_in_dim3A_33 : vector<16xi32>
      %eq3A_2642 = arith.cmpi eq, %get3A_2640, %broadcast_in_dim3A_33 : vector<16xi32>
      %select_n3A_2643 = arith.select %eq3A_2642, %broadcast_in_dim3A_1, %broadcast_in_dim3A_3 : vector<16xi1>, vector<16xi32>
      %swap3A_2644 = arith.constant 16 : index
      %swap3A_2645 = tpu.vector_load %arg6[%swap3A_2644] {strides = array<i32>} : memref<48xi32, #tpu.memory_space<vmem>>, vector<16xi32>,
      %swap3A_2646 = vector.shape_cast %swap3A_2645 : vector<16xi32> to vector<16xi32>
      %swap3A_2647 = vector.shape_cast %select_n3A_2643 : vector<16xi32> to vector<16xi32>
      tpu.vector_store %arg6[%swap3A_2644], %swap3A_2647 {strides = array<i32>} : memref<48xi32, #tpu.memory_space<vmem>>, vector<16xi32>,
      %get3A_2648 = arith.constant 15 : index
      %get3A_2649 = tpu.vector_load %arg6[%get3A_2648] {strides = array<i32>} : memref<48xi32, #tpu.memory_space<vmem>>, vector<16xi32>,
      %get3A_2650 = vector.shape_cast %get3A_2649 : vector<16xi32> to vector<16xi32>
      %add3A_2651 = arith.addi %select_n3A_2643, %get3A_2650 : vector<16xi32>
      %swap3A_2652 = arith.constant 16 : index
      %swap3A_2653 = tpu.vector_load %arg6[%swap3A_2652] {strides = array<i32>} : memref<48xi32, #tpu.memory_space<vmem>>, vector<16xi32>,
      %swap3A_2654 = vector.shape_cast %swap3A_2653 : vector<16xi32> to vector<16xi32>
      %swap3A_2655 = vector.shape_cast %add3A_2651 : vector<16xi32> to vector<16xi32>
      tpu.vector_store %arg6[%swap3A_2652], %swap3A_2655 {strides = array<i32>} : memref<48xi32, #tpu.memory_space<vmem>>, vector<16xi32>,
      %get3A_2656 = arith.constant 14 : index
      %get3A_2657 = tpu.vector_load %arg6[%get3A_2656] {strides = array<i32>} : memref<48xi32, #tpu.memory_space<vmem>>, vector<16xi32>,
      %get3A_2658 = vector.shape_cast %get3A_2657 : vector<16xi32> to vector<16xi32>
      %add3A_2659 = arith.addi %add3A_2651, %get3A_2658 : vector<16xi32>
      %swap3A_2660 = arith.constant 16 : index
      %swap3A_2661 = tpu.vector_load %arg6[%swap3A_2660] {strides = array<i32>} : memref<48xi32, #tpu.memory_space<vmem>>, vector<16xi32>,
      %swap3A_2662 = vector.shape_cast %swap3A_2661 : vector<16xi32> to vector<16xi32>
      %swap3A_2663 = vector.shape_cast %add3A_2659 : vector<16xi32> to vector<16xi32>
      tpu.vector_store %arg6[%swap3A_2660], %swap3A_2663 {strides = array<i32>} : memref<48xi32, #tpu.memory_space<vmem>>, vector<16xi32>,
      %get3A_2664 = arith.constant 12 : index
      %get3A_2665 = tpu.vector_load %arg6[%get3A_2664] {strides = array<i32>} : memref<48xi32, #tpu.memory_space<vmem>>, vector<16xi32>,
      %get3A_2666 = vector.shape_cast %get3A_2665 : vector<16xi32> to vector<16xi32>
      %add3A_2667 = arith.addi %add3A_2659, %get3A_2666 : vector<16xi32>
      %swap3A_2668 = arith.constant 16 : index
      %swap3A_2669 = tpu.vector_load %arg6[%swap3A_2668] {strides = array<i32>} : memref<48xi32, #tpu.memory_space<vmem>>, vector<16xi32>,
      %swap3A_2670 = vector.shape_cast %swap3A_2669 : vector<16xi32> to vector<16xi32>
      %swap3A_2671 = vector.shape_cast %add3A_2667 : vector<16xi32> to vector<16xi32>
      tpu.vector_store %arg6[%swap3A_2668], %swap3A_2671 {strides = array<i32>} : memref<48xi32, #tpu.memory_space<vmem>>, vector<16xi32>,
      %get3A_2672 = arith.constant 8 : index
      %get3A_2673 = tpu.vector_load %arg6[%get3A_2672] {strides = array<i32>} : memref<48xi32, #tpu.memory_space<vmem>>, vector<16xi32>,
      %get3A_2674 = vector.shape_cast %get3A_2673 : vector<16xi32> to vector<16xi32>
      %add3A_2675 = arith.addi %add3A_2667, %get3A_2674 : vector<16xi32>
      %sub3A_2676 = arith.subi %add3A_2675, %select_n3A_2643 : vector<16xi32>
      %add3A_2677 = arith.addi %sub3A_2676, %add3A_2637 : vector<16xi32>
      %lt3A_2678 = arith.cmpi slt, %add3A_2677, %broadcast_in_dim3A_352 : vector<16xi32>
      %and3A_2679 = arith.andi %eq3A_2642, %lt3A_2678 : vector<16xi1>
      %or3A_2680 = arith.ori %gt3A_2641, %and3A_2679 : vector<16xi1>
      %select_n3A_2681 = arith.select %or3A_2680, %broadcast_in_dim3A_5, %broadcast_in_dim3A_7 : vector<16xi1>, vector<16xf32>
      %swap3A_2682 = arith.constant 704 : index
      %swap3A_2683 = tpu.vector_load %arg5[%swap3A_2682] {strides = array<i32>} : memref<768xf32, #tpu.memory_space<vmem>>, vector<16xf32>,
      %swap3A_2684 = vector.shape_cast %swap3A_2683 : vector<16xf32> to vector<16xf32>
      %swap3A_2685 = vector.shape_cast %select_n3A_2681 : vector<16xf32> to vector<16xf32>
      tpu.vector_store %arg5[%swap3A_2682], %swap3A_2685 {strides = array<i32>} : memref<768xf32, #tpu.memory_space<vmem>>, vector<16xf32>,
      %slice3A_2686 = vector.extract_strided_slice %add3A_2675 {offsets = [15], sizes = [1], strides = [1]} : vector<16xi32> to vector<1xi32>
      %squeeze3A_2687 = vector.extract %slice3A_2686[0] : i32 from vector<1xi32>
      %broadcast_in_dim3A_2688 = vector.broadcast %squeeze3A_2687 : i32 to vector<16xi32>
      %add3A_2689 = arith.addi %add3A_2637, %broadcast_in_dim3A_2688 : vector<16xi32>
      %get3A_2690 = arith.constant 720 : index
      %get3A_2691 = tpu.vector_load %arg4[%get3A_2690] {strides = array<i32>} : memref<768xi32, #tpu.memory_space<vmem>>, vector<16xi32>,
      %get3A_2692 = vector.shape_cast %get3A_2691 : vector<16xi32> to vector<16xi32>
      %gt3A_2693 = arith.cmpi sgt, %get3A_2692, %broadcast_in_dim3A_33 : vector<16xi32>
      %eq3A_2694 = arith.cmpi eq, %get3A_2692, %broadcast_in_dim3A_33 : vector<16xi32>
      %select_n3A_2695 = arith.select %eq3A_2694, %broadcast_in_dim3A_1, %broadcast_in_dim3A_3 : vector<16xi1>, vector<16xi32>
      %swap3A_2696 = arith.constant 16 : index
      %swap3A_2697 = tpu.vector_load %arg6[%swap3A_2696] {strides = array<i32>} : memref<48xi32, #tpu.memory_space<vmem>>, vector<16xi32>,
      %swap3A_2698 = vector.shape_cast %swap3A_2697 : vector<16xi32> to vector<16xi32>
      %swap3A_2699 = vector.shape_cast %select_n3A_2695 : vector<16xi32> to vector<16xi32>
      tpu.vector_store %arg6[%swap3A_2696], %swap3A_2699 {strides = array<i32>} : memref<48xi32, #tpu.memory_space<vmem>>, vector<16xi32>,
      %get3A_2700 = arith.constant 15 : index
      %get3A_2701 = tpu.vector_load %arg6[%get3A_2700] {strides = array<i32>} : memref<48xi32, #tpu.memory_space<vmem>>, vector<16xi32>,
      %get3A_2702 = vector.shape_cast %get3A_2701 : vector<16xi32> to vector<16xi32>
      %add3A_2703 = arith.addi %select_n3A_2695, %get3A_2702 : vector<16xi32>
      %swap3A_2704 = arith.constant 16 : index
      %swap3A_2705 = tpu.vector_load %arg6[%swap3A_2704] {strides = array<i32>} : memref<48xi32, #tpu.memory_space<vmem>>, vector<16xi32>,
      %swap3A_2706 = vector.shape_cast %swap3A_2705 : vector<16xi32> to vector<16xi32>
      %swap3A_2707 = vector.shape_cast %add3A_2703 : vector<16xi32> to vector<16xi32>
      tpu.vector_store %arg6[%swap3A_2704], %swap3A_2707 {strides = array<i32>} : memref<48xi32, #tpu.memory_space<vmem>>, vector<16xi32>,
      %get3A_2708 = arith.constant 14 : index
      %get3A_2709 = tpu.vector_load %arg6[%get3A_2708] {strides = array<i32>} : memref<48xi32, #tpu.memory_space<vmem>>, vector<16xi32>,
      %get3A_2710 = vector.shape_cast %get3A_2709 : vector<16xi32> to vector<16xi32>
      %add3A_2711 = arith.addi %add3A_2703, %get3A_2710 : vector<16xi32>
      %swap3A_2712 = arith.constant 16 : index
      %swap3A_2713 = tpu.vector_load %arg6[%swap3A_2712] {strides = array<i32>} : memref<48xi32, #tpu.memory_space<vmem>>, vector<16xi32>,
      %swap3A_2714 = vector.shape_cast %swap3A_2713 : vector<16xi32> to vector<16xi32>
      %swap3A_2715 = vector.shape_cast %add3A_2711 : vector<16xi32> to vector<16xi32>
      tpu.vector_store %arg6[%swap3A_2712], %swap3A_2715 {strides = array<i32>} : memref<48xi32, #tpu.memory_space<vmem>>, vector<16xi32>,
      %get3A_2716 = arith.constant 12 : index
      %get3A_2717 = tpu.vector_load %arg6[%get3A_2716] {strides = array<i32>} : memref<48xi32, #tpu.memory_space<vmem>>, vector<16xi32>,
      %get3A_2718 = vector.shape_cast %get3A_2717 : vector<16xi32> to vector<16xi32>
      %add3A_2719 = arith.addi %add3A_2711, %get3A_2718 : vector<16xi32>
      %swap3A_2720 = arith.constant 16 : index
      %swap3A_2721 = tpu.vector_load %arg6[%swap3A_2720] {strides = array<i32>} : memref<48xi32, #tpu.memory_space<vmem>>, vector<16xi32>,
      %swap3A_2722 = vector.shape_cast %swap3A_2721 : vector<16xi32> to vector<16xi32>
      %swap3A_2723 = vector.shape_cast %add3A_2719 : vector<16xi32> to vector<16xi32>
      tpu.vector_store %arg6[%swap3A_2720], %swap3A_2723 {strides = array<i32>} : memref<48xi32, #tpu.memory_space<vmem>>, vector<16xi32>,
      %get3A_2724 = arith.constant 8 : index
      %get3A_2725 = tpu.vector_load %arg6[%get3A_2724] {strides = array<i32>} : memref<48xi32, #tpu.memory_space<vmem>>, vector<16xi32>,
      %get3A_2726 = vector.shape_cast %get3A_2725 : vector<16xi32> to vector<16xi32>
      %add3A_2727 = arith.addi %add3A_2719, %get3A_2726 : vector<16xi32>
      %sub3A_2728 = arith.subi %add3A_2727, %select_n3A_2695 : vector<16xi32>
      %add3A_2729 = arith.addi %sub3A_2728, %add3A_2689 : vector<16xi32>
      %lt3A_2730 = arith.cmpi slt, %add3A_2729, %broadcast_in_dim3A_352 : vector<16xi32>
      %and3A_2731 = arith.andi %eq3A_2694, %lt3A_2730 : vector<16xi1>
      %or3A_2732 = arith.ori %gt3A_2693, %and3A_2731 : vector<16xi1>
      %select_n3A_2733 = arith.select %or3A_2732, %broadcast_in_dim3A_5, %broadcast_in_dim3A_7 : vector<16xi1>, vector<16xf32>
      %swap3A_2734 = arith.constant 720 : index
      %swap3A_2735 = tpu.vector_load %arg5[%swap3A_2734] {strides = array<i32>} : memref<768xf32, #tpu.memory_space<vmem>>, vector<16xf32>,
      %swap3A_2736 = vector.shape_cast %swap3A_2735 : vector<16xf32> to vector<16xf32>
      %swap3A_2737 = vector.shape_cast %select_n3A_2733 : vector<16xf32> to vector<16xf32>
      tpu.vector_store %arg5[%swap3A_2734], %swap3A_2737 {strides = array<i32>} : memref<768xf32, #tpu.memory_space<vmem>>, vector<16xf32>,
      %slice3A_2738 = vector.extract_strided_slice %add3A_2727 {offsets = [15], sizes = [1], strides = [1]} : vector<16xi32> to vector<1xi32>
      %squeeze3A_2739 = vector.extract %slice3A_2738[0] : i32 from vector<1xi32>
      %broadcast_in_dim3A_2740 = vector.broadcast %squeeze3A_2739 : i32 to vector<16xi32>
      %add3A_2741 = arith.addi %add3A_2689, %broadcast_in_dim3A_2740 : vector<16xi32>
      %get3A_2742 = arith.constant 736 : index
      %get3A_2743 = tpu.vector_load %arg4[%get3A_2742] {strides = array<i32>} : memref<768xi32, #tpu.memory_space<vmem>>, vector<16xi32>,
      %get3A_2744 = vector.shape_cast %get3A_2743 : vector<16xi32> to vector<16xi32>
      %gt3A_2745 = arith.cmpi sgt, %get3A_2744, %broadcast_in_dim3A_33 : vector<16xi32>
      %eq3A_2746 = arith.cmpi eq, %get3A_2744, %broadcast_in_dim3A_33 : vector<16xi32>
      %select_n3A_2747 = arith.select %eq3A_2746, %broadcast_in_dim3A_1, %broadcast_in_dim3A_3 : vector<16xi1>, vector<16xi32>
      %swap3A_2748 = arith.constant 16 : index
      %swap3A_2749 = tpu.vector_load %arg6[%swap3A_2748] {strides = array<i32>} : memref<48xi32, #tpu.memory_space<vmem>>, vector<16xi32>,
      %swap3A_2750 = vector.shape_cast %swap3A_2749 : vector<16xi32> to vector<16xi32>
      %swap3A_2751 = vector.shape_cast %select_n3A_2747 : vector<16xi32> to vector<16xi32>
      tpu.vector_store %arg6[%swap3A_2748], %swap3A_2751 {strides = array<i32>} : memref<48xi32, #tpu.memory_space<vmem>>, vector<16xi32>,
      %get3A_2752 = arith.constant 15 : index
      %get3A_2753 = tpu.vector_load %arg6[%get3A_2752] {strides = array<i32>} : memref<48xi32, #tpu.memory_space<vmem>>, vector<16xi32>,
      %get3A_2754 = vector.shape_cast %get3A_2753 : vector<16xi32> to vector<16xi32>
      %add3A_2755 = arith.addi %select_n3A_2747, %get3A_2754 : vector<16xi32>
      %swap3A_2756 = arith.constant 16 : index
      %swap3A_2757 = tpu.vector_load %arg6[%swap3A_2756] {strides = array<i32>} : memref<48xi32, #tpu.memory_space<vmem>>, vector<16xi32>,
      %swap3A_2758 = vector.shape_cast %swap3A_2757 : vector<16xi32> to vector<16xi32>
      %swap3A_2759 = vector.shape_cast %add3A_2755 : vector<16xi32> to vector<16xi32>
      tpu.vector_store %arg6[%swap3A_2756], %swap3A_2759 {strides = array<i32>} : memref<48xi32, #tpu.memory_space<vmem>>, vector<16xi32>,
      %get3A_2760 = arith.constant 14 : index
      %get3A_2761 = tpu.vector_load %arg6[%get3A_2760] {strides = array<i32>} : memref<48xi32, #tpu.memory_space<vmem>>, vector<16xi32>,
      %get3A_2762 = vector.shape_cast %get3A_2761 : vector<16xi32> to vector<16xi32>
      %add3A_2763 = arith.addi %add3A_2755, %get3A_2762 : vector<16xi32>
      %swap3A_2764 = arith.constant 16 : index
      %swap3A_2765 = tpu.vector_load %arg6[%swap3A_2764] {strides = array<i32>} : memref<48xi32, #tpu.memory_space<vmem>>, vector<16xi32>,
      %swap3A_2766 = vector.shape_cast %swap3A_2765 : vector<16xi32> to vector<16xi32>
      %swap3A_2767 = vector.shape_cast %add3A_2763 : vector<16xi32> to vector<16xi32>
      tpu.vector_store %arg6[%swap3A_2764], %swap3A_2767 {strides = array<i32>} : memref<48xi32, #tpu.memory_space<vmem>>, vector<16xi32>,
      %get3A_2768 = arith.constant 12 : index
      %get3A_2769 = tpu.vector_load %arg6[%get3A_2768] {strides = array<i32>} : memref<48xi32, #tpu.memory_space<vmem>>, vector<16xi32>,
      %get3A_2770 = vector.shape_cast %get3A_2769 : vector<16xi32> to vector<16xi32>
      %add3A_2771 = arith.addi %add3A_2763, %get3A_2770 : vector<16xi32>
      %swap3A_2772 = arith.constant 16 : index
      %swap3A_2773 = tpu.vector_load %arg6[%swap3A_2772] {strides = array<i32>} : memref<48xi32, #tpu.memory_space<vmem>>, vector<16xi32>,
      %swap3A_2774 = vector.shape_cast %swap3A_2773 : vector<16xi32> to vector<16xi32>
      %swap3A_2775 = vector.shape_cast %add3A_2771 : vector<16xi32> to vector<16xi32>
      tpu.vector_store %arg6[%swap3A_2772], %swap3A_2775 {strides = array<i32>} : memref<48xi32, #tpu.memory_space<vmem>>, vector<16xi32>,
      %get3A_2776 = arith.constant 8 : index
      %get3A_2777 = tpu.vector_load %arg6[%get3A_2776] {strides = array<i32>} : memref<48xi32, #tpu.memory_space<vmem>>, vector<16xi32>,
      %get3A_2778 = vector.shape_cast %get3A_2777 : vector<16xi32> to vector<16xi32>
      %add3A_2779 = arith.addi %add3A_2771, %get3A_2778 : vector<16xi32>
      %sub3A_2780 = arith.subi %add3A_2779, %select_n3A_2747 : vector<16xi32>
      %add3A_2781 = arith.addi %sub3A_2780, %add3A_2741 : vector<16xi32>
      %lt3A_2782 = arith.cmpi slt, %add3A_2781, %broadcast_in_dim3A_352 : vector<16xi32>
      %and3A_2783 = arith.andi %eq3A_2746, %lt3A_2782 : vector<16xi1>
      %or3A_2784 = arith.ori %gt3A_2745, %and3A_2783 : vector<16xi1>
      %select_n3A_2785 = arith.select %or3A_2784, %broadcast_in_dim3A_5, %broadcast_in_dim3A_7 : vector<16xi1>, vector<16xf32>
      %swap3A_2786 = arith.constant 736 : index
      %swap3A_2787 = tpu.vector_load %arg5[%swap3A_2786] {strides = array<i32>} : memref<768xf32, #tpu.memory_space<vmem>>, vector<16xf32>,
      %swap3A_2788 = vector.shape_cast %swap3A_2787 : vector<16xf32> to vector<16xf32>
      %swap3A_2789 = vector.shape_cast %select_n3A_2785 : vector<16xf32> to vector<16xf32>
      tpu.vector_store %arg5[%swap3A_2786], %swap3A_2789 {strides = array<i32>} : memref<768xf32, #tpu.memory_space<vmem>>, vector<16xf32>,
      %slice3A_2790 = vector.extract_strided_slice %add3A_2779 {offsets = [15], sizes = [1], strides = [1]} : vector<16xi32> to vector<1xi32>
      %squeeze3A_2791 = vector.extract %slice3A_2790[0] : i32 from vector<1xi32>
      %broadcast_in_dim3A_2792 = vector.broadcast %squeeze3A_2791 : i32 to vector<16xi32>
      %add3A_2793 = arith.addi %add3A_2741, %broadcast_in_dim3A_2792 : vector<16xi32>
      %get3A_2794 = arith.constant 752 : index
      %get3A_2795 = tpu.vector_load %arg4[%get3A_2794] {strides = array<i32>} : memref<768xi32, #tpu.memory_space<vmem>>, vector<16xi32>,
      %get3A_2796 = vector.shape_cast %get3A_2795 : vector<16xi32> to vector<16xi32>
      %gt3A_2797 = arith.cmpi sgt, %get3A_2796, %broadcast_in_dim3A_33 : vector<16xi32>
      %eq3A_2798 = arith.cmpi eq, %get3A_2796, %broadcast_in_dim3A_33 : vector<16xi32>
      %select_n3A_2799 = arith.select %eq3A_2798, %broadcast_in_dim3A_1, %broadcast_in_dim3A_3 : vector<16xi1>, vector<16xi32>
      %swap3A_2800 = arith.constant 16 : index
      %swap3A_2801 = tpu.vector_load %arg6[%swap3A_2800] {strides = array<i32>} : memref<48xi32, #tpu.memory_space<vmem>>, vector<16xi32>,
      %swap3A_2802 = vector.shape_cast %swap3A_2801 : vector<16xi32> to vector<16xi32>
      %swap3A_2803 = vector.shape_cast %select_n3A_2799 : vector<16xi32> to vector<16xi32>
      tpu.vector_store %arg6[%swap3A_2800], %swap3A_2803 {strides = array<i32>} : memref<48xi32, #tpu.memory_space<vmem>>, vector<16xi32>,
      %get3A_2804 = arith.constant 15 : index
      %get3A_2805 = tpu.vector_load %arg6[%get3A_2804] {strides = array<i32>} : memref<48xi32, #tpu.memory_space<vmem>>, vector<16xi32>,
      %get3A_2806 = vector.shape_cast %get3A_2805 : vector<16xi32> to vector<16xi32>
      %add3A_2807 = arith.addi %select_n3A_2799, %get3A_2806 : vector<16xi32>
      %swap3A_2808 = arith.constant 16 : index
      %swap3A_2809 = tpu.vector_load %arg6[%swap3A_2808] {strides = array<i32>} : memref<48xi32, #tpu.memory_space<vmem>>, vector<16xi32>,
      %swap3A_2810 = vector.shape_cast %swap3A_2809 : vector<16xi32> to vector<16xi32>
      %swap3A_2811 = vector.shape_cast %add3A_2807 : vector<16xi32> to vector<16xi32>
      tpu.vector_store %arg6[%swap3A_2808], %swap3A_2811 {strides = array<i32>} : memref<48xi32, #tpu.memory_space<vmem>>, vector<16xi32>,
      %get3A_2812 = arith.constant 14 : index
      %get3A_2813 = tpu.vector_load %arg6[%get3A_2812] {strides = array<i32>} : memref<48xi32, #tpu.memory_space<vmem>>, vector<16xi32>,
      %get3A_2814 = vector.shape_cast %get3A_2813 : vector<16xi32> to vector<16xi32>
      %add3A_2815 = arith.addi %add3A_2807, %get3A_2814 : vector<16xi32>
      %swap3A_2816 = arith.constant 16 : index
      %swap3A_2817 = tpu.vector_load %arg6[%swap3A_2816] {strides = array<i32>} : memref<48xi32, #tpu.memory_space<vmem>>, vector<16xi32>,
      %swap3A_2818 = vector.shape_cast %swap3A_2817 : vector<16xi32> to vector<16xi32>
      %swap3A_2819 = vector.shape_cast %add3A_2815 : vector<16xi32> to vector<16xi32>
      tpu.vector_store %arg6[%swap3A_2816], %swap3A_2819 {strides = array<i32>} : memref<48xi32, #tpu.memory_space<vmem>>, vector<16xi32>,
      %get3A_2820 = arith.constant 12 : index
      %get3A_2821 = tpu.vector_load %arg6[%get3A_2820] {strides = array<i32>} : memref<48xi32, #tpu.memory_space<vmem>>, vector<16xi32>,
      %get3A_2822 = vector.shape_cast %get3A_2821 : vector<16xi32> to vector<16xi32>
      %add3A_2823 = arith.addi %add3A_2815, %get3A_2822 : vector<16xi32>
      %swap3A_2824 = arith.constant 16 : index
      %swap3A_2825 = tpu.vector_load %arg6[%swap3A_2824] {strides = array<i32>} : memref<48xi32, #tpu.memory_space<vmem>>, vector<16xi32>,
      %swap3A_2826 = vector.shape_cast %swap3A_2825 : vector<16xi32> to vector<16xi32>
      %swap3A_2827 = vector.shape_cast %add3A_2823 : vector<16xi32> to vector<16xi32>
      tpu.vector_store %arg6[%swap3A_2824], %swap3A_2827 {strides = array<i32>} : memref<48xi32, #tpu.memory_space<vmem>>, vector<16xi32>,
      %get3A_2828 = arith.constant 8 : index
      %get3A_2829 = tpu.vector_load %arg6[%get3A_2828] {strides = array<i32>} : memref<48xi32, #tpu.memory_space<vmem>>, vector<16xi32>,
      %get3A_2830 = vector.shape_cast %get3A_2829 : vector<16xi32> to vector<16xi32>
      %add3A_2831 = arith.addi %add3A_2823, %get3A_2830 : vector<16xi32>
      %sub3A_2832 = arith.subi %add3A_2831, %select_n3A_2799 : vector<16xi32>
      %add3A_2833 = arith.addi %sub3A_2832, %add3A_2793 : vector<16xi32>
      %lt3A_2834 = arith.cmpi slt, %add3A_2833, %broadcast_in_dim3A_352 : vector<16xi32>
      %and3A_2835 = arith.andi %eq3A_2798, %lt3A_2834 : vector<16xi1>
      %or3A_2836 = arith.ori %gt3A_2797, %and3A_2835 : vector<16xi1>
      %select_n3A_2837 = arith.select %or3A_2836, %broadcast_in_dim3A_5, %broadcast_in_dim3A_7 : vector<16xi1>, vector<16xf32>
      %swap3A_2838 = arith.constant 752 : index
      %swap3A_2839 = tpu.vector_load %arg5[%swap3A_2838] {strides = array<i32>} : memref<768xf32, #tpu.memory_space<vmem>>, vector<16xf32>,
      %swap3A_2840 = vector.shape_cast %swap3A_2839 : vector<16xf32> to vector<16xf32>
      %swap3A_2841 = vector.shape_cast %select_n3A_2837 : vector<16xf32> to vector<16xf32>
      tpu.vector_store %arg5[%swap3A_2838], %swap3A_2841 {strides = array<i32>} : memref<768xf32, #tpu.memory_space<vmem>>, vector<16xf32>,
      %slice3A_2842 = vector.extract_strided_slice %add3A_2831 {offsets = [15], sizes = [1], strides = [1]} : vector<16xi32> to vector<1xi32>
      %squeeze3A_2843 = vector.extract %slice3A_2842[0] : i32 from vector<1xi32>
      %broadcast_in_dim3A_2844 = vector.broadcast %squeeze3A_2843 : i32 to vector<16xi32>
      %add3A_2845 = arith.addi %add3A_2793, %broadcast_in_dim3A_2844 : vector<16xi32>
      %dma_start3A_2846 = arith.constant 0 : i32
      %dma_start3A_2847 = tpu.memref_slice %arg3[%add3A, %dma_start3A_2846] : memref<4x768xf32, #tpu.memory_space<hbm>> -> memref<1x768xf32, #tpu.memory_space<hbm>>
      %dma_start3A_2848 = tpu.memref_squeeze %dma_start3A_2847 : memref<1x768xf32, #tpu.memory_space<hbm>> -> memref<768xf32, #tpu.memory_space<hbm>>
      %dma_start3A_2849 = arith.constant 0 : i32
      %dma_start3A_2850 = tpu.memref_slice %arg3[%add3A, %dma_start3A_2849] : memref<4x768xf32, #tpu.memory_space<hbm>> -> memref<1x768xf32, #tpu.memory_space<hbm>>
      %dma_start3A_2851 = tpu.memref_squeeze %dma_start3A_2850 : memref<1x768xf32, #tpu.memory_space<hbm>> -> memref<768xf32, #tpu.memory_space<hbm>>
      tpu.enqueue_dma source(%arg5 : memref<768xf32, #tpu.memory_space<vmem>>) target(%dma_start3A_2851 : memref<768xf32, #tpu.memory_space<hbm>>) target_semaphore(%arg7 : memref<!tpu.dma_semaphore, #tpu.memory_space<semaphore_mem>>)
      %dma_wait3A_2852 = arith.constant 0 : i32
      %dma_wait3A_2853 = tpu.memref_slice %arg3[%add3A, %dma_wait3A_2852] : memref<4x768xf32, #tpu.memory_space<hbm>> -> memref<1x768xf32, #tpu.memory_space<hbm>>
      %dma_wait3A_2854 = tpu.memref_squeeze %dma_wait3A_2853 : memref<1x768xf32, #tpu.memory_space<hbm>> -> memref<768xf32, #tpu.memory_space<hbm>>
      %dma_wait3A_2855 = arith.constant 0 : i32
      %dma_wait3A_2856 = tpu.memref_slice %arg3[%add3A, %dma_wait3A_2855] : memref<4x768xf32, #tpu.memory_space<hbm>> -> memref<1x768xf32, #tpu.memory_space<hbm>>
      %dma_wait3A_2857 = tpu.memref_squeeze %dma_wait3A_2856 : memref<1x768xf32, #tpu.memory_space<hbm>> -> memref<768xf32, #tpu.memory_space<hbm>>
      tpu.wait_dma2 semaphore(%arg7 : memref<!tpu.dma_semaphore, #tpu.memory_space<semaphore_mem>>) src(%arg5 : memref<768xf32, #tpu.memory_space<vmem>>) dst(%dma_wait3A_2857 : memref<768xf32, #tpu.memory_space<hbm>>)
    } else {
    }
    return
  }
}

module attributes {stable_mosaic.version = 14 : i64} {
  func.func @_scores_body(%arg0: i32, %arg1: memref<1x768x2048xf32, #tpu.memory_space<vmem>>, %arg2: memref<768x768xf32, #tpu.memory_space<vmem>>, %arg3: memref<768x768xf32, #tpu.memory_space<vmem>>, %arg4: memref<1x1x768xf32, #tpu.memory_space<vmem>>, %arg5: memref<1x1x768xi32, #tpu.memory_space<vmem>>) attributes {dimension_semantics = [#tpu.dimension_semantics<arbitrary>], iteration_bounds = array<i64: 4>, scalar_prefetch = 0 : i64, scratch_operands = 0 : i64, tpu.core_type = #tpu.core_type<tc>, window_params = [{transform_indices = @transform_0, window_bounds = array<i64: 1, 768, 2048>}, {pipeline_mode = #tpu.pipeline_mode<synchronous>, transform_indices = @transform_1, window_bounds = array<i64: 768, 768>}, {pipeline_mode = #tpu.pipeline_mode<synchronous>, transform_indices = @transform_2, window_bounds = array<i64: 768, 768>}, {transform_indices = @transform_3, window_bounds = array<i64: 1, 1, 768>}, {transform_indices = @transform_4, window_bounds = array<i64: 1, 1, 768>}]} {
    %get3A = arith.constant 0 : index
    %get3A_0 = arith.constant 0 : index
    %get3A_1 = arith.constant 0 : index
    %get3A_2 = vector.load %arg1[%get3A, %get3A_0, %get3A_1] : memref<1x768x2048xf32, #tpu.memory_space<vmem>>, vector<1x768x2048xf32>
    %get3A_3 = vector.shape_cast %get3A_2 : vector<1x768x2048xf32> to vector<768x2048xf32>
    %reduce_sum3A = arith.constant dense<0.000000e+00> : vector<768xf32>
    %reduce_sum3A_4 = vector.multi_reduction <add>, %get3A_3, %reduce_sum3A [1] : vector<768x2048xf32> to vector<768xf32>
    %broadcast_in_dim3A = vector.shape_cast %reduce_sum3A_4 : vector<768xf32> to vector<768x1xf32>
    %div3A = arith.constant 2.048000e+03 : f32
    %div3A_5 = vector.broadcast %div3A : f32 to vector<768x1xf32>
    %div3A_6 = arith.divf %broadcast_in_dim3A, %div3A_5 : vector<768x1xf32>
    %get3A_7 = arith.constant 0 : index
    %get3A_8 = arith.constant 0 : index
    %get3A_9 = vector.load %arg2[%get3A_7, %get3A_8] : memref<768x768xf32, #tpu.memory_space<vmem>>, vector<768x768xf32>
    %mul3A = vector.broadcast %div3A_6 : vector<768x1xf32> to vector<768x768xf32>
    %mul3A_10 = arith.mulf %mul3A, %get3A_9 : vector<768x768xf32>
    %get3A_11 = arith.constant 0 : index
    %get3A_12 = arith.constant 0 : index
    %get3A_13 = vector.load %arg3[%get3A_11, %get3A_12] : memref<768x768xf32, #tpu.memory_space<vmem>>, vector<768x768xf32>
    %mul3A_14 = vector.broadcast %div3A_6 : vector<768x1xf32> to vector<768x768xf32>
    %mul3A_15 = arith.mulf %mul3A_14, %get3A_13 : vector<768x768xf32>
    %dot_general3A = arith.constant dense<0.000000e+00> : vector<768x768xf32>
    %dot_general3A_16 = tpu.matmul %mul3A_10, %mul3A_15, %dot_general3A {dimension_numbers = #tpu.dot_dimension_numbers<[1], [1], [0], [0], [0, 0, 1, 0], [], []>, transpose_lhs_hint = false} : vector<768x768xf32>, vector<768x768xf32>, vector<768x768xf32> -> vector<768x768xf32>
    %div3A_17 = arith.constant 27.7128124 : f32
    %div3A_18 = vector.broadcast %div3A_17 : f32 to vector<768x768xf32>
    %div3A_19 = arith.divf %dot_general3A_16, %div3A_18 : vector<768x768xf32>
    %reduce_max3A = arith.constant dense<0xFF800000> : vector<768xf32>
    %reduce_max3A_20 = vector.multi_reduction <maximumf>, %div3A_19, %reduce_max3A [1] : vector<768x768xf32> to vector<768xf32>
    %max3A = arith.constant 0xFF800000 : f32
    %max3A_21 = vector.broadcast %max3A : f32 to vector<768xf32>
    %max3A_22 = arith.maximumf %max3A_21, %reduce_max3A_20 : vector<768xf32>
    %broadcast_in_dim3A_23 = vector.shape_cast %max3A_22 : vector<768xf32> to vector<768x1xf32>
    %sub3A = vector.broadcast %broadcast_in_dim3A_23 : vector<768x1xf32> to vector<768x768xf32>
    %sub3A_24 = arith.subf %div3A_19, %sub3A : vector<768x768xf32>
    %exp3A = math.exp %sub3A_24 : vector<768x768xf32>
    %reduce_sum3A_25 = arith.constant dense<0.000000e+00> : vector<768xf32>
    %reduce_sum3A_26 = vector.multi_reduction <add>, %exp3A, %reduce_sum3A_25 [1] : vector<768x768xf32> to vector<768xf32>
    %broadcast_in_dim3A_27 = vector.shape_cast %reduce_sum3A_26 : vector<768xf32> to vector<768x1xf32>
    %div3A_28 = vector.broadcast %broadcast_in_dim3A_27 : vector<768x1xf32> to vector<768x768xf32>
    %div3A_29 = arith.divf %exp3A, %div3A_28 : vector<768x768xf32>
    %reduce_sum3A_30 = arith.constant dense<0.000000e+00> : vector<768xf32>
    %reduce_sum3A_31 = vector.multi_reduction <add>, %div3A_29, %reduce_sum3A_30 [0] : vector<768x768xf32> to vector<768xf32>
    %broadcast_in_dim3A_32 = vector.shape_cast %reduce_sum3A_31 : vector<768xf32> to vector<1x768xf32>
    %div3A_33 = arith.constant 7.680000e+02 : f32
    %div3A_34 = vector.broadcast %div3A_33 : f32 to vector<1x768xf32>
    %div3A_35 = arith.divf %broadcast_in_dim3A_32, %div3A_34 : vector<1x768xf32>
    %get3A_36 = arith.constant 0 : index
    %get3A_37 = arith.constant 0 : index
    %get3A_38 = arith.constant 0 : index
    %get3A_39 = vector.load %arg4[%get3A_36, %get3A_37, %get3A_38] : memref<1x1x768xf32, #tpu.memory_space<vmem>>, vector<1x1x768xf32>
    %get3A_40 = vector.shape_cast %get3A_39 : vector<1x1x768xf32> to vector<1x768xf32>
    %mul3A_41 = arith.constant 9.99999993E-9 : f32
    %mul3A_42 = vector.broadcast %mul3A_41 : f32 to vector<1x768xf32>
    %mul3A_43 = arith.mulf %mul3A_42, %get3A_40 : vector<1x768xf32>
    %add3A = arith.addf %div3A_35, %mul3A_43 : vector<1x768xf32>
    %bitcast_convert_type3A = tpu.bitcast %add3A : vector<1x768xf32> -> vector<1x768xi32>
    %swap3A = arith.constant 0 : index
    %swap3A_44 = arith.constant 0 : index
    %swap3A_45 = arith.constant 0 : index
    %swap3A_46 = vector.load %arg5[%swap3A, %swap3A_44, %swap3A_45] : memref<1x1x768xi32, #tpu.memory_space<vmem>>, vector<1x1x768xi32>
    %swap3A_47 = vector.shape_cast %swap3A_46 : vector<1x1x768xi32> to vector<1x768xi32>
    %swap3A_48 = vector.shape_cast %bitcast_convert_type3A : vector<1x768xi32> to vector<1x1x768xi32>
    tpu.vector_store %arg5[%swap3A, %swap3A_44, %swap3A_45], %swap3A_48 {strides = array<i32>} : memref<1x1x768xi32, #tpu.memory_space<vmem>>, vector<1x1x768xi32>,
    return
  }
  func.func @transform_0(%arg0: i32) -> (i32, i32, i32) {
    %c0_i32 = arith.constant 0 : i32
    %c0_i32_0 = arith.constant 0 : i32
    %c0_i32_1 = arith.constant 0 : i32
    return %arg0, %c0_i32, %c0_i32_0 : i32, i32, i32
  }
  func.func @transform_1(%arg0: i32) -> (i32, i32) {
    %c0_i32 = arith.constant 0 : i32
    %c0_i32_0 = arith.constant 0 : i32
    %c0_i32_1 = arith.constant 0 : i32
    return %c0_i32, %c0_i32_0 : i32, i32
  }
  func.func @transform_2(%arg0: i32) -> (i32, i32) {
    %c0_i32 = arith.constant 0 : i32
    %c0_i32_0 = arith.constant 0 : i32
    %c0_i32_1 = arith.constant 0 : i32
    return %c0_i32, %c0_i32_0 : i32, i32
  }
  func.func @transform_3(%arg0: i32) -> (i32, i32, i32) {
    %c0_i32 = arith.constant 0 : i32
    %c0_i32_0 = arith.constant 0 : i32
    %c0_i32_1 = arith.constant 0 : i32
    return %arg0, %c0_i32, %c0_i32_0 : i32, i32, i32
  }
  func.func @transform_4(%arg0: i32) -> (i32, i32, i32) {
    %c0_i32 = arith.constant 0 : i32
    %c0_i32_0 = arith.constant 0 : i32
    %c0_i32_1 = arith.constant 0 : i32
    return %arg0, %c0_i32, %c0_i32_0 : i32, i32, i32
  }
}

module attributes {stable_mosaic.version = 14 : i64} {
  func.func @_apply_body(%arg0: i32, %arg1: memref<1x768x2048xf32, #tpu.memory_space<vmem>>, %arg2: memref<1x768x1xf32, #tpu.memory_space<vmem>>, %arg3: memref<1x768x2048xf32, #tpu.memory_space<vmem>>) attributes {dimension_semantics = [#tpu.dimension_semantics<arbitrary>], iteration_bounds = array<i64: 4>, scalar_prefetch = 0 : i64, scratch_operands = 0 : i64, tpu.core_type = #tpu.core_type<tc>, window_params = [{transform_indices = @transform_0, window_bounds = array<i64: 1, 768, 2048>}, {transform_indices = @transform_1, window_bounds = array<i64: 1, 768, 1>}, {transform_indices = @transform_2, window_bounds = array<i64: 1, 768, 2048>}]} {
    %get3A = arith.constant 0 : index
    %get3A_0 = arith.constant 0 : index
    %get3A_1 = arith.constant 0 : index
    %get3A_2 = vector.load %arg1[%get3A, %get3A_0, %get3A_1] : memref<1x768x2048xf32, #tpu.memory_space<vmem>>, vector<1x768x2048xf32>
    %get3A_3 = vector.shape_cast %get3A_2 : vector<1x768x2048xf32> to vector<768x2048xf32>
    %get3A_4 = arith.constant 0 : index
    %get3A_5 = arith.constant 0 : index
    %get3A_6 = arith.constant 0 : index
    %get3A_7 = vector.load %arg2[%get3A_4, %get3A_5, %get3A_6] : memref<1x768x1xf32, #tpu.memory_space<vmem>>, vector<1x768x1xf32>
    %get3A_8 = vector.shape_cast %get3A_7 : vector<1x768x1xf32> to vector<768x1xf32>
    %mul3A = vector.broadcast %get3A_8 : vector<768x1xf32> to vector<768x2048xf32>
    %mul3A_9 = arith.mulf %get3A_3, %mul3A : vector<768x2048xf32>
    %swap3A = arith.constant 0 : index
    %swap3A_10 = arith.constant 0 : index
    %swap3A_11 = arith.constant 0 : index
    %swap3A_12 = vector.load %arg3[%swap3A, %swap3A_10, %swap3A_11] : memref<1x768x2048xf32, #tpu.memory_space<vmem>>, vector<1x768x2048xf32>
    %swap3A_13 = vector.shape_cast %swap3A_12 : vector<1x768x2048xf32> to vector<768x2048xf32>
    %swap3A_14 = vector.shape_cast %mul3A_9 : vector<768x2048xf32> to vector<1x768x2048xf32>
    tpu.vector_store %arg3[%swap3A, %swap3A_10, %swap3A_11], %swap3A_14 {strides = array<i32>} : memref<1x768x2048xf32, #tpu.memory_space<vmem>>, vector<1x768x2048xf32>,
    return
  }
  func.func @transform_0(%arg0: i32) -> (i32, i32, i32) {
    %c0_i32 = arith.constant 0 : i32
    %c0_i32_0 = arith.constant 0 : i32
    %c0_i32_1 = arith.constant 0 : i32
    return %arg0, %c0_i32, %c0_i32_0 : i32, i32, i32
  }
  func.func @transform_1(%arg0: i32) -> (i32, i32, i32) {
    %c0_i32 = arith.constant 0 : i32
    %c0_i32_0 = arith.constant 0 : i32
    %c0_i32_1 = arith.constant 0 : i32
    return %arg0, %c0_i32, %c0_i32_0 : i32, i32, i32
  }
  func.func @transform_2(%arg0: i32) -> (i32, i32, i32) {
    %c0_i32 = arith.constant 0 : i32
    %c0_i32_0 = arith.constant 0 : i32
    %c0_i32_1 = arith.constant 0 : i32
    return %arg0, %c0_i32, %c0_i32_0 : i32, i32, i32
  }
}

</mosaic_0001>

<sc_bundles>
// kernel: kernel.5.cloned.1.call-start
scs
__scs_entry_jumppad:
0x0: {  	(pc) =	sbr.rel $0x88, $3  }
0x1: {  	(tag) =	ssettag $0x0;
	lr =	simm.s32 $0x1  }
0x2: {  	[smem:$0x3F9E] =	sst lr;
	_ =	strace $0xD0000000  }
0x3: {  	_ = 	snop  }
0x4: {  	_ = 	snop  }
0x5: {  	_ = 	snop  }
0x6: {  	_ = 	snop  }
0x7: {  	_ = 	snop  }
__scs_overlays_trampoline_lowered:
0x8: {  	[smem:$0x3FAD] =	sst s0  }
0x9: {  	[smem:$0x3FAE] =	sst s1  }
0xa: {  	[smem:$0x3FAF] =	sst s2  }
0xb: {  	[smem:$0x3FB0] =	sst s3  }
0xc: {  	[smem:$0x3FB1] =	sst s4  }
0xd: {  	[smem:$0x3FB2] =	sst s5  }
0xe: {  	[smem:$0x3FB3] =	sst s6  }
0xf: {  	[smem:$0x3FB4] =	sst s7  }
0x10: {  	[smem:$0x3FB5] =	sst s8  }
0x11: {  	[smem:$0x3FB6] =	sst s9;
	s0 =	simm.s32 @!p0 $0x0  }
0x12: {  	s1 =	sld [smem:$0x3F9C];
	s0 =	simm.s32 @p0 $0x1  }
0x13: {  	[smem:$0x3FB7] =	sst s0;
	s0 =	simm.s32 @!p1 $0x0  }
0x14: {  	s2 =	sld [smem:$0x3F9B];
	s0 =	simm.s32 @p1 $0x1  }
0x15: {  	[smem:$0x3FB8] =	sst s0;
	s0 =	simm.s32 @!p2 $0x0  }
0x16: {  	s3 =	sld [smem:$0x3FDB];
	s0 =	simm.s32 @p2 $0x1  }
0x17: {  	s4 =	simm.s32 $0x1BF5;
	[smem:$0x3FBA] =	sst s0  }
0x18: {  	s0 =	sld [smem:$0x3F9D];
	_ =	swait.ge [sflag:s4], $0x0  }
0x19: {  	s7 =	sld [smem:$0x3F9E]  }
0x1a: {  	s8 =	sadd.s32 $0xFFFFE003, lr  }
0x1b: {  	s9 =	sadd.s32 $0xFFFFFEF7, lr;
	s5 =	simm.s32 $0xFFFFFFFF;
	p2 =	slt.u32 s8, $0xFFFFF086  }
0x1c: {  	p1 =	slt.u32 s9, $0xF7A;
	s5 =	simm.s32 @!p2 $0x0  }
0x1d: {  	s5 =	simm.s32 @p1 $0x1;
	p0 =	seq.s32 s7, s2  }
0x1e: {  	s7 =	smul.u32 @!p0 $0xF7A, s2;
	p2 =	seq.s32 @!p0 s5, $0x0  }
0x1f: {  	s9 =	smul.u32 $0xF7A, s1;
	s8 =	simm.s32 @!p0 $0x1BF5;
	p2 =	por !p2, p0  }
0x20: {  	[sflag:s8] =	ssyncset.s32 @!p0 $0xFFFFF086;
	s6 =	sadd.s32 @!p0 s3, s7;
	s7 =	simm.s32 @!p0 $0x108  }
0x21: {  	s3 =	sadd.s32 s3, s9;
	s6 =	sadd.s32 @!p0 $0x88, s6;
	s7 =	simm.s32 @p2 $0x1082  }
0x22: {  	[simem:s7], [sflag:s8] =	dma.local @!p0 [hbm:s6], $0xF7A  }
0x23: {  	s9 =	sor.u32 $0xD0000000, s2;
	s6 =	simm.s32 $0x108;
	_ =	swait.ge @!p0 [sflag:s8], $0x0  }
0x24: {  	s3 =	sadd.s32 $0x88, s3;
	s6 =	simm.s32 @!p1 $0x1082;
	[sflag:s4] =	ssyncset.s32 $0xFFFFF086  }
0x25: {  	[simem:s6], [sflag:s4] =	dma.local [hbm:s3], $0xF7A  }
0x26: {  	[smem:$0x3F9E] =	sst s1;
	(tag) =	ssettag s2;
	_ =	strace s9  }
0x27: {  	s1 =	sld [smem:$0x3FAE]  }
0x28: {  	s2 =	sld [smem:$0x3FAF]  }
0x29: {  	s4 =	sld [smem:$0x3FB1]  }
0x2a: {  	p0 =	seq.s32 s5, $0x0;
	s5 =	sld [smem:$0x3FB2]  }
0x2b: {  	s6 =	sld [smem:$0x3FB3]  }
0x2c: {  	s7 =	sld [smem:$0x3FB4]  }
0x2d: {  	s3 =	simm.s32 $0x108;
	s8 =	sld [smem:$0x3FB5]  }
0x2e: {  	s3 =	simm.s32 @!p0 $0x1082;
	s9 =	sld [smem:$0x3FB6]  }
0x2f: {  	lr =	sadd.s32 s0, s3;
	s0 =	sld [smem:$0x3FAD]  }
0x30: {  	s3 =	sld [smem:$0x3FB0]  }
0x31: {  	[smem:$0x3FB9] =	sst s10  }
0x32: {  	s10 =	sld [smem:$0x3FB7];
	_ =	sdelay $0x3  }
0x33: {  	p0 =	seq.s32 s10, $0x1;
	s10 =	sld [smem:$0x3FB9];
	_ =	sdelay $0x3  }
0x34: {  	[smem:$0x3FB9] =	sst s10  }
0x35: {  	s10 =	sld [smem:$0x3FB8];
	_ =	sdelay $0x3  }
0x36: {  	p1 =	seq.s32 s10, $0x1;
	s10 =	sld [smem:$0x3FB9];
	_ =	sdelay $0x3  }
0x37: {  	[smem:$0x3FB9] =	sst s10  }
0x38: {  	s10 =	sld [smem:$0x3FBA]  }
0x39: {  	_ = 	snop;
	(pc) =	sbr.ind lr, $3  }
0x3a: {  	_ = 	snop  }
0x3b: {  	_ = 	snop  }
0x3c: {  	p2 =	seq.s32 s10, $0x1;
	s10 =	sld [smem:$0x3FB9]  }
0x3d: {  	_ =	shalt  }
0x3e: {  	_ =	shalt  }
0x3f: {  	_ =	shalt  }
0x40: {  	_ =	shalt  }
0x41: {  	_ =	shalt  }
0x42: {  	_ =	shalt  }
0x43: {  	_ =	shalt  }
0x44: {  	_ =	shalt  }
0x45: {  	_ =	shalt  }
0x46: {  	_ =	shalt  }
0x47: {  	_ =	shalt  }
0x48: {  	_ =	shalt  }
0x49: {  	_ =	shalt  }
0x4a: {  	_ =	shalt  }
0x4b: {  	_ =	shalt  }
0x4c: {  	_ =	shalt  }
0x4d: {  	_ =	shalt  }
0x4e: {  	_ =	shalt  }
0x4f: {  	_ =	shalt  }
0x50: {  	_ =	shalt  }
0x51: {  	_ =	shalt  }
0x52: {  	_ =	shalt  }
0x53: {  	_ =	shalt  }
0x54: {  	_ =	shalt  }
0x55: {  	_ =	shalt  }
0x56: {  	_ =	shalt  }
0x57: {  	_ =	shalt  }
0x58: {  	_ =	shalt  }
0x59: {  	_ =	shalt  }
0x5a: {  	_ =	shalt  }
0x5b: {  	_ =	shalt  }
0x5c: {  	_ =	shalt  }
0x5d: {  	_ =	shalt  }
0x5e: {  	_ =	shalt  }
0x5f: {  	_ =	shalt  }
0x60: {  	_ =	shalt  }
0x61: {  	_ =	shalt  }
0x62: {  	_ =	shalt  }
0x63: {  	_ =	shalt  }
0x64: {  	_ =	shalt  }
0x65: {  	_ =	shalt  }
0x66: {  	_ =	shalt  }
0x67: {  	_ =	shalt  }
0x68: {  	_ =	shalt  }
0x69: {  	_ =	shalt  }
0x6a: {  	_ =	shalt  }
0x6b: {  	_ =	shalt  }
0x6c: {  	_ =	shalt  }
0x6d: {  	_ =	shalt  }
0x6e: {  	_ =	shalt  }
0x6f: {  	_ =	shalt  }
0x70: {  	_ =	shalt  }
0x71: {  	_ =	shalt  }
0x72: {  	_ =	shalt  }
0x73: {  	_ =	shalt  }
0x74: {  	_ =	shalt  }
0x75: {  	_ =	shalt  }
0x76: {  	_ =	shalt  }
0x77: {  	_ =	shalt  }
0x78: {  	_ =	shalt  }
0x79: {  	_ =	shalt  }
0x7a: {  	_ =	shalt  }
0x7b: {  	_ =	shalt  }
0x7c: {  	_ =	shalt  }
0x7d: {  	_ =	shalt  }
0x7e: {  	_ =	shalt  }
0x7f: {  	_ =	shalt  }
0x80: {  	_ =	shalt  }
0x81: {  	_ =	shalt  }
0x82: {  	_ =	shalt  }
0x83: {  	_ =	shalt  }
0x84: {  	_ =	shalt  }
0x85: {  	_ =	shalt  }
0x86: {  	_ =	shalt  }
0x87: {  	_ =	shalt  }
.Lfunc_end0:
.L_simem_size_0:
called_computation_lowered:
.L_overlay_start_0:
0x88: {  	s2 =	sld [smem:$0x3FD9]  }
0x89: {  	s3 =	sld [smem:$0x3FFE];
	_ =	sdelay $0x1  }
0x8a: {  	s1 =	srdreg.scid  }
0x8b: {  	s0 =	sand.u32 $0x1, s1  }
0x8c: {  	s17 =	sshll.u32 s0, $0xA;
	s2 =	sadd.s32 s3, s2  }
0x8d: {  	s2 =	sadd.s32 s2, s17  }
0x8e: {  	[smem:$0x3FC5] =	sst s2  }
0x8f: {  	_ = 	snop  }
0x90: {  	s2 =	sld [smem:$0x3FD0];
	(tm) =	ssettm $0x1  }
0x91: {  	s18 =	sld [smem:$0x3FFB];
	_ =	sdelay $0x3  }
0x92: {  	_ =	strace s18  }
0x93: {  	s3 =	sld [smem:$0x3FFC];
	_ =	sdelay $0x3  }
0x94: {  	_ =	strace s3  }
0x95: {  	s3 =	sld [smem:$0x3FFD];
	_ =	sdelay $0x3  }
0x96: {  	_ =	strace s3  }
0x97: {  	_ =	strace $0x8FFFFFFF  }
0x98: {  	s19 =	sld [smem:$0x3FDB];
	_ =	sdelay $0x1  }
0x99: {  	s4 =	simm.s32 $_scs_section_size  }
0x9a: {  	s5 =	simm.s32 $_size__tile_overlayer_lowered;
	s6 =	simm.s32 $_tile_overlayer_lowered  }
0x9b: {  	s22 =	simm.s32 $0x1BFF;
	s21 =	sshll.u32 s6, $0x1;
	s3 =	sadd.s32 s4, s19  }
0x9c: {  	s7 =	simm.s32 $0x0;
	s20 =	sshll.u32 s5, $0x1;
	s5 =	sadd.s32 s21, s3  }
0x9d: {  	[timem:s7], [sflag:s22] =	dma.local [hbm:s5], s20  }
0x9e: {  	_ =	swait.ge [sflag:s22], s20  }
0x9f: {  	s4 =	ssub.s32 $0x0, s20;
	[sflag:s22] =	ssyncset.done $0x0  }
0xa0: {  	[sflag:s22] =	ssyncadd.s32 s4;
	_ =	sdelay $0x1  }
0xa1: {  	s23 =	simm.s32 $0x1B8B  }
0xa2: {  	_ =	swait.ge [sflag:s23], $0x1  }
0xa3: {  	[sflag:s23] =	ssyncset.done $0x0  }
0xa4: {  	s25 =	simm.s32 $0x1B8E;
	s24 =	sld [smem:$0x3FFE];
	[sflag:s23] =	ssyncadd.s32 $0xFFFFFFFF  }
0xa5: {  	s26 =	simm.s32 $execute0_lowered;
	[smem:$0x3FD2] =	sst s25  }
0xa6: {  	s5 =	sshll.u32 s26, $0x1;
	_ =	strace $0x80000046;
	[dreg:$0x1] =	wrdreg $0xFFFFFFFF  }
0xa7: {  	s28 =	simm.s32 $_size_execute0_lowered;
	s3 =	sadd.s32 s3, s5;
	[dreg:$0x0] =	wrdreg $0x0  }
0xa8: {  	s5 =	sshll.u32 s28, $0x1;
	[dreg:$0x2] =	wrdreg s3  }
0xa9: {  	[dreg:$0x3] =	wrdreg s5  }
0xaa: {  	[dreg:$0x4] =	wrdreg $0xC0  }
0xab: {  	_ =	task [dreg:s7], $0x5FFFF  }
0xac: {  	[dreg:$0x1] =	wrdreg $0xFFFFFFFF  }
0xad: {  	[dreg:$0x0] =	wrdreg $0x60  }
0xae: {  	[dreg:$0x2] =	wrdreg s2  }
0xaf: {  	[dreg:$0x3] =	wrdreg s24  }
0xb0: {  	[dreg:$0x4] =	wrdreg $0x9  }
0xb1: {  	_ =	task.clear_ibuf [dreg:s7], $0x5FFFF;
	_ =	strace $0x90000046  }
0xb2: {  	s29 =	simm.s32 $0x9;
	_ =	strace $0x80000048  }
0xb3: {  	_ =	swait.ge [sflag:s29], $0x1  }
0xb4: {  	[sflag:s29] =	ssyncadd.s32 $0xFFFFFFFF  }
0xb5: {  	_ =	strace $0x90000048  }
0xb6: {  	_ =	sfence  }
0xb7: {  	s30 =	sld [smem:$0x0];
	_ =	sdelay $0x2  }
0xb8: {  	s31 =	sshll.u32 s1, $0xD;
	s1 =	sshrl.u32 s1, $0x2  }
0xb9: {  	s3 =	sand.u32 $0x4000, s31;
	s1 =	sadd.s32 s1, s30  }
0xba: {  	s0 =	sor.u32 s3, s0;
	s1 =	sshll.u32 s1, $0x11  }
0xbb: {  	s0 =	sor.u32 s1, s0  }
0xbc: {  	s0 =	sadd.s32 $0x8F2B, s0  }
0xbd: {  	[sflag:s0] =	ssyncadd.remote.s32 $0x1  }
0xbe: {  	_ =	sfence.sel $0xFFFF  }
0xbf: {  	[dreg:$0x0] =	wrdreg $0xFFFFFFFF;
	(pc) =	sbr.abs _section_cstart, $3  }
0xc0: {  	[dreg:$0x1] =	wrdreg $0xFFFFFFFF  }
0xc1: {  	_ =	task.clear_ibuf [dreg:s7], $0x2FFFF;
	_ =	strace $0x9FFFFFFF  }
0xc2: {  	(tm) =	ssettm $0x7FFFFFFF  }
0xc3: {  	_ =	shalt  }
tec
execute0_lowered:
.L_overlay_start_1:
0x0: {  	(tag) =	ssettag $0x1  }
0x1: {  	s1 =	stileid.u32  }
0x2: {  	p0 =	sgt.u32 s1, $0x1  }
.Ltmp0:
0x3: {  	_ = 	snop;
	(pc) =	sbr.rel @p0 .LBB2_5-.Ltmp0, $4  }
0x4: {  	s4 =	rddreg [dreg:$0x0]  }
0x5: {  	s3 =	rddreg [dreg:$0x1];
	s2 =	simm.s32 $0x0  }
0x6: {  	[smem:$0x7FF] =	sst s2  }
0x7: {  	s0 =	rddreg [dreg:$0x2];
	_ =	strace $0x80000047  }
0x8: {  	s5 =	srdreg.scid;
	s6 =	sshll.u32 s1, $0x5  }
0x9: {  	s8 =	simm.s32 $0x1;
	s9 =	simm.s32 $0x40000000;
	s5 =	sand.u32 $0x1, s5  }
0xa: {  	s10 =	simm.s32 $0x300;
	s7 =	sshll.u32 s5, $0x4;
	s5 =	ssub.s32 $0x2, s5  }
0xb: {  	s6 =	sor.u32 s7, s6;
	s31 =	sshrl.u32 s5, $0x1;
	s7 =	simm.s32 $0x200  }
0xc: {  	s3 =	sadd.s32 s6, s3;
	s5 =	ssub.s32 s5, s31;
	s4 =	sadd.s32 s4, s6  }
0xd: {  	v0 =	vimm.s32 $0x0;
	v40 =	vimm.f32 $0.0e+00;
	s6 =	simm.s32 $0x80;
	s3 =	sadd.s32 $0xA00, s3;
	s5 =	smax.u32 s5, $0x1  }
.LBB2_2:
0xe: {  	s11 =	simm.s32 $0x0  }
0xf: {  	[tilespmem:s11], [sflag:$0x1] =	stream.strided.gather [hbm4b:s4+s6], $0x300, s7, s6, $0x38;
	[tilespmem:$0x680] =	vst v63  }
0x10: {  	_ =	swait.ge [sflag:s8], $0x300  }
0x11: {  	[sflag:s8] =	ssyncset.done $0x0  }
0x12: {  	[sflag:s8] =	ssyncadd.s32 $0xFFFFFD00  }
0x13: {  	v2 =	vld [tilespmem:$0x10]  }
0x14: {  	v3 =	vld [tilespmem:$0x0]  }
0x15: {  	v4 =	vld [tilespmem:$0x20]  }
0x16: {  	v5 =	vld [tilespmem:$0x30]  }
0x17: {  	s12 =	simm.s32 $0x40000000;
	v6 =	vld [tilespmem:$0x40]  }
0x18: {  	s12 =	sor.u32 s12, s11;
	v7 =	vld [tilespmem:$0x50]  }
0x19: {  	v8 =	vld [tilespmem:$0x60];
	vm0 =	vge.s32 v3, s12;
	vm1 =	vge.s32 v2, s12  }
0x1a: {  	v2 =	vld [tilespmem:$0x70];
	vm6 =	vge.s32 v4, s12;
	v3 =	vsel vm0, $0x1, v0;
	v9 =	vsel vm1, $0x1, v0  }
0x1b: {  	v4 =	vld [tilespmem:$0x80];
	vm7 =	vge.s32 v5, s12;
	v63 =	vsel vm6, $0x1, v0;
	v3 =	vadd.s32 v3, v9  }
0x1c: {  	vm8 =	vge.s32 v6, s12;
	v5 =	vld [tilespmem:$0x90];
	v6 =	vsel vm7, $0x1, v0;
	v3 =	vadd.s32 v63, v3  }
0x1d: {  	vm9 =	vge.s32 v7, s12;
	v7 =	vld [tilespmem:$0xA0];
	v3 =	vadd.s32 v6, v3;
	v6 =	vsel vm8, $0x1, v0  }
0x1e: {  	vm10 =	vge.s32 v8, s12;
	v8 =	vld [tilespmem:$0xB0];
	v3 =	vadd.s32 v6, v3;
	v6 =	vsel vm9, $0x1, v0  }
0x1f: {  	vm11 =	vge.s32 v2, s12;
	v2 =	vld [tilespmem:$0xC0];
	v3 =	vadd.s32 v6, v3;
	v6 =	vsel vm10, $0x1, v0  }
0x20: {  	vm12 =	vge.s32 v4, s12;
	v4 =	vld [tilespmem:$0xD0];
	v3 =	vadd.s32 v6, v3;
	v6 =	vsel vm11, $0x1, v0  }
0x21: {  	vm13 =	vge.s32 v5, s12;
	v5 =	vld [tilespmem:$0xE0];
	v3 =	vadd.s32 v6, v3;
	v6 =	vsel vm12, $0x1, v0  }
0x22: {  	vm14 =	vge.s32 v7, s12;
	v7 =	vld [tilespmem:$0xF0];
	v3 =	vadd.s32 v6, v3;
	v6 =	vsel vm13, $0x1, v0  }
0x23: {  	vm15 =	vge.s32 v8, s12;
	v8 =	vld [tilespmem:$0x100];
	v3 =	vadd.s32 v6, v3;
	v6 =	vsel vm14, $0x1, v0  }
0x24: {  	vm4 =	vge.s32 v2, s12;
	v2 =	vld [tilespmem:$0x110];
	v3 =	vadd.s32 v6, v3;
	v6 =	vsel vm15, $0x1, v0  }
0x25: {  	vm5 =	vge.s32 v4, s12;
	v4 =	vld [tilespmem:$0x120];
	v3 =	vadd.s32 v6, v3;
	v6 =	vsel vm4, $0x1, v0  }
0x26: {  	vm6 =	vge.s32 v5, s12;
	v5 =	vld [tilespmem:$0x130];
	v3 =	vadd.s32 v6, v3;
	v6 =	vsel vm5, $0x1, v0  }
0x27: {  	vm7 =	vge.s32 v7, s12;
	v7 =	vld [tilespmem:$0x140];
	v3 =	vadd.s32 v6, v3;
	v6 =	vsel vm6, $0x1, v0  }
0x28: {  	vm8 =	vge.s32 v8, s12;
	v8 =	vld [tilespmem:$0x150];
	v3 =	vadd.s32 v6, v3;
	v6 =	vsel vm7, $0x1, v0  }
0x29: {  	vm9 =	vge.s32 v2, s12;
	v2 =	vld [tilespmem:$0x160];
	v3 =	vadd.s32 v6, v3;
	v6 =	vsel vm8, $0x1, v0  }
0x2a: {  	vm10 =	vge.s32 v4, s12;
	v4 =	vld [tilespmem:$0x170];
	v3 =	vadd.s32 v6, v3;
	v6 =	vsel vm9, $0x1, v0  }
0x2b: {  	vm11 =	vge.s32 v5, s12;
	v5 =	vld [tilespmem:$0x180];
	v3 =	vadd.s32 v6, v3;
	v6 =	vsel vm10, $0x1, v0  }
0x2c: {  	vm12 =	vge.s32 v7, s12;
	v7 =	vld [tilespmem:$0x190];
	v3 =	vadd.s32 v6, v3;
	v6 =	vsel vm11, $0x1, v0  }
0x2d: {  	vm13 =	vge.s32 v8, s12;
	v8 =	vld [tilespmem:$0x1A0];
	v3 =	vadd.s32 v6, v3;
	v6 =	vsel vm12, $0x1, v0  }
0x2e: {  	vm14 =	vge.s32 v2, s12;
	v2 =	vld [tilespmem:$0x1B0];
	v3 =	vadd.s32 v6, v3;
	v6 =	vsel vm13, $0x1, v0  }
0x2f: {  	vm15 =	vge.s32 v4, s12;
	v4 =	vld [tilespmem:$0x1C0];
	v3 =	vadd.s32 v6, v3;
	v6 =	vsel vm14, $0x1, v0  }
0x30: {  	vm4 =	vge.s32 v5, s12;
	v5 =	vld [tilespmem:$0x1D0];
	v3 =	vadd.s32 v6, v3;
	v6 =	vsel vm15, $0x1, v0  }
0x31: {  	vm5 =	vge.s32 v7, s12;
	v7 =	vld [tilespmem:$0x1E0];
	v3 =	vadd.s32 v6, v3;
	v6 =	vsel vm4, $0x1, v0  }
0x32: {  	vm6 =	vge.s32 v8, s12;
	v8 =	vld [tilespmem:$0x1F0];
	v3 =	vadd.s32 v6, v3;
	v6 =	vsel vm5, $0x1, v0  }
0x33: {  	vm7 =	vge.s32 v2, s12;
	v2 =	vld [tilespmem:$0x200];
	v3 =	vadd.s32 v6, v3;
	v6 =	vsel vm6, $0x1, v0  }
0x34: {  	vm8 =	vge.s32 v4, s12;
	v4 =	vld [tilespmem:$0x210];
	v3 =	vadd.s32 v6, v3;
	v6 =	vsel vm7, $0x1, v0  }
0x35: {  	vm9 =	vge.s32 v5, s12;
	v5 =	vld [tilespmem:$0x220];
	v3 =	vadd.s32 v6, v3;
	v6 =	vsel vm8, $0x1, v0  }
0x36: {  	vm10 =	vge.s32 v7, s12;
	v7 =	vld [tilespmem:$0x230];
	v3 =	vadd.s32 v6, v3;
	v6 =	vsel vm9, $0x1, v0  }
0x37: {  	vm11 =	vge.s32 v8, s12;
	v8 =	vld [tilespmem:$0x240];
	v3 =	vadd.s32 v6, v3;
	v6 =	vsel vm10, $0x1, v0  }
0x38: {  	vm12 =	vge.s32 v2, s12;
	v2 =	vld [tilespmem:$0x250];
	v3 =	vadd.s32 v6, v3;
	v6 =	vsel vm11, $0x1, v0  }
0x39: {  	vm13 =	vge.s32 v4, s12;
	v4 =	vld [tilespmem:$0x260];
	v3 =	vadd.s32 v6, v3;
	v6 =	vsel vm12, $0x1, v0  }
0x3a: {  	vm14 =	vge.s32 v5, s12;
	v5 =	vld [tilespmem:$0x270];
	v3 =	vadd.s32 v6, v3;
	v6 =	vsel vm13, $0x1, v0  }
0x3b: {  	vm15 =	vge.s32 v7, s12;
	v7 =	vld [tilespmem:$0x280];
	v3 =	vadd.s32 v6, v3;
	v6 =	vsel vm14, $0x1, v0  }
0x3c: {  	vm4 =	vge.s32 v8, s12;
	v8 =	vld [tilespmem:$0x290];
	v3 =	vadd.s32 v6, v3;
	v6 =	vsel vm15, $0x1, v0  }
0x3d: {  	vm5 =	vge.s32 v2, s12;
	v2 =	vld [tilespmem:$0x2A0];
	v3 =	vadd.s32 v6, v3;
	v6 =	vsel vm4, $0x1, v0  }
0x3e: {  	vm6 =	vge.s32 v4, s12;
	v4 =	vld [tilespmem:$0x2B0];
	v3 =	vadd.s32 v6, v3;
	v6 =	vsel vm5, $0x1, v0  }
0x3f: {  	vm7 =	vge.s32 v5, s12;
	v5 =	vld [tilespmem:$0x2C0];
	v3 =	vadd.s32 v6, v3;
	v6 =	vsel vm6, $0x1, v0  }
0x40: {  	vm8 =	vge.s32 v7, s12;
	v7 =	vld [tilespmem:$0x2D0];
	v3 =	vadd.s32 v6, v3;
	v6 =	vsel vm7, $0x1, v0  }
0x41: {  	vm9 =	vge.s32 v8, s12;
	v8 =	vld [tilespmem:$0x2E0];
	v3 =	vadd.s32 v6, v3;
	v6 =	vsel vm8, $0x1, v0  }
0x42: {  	vm10 =	vge.s32 v2, s12;
	v2 =	vld [tilespmem:$0x2F0];
	v3 =	vadd.s32 v6, v3;
	v6 =	vsel vm9, $0x1, v0  }
0x43: {  	vm11 =	vge.s32 v4, s12;
	v4 =	vsel vm10, $0x1, v0;
	v3 =	vadd.s32 v6, v3  }
0x44: {  	vm12 =	vge.s32 v5, s12;
	v3 =	vadd.s32 v4, v3;
	v4 =	vsel vm11, $0x1, v0  }
0x45: {  	vm13 =	vge.s32 v7, s12;
	v3 =	vadd.s32 v4, v3;
	v4 =	vsel vm12, $0x1, v0  }
0x46: {  	vm14 =	vge.s32 v8, s12;
	v3 =	vadd.s32 v4, v3;
	v4 =	vsel vm13, $0x1, v0  }
0x47: {  	vm15 =	vge.s32 v2, s12;
	v2 =	vadd.s32 v4, v3;
	v3 =	vsel vm14, $0x1, v0  }
0x48: {  	v2 =	vadd.s32 v3, v2;
	v3 =	vsel vm15, $0x1, v0  }
0x49: {  	[tilespmem:$0x620] =	vst v0;
	v2 =	vadd.s32 v3, v2  }
0x4a: {  	[tilespmem:$0x610] =	vst v2  }
0x4b: {  	v3 =	vld [tilespmem:$0x618];
	_ =	sdelay $0x4  }
0x4c: {  	v2 =	vadd.s32 v3, v2  }
0x4d: {  	[tilespmem:$0x610] =	vst v2  }
0x4e: {  	v3 =	vld [tilespmem:$0x614];
	_ =	sdelay $0x4  }
0x4f: {  	v2 =	vadd.s32 v3, v2  }
0x50: {  	[tilespmem:$0x610] =	vst v2  }
0x51: {  	v3 =	vld [tilespmem:$0x612];
	_ =	sdelay $0x4  }
0x52: {  	v2 =	vadd.s32 v2, v3  }
0x53: {  	[tilespmem:$0x610] =	vst v2  }
0x54: {  	v3 =	vld [tilespmem:$0x611];
	_ =	sdelay $0x3  }
0x55: {  	(v2sf) =	vpush v2, $0x0  }
0x56: {  	(v2sf) =	vpush v3, $0x0;
	_ =	sdelay $0xb  }
0x57: {  	v5 =	vld [tilespmem:$0x0]  }
0x58: {  	v6 =	vld [tilespmem:$0x20]  }
0x59: {  	v4 =	vld [tilespmem:$0x10];
	s15 =	spop (v2sf)  }
0x5a: {  	v2 =	vld [tilespmem:$0x30];
	s16 =	spop (v2sf)  }
0x5b: {  	s13 =	simm.s32 $0x1;
	s14 =	simm.s32 $0x2;
	[tilespmem:$0x600] =	vst v0;
	v3 =	vld [tilespmem:$0x40];
	s15 =	sadd.s32 s15, s16  }
.LBB2_3:
0x5c: {  	p0 =	sne.s32 s14, $0x1E  }
0x5d: {  	v7 =	vld [tilespmem:$0x30];
	p1 =	sgt.s32 s15, $0x17F;
	s15 =	smov.u32 s14;
	s14 =	sadd.s32 $0x1, s14  }
0x5e: {  	s16 =	sshrl.u32 s9, s13;
	v8 =	vld [tilespmem:$0x50];
	s11 =	smov.u32 @p1 s12;
	s13 =	smov.u32 s15  }
0x5f: {  	s12 =	sor.u32 s16, s11;
	v9 =	vld [tilespmem:$0x60]  }
0x60: {  	vm0 =	vge.s32 v5, s12;
	vm1 =	vge.s32 v4, s12;
	vm2 =	vge.s32 v3, s12;
	v3 =	vld [tilespmem:$0x70]  }
0x61: {  	v4 =	vsel vm0, $0x1, v0;
	v5 =	vsel vm1, $0x1, v0;
	vm0 =	vge.s32 v6, s12;
	v6 =	vld [tilespmem:$0x80]  }
0x62: {  	v4 =	vadd.s32 v4, v5;
	v5 =	vsel vm0, $0x1, v0;
	vm0 =	vge.s32 v2, s12;
	v10 =	vld [tilespmem:$0x90];
	v2 =	vmovc v7  }
0x63: {  	v4 =	vadd.s32 v5, v4;
	v5 =	vsel vm0, $0x1, v0;
	vm0 =	vge.s32 v8, s12;
	v7 =	vld [tilespmem:$0xA0]  }
0x64: {  	v4 =	vadd.s32 v5, v4;
	v5 =	vsel vm2, $0x1, v0;
	vm1 =	vge.s32 v9, s12;
	v8 =	vld [tilespmem:$0xB0]  }
0x65: {  	v4 =	vadd.s32 v5, v4;
	v5 =	vsel vm0, $0x1, v0;
	vm0 =	vge.s32 v3, s12;
	v3 =	vld [tilespmem:$0xC0]  }
0x66: {  	v4 =	vadd.s32 v5, v4;
	v5 =	vsel vm1, $0x1, v0;
	vm1 =	vge.s32 v6, s12;
	v6 =	vld [tilespmem:$0xD0]  }
0x67: {  	v4 =	vadd.s32 v5, v4;
	v5 =	vsel vm0, $0x1, v0;
	vm0 =	vge.s32 v10, s12;
	v9 =	vld [tilespmem:$0xE0]  }
0x68: {  	v4 =	vadd.s32 v5, v4;
	v5 =	vsel vm1, $0x1, v0;
	vm1 =	vge.s32 v7, s12;
	v7 =	vld [tilespmem:$0xF0]  }
0x69: {  	v4 =	vadd.s32 v5, v4;
	v5 =	vsel vm0, $0x1, v0;
	vm0 =	vge.s32 v8, s12;
	v8 =	vld [tilespmem:$0x100]  }
0x6a: {  	v4 =	vadd.s32 v5, v4;
	v5 =	vsel vm1, $0x1, v0;
	vm1 =	vge.s32 v3, s12;
	v3 =	vld [tilespmem:$0x110]  }
0x6b: {  	v4 =	vadd.s32 v5, v4;
	v5 =	vsel vm0, $0x1, v0;
	vm0 =	vge.s32 v6, s12;
	v6 =	vld [tilespmem:$0x120]  }
0x6c: {  	v4 =	vadd.s32 v5, v4;
	v5 =	vsel vm1, $0x1, v0;
	vm1 =	vge.s32 v9, s12;
	v9 =	vld [tilespmem:$0x130]  }
0x6d: {  	v4 =	vadd.s32 v5, v4;
	v5 =	vsel vm0, $0x1, v0;
	vm0 =	vge.s32 v7, s12;
	v7 =	vld [tilespmem:$0x140]  }
0x6e: {  	v4 =	vadd.s32 v5, v4;
	v5 =	vsel vm1, $0x1, v0;
	vm1 =	vge.s32 v8, s12;
	v8 =	vld [tilespmem:$0x150]  }
0x6f: {  	v4 =	vadd.s32 v5, v4;
	v5 =	vsel vm0, $0x1, v0;
	vm0 =	vge.s32 v3, s12;
	v3 =	vld [tilespmem:$0x160]  }
0x70: {  	v4 =	vadd.s32 v5, v4;
	v5 =	vsel vm1, $0x1, v0;
	vm1 =	vge.s32 v6, s12;
	v6 =	vld [tilespmem:$0x170]  }
0x71: {  	v4 =	vadd.s32 v5, v4;
	v5 =	vsel vm0, $0x1, v0;
	vm0 =	vge.s32 v9, s12;
	v9 =	vld [tilespmem:$0x180]  }
0x72: {  	v4 =	vadd.s32 v5, v4;
	v5 =	vsel vm1, $0x1, v0;
	vm1 =	vge.s32 v7, s12;
	v7 =	vld [tilespmem:$0x190]  }
0x73: {  	v4 =	vadd.s32 v5, v4;
	v5 =	vsel vm0, $0x1, v0;
	vm0 =	vge.s32 v8, s12;
	v8 =	vld [tilespmem:$0x1A0]  }
0x74: {  	v4 =	vadd.s32 v5, v4;
	v5 =	vsel vm1, $0x1, v0;
	vm1 =	vge.s32 v3, s12;
	v3 =	vld [tilespmem:$0x1B0]  }
0x75: {  	v4 =	vadd.s32 v5, v4;
	v5 =	vsel vm0, $0x1, v0;
	vm0 =	vge.s32 v6, s12;
	v6 =	vld [tilespmem:$0x1C0]  }
0x76: {  	v4 =	vadd.s32 v5, v4;
	v5 =	vsel vm1, $0x1, v0;
	vm1 =	vge.s32 v9, s12;
	v9 =	vld [tilespmem:$0x1D0]  }
0x77: {  	v4 =	vadd.s32 v5, v4;
	v5 =	vsel vm0, $0x1, v0;
	vm0 =	vge.s32 v7, s12;
	v7 =	vld [tilespmem:$0x1E0]  }
0x78: {  	v4 =	vadd.s32 v5, v4;
	v5 =	vsel vm1, $0x1, v0;
	vm1 =	vge.s32 v8, s12;
	v8 =	vld [tilespmem:$0x1F0]  }
0x79: {  	v4 =	vadd.s32 v5, v4;
	v5 =	vsel vm0, $0x1, v0;
	vm0 =	vge.s32 v3, s12;
	v3 =	vld [tilespmem:$0x200]  }
0x7a: {  	v4 =	vadd.s32 v5, v4;
	v5 =	vsel vm1, $0x1, v0;
	vm1 =	vge.s32 v6, s12;
	v6 =	vld [tilespmem:$0x210]  }
0x7b: {  	v4 =	vadd.s32 v5, v4;
	v5 =	vsel vm0, $0x1, v0;
	vm0 =	vge.s32 v9, s12;
	v9 =	vld [tilespmem:$0x220]  }
0x7c: {  	v4 =	vadd.s32 v5, v4;
	v5 =	vsel vm1, $0x1, v0;
	vm1 =	vge.s32 v7, s12;
	v7 =	vld [tilespmem:$0x230]  }
0x7d: {  	v4 =	vadd.s32 v5, v4;
	v5 =	vsel vm0, $0x1, v0;
	vm0 =	vge.s32 v8, s12;
	v8 =	vld [tilespmem:$0x240]  }
0x7e: {  	v4 =	vadd.s32 v5, v4;
	v5 =	vsel vm1, $0x1, v0;
	vm1 =	vge.s32 v3, s12;
	v3 =	vld [tilespmem:$0x250]  }
0x7f: {  	v4 =	vadd.s32 v5, v4;
	v5 =	vsel vm0, $0x1, v0;
	vm0 =	vge.s32 v6, s12;
	v6 =	vld [tilespmem:$0x260]  }
0x80: {  	v4 =	vadd.s32 v5, v4;
	v5 =	vsel vm1, $0x1, v0;
	vm1 =	vge.s32 v9, s12;
	v9 =	vld [tilespmem:$0x270]  }
0x81: {  	v4 =	vadd.s32 v5, v4;
	v5 =	vsel vm0, $0x1, v0;
	vm0 =	vge.s32 v7, s12;
	v7 =	vld [tilespmem:$0x280]  }
0x82: {  	v4 =	vadd.s32 v5, v4;
	v5 =	vsel vm1, $0x1, v0;
	vm1 =	vge.s32 v8, s12;
	v8 =	vld [tilespmem:$0x290]  }
0x83: {  	v4 =	vadd.s32 v5, v4;
	v5 =	vsel vm0, $0x1, v0;
	vm0 =	vge.s32 v3, s12;
	v3 =	vld [tilespmem:$0x2A0]  }
0x84: {  	v4 =	vadd.s32 v5, v4;
	v5 =	vsel vm1, $0x1, v0;
	vm1 =	vge.s32 v6, s12;
	v6 =	vld [tilespmem:$0x2B0]  }
0x85: {  	v4 =	vadd.s32 v5, v4;
	v5 =	vsel vm0, $0x1, v0;
	vm0 =	vge.s32 v9, s12;
	v9 =	vld [tilespmem:$0x2C0]  }
0x86: {  	v4 =	vadd.s32 v5, v4;
	v5 =	vsel vm1, $0x1, v0;
	vm1 =	vge.s32 v7, s12;
	v7 =	vld [tilespmem:$0x2D0]  }
0x87: {  	v4 =	vadd.s32 v5, v4;
	v5 =	vsel vm0, $0x1, v0;
	vm0 =	vge.s32 v8, s12;
	v8 =	vld [tilespmem:$0x2E0]  }
0x88: {  	v4 =	vadd.s32 v5, v4;
	v5 =	vsel vm1, $0x1, v0;
	vm1 =	vge.s32 v3, s12;
	v3 =	vld [tilespmem:$0x2F0]  }
0x89: {  	v4 =	vadd.s32 v5, v4;
	v5 =	vsel vm0, $0x1, v0;
	vm0 =	vge.s32 v6, s12  }
0x8a: {  	v4 =	vadd.s32 v5, v4;
	v5 =	vsel vm1, $0x1, v0;
	vm1 =	vge.s32 v9, s12  }
0x8b: {  	v4 =	vadd.s32 v5, v4;
	v5 =	vsel vm0, $0x1, v0;
	vm0 =	vge.s32 v7, s12  }
0x8c: {  	v4 =	vadd.s32 v5, v4;
	v5 =	vsel vm1, $0x1, v0;
	vm1 =	vge.s32 v8, s12  }
0x8d: {  	v4 =	vadd.s32 v5, v4;
	v5 =	vsel vm0, $0x1, v0;
	vm0 =	vge.s32 v3, s12  }
0x8e: {  	v3 =	vadd.s32 v5, v4;
	v4 =	vsel vm1, $0x1, v0  }
0x8f: {  	v3 =	vadd.s32 v4, v3;
	v4 =	vsel vm0, $0x1, v0  }
0x90: {  	v3 =	vadd.s32 v4, v3  }
0x91: {  	[tilespmem:$0x610] =	vst v3  }
0x92: {  	v4 =	vld [tilespmem:$0x618];
	_ =	sdelay $0x4  }
0x93: {  	v3 =	vadd.s32 v4, v3  }
0x94: {  	[tilespmem:$0x610] =	vst v3  }
0x95: {  	v4 =	vld [tilespmem:$0x614];
	_ =	sdelay $0x4  }
0x96: {  	v3 =	vadd.s32 v4, v3  }
0x97: {  	[tilespmem:$0x610] =	vst v3  }
0x98: {  	v4 =	vld [tilespmem:$0x612];
	_ =	sdelay $0x4  }
0x99: {  	v3 =	vadd.s32 v3, v4  }
0x9a: {  	[tilespmem:$0x610] =	vst v3  }
0x9b: {  	v4 =	vld [tilespmem:$0x611];
	_ =	sdelay $0x3  }
0x9c: {  	(v2sf) =	vpush v3, $0x0  }
0x9d: {  	(v2sf) =	vpush v4, $0x0;
	_ =	sdelay $0xb  }
.Ltmp1:
0x9e: {  	(pc) =	sbr.rel @p0 .LBB2_3-.Ltmp1, $4  }
0x9f: {  	v4 =	vld [tilespmem:$0x10]  }
0xa0: {  	v5 =	vld [tilespmem:$0x0];
	s15 =	spop (v2sf)  }
0xa1: {  	v3 =	vld [tilespmem:$0x40];
	s16 =	spop (v2sf)  }
0xa2: {  	v6 =	vld [tilespmem:$0x20];
	s15 =	sadd.s32 s15, s16  }
0xa3: {  	p0 =	sgt.s32 s15, $0x17F  }
0xa4: {  	s13 =	sshrl.u32 s9, s13;
	s11 =	smov.u32 @p0 s12  }
0xa5: {  	v7 =	vld [tilespmem:$0x50];
	s12 =	sor.u32 s13, s11  }
0xa6: {  	v8 =	vld [tilespmem:$0x60];
	vm0 =	vge.s32 v5, s12;
	vm1 =	vge.s32 v4, s12  }
0xa7: {  	v12 =	vld [tilespmem:$0x70];
	v5 =	vsel vm0, $0x1, v0;
	v9 =	vsel vm1, $0x1, v0;
	vm4 =	vge.s32 v6, s12  }
0xa8: {  	v13 =	vld [tilespmem:$0x80];
	vm5 =	vge.s32 v2, s12;
	v5 =	vadd.s32 v5, v9;
	v14 =	vsel vm4, $0x1, v0  }
0xa9: {  	vm6 =	vge.s32 v3, s12;
	v2 =	vld [tilespmem:$0x90];
	v15 =	vsel vm5, $0x1, v0;
	v3 =	vadd.s32 v14, v5  }
0xaa: {  	v16 =	vld [tilespmem:$0xA0];
	v17 =	vsel vm6, $0x1, v0;
	vm7 =	vge.s32 v7, s12;
	v3 =	vadd.s32 v15, v3  }
0xab: {  	v18 =	vld [tilespmem:$0xB0];
	vm8 =	vge.s32 v8, s12;
	v19 =	vsel vm7, $0x1, v0;
	v3 =	vadd.s32 v17, v3  }
0xac: {  	v20 =	vld [tilespmem:$0xC0];
	vm9 =	vge.s32 v12, s12;
	v21 =	vsel vm8, $0x1, v0;
	v3 =	vadd.s32 v19, v3  }
0xad: {  	v22 =	vld [tilespmem:$0xD0];
	vm10 =	vge.s32 v13, s12;
	v23 =	vsel vm9, $0x1, v0;
	v3 =	vadd.s32 v21, v3  }
0xae: {  	v24 =	vsel vm10, $0x1, v0;
	vm11 =	vge.s32 v2, s12;
	v2 =	vld [tilespmem:$0xE0];
	v3 =	vadd.s32 v23, v3  }
0xaf: {  	v25 =	vld [tilespmem:$0xF0];
	vm12 =	vge.s32 v16, s12;
	v26 =	vsel vm11, $0x1, v0;
	v3 =	vadd.s32 v24, v3  }
0xb0: {  	v27 =	vld [tilespmem:$0x100];
	vm13 =	vge.s32 v18, s12;
	v28 =	vsel vm12, $0x1, v0;
	v3 =	vadd.s32 v26, v3  }
0xb1: {  	v29 =	vld [tilespmem:$0x110];
	vm14 =	vge.s32 v20, s12;
	v30 =	vsel vm13, $0x1, v0;
	v3 =	vadd.s32 v28, v3  }
0xb2: {  	v31 =	vld [tilespmem:$0x120];
	vm15 =	vge.s32 v22, s12;
	v32 =	vsel vm14, $0x1, v0;
	v3 =	vadd.s32 v30, v3  }
0xb3: {  	v33 =	vsel vm15, $0x1, v0;
	vm4 =	vge.s32 v2, s12;
	v2 =	vld [tilespmem:$0x130];
	v3 =	vadd.s32 v32, v3  }
0xb4: {  	v34 =	vld [tilespmem:$0x140];
	vm5 =	vge.s32 v25, s12;
	v35 =	vsel vm4, $0x1, v0;
	v3 =	vadd.s32 v33, v3  }
0xb5: {  	v36 =	vld [tilespmem:$0x150];
	vm6 =	vge.s32 v27, s12;
	v37 =	vsel vm5, $0x1, v0;
	v3 =	vadd.s32 v35, v3  }
0xb6: {  	v38 =	vld [tilespmem:$0x160];
	vm7 =	vge.s32 v29, s12;
	v39 =	vsel vm6, $0x1, v0;
	v3 =	vadd.s32 v37, v3  }
0xb7: {  	v41 =	vld [tilespmem:$0x170];
	vm8 =	vge.s32 v31, s12;
	v42 =	vsel vm7, $0x1, v0;
	v3 =	vadd.s32 v39, v3  }
0xb8: {  	v43 =	vsel vm8, $0x1, v0;
	vm9 =	vge.s32 v2, s12;
	v2 =	vld [tilespmem:$0x180];
	v3 =	vadd.s32 v42, v3  }
0xb9: {  	v44 =	vld [tilespmem:$0x190];
	vm10 =	vge.s32 v34, s12;
	v45 =	vsel vm9, $0x1, v0;
	v3 =	vadd.s32 v43, v3  }
0xba: {  	v46 =	vld [tilespmem:$0x1A0];
	v47 =	vsel vm10, $0x1, v0;
	vm11 =	vge.s32 v36, s12;
	v3 =	vadd.s32 v45, v3  }
0xbb: {  	v48 =	vld [tilespmem:$0x1B0];
	vm12 =	vge.s32 v38, s12;
	v49 =	vsel vm11, $0x1, v0;
	v3 =	vadd.s32 v47, v3  }
0xbc: {  	v50 =	vld [tilespmem:$0x1C0];
	vm13 =	vge.s32 v41, s12;
	v51 =	vsel vm12, $0x1, v0;
	v3 =	vadd.s32 v49, v3  }
0xbd: {  	v52 =	vsel vm13, $0x1, v0;
	vm14 =	vge.s32 v2, s12;
	v2 =	vld [tilespmem:$0x1D0];
	v3 =	vadd.s32 v51, v3  }
0xbe: {  	v53 =	vld [tilespmem:$0x1E0];
	vm15 =	vge.s32 v44, s12;
	v54 =	vsel vm14, $0x1, v0;
	v3 =	vadd.s32 v52, v3  }
0xbf: {  	v55 =	vld [tilespmem:$0x1F0];
	v56 =	vsel vm15, $0x1, v0;
	vm4 =	vge.s32 v46, s12;
	v3 =	vadd.s32 v54, v3  }
0xc0: {  	v57 =	vld [tilespmem:$0x200];
	vm5 =	vge.s32 v48, s12;
	v58 =	vsel vm4, $0x1, v0;
	v3 =	vadd.s32 v56, v3  }
0xc1: {  	v59 =	vld [tilespmem:$0x210];
	vm6 =	vge.s32 v50, s12;
	v60 =	vsel vm5, $0x1, v0;
	v3 =	vadd.s32 v58, v3  }
0xc2: {  	v61 =	vsel vm6, $0x1, v0;
	vm7 =	vge.s32 v2, s12;
	v2 =	vld [tilespmem:$0x220];
	v3 =	vadd.s32 v60, v3  }
0xc3: {  	v62 =	vld [tilespmem:$0x230];
	vm8 =	vge.s32 v53, s12;
	v63 =	vsel vm7, $0x1, v0;
	v3 =	vadd.s32 v61, v3  }
0xc4: {  	v12 =	vld [tilespmem:$0x240];
	v13 =	vsel vm8, $0x1, v0;
	vm9 =	vge.s32 v55, s12;
	v3 =	vadd.s32 v63, v3  }
0xc5: {  	v14 =	vld [tilespmem:$0x250];
	vm10 =	vge.s32 v57, s12;
	v15 =	vsel vm9, $0x1, v0;
	v3 =	vadd.s32 v13, v3  }
0xc6: {  	v16 =	vld [tilespmem:$0x260];
	v17 =	vsel vm10, $0x1, v0;
	vm11 =	vge.s32 v59, s12;
	v3 =	vadd.s32 v15, v3  }
0xc7: {  	v18 =	vsel vm11, $0x1, v0;
	vm12 =	vge.s32 v2, s12;
	v2 =	vld [tilespmem:$0x270];
	v3 =	vadd.s32 v17, v3  }
0xc8: {  	vm13 =	vge.s32 v62, s12;
	v19 =	vld [tilespmem:$0x280];
	v20 =	vsel vm12, $0x1, v0;
	v3 =	vadd.s32 v18, v3  }
0xc9: {  	v22 =	vsel vm13, $0x1, v0;
	v21 =	vld [tilespmem:$0x290];
	vm14 =	vge.s32 v12, s12;
	v3 =	vadd.s32 v20, v3  }
0xca: {  	vm15 =	vge.s32 v14, s12;
	v23 =	vld [tilespmem:$0x2A0];
	v24 =	vsel vm14, $0x1, v0;
	v3 =	vadd.s32 v22, v3  }
0xcb: {  	v25 =	vld [tilespmem:$0x2B0];
	v26 =	vsel vm15, $0x1, v0;
	vm4 =	vge.s32 v16, s12;
	v3 =	vadd.s32 v24, v3  }
0xcc: {  	v27 =	vsel vm4, $0x1, v0;
	vm5 =	vge.s32 v2, s12;
	v2 =	vld [tilespmem:$0x2C0];
	v3 =	vadd.s32 v26, v3  }
0xcd: {  	vm6 =	vge.s32 v19, s12;
	v28 =	vld [tilespmem:$0x2D0];
	v29 =	vsel vm5, $0x1, v0;
	v3 =	vadd.s32 v27, v3  }
0xce: {  	v30 =	vld [tilespmem:$0x2E0];
	v31 =	vsel vm6, $0x1, v0;
	vm7 =	vge.s32 v21, s12;
	v3 =	vadd.s32 v29, v3  }
0xcf: {  	vm8 =	vge.s32 v23, s12;
	v32 =	vld [tilespmem:$0x2F0];
	v33 =	vsel vm7, $0x1, v0;
	v3 =	vadd.s32 v31, v3  }
0xd0: {  	v34 =	vsel vm8, $0x1, v0;
	vm9 =	vge.s32 v25, s12;
	v3 =	vadd.s32 v33, v3  }
0xd1: {  	vm10 =	vge.s32 v2, s12;
	v2 =	vadd.s32 v34, v3;
	v3 =	vsel vm9, $0x1, v0  }
0xd2: {  	vm11 =	vge.s32 v28, s12;
	v2 =	vadd.s32 v3, v2;
	v3 =	vsel vm10, $0x1, v0  }
0xd3: {  	vm12 =	vge.s32 v30, s12;
	v2 =	vadd.s32 v3, v2;
	v3 =	vsel vm11, $0x1, v0  }
0xd4: {  	vm13 =	vge.s32 v32, s12;
	v2 =	vadd.s32 v3, v2;
	v3 =	vsel vm12, $0x1, v0  }
0xd5: {  	v2 =	vadd.s32 v3, v2;
	v3 =	vsel vm13, $0x1, v0  }
0xd6: {  	v2 =	vadd.s32 v3, v2  }
0xd7: {  	[tilespmem:$0x610] =	vst v2  }
0xd8: {  	v3 =	vld [tilespmem:$0x618];
	_ =	sdelay $0x4  }
0xd9: {  	v2 =	vadd.s32 v3, v2  }
0xda: {  	[tilespmem:$0x610] =	vst v2  }
0xdb: {  	v3 =	vld [tilespmem:$0x614];
	_ =	sdelay $0x4  }
0xdc: {  	v2 =	vadd.s32 v3, v2  }
0xdd: {  	[tilespmem:$0x610] =	vst v2  }
0xde: {  	v3 =	vld [tilespmem:$0x612];
	_ =	sdelay $0x4  }
0xdf: {  	v2 =	vadd.s32 v2, v3  }
0xe0: {  	[tilespmem:$0x610] =	vst v2  }
0xe1: {  	v3 =	vld [tilespmem:$0x611];
	_ =	sdelay $0x3  }
0xe2: {  	(v2sf) =	vpush v2, $0x0  }
0xe3: {  	(v2sf) =	vpush v3, $0x0;
	_ =	sdelay $0xc  }
0xe4: {  	v2 =	vld [tilespmem:$0x0]  }
0xe5: {  	v3 =	vld [tilespmem:$0x10];
	s29 =	spop (v2sf)  }
0xe6: {  	v35 =	vld [tilespmem:$0x20];
	s14 =	spop (v2sf)  }
0xe7: {  	v36 =	vld [tilespmem:$0x30];
	s13 =	sadd.s32 s29, s14  }
0xe8: {  	v37 =	vld [tilespmem:$0x40];
	p0 =	sgt.s32 s13, $0x17F  }
0xe9: {  	v38 =	vld [tilespmem:$0x50];
	s11 =	smov.u32 @p0 s12  }
0xea: {  	vm14 =	vgt.s32 v2, s11;
	vm15 =	vgt.s32 v3, s11;
	v2 =	vld [tilespmem:$0x60]  }
0xeb: {  	v41 =	vld [tilespmem:$0x70];
	vm4 =	vgt.s32 v35, s11;
	v3 =	vsel vm14, $0x1, v0;
	v39 =	vsel vm15, $0x1, v0  }
0xec: {  	v43 =	vld [tilespmem:$0x80];
	vm5 =	vgt.s32 v36, s11;
	v42 =	vsel vm4, $0x1, v0;
	v3 =	vadd.s32 v3, v39  }
0xed: {  	v45 =	vld [tilespmem:$0x90];
	vm6 =	vgt.s32 v37, s11;
	v44 =	vsel vm5, $0x1, v0;
	v3 =	vadd.s32 v42, v3  }
0xee: {  	v47 =	vld [tilespmem:$0xA0];
	vm7 =	vgt.s32 v38, s11;
	v46 =	vsel vm6, $0x1, v0;
	v3 =	vadd.s32 v44, v3  }
0xef: {  	v48 =	vsel vm7, $0x1, v0;
	v3 =	vadd.s32 v46, v3;
	vm8 =	vgt.s32 v2, s11;
	v2 =	vld [tilespmem:$0xB0]  }
0xf0: {  	v50 =	vld [tilespmem:$0xC0];
	vm9 =	vgt.s32 v41, s11;
	v3 =	vadd.s32 v48, v3;
	v49 =	vsel vm8, $0x1, v0  }
0xf1: {  	v52 =	vld [tilespmem:$0xD0];
	vm10 =	vgt.s32 v43, s11;
	v51 =	vsel vm9, $0x1, v0;
	v3 =	vadd.s32 v49, v3  }
0xf2: {  	v54 =	vld [tilespmem:$0xE0];
	vm11 =	vgt.s32 v45, s11;
	v53 =	vsel vm10, $0x1, v0;
	v3 =	vadd.s32 v51, v3  }
0xf3: {  	v56 =	vld [tilespmem:$0xF0];
	vm12 =	vgt.s32 v47, s11;
	v55 =	vsel vm11, $0x1, v0;
	v3 =	vadd.s32 v53, v3  }
0xf4: {  	v57 =	vsel vm12, $0x1, v0;
	v3 =	vadd.s32 v55, v3;
	vm13 =	vgt.s32 v2, s11;
	v2 =	vld [tilespmem:$0x100]  }
0xf5: {  	v59 =	vld [tilespmem:$0x110];
	vm14 =	vgt.s32 v50, s11;
	v3 =	vadd.s32 v57, v3;
	v58 =	vsel vm13, $0x1, v0  }
0xf6: {  	v61 =	vld [tilespmem:$0x120];
	vm15 =	vgt.s32 v52, s11;
	v60 =	vsel vm14, $0x1, v0;
	v3 =	vadd.s32 v58, v3  }
0xf7: {  	v63 =	vld [tilespmem:$0x130];
	vm4 =	vgt.s32 v54, s11;
	v62 =	vsel vm15, $0x1, v0;
	v3 =	vadd.s32 v60, v3  }
0xf8: {  	v13 =	vld [tilespmem:$0x140];
	vm5 =	vgt.s32 v56, s11;
	v12 =	vsel vm4, $0x1, v0;
	v3 =	vadd.s32 v62, v3  }
0xf9: {  	v14 =	vsel vm5, $0x1, v0;
	v3 =	vadd.s32 v12, v3;
	vm6 =	vgt.s32 v2, s11;
	v2 =	vld [tilespmem:$0x150]  }
0xfa: {  	v16 =	vld [tilespmem:$0x160];
	vm7 =	vgt.s32 v59, s11;
	v3 =	vadd.s32 v14, v3;
	v15 =	vsel vm6, $0x1, v0  }
0xfb: {  	v18 =	vld [tilespmem:$0x170];
	v17 =	vsel vm7, $0x1, v0;
	vm8 =	vgt.s32 v61, s11;
	v3 =	vadd.s32 v15, v3  }
0xfc: {  	v20 =	vld [tilespmem:$0x180];
	vm9 =	vgt.s32 v63, s11;
	v19 =	vsel vm8, $0x1, v0;
	v3 =	vadd.s32 v17, v3  }
0xfd: {  	v22 =	vld [tilespmem:$0x190];
	vm10 =	vgt.s32 v13, s11;
	v21 =	vsel vm9, $0x1, v0;
	v3 =	vadd.s32 v19, v3  }
0xfe: {  	v23 =	vsel vm10, $0x1, v0;
	v3 =	vadd.s32 v21, v3;
	vm11 =	vgt.s32 v2, s11;
	v2 =	vld [tilespmem:$0x1A0]  }
0xff: {  	v25 =	vld [tilespmem:$0x1B0];
	vm12 =	vgt.s32 v16, s11;
	v3 =	vadd.s32 v23, v3;
	v24 =	vsel vm11, $0x1, v0  }
0x100: {  	v27 =	vld [tilespmem:$0x1C0];
	v26 =	vsel vm12, $0x1, v0;
	vm13 =	vgt.s32 v18, s11;
	v3 =	vadd.s32 v24, v3  }
0x101: {  	v29 =	vld [tilespmem:$0x1D0];
	vm14 =	vgt.s32 v20, s11;
	v28 =	vsel vm13, $0x1, v0;
	v3 =	vadd.s32 v26, v3  }
0x102: {  	v31 =	vld [tilespmem:$0x1E0];
	vm15 =	vgt.s32 v22, s11;
	v30 =	vsel vm14, $0x1, v0;
	v3 =	vadd.s32 v28, v3  }
0x103: {  	v32 =	vsel vm15, $0x1, v0;
	v3 =	vadd.s32 v30, v3;
	vm4 =	vgt.s32 v2, s11;
	v2 =	vld [tilespmem:$0x1F0]  }
0x104: {  	v34 =	vld [tilespmem:$0x200];
	vm5 =	vgt.s32 v25, s11;
	v3 =	vadd.s32 v32, v3;
	v33 =	vsel vm4, $0x1, v0  }
0x105: {  	v36 =	vld [tilespmem:$0x210];
	v35 =	vsel vm5, $0x1, v0;
	vm6 =	vgt.s32 v27, s11;
	v3 =	vadd.s32 v33, v3  }
0x106: {  	v38 =	vld [tilespmem:$0x220];
	vm7 =	vgt.s32 v29, s11;
	v37 =	vsel vm6, $0x1, v0;
	v3 =	vadd.s32 v35, v3  }
0x107: {  	v41 =	vld [tilespmem:$0x230];
	v39 =	vsel vm7, $0x1, v0;
	vm8 =	vgt.s32 v31, s11;
	v3 =	vadd.s32 v37, v3  }
0x108: {  	v42 =	vsel vm8, $0x1, v0;
	v3 =	vadd.s32 v39, v3;
	vm9 =	vgt.s32 v2, s11;
	v2 =	vld [tilespmem:$0x240]  }
0x109: {  	vm10 =	vgt.s32 v34, s11;
	v44 =	vld [tilespmem:$0x250];
	v3 =	vadd.s32 v42, v3;
	v43 =	vsel vm9, $0x1, v0  }
0x10a: {  	v45 =	vsel vm10, $0x1, v0;
	v46 =	vld [tilespmem:$0x260];
	vm11 =	vgt.s32 v36, s11;
	v3 =	vadd.s32 v43, v3  }
0x10b: {  	vm12 =	vgt.s32 v38, s11;
	v48 =	vld [tilespmem:$0x270];
	v47 =	vsel vm11, $0x1, v0;
	v3 =	vadd.s32 v45, v3  }
0x10c: {  	v50 =	vld [tilespmem:$0x280];
	v49 =	vsel vm12, $0x1, v0;
	vm13 =	vgt.s32 v41, s11;
	v3 =	vadd.s32 v47, v3  }
0x10d: {  	v51 =	vsel vm13, $0x1, v0;
	v3 =	vadd.s32 v49, v3;
	vm14 =	vgt.s32 v2, s11;
	v2 =	vld [tilespmem:$0x290]  }
0x10e: {  	vm15 =	vgt.s32 v44, s11;
	v53 =	vld [tilespmem:$0x2A0];
	v3 =	vadd.s32 v51, v3;
	v52 =	vsel vm14, $0x1, v0  }
0x10f: {  	v54 =	vsel vm15, $0x1, v0;
	v55 =	vld [tilespmem:$0x2B0];
	vm4 =	vgt.s32 v46, s11;
	v3 =	vadd.s32 v52, v3  }
0x110: {  	vm5 =	vgt.s32 v48, s11;
	v57 =	vld [tilespmem:$0x2C0];
	v56 =	vsel vm4, $0x1, v0;
	v3 =	vadd.s32 v54, v3  }
0x111: {  	v59 =	vld [tilespmem:$0x2D0];
	v58 =	vsel vm5, $0x1, v0;
	vm6 =	vgt.s32 v50, s11;
	v3 =	vadd.s32 v56, v3  }
0x112: {  	v60 =	vsel vm6, $0x1, v0;
	v3 =	vadd.s32 v58, v3;
	vm7 =	vgt.s32 v2, s11;
	v2 =	vld [tilespmem:$0x2E0]  }
0x113: {  	vm8 =	vgt.s32 v53, s11;
	v62 =	vld [tilespmem:$0x2F0];
	v3 =	vadd.s32 v60, v3;
	v61 =	vsel vm7, $0x1, v0  }
0x114: {  	v63 =	vsel vm8, $0x1, v0;
	vm9 =	vgt.s32 v55, s11;
	v3 =	vadd.s32 v61, v3  }
0x115: {  	vm10 =	vgt.s32 v57, s11;
	v5 =	vsel vm9, $0x1, v0;
	v3 =	vadd.s32 v63, v3  }
0x116: {  	v8 =	vsel vm10, $0x1, v0;
	vm11 =	vgt.s32 v59, s11;
	v3 =	vadd.s32 v5, v3  }
0x117: {  	v9 =	vsel vm11, $0x1, v0;
	v3 =	vadd.s32 v8, v3;
	vm12 =	vgt.s32 v2, s11  }
0x118: {  	vm13 =	vgt.s32 v62, s11;
	v2 =	vadd.s32 v9, v3;
	v3 =	vsel vm12, $0x1, v0  }
0x119: {  	v2 =	vadd.s32 v3, v2;
	v3 =	vsel vm13, $0x1, v0  }
0x11a: {  	v2 =	vadd.s32 v3, v2  }
0x11b: {  	[tilespmem:$0x610] =	vst v2  }
0x11c: {  	v3 =	vld [tilespmem:$0x618];
	_ =	sdelay $0x4  }
0x11d: {  	v2 =	vadd.s32 v3, v2  }
0x11e: {  	[tilespmem:$0x610] =	vst v2  }
0x11f: {  	v3 =	vld [tilespmem:$0x614];
	_ =	sdelay $0x4  }
0x120: {  	v2 =	vadd.s32 v3, v2  }
0x121: {  	v1 =	vld [tilespmem:$0x0];
	[tilespmem:$0x610] =	vst v2  }
0x122: {  	v3 =	vld [tilespmem:$0x612];
	_ =	sdelay $0x4  }
0x123: {  	vm1 =	veq.s32 v1, s11;
	v44 =	vadd.s32 v2, v3  }
0x124: {  	v22 =	vsel vm1, $0x1, v0;
	[tilespmem:$0x610] =	vst v44  }
0x125: {  	v6 =	vld [tilespmem:$0x611];
	[tilespmem:$0x610] =	vst v22  }
0x126: {  	v2 =	vld [tilespmem:$0x60F];
	_ =	sdelay $0x4  }
0x127: {  	v2 =	vadd.s32 v22, v2  }
0x128: {  	[tilespmem:$0x610] =	vst v2  }
0x129: {  	v3 =	vld [tilespmem:$0x60E];
	_ =	sdelay $0x4  }
0x12a: {  	v2 =	vadd.s32 v2, v3  }
0x12b: {  	v37 =	vld [tilespmem:$0x10];
	[tilespmem:$0x610] =	vst v2  }
0x12c: {  	v3 =	vld [tilespmem:$0x60C];
	_ =	sdelay $0x4  }
0x12d: {  	vm2 =	veq.s32 v37, s11;
	v45 =	vadd.s32 v2, v3  }
0x12e: {  	v2 =	vsel vm2, $0x1, v0;
	[tilespmem:$0x610] =	vst v45  }
0x12f: {  	v7 =	vld [tilespmem:$0x608];
	[tilespmem:$0x610] =	vst v2  }
0x130: {  	v3 =	vld [tilespmem:$0x60F];
	_ =	sdelay $0x4  }
0x131: {  	v2 =	vadd.s32 v2, v3  }
0x132: {  	[tilespmem:$0x610] =	vst v2  }
0x133: {  	v3 =	vld [tilespmem:$0x60E];
	_ =	sdelay $0x4  }
0x134: {  	v2 =	vadd.s32 v2, v3  }
0x135: {  	[tilespmem:$0x610] =	vst v2  }
0x136: {  	v3 =	vld [tilespmem:$0x60C];
	_ =	sdelay $0x4  }
0x137: {  	v50 =	vadd.s32 v2, v3  }
0x138: {  	v21 =	vld [tilespmem:$0x20];
	[tilespmem:$0x610] =	vst v50  }
0x139: {  	v2 =	vld [tilespmem:$0x608];
	_ =	sdelay $0x3  }
0x13a: {  	vm4 =	veq.s32 v21, s11  }
0x13b: {  	[tilespmem:$0x1FA00] =	vst v2;
	v2 =	vsel vm4, $0x1, v0  }
0x13c: {  	[tilespmem:$0x610] =	vst v2  }
0x13d: {  	v3 =	vld [tilespmem:$0x60F];
	_ =	sdelay $0x4  }
0x13e: {  	v2 =	vadd.s32 v2, v3  }
0x13f: {  	[tilespmem:$0x610] =	vst v2  }
0x140: {  	v3 =	vld [tilespmem:$0x60E];
	_ =	sdelay $0x4  }
0x141: {  	v2 =	vadd.s32 v2, v3  }
0x142: {  	[tilespmem:$0x610] =	vst v2  }
0x143: {  	v3 =	vld [tilespmem:$0x60C];
	_ =	sdelay $0x4  }
0x144: {  	v48 =	vadd.s32 v2, v3  }
0x145: {  	v47 =	vld [tilespmem:$0x30];
	[tilespmem:$0x610] =	vst v48  }
0x146: {  	v2 =	vld [tilespmem:$0x608];
	_ =	sdelay $0x3  }
0x147: {  	vm5 =	veq.s32 v47, s11  }
0x148: {  	[tilespmem:$0x1FA10] =	vst v2;
	v2 =	vsel vm5, $0x1, v0  }
0x149: {  	[tilespmem:$0x610] =	vst v2  }
0x14a: {  	v3 =	vld [tilespmem:$0x60F];
	_ =	sdelay $0x4  }
0x14b: {  	v2 =	vadd.s32 v2, v3  }
0x14c: {  	[tilespmem:$0x610] =	vst v2  }
0x14d: {  	v3 =	vld [tilespmem:$0x60E];
	_ =	sdelay $0x4  }
0x14e: {  	v2 =	vadd.s32 v2, v3  }
0x14f: {  	[tilespmem:$0x610] =	vst v2  }
0x150: {  	v3 =	vld [tilespmem:$0x60C];
	_ =	sdelay $0x4  }
0x151: {  	v53 =	vadd.s32 v2, v3  }
0x152: {  	v60 =	vld [tilespmem:$0x40];
	[tilespmem:$0x610] =	vst v53  }
0x153: {  	v2 =	vld [tilespmem:$0x608];
	_ =	sdelay $0x3  }
0x154: {  	vm7 =	veq.s32 v60, s11  }
0x155: {  	[tilespmem:$0x1FA20] =	vst v2;
	v2 =	vsel vm7, $0x1, v0  }
0x156: {  	[tilespmem:$0x610] =	vst v2  }
0x157: {  	v3 =	vld [tilespmem:$0x60F];
	_ =	sdelay $0x4  }
0x158: {  	v2 =	vadd.s32 v2, v3  }
0x159: {  	[tilespmem:$0x610] =	vst v2  }
0x15a: {  	v3 =	vld [tilespmem:$0x60E];
	_ =	sdelay $0x4  }
0x15b: {  	v2 =	vadd.s32 v2, v3  }
0x15c: {  	[tilespmem:$0x610] =	vst v2  }
0x15d: {  	v3 =	vld [tilespmem:$0x60C];
	_ =	sdelay $0x4  }
0x15e: {  	v49 =	vadd.s32 v2, v3  }
0x15f: {  	v10 =	vld [tilespmem:$0x50];
	[tilespmem:$0x610] =	vst v49  }
0x160: {  	v2 =	vld [tilespmem:$0x608];
	_ =	sdelay $0x3  }
0x161: {  	vm8 =	veq.s32 v10, s11  }
0x162: {  	[tilespmem:$0x1FA30] =	vst v2;
	v2 =	vsel vm8, $0x1, v0  }
0x163: {  	[tilespmem:$0x610] =	vst v2  }
0x164: {  	v3 =	vld [tilespmem:$0x60F];
	_ =	sdelay $0x4  }
0x165: {  	v2 =	vadd.s32 v2, v3  }
0x166: {  	[tilespmem:$0x610] =	vst v2  }
0x167: {  	v3 =	vld [tilespmem:$0x60E];
	_ =	sdelay $0x4  }
0x168: {  	v2 =	vadd.s32 v2, v3  }
0x169: {  	[tilespmem:$0x610] =	vst v2  }
0x16a: {  	v3 =	vld [tilespmem:$0x60C];
	_ =	sdelay $0x4  }
0x16b: {  	v55 =	vadd.s32 v2, v3  }
0x16c: {  	v11 =	vld [tilespmem:$0x60];
	[tilespmem:$0x610] =	vst v55  }
0x16d: {  	v2 =	vld [tilespmem:$0x608];
	_ =	sdelay $0x3  }
0x16e: {  	vm10 =	veq.s32 v11, s11  }
0x16f: {  	[tilespmem:$0x1FA40] =	vst v2;
	v2 =	vsel vm10, $0x1, v0  }
0x170: {  	[tilespmem:$0x610] =	vst v2  }
0x171: {  	v3 =	vld [tilespmem:$0x60F];
	_ =	sdelay $0x4  }
0x172: {  	v2 =	vadd.s32 v2, v3  }
0x173: {  	[tilespmem:$0x610] =	vst v2  }
0x174: {  	v3 =	vld [tilespmem:$0x60E];
	_ =	sdelay $0x4  }
0x175: {  	v2 =	vadd.s32 v2, v3  }
0x176: {  	v12 =	vld [tilespmem:$0x70];
	[tilespmem:$0x610] =	vst v2  }
0x177: {  	v3 =	vld [tilespmem:$0x60C];
	_ =	sdelay $0x4  }
0x178: {  	vm14 =	veq.s32 v12, s11;
	v56 =	vadd.s32 v2, v3;
	v2 =	vimm.s32 $0x0  }
0x179: {  	[tilespmem:$0x610] =	vst v56;
	v2 =	vsel vm14, $0xFFFFFFFF, v2  }
0x17a: {  	[tilespmem:$0x1FA70] =	vst v2;
	v2 =	vld [tilespmem:$0x608];
	_ =	sdelay $0x4  }
0x17b: {  	[tilespmem:$0x1FA50] =	vst v2;
	v2 =	vsel vm14, $0x1, v0  }
0x17c: {  	[tilespmem:$0x610] =	vst v2  }
0x17d: {  	v3 =	vld [tilespmem:$0x60F];
	_ =	sdelay $0x4  }
0x17e: {  	v2 =	vadd.s32 v2, v3  }
0x17f: {  	[tilespmem:$0x610] =	vst v2  }
0x180: {  	v3 =	vld [tilespmem:$0x60E];
	_ =	sdelay $0x4  }
0x181: {  	v2 =	vadd.s32 v2, v3  }
0x182: {  	v13 =	vld [tilespmem:$0x80];
	[tilespmem:$0x610] =	vst v2  }
0x183: {  	v3 =	vld [tilespmem:$0x60C];
	_ =	sdelay $0x4  }
0x184: {  	vm15 =	veq.s32 v13, s11;
	v57 =	vadd.s32 v2, v3;
	v2 =	vimm.s32 $0x0  }
0x185: {  	[tilespmem:$0x610] =	vst v57;
	v2 =	vsel vm15, $0xFFFFFFFF, v2  }
0x186: {  	[tilespmem:$0x1FAA0] =	vst v2;
	v2 =	vld [tilespmem:$0x608];
	_ =	sdelay $0x4  }
0x187: {  	[tilespmem:$0x1FA80] =	vst v2;
	v2 =	vsel vm15, $0x1, v0  }
0x188: {  	[tilespmem:$0x610] =	vst v2  }
0x189: {  	v3 =	vld [tilespmem:$0x60F];
	_ =	sdelay $0x4  }
0x18a: {  	v2 =	vadd.s32 v2, v3  }
0x18b: {  	[tilespmem:$0x610] =	vst v2  }
0x18c: {  	v3 =	vld [tilespmem:$0x60E];
	_ =	sdelay $0x4  }
0x18d: {  	v2 =	vadd.s32 v2, v3  }
0x18e: {  	v14 =	vld [tilespmem:$0x90];
	[tilespmem:$0x610] =	vst v2  }
0x18f: {  	v3 =	vld [tilespmem:$0x60C];
	_ =	sdelay $0x4  }
0x190: {  	vm6 =	veq.s32 v14, s11;
	v58 =	vadd.s32 v2, v3;
	v2 =	vimm.s32 $0x0  }
0x191: {  	[tilespmem:$0x610] =	vst v58;
	v2 =	vsel vm6, $0xFFFFFFFF, v2  }
0x192: {  	[tilespmem:$0x1FAE0] =	vst v2;
	v2 =	vld [tilespmem:$0x608];
	_ =	sdelay $0x4  }
0x193: {  	[tilespmem:$0x1FAB0] =	vst v2;
	v2 =	vsel vm6, $0x1, v0  }
0x194: {  	[tilespmem:$0x610] =	vst v2  }
0x195: {  	v3 =	vld [tilespmem:$0x60F];
	_ =	sdelay $0x4  }
0x196: {  	v2 =	vadd.s32 v2, v3  }
0x197: {  	[tilespmem:$0x610] =	vst v2  }
0x198: {  	v3 =	vld [tilespmem:$0x60E];
	_ =	sdelay $0x4  }
0x199: {  	v2 =	vadd.s32 v2, v3  }
0x19a: {  	v15 =	vld [tilespmem:$0xA0];
	[tilespmem:$0x610] =	vst v2  }
0x19b: {  	v3 =	vld [tilespmem:$0x60C];
	_ =	sdelay $0x4  }
0x19c: {  	vm9 =	veq.s32 v15, s11;
	v25 =	vadd.s32 v2, v3;
	v2 =	vimm.s32 $0x0  }
0x19d: {  	[tilespmem:$0x610] =	vst v25;
	v2 =	vsel vm9, $0xFFFFFFFF, v2  }
0x19e: {  	[tilespmem:$0x1FB00] =	vst v2;
	v2 =	vld [tilespmem:$0x608];
	_ =	sdelay $0x4  }
0x19f: {  	[tilespmem:$0x1FAD0] =	vst v2;
	v2 =	vsel vm9, $0x1, v0  }
0x1a0: {  	[tilespmem:$0x610] =	vst v2  }
0x1a1: {  	v3 =	vld [tilespmem:$0x60F];
	_ =	sdelay $0x4  }
0x1a2: {  	v2 =	vadd.s32 v2, v3  }
0x1a3: {  	[tilespmem:$0x610] =	vst v2  }
0x1a4: {  	v3 =	vld [tilespmem:$0x60E];
	_ =	sdelay $0x4  }
0x1a5: {  	v2 =	vadd.s32 v2, v3  }
0x1a6: {  	v16 =	vld [tilespmem:$0xB0];
	[tilespmem:$0x610] =	vst v2  }
0x1a7: {  	v3 =	vld [tilespmem:$0x60C];
	_ =	sdelay $0x4  }
0x1a8: {  	vm11 =	veq.s32 v16, s11;
	v59 =	vadd.s32 v2, v3;
	v2 =	vimm.s32 $0x0  }
0x1a9: {  	[tilespmem:$0x610] =	vst v59;
	v2 =	vsel vm11, $0xFFFFFFFF, v2  }
0x1aa: {  	[tilespmem:$0x1FB30] =	vst v2;
	v2 =	vld [tilespmem:$0x608];
	_ =	sdelay $0x4  }
0x1ab: {  	[tilespmem:$0x1FB10] =	vst v2;
	v2 =	vsel vm11, $0x1, v0  }
0x1ac: {  	[tilespmem:$0x610] =	vst v2  }
0x1ad: {  	v3 =	vld [tilespmem:$0x60F];
	_ =	sdelay $0x4  }
0x1ae: {  	v2 =	vadd.s32 v2, v3  }
0x1af: {  	[tilespmem:$0x610] =	vst v2  }
0x1b0: {  	v3 =	vld [tilespmem:$0x60E];
	_ =	sdelay $0x4  }
0x1b1: {  	v2 =	vadd.s32 v2, v3  }
0x1b2: {  	v17 =	vld [tilespmem:$0xC0];
	[tilespmem:$0x610] =	vst v2  }
0x1b3: {  	v3 =	vld [tilespmem:$0x60C];
	_ =	sdelay $0x4  }
0x1b4: {  	vm12 =	veq.s32 v17, s11;
	v61 =	vadd.s32 v2, v3;
	v2 =	vimm.s32 $0x0  }
0x1b5: {  	[tilespmem:$0x610] =	vst v61;
	v2 =	vsel vm12, $0xFFFFFFFF, v2  }
0x1b6: {  	[tilespmem:$0x1FB60] =	vst v2;
	v2 =	vld [tilespmem:$0x608];
	_ =	sdelay $0x4  }
0x1b7: {  	[tilespmem:$0x1FB40] =	vst v2;
	v2 =	vsel vm12, $0x1, v0  }
0x1b8: {  	[tilespmem:$0x610] =	vst v2  }
0x1b9: {  	v3 =	vld [tilespmem:$0x60F];
	_ =	sdelay $0x4  }
0x1ba: {  	v2 =	vadd.s32 v2, v3  }
0x1bb: {  	[tilespmem:$0x610] =	vst v2  }
0x1bc: {  	v3 =	vld [tilespmem:$0x60E];
	_ =	sdelay $0x4  }
0x1bd: {  	v2 =	vadd.s32 v2, v3  }
0x1be: {  	v18 =	vld [tilespmem:$0xD0];
	[tilespmem:$0x610] =	vst v2  }
0x1bf: {  	v3 =	vld [tilespmem:$0x60C];
	_ =	sdelay $0x4  }
0x1c0: {  	vm13 =	veq.s32 v18, s11;
	v63 =	vadd.s32 v2, v3;
	v2 =	vimm.s32 $0x0  }
0x1c1: {  	[tilespmem:$0x610] =	vst v63;
	v2 =	vsel vm13, $0xFFFFFFFF, v2  }
0x1c2: {  	[tilespmem:$0x1FB90] =	vst v2;
	v2 =	vld [tilespmem:$0x608];
	_ =	sdelay $0x4  }
0x1c3: {  	[tilespmem:$0x1FB70] =	vst v2;
	v2 =	vsel vm13, $0x1, v0  }
0x1c4: {  	[tilespmem:$0x610] =	vst v2  }
0x1c5: {  	v3 =	vld [tilespmem:$0x60F];
	_ =	sdelay $0x4  }
0x1c6: {  	v2 =	vadd.s32 v2, v3  }
0x1c7: {  	[tilespmem:$0x610] =	vst v2  }
0x1c8: {  	v3 =	vld [tilespmem:$0x60E];
	_ =	sdelay $0x4  }
0x1c9: {  	v2 =	vadd.s32 v2, v3  }
0x1ca: {  	v19 =	vld [tilespmem:$0xE0];
	[tilespmem:$0x610] =	vst v2  }
0x1cb: {  	v3 =	vld [tilespmem:$0x60C];
	_ =	sdelay $0x4  }
0x1cc: {  	vm14 =	veq.s32 v19, s11;
	v27 =	vadd.s32 v2, v3;
	v2 =	vimm.s32 $0x0  }
0x1cd: {  	[tilespmem:$0x610] =	vst v27;
	v2 =	vsel vm14, $0xFFFFFFFF, v2  }
0x1ce: {  	[tilespmem:$0x1FBC0] =	vst v2;
	v2 =	vld [tilespmem:$0x608];
	_ =	sdelay $0x4  }
0x1cf: {  	[tilespmem:$0x1FBA0] =	vst v2;
	v2 =	vsel vm14, $0x1, v0  }
0x1d0: {  	[tilespmem:$0x610] =	vst v2  }
0x1d1: {  	v3 =	vld [tilespmem:$0x60F];
	_ =	sdelay $0x4  }
0x1d2: {  	v2 =	vadd.s32 v2, v3  }
0x1d3: {  	[tilespmem:$0x610] =	vst v2  }
0x1d4: {  	v3 =	vld [tilespmem:$0x60E];
	_ =	sdelay $0x4  }
0x1d5: {  	v2 =	vadd.s32 v2, v3  }
0x1d6: {  	v20 =	vld [tilespmem:$0xF0];
	[tilespmem:$0x610] =	vst v2  }
0x1d7: {  	v3 =	vld [tilespmem:$0x60C];
	_ =	sdelay $0x4  }
0x1d8: {  	vm15 =	veq.s32 v20, s11;
	v2 =	vadd.s32 v2, v3;
	v3 =	vimm.s32 $0x0  }
0x1d9: {  	[tilespmem:$0x610] =	vst v2;
	v3 =	vsel vm15, $0xFFFFFFFF, v3  }
0x1da: {  	[tilespmem:$0x1FC00] =	vst v3;
	v3 =	vld [tilespmem:$0x608];
	_ =	sdelay $0x4  }
0x1db: {  	[tilespmem:$0x1FBD0] =	vst v3;
	v3 =	vsel vm15, $0x1, v0  }
0x1dc: {  	[tilespmem:$0x610] =	vst v3  }
0x1dd: {  	v23 =	vld [tilespmem:$0x60F];
	_ =	sdelay $0x4  }
0x1de: {  	v3 =	vadd.s32 v3, v23  }
0x1df: {  	[tilespmem:$0x610] =	vst v3  }
0x1e0: {  	[tilespmem:$0x1FA60] =	vst v10;
	v24 =	vld [tilespmem:$0x60E]  }
0x1e1: {  	[tilespmem:$0x1FA90] =	vst v11  }
0x1e2: {  	[tilespmem:$0x1FAF0] =	vst v13  }
0x1e3: {  	[tilespmem:$0x1FB80] =	vst v16  }
0x1e4: {  	[tilespmem:$0x1FC40] =	vst v20  }
0x1e5: {  	[tilespmem:$0x1FBE0] =	vst v18;
	v3 =	vadd.s32 v3, v24  }
0x1e6: {  	v28 =	vld [tilespmem:$0x100];
	[tilespmem:$0x610] =	vst v3  }
0x1e7: {  	[tilespmem:$0x1FAC0] =	vst v12;
	v26 =	vld [tilespmem:$0x60C]  }
0x1e8: {  	[tilespmem:$0x1FB20] =	vst v14  }
0x1e9: {  	[tilespmem:$0x1FB50] =	vst v15  }
0x1ea: {  	[tilespmem:$0x1FBB0] =	vst v17  }
0x1eb: {  	[tilespmem:$0x1FC10] =	vst v19  }
0x1ec: {  	[tilespmem:$0x1FC70] =	vst v28;
	vm6 =	veq.s32 v28, s11;
	v18 =	vadd.s32 v3, v26;
	v3 =	vimm.s32 $0x0  }
0x1ed: {  	[tilespmem:$0x610] =	vst v18;
	v3 =	vsel vm6, $0xFFFFFFFF, v3  }
0x1ee: {  	[tilespmem:$0x1FC20] =	vst v3  }
0x1ef: {  	v3 =	vld [tilespmem:$0x608];
	_ =	sdelay $0x4  }
0x1f0: {  	[tilespmem:$0x1FBF0] =	vst v3;
	v3 =	vsel vm6, $0x1, v0  }
0x1f1: {  	[tilespmem:$0x610] =	vst v3  }
0x1f2: {  	v29 =	vld [tilespmem:$0x60F];
	_ =	sdelay $0x4  }
0x1f3: {  	v3 =	vadd.s32 v3, v29  }
0x1f4: {  	[tilespmem:$0x610] =	vst v3  }
0x1f5: {  	v30 =	vld [tilespmem:$0x60E];
	_ =	sdelay $0x4  }
0x1f6: {  	v3 =	vadd.s32 v3, v30  }
0x1f7: {  	v32 =	vld [tilespmem:$0x110];
	[tilespmem:$0x610] =	vst v3  }
0x1f8: {  	v31 =	vld [tilespmem:$0x60C];
	_ =	sdelay $0x4  }
0x1f9: {  	vm9 =	veq.s32 v32, s11;
	v29 =	vadd.s32 v3, v31;
	v3 =	vimm.s32 $0x0  }
0x1fa: {  	[tilespmem:$0x610] =	vst v29;
	v3 =	vsel vm9, $0xFFFFFFFF, v3  }
0x1fb: {  	[tilespmem:$0x1FC50] =	vst v3;
	v3 =	vld [tilespmem:$0x608];
	_ =	sdelay $0x4  }
0x1fc: {  	[tilespmem:$0x1FC30] =	vst v3;
	v3 =	vsel vm9, $0x1, v0  }
0x1fd: {  	[tilespmem:$0x610] =	vst v3  }
0x1fe: {  	v33 =	vld [tilespmem:$0x60F];
	_ =	sdelay $0x4  }
0x1ff: {  	v3 =	vadd.s32 v3, v33  }
0x200: {  	[tilespmem:$0x610] =	vst v3  }
0x201: {  	v34 =	vld [tilespmem:$0x60E];
	_ =	sdelay $0x4  }
0x202: {  	v3 =	vadd.s32 v3, v34  }
0x203: {  	v36 =	vld [tilespmem:$0x120];
	[tilespmem:$0x610] =	vst v3  }
0x204: {  	v35 =	vld [tilespmem:$0x60C];
	_ =	sdelay $0x4  }
0x205: {  	vm11 =	veq.s32 v36, s11;
	v31 =	vadd.s32 v3, v35;
	v3 =	vimm.s32 $0x0  }
0x206: {  	[tilespmem:$0x610] =	vst v31;
	v3 =	vsel vm11, $0xFFFFFFFF, v3  }
0x207: {  	[tilespmem:$0x1FC80] =	vst v3;
	v3 =	vld [tilespmem:$0x608];
	_ =	sdelay $0x4  }
0x208: {  	[tilespmem:$0x1FC60] =	vst v3;
	v3 =	vsel vm11, $0x1, v0  }
0x209: {  	[tilespmem:$0x610] =	vst v3  }
0x20a: {  	v38 =	vld [tilespmem:$0x60F];
	_ =	sdelay $0x4  }
0x20b: {  	v3 =	vadd.s32 v3, v38  }
0x20c: {  	[tilespmem:$0x610] =	vst v3  }
0x20d: {  	v39 =	vld [tilespmem:$0x60E];
	_ =	sdelay $0x4  }
0x20e: {  	v3 =	vadd.s32 v3, v39  }
0x20f: {  	v54 =	vld [tilespmem:$0x130];
	[tilespmem:$0x610] =	vst v3  }
0x210: {  	v41 =	vld [tilespmem:$0x60C];
	_ =	sdelay $0x4  }
0x211: {  	vm12 =	veq.s32 v54, s11;
	v30 =	vadd.s32 v3, v41;
	v3 =	vimm.s32 $0x0  }
0x212: {  	[tilespmem:$0x610] =	vst v30;
	v3 =	vsel vm12, $0xFFFFFFFF, v3  }
0x213: {  	[tilespmem:$0x1FCB0] =	vst v3;
	v3 =	vld [tilespmem:$0x608];
	_ =	sdelay $0x4  }
0x214: {  	[tilespmem:$0x1FC90] =	vst v3;
	v3 =	vsel vm12, $0x1, v0  }
0x215: {  	[tilespmem:$0x610] =	vst v3  }
0x216: {  	v42 =	vld [tilespmem:$0x60F];
	_ =	sdelay $0x4  }
0x217: {  	v3 =	vadd.s32 v3, v42  }
0x218: {  	[tilespmem:$0x610] =	vst v3  }
0x219: {  	v43 =	vld [tilespmem:$0x60E];
	_ =	sdelay $0x4  }
0x21a: {  	v3 =	vadd.s32 v3, v43  }
0x21b: {  	v51 =	vld [tilespmem:$0x140];
	[tilespmem:$0x610] =	vst v3  }
0x21c: {  	v46 =	vld [tilespmem:$0x60C];
	_ =	sdelay $0x4  }
0x21d: {  	vm13 =	veq.s32 v51, s11;
	v23 =	vadd.s32 v3, v46;
	v3 =	vimm.s32 $0x0  }
0x21e: {  	[tilespmem:$0x610] =	vst v23;
	v3 =	vsel vm13, $0xFFFFFFFF, v3  }
0x21f: {  	[tilespmem:$0x1FCE0] =	vst v3;
	v3 =	vld [tilespmem:$0x608];
	_ =	sdelay $0x4  }
0x220: {  	[tilespmem:$0x1FCC0] =	vst v3;
	v3 =	vsel vm13, $0x1, v0  }
0x221: {  	[tilespmem:$0x610] =	vst v3  }
0x222: {  	v52 =	vld [tilespmem:$0x60F];
	_ =	sdelay $0x4  }
0x223: {  	v3 =	vadd.s32 v3, v52  }
0x224: {  	[tilespmem:$0x610] =	vst v3  }
0x225: {  	v62 =	vld [tilespmem:$0x60E];
	_ =	sdelay $0x4  }
0x226: {  	v3 =	vadd.s32 v3, v62  }
0x227: {  	v9 =	vld [tilespmem:$0x150];
	[tilespmem:$0x610] =	vst v3  }
0x228: {  	v8 =	vld [tilespmem:$0x60C];
	_ =	sdelay $0x4  }
0x229: {  	vm14 =	veq.s32 v9, s11;
	v19 =	vadd.s32 v3, v8;
	v3 =	vimm.s32 $0x0  }
0x22a: {  	[tilespmem:$0x610] =	vst v19;
	v3 =	vsel vm14, $0xFFFFFFFF, v3  }
0x22b: {  	[tilespmem:$0x1FD10] =	vst v3;
	v3 =	vld [tilespmem:$0x608];
	_ =	sdelay $0x4  }
0x22c: {  	[tilespmem:$0x1FCF0] =	vst v3;
	v3 =	vsel vm14, $0x1, v0  }
0x22d: {  	[tilespmem:$0x610] =	vst v3  }
0x22e: {  	v10 =	vld [tilespmem:$0x60F];
	_ =	sdelay $0x4  }
0x22f: {  	v3 =	vadd.s32 v3, v10  }
0x230: {  	[tilespmem:$0x610] =	vst v3  }
0x231: {  	v11 =	vld [tilespmem:$0x60E];
	_ =	sdelay $0x4  }
0x232: {  	v3 =	vadd.s32 v3, v11  }
0x233: {  	v13 =	vld [tilespmem:$0x160];
	[tilespmem:$0x610] =	vst v3  }
0x234: {  	v12 =	vld [tilespmem:$0x60C];
	_ =	sdelay $0x4  }
0x235: {  	vm15 =	veq.s32 v13, s11;
	v11 =	vadd.s32 v3, v12;
	v3 =	vimm.s32 $0x0  }
0x236: {  	[tilespmem:$0x610] =	vst v11;
	v3 =	vsel vm15, $0xFFFFFFFF, v3  }
0x237: {  	[tilespmem:$0x1FD30] =	vst v3;
	v3 =	vld [tilespmem:$0x608];
	_ =	sdelay $0x4  }
0x238: {  	[tilespmem:$0x1FD00] =	vst v3;
	v3 =	vsel vm15, $0x1, v0  }
0x239: {  	[tilespmem:$0x610] =	vst v3  }
0x23a: {  	v14 =	vld [tilespmem:$0x60F];
	_ =	sdelay $0x4  }
0x23b: {  	v3 =	vadd.s32 v3, v14  }
0x23c: {  	[tilespmem:$0x610] =	vst v3  }
0x23d: {  	v15 =	vld [tilespmem:$0x60E];
	_ =	sdelay $0x4  }
0x23e: {  	v3 =	vadd.s32 v3, v15  }
0x23f: {  	v62 =	vld [tilespmem:$0x170];
	[tilespmem:$0x610] =	vst v3  }
0x240: {  	v16 =	vld [tilespmem:$0x60C];
	_ =	sdelay $0x4  }
0x241: {  	vm6 =	veq.s32 v62, s11;
	v28 =	vadd.s32 v3, v16;
	v3 =	vimm.s32 $0x0  }
0x242: {  	[tilespmem:$0x610] =	vst v28;
	v3 =	vsel vm6, $0xFFFFFFFF, v3  }
0x243: {  	[tilespmem:$0x1FD60] =	vst v3;
	v3 =	vld [tilespmem:$0x608];
	_ =	sdelay $0x4  }
0x244: {  	[tilespmem:$0x1FD40] =	vst v3;
	v3 =	vsel vm6, $0x1, v0  }
0x245: {  	[tilespmem:$0x610] =	vst v3  }
0x246: {  	v17 =	vld [tilespmem:$0x60F];
	_ =	sdelay $0x4  }
0x247: {  	v3 =	vadd.s32 v3, v17  }
0x248: {  	[tilespmem:$0x610] =	vst v3  }
0x249: {  	v20 =	vld [tilespmem:$0x60E];
	_ =	sdelay $0x4  }
0x24a: {  	v3 =	vadd.s32 v3, v20  }
0x24b: {  	v52 =	vld [tilespmem:$0x180];
	[tilespmem:$0x610] =	vst v3  }
0x24c: {  	v24 =	vld [tilespmem:$0x60C];
	_ =	sdelay $0x4  }
0x24d: {  	vm9 =	veq.s32 v52, s11;
	v33 =	vadd.s32 v3, v24;
	v3 =	vimm.s32 $0x0  }
0x24e: {  	[tilespmem:$0x610] =	vst v33;
	v3 =	vsel vm9, $0xFFFFFFFF, v3  }
0x24f: {  	[tilespmem:$0x1FD90] =	vst v3;
	v3 =	vld [tilespmem:$0x608];
	_ =	sdelay $0x4  }
0x250: {  	[tilespmem:$0x1FD70] =	vst v3;
	v3 =	vsel vm9, $0x1, v0  }
0x251: {  	[tilespmem:$0x610] =	vst v3  }
0x252: {  	v26 =	vld [tilespmem:$0x60F];
	_ =	sdelay $0x4  }
0x253: {  	v3 =	vadd.s32 v3, v26  }
0x254: {  	[tilespmem:$0x610] =	vst v3  }
0x255: {  	[tilespmem:$0x1FCA0] =	vst v32;
	v32 =	vld [tilespmem:$0x60E];
	_ =	sdelay $0x4  }
0x256: {  	v3 =	vadd.s32 v3, v32  }
0x257: {  	v46 =	vld [tilespmem:$0x190];
	[tilespmem:$0x610] =	vst v3  }
0x258: {  	v34 =	vld [tilespmem:$0x60C];
	_ =	sdelay $0x4  }
0x259: {  	vm11 =	veq.s32 v46, s11;
	v32 =	vadd.s32 v3, v34;
	v3 =	vimm.s32 $0x0  }
0x25a: {  	[tilespmem:$0x610] =	vst v32;
	v3 =	vsel vm11, $0xFFFFFFFF, v3  }
0x25b: {  	[tilespmem:$0x1FDB0] =	vst v3;
	v3 =	vld [tilespmem:$0x608];
	_ =	sdelay $0x4  }
0x25c: {  	[tilespmem:$0x1FDA0] =	vst v3;
	v3 =	vsel vm11, $0x1, v0  }
0x25d: {  	[tilespmem:$0x610] =	vst v3  }
0x25e: {  	v35 =	vld [tilespmem:$0x60F];
	_ =	sdelay $0x4  }
0x25f: {  	v3 =	vadd.s32 v3, v35  }
0x260: {  	[tilespmem:$0x610] =	vst v3  }
0x261: {  	[tilespmem:$0x1FCD0] =	vst v36;
	v36 =	vld [tilespmem:$0x60E];
	_ =	sdelay $0x4  }
0x262: {  	v3 =	vadd.s32 v3, v36  }
0x263: {  	v39 =	vld [tilespmem:$0x1A0];
	[tilespmem:$0x610] =	vst v3  }
0x264: {  	v38 =	vld [tilespmem:$0x60C];
	_ =	sdelay $0x4  }
0x265: {  	vm12 =	veq.s32 v39, s11;
	v14 =	vadd.s32 v3, v38;
	v3 =	vimm.s32 $0x0  }
0x266: {  	[tilespmem:$0x610] =	vst v14;
	v3 =	vsel vm12, $0xFFFFFFFF, v3  }
0x267: {  	[tilespmem:$0x1FDD0] =	vst v3;
	v3 =	vld [tilespmem:$0x608];
	_ =	sdelay $0x4  }
0x268: {  	[tilespmem:$0x1FDC0] =	vst v3;
	v3 =	vsel vm12, $0x1, v0  }
0x269: {  	[tilespmem:$0x610] =	vst v3  }
0x26a: {  	v41 =	vld [tilespmem:$0x60F];
	_ =	sdelay $0x4  }
0x26b: {  	v3 =	vadd.s32 v3, v41  }
0x26c: {  	[tilespmem:$0x610] =	vst v3  }
0x26d: {  	v42 =	vld [tilespmem:$0x60E];
	_ =	sdelay $0x4  }
0x26e: {  	[tilespmem:$0x1FD20] =	vst v51;
	v3 =	vadd.s32 v3, v42  }
0x26f: {  	v51 =	vld [tilespmem:$0x1B0];
	[tilespmem:$0x610] =	vst v3  }
0x270: {  	v43 =	vld [tilespmem:$0x60C];
	_ =	sdelay $0x4  }
0x271: {  	vm13 =	veq.s32 v51, s11;
	v20 =	vadd.s32 v3, v43;
	v3 =	vimm.s32 $0x0  }
0x272: {  	[tilespmem:$0x610] =	vst v20;
	v3 =	vsel vm13, $0xFFFFFFFF, v3  }
0x273: {  	[tilespmem:$0x1FE00] =	vst v3;
	v3 =	vld [tilespmem:$0x608];
	_ =	sdelay $0x4  }
0x274: {  	[tilespmem:$0x1FDE0] =	vst v3;
	v3 =	vsel vm13, $0x1, v0  }
0x275: {  	[tilespmem:$0x610] =	vst v3  }
0x276: {  	v8 =	vld [tilespmem:$0x60F];
	_ =	sdelay $0x4  }
0x277: {  	v3 =	vadd.s32 v3, v8  }
0x278: {  	[tilespmem:$0x610] =	vst v3  }
0x279: {  	[tilespmem:$0x1FD50] =	vst v9;
	v9 =	vld [tilespmem:$0x60E];
	_ =	sdelay $0x4  }
0x27a: {  	v3 =	vadd.s32 v3, v9  }
0x27b: {  	v35 =	vld [tilespmem:$0x1C0];
	[tilespmem:$0x610] =	vst v3  }
0x27c: {  	v10 =	vld [tilespmem:$0x60C];
	_ =	sdelay $0x4  }
0x27d: {  	vm14 =	veq.s32 v35, s11;
	v8 =	vadd.s32 v3, v10;
	v3 =	vimm.s32 $0x0  }
0x27e: {  	[tilespmem:$0x610] =	vst v8;
	v3 =	vsel vm14, $0xFFFFFFFF, v3  }
0x27f: {  	[tilespmem:$0x1FE20] =	vst v3;
	v3 =	vld [tilespmem:$0x608];
	_ =	sdelay $0x4  }
0x280: {  	[tilespmem:$0x1FDF0] =	vst v3;
	v3 =	vsel vm14, $0x1, v0  }
0x281: {  	[tilespmem:$0x610] =	vst v3  }
0x282: {  	v12 =	vld [tilespmem:$0x60F];
	_ =	sdelay $0x4  }
0x283: {  	v3 =	vadd.s32 v3, v12  }
0x284: {  	[tilespmem:$0x610] =	vst v3  }
0x285: {  	[tilespmem:$0x1FD80] =	vst v13;
	v13 =	vld [tilespmem:$0x60E];
	_ =	sdelay $0x4  }
0x286: {  	v3 =	vadd.s32 v3, v13  }
0x287: {  	v16 =	vld [tilespmem:$0x1D0];
	[tilespmem:$0x610] =	vst v3  }
0x288: {  	v15 =	vld [tilespmem:$0x60C];
	_ =	sdelay $0x4  }
0x289: {  	vm15 =	veq.s32 v16, s11;
	v26 =	vadd.s32 v3, v15;
	v3 =	vimm.s32 $0x0  }
0x28a: {  	[tilespmem:$0x610] =	vst v26;
	v3 =	vsel vm15, $0xFFFFFFFF, v3  }
0x28b: {  	[tilespmem:$0x1FE40] =	vst v3;
	v3 =	vld [tilespmem:$0x608];
	_ =	sdelay $0x4  }
0x28c: {  	[tilespmem:$0x1FE30] =	vst v3;
	v3 =	vsel vm15, $0x1, v0  }
0x28d: {  	[tilespmem:$0x610] =	vst v3  }
0x28e: {  	v17 =	vld [tilespmem:$0x60F];
	_ =	sdelay $0x4  }
0x28f: {  	v3 =	vadd.s32 v3, v17  }
0x290: {  	[tilespmem:$0x610] =	vst v3  }
0x291: {  	v24 =	vld [tilespmem:$0x60E];
	_ =	sdelay $0x4  }
0x292: {  	v3 =	vadd.s32 v3, v24  }
0x293: {  	v36 =	vld [tilespmem:$0x1E0];
	[tilespmem:$0x610] =	vst v3  }
0x294: {  	v34 =	vld [tilespmem:$0x60C];
	_ =	sdelay $0x4  }
0x295: {  	vm6 =	veq.s32 v36, s11;
	v17 =	vadd.s32 v3, v34;
	v3 =	vimm.s32 $0x0  }
0x296: {  	[tilespmem:$0x610] =	vst v17;
	v3 =	vsel vm6, $0xFFFFFFFF, v3  }
0x297: {  	[tilespmem:$0x1FE60] =	vst v3;
	v3 =	vld [tilespmem:$0x608];
	_ =	sdelay $0x4  }
0x298: {  	[tilespmem:$0x1FE50] =	vst v3;
	v3 =	vsel vm6, $0x1, v0  }
0x299: {  	[tilespmem:$0x610] =	vst v3  }
0x29a: {  	v38 =	vld [tilespmem:$0x60F];
	_ =	sdelay $0x4  }
0x29b: {  	v3 =	vadd.s32 v3, v38  }
0x29c: {  	[tilespmem:$0x610] =	vst v3  }
0x29d: {  	[tilespmem:$0x1FE10] =	vst v39;
	v39 =	vld [tilespmem:$0x60E];
	_ =	sdelay $0x4  }
0x29e: {  	v3 =	vadd.s32 v3, v39  }
0x29f: {  	[tilespmem:$0x610] =	vst v3  }
0x2a0: {  	v41 =	vld [tilespmem:$0x60C];
	_ =	sdelay $0x4  }
0x2a1: {  	[tilespmem:$0x1FE80] =	vst v16;
	v16 =	vadd.s32 v3, v41  }
0x2a2: {  	v38 =	vld [tilespmem:$0x1F0];
	[tilespmem:$0x610] =	vst v16  }
0x2a3: {  	v3 =	vld [tilespmem:$0x608];
	_ =	sdelay $0x3  }
0x2a4: {  	vm15 =	veq.s32 v38, s11  }
0x2a5: {  	[tilespmem:$0x1FE70] =	vst v3;
	v3 =	vsel vm15, $0x1, v0  }
0x2a6: {  	[tilespmem:$0x610] =	vst v3  }
0x2a7: {  	v42 =	vld [tilespmem:$0x60F];
	_ =	sdelay $0x4  }
0x2a8: {  	v3 =	vadd.s32 v3, v42  }
0x2a9: {  	[tilespmem:$0x610] =	vst v3  }
0x2aa: {  	v43 =	vld [tilespmem:$0x60E];
	_ =	sdelay $0x4  }
0x2ab: {  	v3 =	vadd.s32 v3, v43  }
0x2ac: {  	[tilespmem:$0x610] =	vst v3  }
0x2ad: {  	v9 =	vld [tilespmem:$0x60C];
	_ =	sdelay $0x4  }
0x2ae: {  	v13 =	vadd.s32 v3, v9  }
0x2af: {  	v10 =	vld [tilespmem:$0x200];
	[tilespmem:$0x610] =	vst v13  }
0x2b0: {  	v3 =	vld [tilespmem:$0x608];
	_ =	sdelay $0x3  }
0x2b1: {  	vm12 =	veq.s32 v10, s11  }
0x2b2: {  	[tilespmem:$0x1FE90] =	vst v3;
	v3 =	vsel vm12, $0x1, v0  }
0x2b3: {  	[tilespmem:$0x610] =	vst v3  }
0x2b4: {  	v15 =	vld [tilespmem:$0x60F];
	_ =	sdelay $0x4  }
0x2b5: {  	v3 =	vadd.s32 v3, v15  }
0x2b6: {  	[tilespmem:$0x610] =	vst v3  }
0x2b7: {  	v24 =	vld [tilespmem:$0x60E];
	_ =	sdelay $0x4  }
0x2b8: {  	v3 =	vadd.s32 v3, v24  }
0x2b9: {  	[tilespmem:$0x610] =	vst v3  }
0x2ba: {  	v34 =	vld [tilespmem:$0x60C];
	_ =	sdelay $0x4  }
0x2bb: {  	v12 =	vadd.s32 v3, v34  }
0x2bc: {  	v41 =	vld [tilespmem:$0x210];
	[tilespmem:$0x610] =	vst v12  }
0x2bd: {  	v3 =	vld [tilespmem:$0x608];
	_ =	sdelay $0x3  }
0x2be: {  	vm14 =	veq.s32 v41, s11  }
0x2bf: {  	[tilespmem:$0x1FEA0] =	vst v3;
	v3 =	vsel vm14, $0x1, v0  }
0x2c0: {  	[tilespmem:$0x610] =	vst v3  }
0x2c1: {  	v43 =	vld [tilespmem:$0x60F];
	_ =	sdelay $0x4  }
0x2c2: {  	v3 =	vadd.s32 v3, v43  }
0x2c3: {  	[tilespmem:$0x610] =	vst v3  }
0x2c4: {  	v9 =	vld [tilespmem:$0x60E];
	_ =	sdelay $0x4  }
0x2c5: {  	v3 =	vadd.s32 v3, v9  }
0x2c6: {  	[tilespmem:$0x610] =	vst v3  }
0x2c7: {  	[tilespmem:$0x1FEC0] =	vst v10;
	v10 =	vld [tilespmem:$0x60C];
	_ =	sdelay $0x4  }
0x2c8: {  	v9 =	vadd.s32 v3, v10  }
0x2c9: {  	v42 =	vld [tilespmem:$0x220];
	[tilespmem:$0x610] =	vst v9  }
0x2ca: {  	v3 =	vld [tilespmem:$0x608];
	_ =	sdelay $0x3  }
0x2cb: {  	vm13 =	veq.s32 v42, s11  }
0x2cc: {  	[tilespmem:$0x1FEB0] =	vst v3;
	v3 =	vsel vm13, $0x1, v0  }
0x2cd: {  	[tilespmem:$0x610] =	vst v3  }
0x2ce: {  	v15 =	vld [tilespmem:$0x60F];
	_ =	sdelay $0x4  }
0x2cf: {  	v3 =	vadd.s32 v3, v15  }
0x2d0: {  	[tilespmem:$0x610] =	vst v3  }
0x2d1: {  	v24 =	vld [tilespmem:$0x60E];
	_ =	sdelay $0x4  }
0x2d2: {  	v3 =	vadd.s32 v3, v24  }
0x2d3: {  	v39 =	vld [tilespmem:$0x230];
	[tilespmem:$0x610] =	vst v3  }
0x2d4: {  	v34 =	vld [tilespmem:$0x60C];
	_ =	sdelay $0x4  }
0x2d5: {  	vm9 =	veq.s32 v39, s11;
	v10 =	vadd.s32 v3, v34;
	v3 =	vimm.s32 $0x0  }
0x2d6: {  	[tilespmem:$0x610] =	vst v10;
	v3 =	vsel vm9, $0xFFFFFFFF, v3  }
0x2d7: {  	[tilespmem:$0x1FEE0] =	vst v3;
	v3 =	vld [tilespmem:$0x608];
	_ =	sdelay $0x4  }
0x2d8: {  	[tilespmem:$0x1FED0] =	vst v3;
	v3 =	vsel vm9, $0x1, v0  }
0x2d9: {  	[tilespmem:$0x610] =	vst v3  }
0x2da: {  	v43 =	vld [tilespmem:$0x60F];
	_ =	sdelay $0x4  }
0x2db: {  	v3 =	vadd.s32 v3, v43  }
0x2dc: {  	[tilespmem:$0x610] =	vst v3  }
0x2dd: {  	v15 =	vld [tilespmem:$0x60E];
	_ =	sdelay $0x4  }
0x2de: {  	v3 =	vadd.s32 v3, v15  }
0x2df: {  	v34 =	vld [tilespmem:$0x240];
	[tilespmem:$0x610] =	vst v3  }
0x2e0: {  	v24 =	vld [tilespmem:$0x60C];
	_ =	sdelay $0x4  }
0x2e1: {  	vm11 =	veq.s32 v34, s11;
	v24 =	vadd.s32 v3, v24;
	v3 =	vimm.s32 $0x0  }
0x2e2: {  	[tilespmem:$0x610] =	vst v24;
	v3 =	vsel vm11, $0xFFFFFFFF, v3  }
0x2e3: {  	[tilespmem:$0x1FF00] =	vst v3;
	v3 =	vld [tilespmem:$0x608];
	_ =	sdelay $0x4  }
0x2e4: {  	[tilespmem:$0x1FEF0] =	vst v3;
	v3 =	vsel vm11, $0x1, v0  }
0x2e5: {  	[tilespmem:$0x610] =	vst v3  }
0x2e6: {  	[tilespmem:$0x1FF20] =	vst v39;
	v39 =	vld [tilespmem:$0x60F];
	_ =	sdelay $0x4  }
0x2e7: {  	v3 =	vadd.s32 v3, v39  }
0x2e8: {  	[tilespmem:$0x610] =	vst v3  }
0x2e9: {  	v43 =	vld [tilespmem:$0x60E];
	_ =	sdelay $0x4  }
0x2ea: {  	[tilespmem:$0x1FF50] =	vst v34;
	v3 =	vadd.s32 v3, v43  }
0x2eb: {  	v34 =	vld [tilespmem:$0x250];
	[tilespmem:$0x610] =	vst v3  }
0x2ec: {  	v15 =	vld [tilespmem:$0x60C];
	_ =	sdelay $0x4  }
0x2ed: {  	vm6 =	veq.s32 v34, s11;
	v15 =	vadd.s32 v3, v15;
	v3 =	vimm.s32 $0x0  }
0x2ee: {  	[tilespmem:$0x610] =	vst v15;
	v3 =	vsel vm6, $0xFFFFFFFF, v3  }
0x2ef: {  	[tilespmem:$0x1FF30] =	vst v3;
	v3 =	vld [tilespmem:$0x608];
	_ =	sdelay $0x4  }
0x2f0: {  	[tilespmem:$0x1FF10] =	vst v3;
	v3 =	vsel vm6, $0x1, v0  }
0x2f1: {  	[tilespmem:$0x610] =	vst v3  }
0x2f2: {  	v39 =	vld [tilespmem:$0x60F];
	_ =	sdelay $0x4  }
0x2f3: {  	v3 =	vadd.s32 v3, v39  }
0x2f4: {  	[tilespmem:$0x610] =	vst v3  }
0x2f5: {  	v43 =	vld [tilespmem:$0x60E];
	_ =	sdelay $0x4  }
0x2f6: {  	v3 =	vadd.s32 v3, v43  }
0x2f7: {  	v43 =	vld [tilespmem:$0x260];
	[tilespmem:$0x610] =	vst v3  }
0x2f8: {  	[tilespmem:$0x1FF80] =	vst v34;
	v34 =	vld [tilespmem:$0x60C];
	_ =	sdelay $0x4  }
0x2f9: {  	vm9 =	veq.s32 v43, s11;
	v34 =	vadd.s32 v3, v34;
	v3 =	vimm.s32 $0x0  }
0x2fa: {  	[tilespmem:$0x610] =	vst v34;
	v3 =	vsel vm9, $0xFFFFFFFF, v3  }
0x2fb: {  	[tilespmem:$0x1FF60] =	vst v3;
	v3 =	vld [tilespmem:$0x608];
	_ =	sdelay $0x4  }
0x2fc: {  	[tilespmem:$0x1FF40] =	vst v3;
	v3 =	vsel vm9, $0x1, v0  }
0x2fd: {  	[tilespmem:$0x610] =	vst v3  }
0x2fe: {  	v39 =	vld [tilespmem:$0x60F];
	_ =	sdelay $0x4  }
0x2ff: {  	v3 =	vadd.s32 v3, v39  }
0x300: {  	[tilespmem:$0x610] =	vst v3  }
0x301: {  	v39 =	vld [tilespmem:$0x60E];
	_ =	sdelay $0x4  }
0x302: {  	v3 =	vadd.s32 v3, v39  }
0x303: {  	v5 =	vld [tilespmem:$0x270];
	[tilespmem:$0x610] =	vst v3  }
0x304: {  	v39 =	vld [tilespmem:$0x60C];
	_ =	sdelay $0x4  }
0x305: {  	vm11 =	veq.s32 v5, s11;
	v39 =	vadd.s32 v3, v39;
	v3 =	vimm.s32 $0x0  }
0x306: {  	[tilespmem:$0x610] =	vst v39;
	v3 =	vsel vm11, $0xFFFFFFFF, v3  }
0x307: {  	[tilespmem:$0x1FFA0] =	vst v3;
	v3 =	vld [tilespmem:$0x608];
	_ =	sdelay $0x4  }
0x308: {  	[tilespmem:$0x1FF70] =	vst v3;
	v3 =	vsel vm11, $0x1, v0  }
0x309: {  	[tilespmem:$0x610] =	vst v3  }
0x30a: {  	v4 =	vld [tilespmem:$0x60F];
	_ =	sdelay $0x4  }
0x30b: {  	v3 =	vadd.s32 v3, v4  }
0x30c: {  	[tilespmem:$0x610] =	vst v3  }
0x30d: {  	v4 =	vld [tilespmem:$0x60E];
	_ =	sdelay $0x4  }
0x30e: {  	[tilespmem:$0x1FFD0] =	vst v5;
	v3 =	vadd.s32 v3, v4  }
0x30f: {  	v5 =	vld [tilespmem:$0x280];
	[tilespmem:$0x610] =	vst v3  }
0x310: {  	v4 =	vld [tilespmem:$0x60C];
	_ =	sdelay $0x3  }
0x311: {  	(v2sf) =	vpush v44, $0x0  }
0x312: {  	vm6 =	veq.s32 v5, s11;
	v44 =	vadd.s32 v3, v4;
	v3 =	vimm.s32 $0x0  }
0x313: {  	[tilespmem:$0x610] =	vst v44;
	v3 =	vsel vm6, $0xFFFFFFFF, v3  }
0x314: {  	[tilespmem:$0x1FFB0] =	vst v3;
	v3 =	vld [tilespmem:$0x608];
	_ =	sdelay $0x4  }
0x315: {  	[tilespmem:$0x1FF90] =	vst v3;
	v3 =	vsel vm6, $0x1, v0  }
0x316: {  	(v2sf) =	vpush v6, $0x0;
	[tilespmem:$0x610] =	vst v3  }
0x317: {  	v4 =	vld [tilespmem:$0x60F];
	_ =	sdelay $0x4  }
0x318: {  	[tilespmem:$0x1FFF0] =	vst v5;
	v3 =	vadd.s32 v3, v4  }
0x319: {  	v5 =	vadd.s32 v45, v7;
	v45 =	vld [tilespmem:$0x1FA00];
	[tilespmem:$0x610] =	vst v3  }
0x31a: {  	v4 =	vld [tilespmem:$0x60E];
	_ =	sdelay $0x2  }
0x31b: {  	vm11 =	vgt.s32 v1, s11;
	v1 =	vld [tilespmem:$0x1FA10]  }
0x31c: {  	v6 =	vbroadcast v5, $0xF  }
0x31d: {  	v7 =	vadd.s32 v50, v45;
	v50 =	vsel vm2, $0xFFFFFFFF, v0;
	v3 =	vadd.s32 v3, v4  }
0x31e: {  	s30 =	spop (v2sf);
	v22 =	vsub.s32 v5, v22;
	v6 =	vadd.s32 v50, v6;
	v5 =	vadd.s32 v5, v7;
	[tilespmem:$0x610] =	vst v3  }
0x31f: {  	s31 =	spop (v2sf);
	v45 =	vadd.s32 v7, v6;
	v7 =	vbroadcast v5, $0xF;
	v6 =	vld [tilespmem:$0x60C]  }
0x320: {  	s12 =	sadd.s32 s31, s30;
	v50 =	vsel vm4, $0xFFFFFFFF, v0;
	v48 =	vadd.s32 v48, v1  }
0x321: {  	s12 =	ssub.s32 $0x180, s12;
	v7 =	vadd.s32 v50, v7;
	v1 =	vld [tilespmem:$0x1FA20];
	v5 =	vadd.s32 v5, v48  }
0x322: {  	vm9 =	vlt.s32 v22, s12;
	vm6 =	vlt.s32 v45, s12;
	v45 =	vbroadcast v5, $0xF  }
0x323: {  	vm0 =	vmand vm1, vm9;
	vm9 =	vgt.s32 v37, s11;
	v37 =	vsel vm5, $0xFFFFFFFF, v0  }
0x324: {  	v4 =	vadd.s32 v48, v7;
	v48 =	vadd.s32 v37, v45;
	v45 =	vadd.s32 v3, v6  }
0x325: {  	[tilespmem:$0x610] =	vst v45  }
0x326: {  	v53 =	vadd.s32 v53, v1;
	v1 =	vld [tilespmem:$0x608];
	_ =	sdelay $0x4  }
0x327: {  	[tilespmem:$0x1FFC0] =	vst v1;
	v1 =	vld [tilespmem:$0x1FA30];
	_ =	sdelay $0x3  }
0x328: {  	v3 =	vadd.s32 v53, v48  }
0x329: {  	vm1 =	vmand vm2, vm6;
	vm6 =	vlt.s32 v3, s12;
	v3 =	vadd.s32 v49, v1;
	v1 =	vld [tilespmem:$0x1FA40]  }
0x32a: {  	vm0 =	vmor vm11, vm0  }
0x32b: {  	vm3 =	vmor vm9, vm1;
	vm11 =	vlt.s32 v4, s12;
	v53 =	vadd.s32 v5, v53  }
0x32c: {  	vm1 =	vmand vm4, vm11;
	vm4 =	vgt.s32 v21, s11;
	v21 =	vbroadcast v53, $0xF  }
0x32d: {  	v37 =	vsel vm7, $0xFFFFFFFF, v0  }
0x32e: {  	v6 =	vadd.s32 v37, v21;
	v21 =	vadd.s32 v55, v1;
	v1 =	vld [tilespmem:$0x1FA50];
	_ =	sdelay $0x4  }
0x32f: {  	v55 =	vadd.s32 v56, v1;
	v1 =	vld [tilespmem:$0x1FA60];
	_ =	sdelay $0x1  }
0x330: {  	vm9 =	vmor vm4, vm1;
	vm4 =	vgt.s32 v47, s11;
	vm1 =	vmand vm5, vm6  }
0x331: {  	vm6 =	vmor vm4, vm1;
	v37 =	vsel vm8, $0xFFFFFFFF, v0;
	v4 =	vadd.s32 v53, v3  }
0x332: {  	vm4 =	vmmov vm10;
	v53 =	vbroadcast v4, $0xF;
	v4 =	vadd.s32 v4, v21  }
0x333: {  	v3 =	vadd.s32 v3, v6;
	v47 =	vbroadcast v4, $0xF;
	vm2 =	vgt.s32 v1, s11;
	v1 =	vld [tilespmem:$0x1FA70]  }
0x334: {  	vm5 =	vlt.s32 v3, s12;
	v3 =	vadd.s32 v37, v53;
	v53 =	vsel vm10, $0xFFFFFFFF, v0  }
0x335: {  	vm1 =	vmand vm7, vm5;
	v3 =	vadd.s32 v21, v3;
	v6 =	vadd.s32 v53, v47  }
0x336: {  	vm7 =	vgt.s32 v60, s11;
	vm10 =	vlt.s32 v3, s12;
	v3 =	vadd.s32 v55, v6  }
0x337: {  	v22 =	vld [tilespmem:$0x290];
	vm7 =	vmor vm7, vm1;
	vm1 =	vmand vm8, vm10;
	vm5 =	vlt.s32 v3, s12  }
0x338: {  	vm10 =	vmor vm2, vm1;
	vm1 =	vmand vm4, vm5;
	vm4 =	vnez.u8 v1;
	v1 =	vld [tilespmem:$0x1FA80];
	_ =	sdelay $0x3  }
0x339: {  	vm11 =	veq.s32 v22, s11  }
0x33a: {  	v5 =	vsel vm11, $0x1, v0;
	v21 =	vadd.s32 v57, v1;
	v1 =	vld [tilespmem:$0x1FA90]  }
0x33b: {  	[tilespmem:$0x610] =	vst v5  }
0x33c: {  	v48 =	vld [tilespmem:$0x60F];
	_ =	sdelay $0x1  }
0x33d: {  	v4 =	vadd.s32 v4, v55  }
0x33e: {  	v60 =	vbroadcast v4, $0xF;
	vm5 =	vgt.s32 v1, s11;
	v1 =	vld [tilespmem:$0x1FAA0]  }
0x33f: {  	v3 =	vsel vm4, $0xFFFFFFFF, v0  }
0x340: {  	v5 =	vadd.s32 v5, v48;
	v3 =	vadd.s32 v3, v60  }
0x341: {  	[tilespmem:$0x610] =	vst v5;
	v3 =	vadd.s32 v21, v3  }
0x342: {  	v56 =	vld [tilespmem:$0x60E];
	vm2 =	vlt.s32 v3, s12  }
0x343: {  	vm8 =	vmand vm4, vm2;
	vm2 =	vnez.u8 v1;
	v1 =	vld [tilespmem:$0x1FAB0];
	_ =	sdelay $0x4  }
0x344: {  	v5 =	vadd.s32 v5, v56;
	v56 =	vadd.s32 v58, v1;
	v1 =	vld [tilespmem:$0x1FAC0];
	_ =	sdelay $0x4  }
0x345: {  	v4 =	vadd.s32 v4, v21;
	vm4 =	vgt.s32 v1, s11;
	v1 =	vld [tilespmem:$0x1FAD0]  }
0x346: {  	v37 =	vbroadcast v4, $0xF  }
0x347: {  	[tilespmem:$0x610] =	vst v5;
	v3 =	vsel vm2, $0xFFFFFFFF, v0  }
0x348: {  	v47 =	vld [tilespmem:$0x60C];
	v3 =	vadd.s32 v3, v37  }
0x349: {  	v3 =	vadd.s32 v56, v3  }
0x34a: {  	vm4 =	vmor vm4, vm8;
	vm8 =	vlt.s32 v3, s12;
	v3 =	vadd.s32 v25, v1;
	v1 =	vld [tilespmem:$0x1FAE0];
	_ =	sdelay $0x2  }
0x34b: {  	v25 =	vadd.s32 v5, v47  }
0x34c: {  	[tilespmem:$0x610] =	vst v25  }
0x34d: {  	v53 =	vsel vm0, $0x3F800000, v40;
	vm0 =	vnez.u8 v1;
	v1 =	vld [tilespmem:$0x608];
	_ =	sdelay $0x4  }
0x34e: {  	[tilespmem:$0x1FFE0] =	vst v1;
	v1 =	vld [tilespmem:$0x1FAF0];
	_ =	sdelay $0x4  }
0x34f: {  	v55 =	vsel vm3, $0x3F800000, v40;
	vm3 =	vgt.s32 v1, s11;
	v1 =	vld [tilespmem:$0x1FB00];
	_ =	sdelay $0x3  }
0x350: {  	vm2 =	vmand vm2, vm8  }
0x351: {  	vm3 =	vmor vm3, vm2;
	vm2 =	vnez.u8 v1;
	v1 =	vld [tilespmem:$0x1FB10];
	_ =	sdelay $0x4  }
0x352: {  	v37 =	vadd.s32 v59, v1;
	v1 =	vld [tilespmem:$0x1FB20]  }
0x353: {  	v4 =	vadd.s32 v4, v56  }
0x354: {  	v57 =	vbroadcast v4, $0xF  }
0x355: {  	v4 =	vadd.s32 v4, v3;
	v58 =	vsel vm0, $0xFFFFFFFF, v0  }
0x356: {  	v60 =	vbroadcast v4, $0xF;
	v6 =	vadd.s32 v58, v57  }
0x357: {  	v57 =	vsel vm6, $0x3F800000, v40;
	v3 =	vadd.s32 v3, v6;
	vm6 =	vgt.s32 v1, s11;
	v1 =	vld [tilespmem:$0x1FB30]  }
0x358: {  	vm5 =	vmor vm5, vm1;
	vm1 =	vlt.s32 v3, s12;
	v3 =	vsel vm2, $0xFFFFFFFF, v0  }
0x359: {  	v3 =	vadd.s32 v3, v60  }
0x35a: {  	v3 =	vadd.s32 v37, v3  }
0x35b: {  	v56 =	vsel vm9, $0x3F800000, v40;
	vm0 =	vmand vm0, vm1;
	vm9 =	vlt.s32 v3, s12  }
0x35c: {  	vm6 =	vmor vm6, vm0;
	vm0 =	vmand vm2, vm9;
	vm2 =	vnez.u8 v1;
	v1 =	vld [tilespmem:$0x1FB40];
	_ =	sdelay $0x4  }
0x35d: {  	v60 =	vadd.s32 v61, v1;
	v1 =	vld [tilespmem:$0x1FB50]  }
0x35e: {  	v49 =	vld [tilespmem:$0x2A0];
	_ =	sdelay $0x3  }
0x35f: {  	vm1 =	vgt.s32 v1, s11;
	v1 =	vld [tilespmem:$0x1FB60]  }
0x360: {  	vm8 =	veq.s32 v49, s11  }
0x361: {  	v21 =	vsel vm8, $0x1, v0  }
0x362: {  	[tilespmem:$0x610] =	vst v21  }
0x363: {  	v47 =	vld [tilespmem:$0x60F]  }
0x364: {  	v58 =	vsel vm7, $0x3F800000, v40;
	vm7 =	vnez.u8 v1;
	v1 =	vld [tilespmem:$0x1FB70];
	_ =	sdelay $0x4  }
0x365: {  	v5 =	vadd.s32 v21, v47;
	v21 =	vadd.s32 v63, v1;
	v1 =	vld [tilespmem:$0x1FB80]  }
0x366: {  	v4 =	vadd.s32 v4, v37  }
0x367: {  	v7 =	vbroadcast v4, $0xF  }
0x368: {  	v3 =	vsel vm2, $0xFFFFFFFF, v0  }
0x369: {  	v59 =	vsel vm10, $0x3F800000, v40;
	v3 =	vadd.s32 v3, v7;
	v4 =	vadd.s32 v4, v60  }
0x36a: {  	v3 =	vadd.s32 v60, v3;
	v61 =	vbroadcast v4, $0xF;
	vm10 =	vgt.s32 v1, s11;
	v1 =	vld [tilespmem:$0x1FB90]  }
0x36b: {  	vm9 =	vlt.s32 v3, s12;
	v3 =	vsel vm7, $0xFFFFFFFF, v0  }
0x36c: {  	v3 =	vadd.s32 v3, v61  }
0x36d: {  	v3 =	vadd.s32 v21, v3  }
0x36e: {  	vm0 =	vmor vm1, vm0;
	vm1 =	vmand vm2, vm9;
	vm9 =	vlt.s32 v3, s12  }
0x36f: {  	vm2 =	vmor vm10, vm1;
	vm1 =	vmand vm7, vm9;
	vm9 =	vnez.u8 v1;
	v1 =	vld [tilespmem:$0x1FBA0];
	_ =	sdelay $0x4  }
0x370: {  	v27 =	vadd.s32 v27, v1;
	v1 =	vld [tilespmem:$0x1FBB0];
	_ =	sdelay $0x4  }
0x371: {  	v63 =	vsel vm4, $0x3F800000, v40;
	vm4 =	vgt.s32 v1, s11;
	v1 =	vld [tilespmem:$0x1FBC0];
	_ =	sdelay $0x4  }
0x372: {  	vm7 =	vmor vm4, vm1;
	vm4 =	vnez.u8 v1;
	v1 =	vld [tilespmem:$0x1FBD0];
	_ =	sdelay $0x3  }
0x373: {  	v4 =	vadd.s32 v4, v21  }
0x374: {  	v7 =	vbroadcast v4, $0xF;
	v2 =	vadd.s32 v2, v1;
	v1 =	vld [tilespmem:$0x1FBE0]  }
0x375: {  	v3 =	vsel vm9, $0xFFFFFFFF, v0  }
0x376: {  	v3 =	vadd.s32 v3, v7  }
0x377: {  	v3 =	vadd.s32 v27, v3  }
0x378: {  	vm10 =	vlt.s32 v3, s12  }
0x379: {  	v4 =	vadd.s32 v4, v27;
	vm9 =	vmand vm9, vm10;
	vm10 =	vgt.s32 v1, s11;
	v1 =	vld [tilespmem:$0x1FBF0]  }
0x37a: {  	v47 =	vbroadcast v4, $0xF  }
0x37b: {  	v3 =	vsel vm4, $0xFFFFFFFF, v0  }
0x37c: {  	[tilespmem:$0x610] =	vst v5;
	v3 =	vadd.s32 v3, v47  }
0x37d: {  	v37 =	vld [tilespmem:$0x60E];
	v3 =	vadd.s32 v2, v3  }
0x37e: {  	vm1 =	vmor vm10, vm9;
	vm9 =	vlt.s32 v3, s12;
	v3 =	vadd.s32 v18, v1;
	v1 =	vld [tilespmem:$0x1FC00];
	_ =	sdelay $0x3  }
0x37f: {  	v5 =	vadd.s32 v5, v37;
	v2 =	vadd.s32 v4, v2  }
0x380: {  	[tilespmem:$0x610] =	vst v5;
	v4 =	vbroadcast v2, $0xF;
	vm10 =	vnez.u8 v1  }
0x381: {  	v60 =	vld [tilespmem:$0x60C];
	v37 =	vsel vm10, $0xFFFFFFFF, v0  }
0x382: {  	v50 =	vld [tilespmem:$0x1FC10];
	v4 =	vadd.s32 v37, v4  }
0x383: {  	v2 =	vadd.s32 v2, v3;
	v3 =	vadd.s32 v3, v4  }
0x384: {  	vm4 =	vmand vm4, vm9;
	vm9 =	vlt.s32 v3, s12;
	v3 =	vld [tilespmem:$0x1FC20];
	_ =	sdelay $0x1  }
0x385: {  	v18 =	vadd.s32 v5, v60;
	v60 =	vld [tilespmem:$0x1FC30]  }
0x386: {  	v61 =	vsel vm5, $0x3F800000, v40;
	vm5 =	vgt.s32 v50, s11  }
0x387: {  	vm5 =	vmor vm5, vm4  }
0x388: {  	v47 =	vbroadcast v2, $0xF;
	vm4 =	vmand vm10, vm9;
	vm9 =	vnez.u8 v3  }
0x389: {  	v27 =	vld [tilespmem:$0x2B0];
	v3 =	vsel vm9, $0xFFFFFFFF, v0  }
0x38a: {  	v6 =	vadd.s32 v29, v60;
	v3 =	vadd.s32 v3, v47  }
0x38b: {  	v47 =	vld [tilespmem:$0x1FC40];
	v3 =	vadd.s32 v6, v3  }
0x38c: {  	vm10 =	vlt.s32 v3, s12;
	v3 =	vld [tilespmem:$0x1FC50];
	_ =	sdelay $0x1  }
0x38d: {  	v50 =	vld [tilespmem:$0x1FC60];
	v21 =	vsel vm3, $0x3F800000, v40;
	vm3 =	veq.s32 v27, s11  }
0x38e: {  	v1 =	vsel vm3, $0x1, v0;
	v2 =	vadd.s32 v2, v6  }
0x38f: {  	v29 =	vsel vm0, $0x3F800000, v40;
	v37 =	vbroadcast v2, $0xF;
	vm0 =	vgt.s32 v47, s11  }
0x390: {  	[tilespmem:$0x610] =	vst v18;
	vm0 =	vmor vm0, vm4;
	vm4 =	vmand vm9, vm10;
	vm9 =	vnez.u8 v3  }
0x391: {  	v48 =	vld [tilespmem:$0x608];
	[tilespmem:$0x610] =	vst v1;
	v3 =	vsel vm9, $0xFFFFFFFF, v0  }
0x392: {  	v31 =	vadd.s32 v31, v50;
	v4 =	vld [tilespmem:$0x60F];
	v3 =	vadd.s32 v3, v37  }
0x393: {  	v37 =	vld [tilespmem:$0x1FC70];
	v3 =	vadd.s32 v31, v3  }
0x394: {  	vm10 =	vlt.s32 v3, s12;
	v3 =	vld [tilespmem:$0x1FC80];
	_ =	sdelay $0x1  }
0x395: {  	v47 =	vld [tilespmem:$0x1FC90]  }
0x396: {  	v7 =	vsel vm2, $0x3F800000, v40;
	v2 =	vadd.s32 v2, v31  }
0x397: {  	v1 =	vadd.s32 v1, v4;
	v4 =	vbroadcast v2, $0xF;
	vm2 =	vgt.s32 v37, s11  }
0x398: {  	vm2 =	vmor vm2, vm4;
	vm4 =	vmand vm9, vm10;
	vm9 =	vnez.u8 v3  }
0x399: {  	v3 =	vsel vm9, $0xFFFFFFFF, v0  }
0x39a: {  	v50 =	vadd.s32 v30, v47;
	v3 =	vadd.s32 v3, v4  }
0x39b: {  	v37 =	vld [tilespmem:$0x1FCA0];
	v3 =	vadd.s32 v50, v3  }
0x39c: {  	vm10 =	vlt.s32 v3, s12;
	v3 =	vld [tilespmem:$0x1FCB0];
	_ =	sdelay $0x1  }
0x39d: {  	v2 =	vadd.s32 v2, v50;
	v50 =	vld [tilespmem:$0x1FCC0];
	_ =	sdelay $0x1  }
0x39e: {  	v30 =	vsel vm1, $0x3F800000, v40;
	v47 =	vbroadcast v2, $0xF;
	vm1 =	vgt.s32 v37, s11  }
0x39f: {  	vm4 =	vmor vm1, vm4;
	vm1 =	vmand vm9, vm10;
	vm9 =	vnez.u8 v3  }
0x3a0: {  	v3 =	vsel vm9, $0xFFFFFFFF, v0  }
0x3a1: {  	v23 =	vadd.s32 v23, v50;
	v3 =	vadd.s32 v3, v47  }
0x3a2: {  	v3 =	vadd.s32 v23, v3  }
0x3a3: {  	vm10 =	vlt.s32 v3, s12;
	v3 =	vld [tilespmem:$0x1FCE0]  }
0x3a4: {  	v50 =	vld [tilespmem:$0x1FCF0]  }
0x3a5: {  	v47 =	vld [tilespmem:$0x1FCD0];
	_ =	sdelay $0x1  }
0x3a6: {  	v2 =	vadd.s32 v2, v23  }
0x3a7: {  	v37 =	vbroadcast v2, $0xF;
	vm9 =	vmand vm9, vm10;
	vm10 =	vnez.u8 v3  }
0x3a8: {  	v5 =	vsel vm6, $0x3F800000, v40;
	v60 =	vsel vm5, $0x3F800000, v40;
	v3 =	vsel vm10, $0xFFFFFFFF, v0  }
0x3a9: {  	v19 =	vadd.s32 v19, v50;
	vm5 =	vgt.s32 v47, s11;
	v3 =	vadd.s32 v3, v37  }
0x3aa: {  	vm6 =	vmor vm5, vm1;
	vm5 =	vgt.s32 v54, s11;
	v3 =	vadd.s32 v19, v3  }
0x3ab: {  	[tilespmem:$0x610] =	vst v1;
	vm5 =	vmor vm5, vm9;
	vm9 =	vlt.s32 v3, s12;
	v3 =	vld [tilespmem:$0x1FD00]  }
0x3ac: {  	v4 =	vld [tilespmem:$0x60E];
	_ =	sdelay $0x3  }
0x3ad: {  	v3 =	vadd.s32 v11, v3;
	v11 =	vld [tilespmem:$0x1FD10]  }
0x3ae: {  	v1 =	vadd.s32 v1, v4  }
0x3af: {  	[tilespmem:$0x610] =	vst v1  }
0x3b0: {  	v47 =	vld [tilespmem:$0x60C]  }
0x3b1: {  	v2 =	vadd.s32 v2, v19  }
0x3b2: {  	v19 =	vbroadcast v2, $0xF;
	vm1 =	vmand vm10, vm9;
	vm10 =	vnez.u8 v11  }
0x3b3: {  	v37 =	vsel vm10, $0xFFFFFFFF, v0  }
0x3b4: {  	v19 =	vadd.s32 v37, v19  }
0x3b5: {  	v50 =	vld [tilespmem:$0x1FD20];
	v11 =	vadd.s32 v1, v47;
	v1 =	vadd.s32 v2, v3;
	v2 =	vadd.s32 v3, v19  }
0x3b6: {  	vm9 =	vlt.s32 v2, s12;
	v2 =	vld [tilespmem:$0x1FD30];
	_ =	sdelay $0x3  }
0x3b7: {  	v31 =	vsel vm7, $0x3F800000, v40;
	vm7 =	vgt.s32 v50, s11;
	v50 =	vld [tilespmem:$0x1FD50]  }
0x3b8: {  	vm1 =	vmor vm7, vm1;
	vm7 =	vmand vm10, vm9;
	vm9 =	vnez.u8 v2;
	v2 =	vld [tilespmem:$0x1FD40];
	_ =	sdelay $0x2  }
0x3b9: {  	v3 =	vbroadcast v1, $0xF  }
0x3ba: {  	v6 =	vsel vm2, $0x3F800000, v40;
	v4 =	vld [tilespmem:$0x2C0];
	v37 =	vsel vm9, $0xFFFFFFFF, v0  }
0x3bb: {  	vm2 =	vgt.s32 v50, s11;
	v50 =	vld [tilespmem:$0x1FD70];
	v3 =	vadd.s32 v37, v3;
	v28 =	vadd.s32 v28, v2  }
0x3bc: {  	v3 =	vadd.s32 v28, v3  }
0x3bd: {  	vm10 =	vlt.s32 v3, s12;
	v3 =	vld [tilespmem:$0x1FD60];
	_ =	sdelay $0x1  }
0x3be: {  	v23 =	vsel vm0, $0x3F800000, v40;
	vm0 =	veq.s32 v4, s11  }
0x3bf: {  	v33 =	vadd.s32 v33, v50;
	v50 =	vld [tilespmem:$0x1FD80];
	[tilespmem:$0x610] =	vst v11;
	v19 =	vsel vm0, $0x1, v0  }
0x3c0: {  	v54 =	vld [tilespmem:$0x608];
	[tilespmem:$0x610] =	vst v19;
	vm7 =	vmor vm2, vm7;
	v1 =	vadd.s32 v1, v28  }
0x3c1: {  	v2 =	vld [tilespmem:$0x60F];
	v28 =	vbroadcast v1, $0xF;
	vm2 =	vmand vm9, vm10;
	vm9 =	vnez.u8 v3  }
0x3c2: {  	v37 =	vsel vm9, $0xFFFFFFFF, v0  }
0x3c3: {  	v28 =	vadd.s32 v37, v28;
	v37 =	vld [tilespmem:$0x1FD90];
	_ =	sdelay $0x1  }
0x3c4: {  	v47 =	vsel vm4, $0x3F800000, v40;
	vm4 =	vgt.s32 v50, s11;
	v50 =	vld [tilespmem:$0x1FDA0];
	v1 =	vadd.s32 v1, v33  }
0x3c5: {  	vm4 =	vmor vm4, vm2;
	v2 =	vadd.s32 v19, v2;
	v28 =	vadd.s32 v33, v28  }
0x3c6: {  	v19 =	vbroadcast v1, $0xF;
	v3 =	vsel vm6, $0x3F800000, v40;
	vm10 =	vlt.s32 v28, s12  }
0x3c7: {  	vm2 =	vmand vm9, vm10;
	vm10 =	vgt.s32 v62, s11;
	v62 =	vld [tilespmem:$0x1FDB0];
	vm6 =	vnez.u8 v37  }
0x3c8: {  	v28 =	vsel vm6, $0xFFFFFFFF, v0  }
0x3c9: {  	v37 =	vadd.s32 v32, v50;
	v19 =	vadd.s32 v28, v19  }
0x3ca: {  	v50 =	vld [tilespmem:$0x1FDC0];
	v19 =	vadd.s32 v37, v19  }
0x3cb: {  	v32 =	vsel vm1, $0x3F800000, v40;
	v1 =	vadd.s32 v1, v37;
	vm9 =	vlt.s32 v19, s12  }
0x3cc: {  	[tilespmem:$0x610] =	vst v2;
	v37 =	vbroadcast v1, $0xF;
	vm1 =	vmand vm6, vm9;
	vm9 =	vnez.u8 v62  }
0x3cd: {  	v28 =	vld [tilespmem:$0x60E];
	v19 =	vsel vm9, $0xFFFFFFFF, v0  }
0x3ce: {  	v19 =	vadd.s32 v19, v37;
	v37 =	vld [tilespmem:$0x1FDD0]  }
0x3cf: {  	v14 =	vadd.s32 v14, v50;
	v50 =	vld [tilespmem:$0x1FDE0];
	_ =	sdelay $0x2  }
0x3d0: {  	v33 =	vsel vm5, $0x3F800000, v40;
	vm5 =	vgt.s32 v52, s11  }
0x3d1: {  	v52 =	vsel vm4, $0x3F800000, v40;
	v1 =	vadd.s32 v1, v14;
	vm6 =	vnez.u8 v37;
	v37 =	vld [tilespmem:$0x1FE00]  }
0x3d2: {  	v2 =	vadd.s32 v2, v28;
	v19 =	vadd.s32 v14, v19;
	v20 =	vadd.s32 v20, v50;
	v50 =	vld [tilespmem:$0x1FDF0]  }
0x3d3: {  	vm2 =	vmor vm10, vm2;
	[tilespmem:$0x610] =	vst v2;
	v14 =	vbroadcast v1, $0xF;
	vm10 =	vlt.s32 v19, s12  }
0x3d4: {  	v28 =	vld [tilespmem:$0x60C];
	vm10 =	vmand vm9, vm10;
	vm9 =	vgt.s32 v46, s11;
	v19 =	vsel vm6, $0xFFFFFFFF, v0  }
0x3d5: {  	v1 =	vadd.s32 v1, v20;
	vm4 =	vmor vm9, vm10;
	v19 =	vadd.s32 v19, v14  }
0x3d6: {  	v19 =	vadd.s32 v20, v19;
	v20 =	vbroadcast v1, $0xF;
	vm9 =	vnez.u8 v37  }
0x3d7: {  	vm10 =	vlt.s32 v19, s12;
	v19 =	vadd.s32 v8, v50;
	v8 =	vsel vm9, $0xFFFFFFFF, v0  }
0x3d8: {  	v46 =	vld [tilespmem:$0x1FE10];
	v20 =	vadd.s32 v8, v20  }
0x3d9: {  	v8 =	vadd.s32 v2, v28;
	v2 =	vadd.s32 v19, v20  }
0x3da: {  	v62 =	vsel vm7, $0x3F800000, v40;
	vm7 =	vlt.s32 v2, s12;
	v2 =	vld [tilespmem:$0x1FE20];
	_ =	sdelay $0x1  }
0x3db: {  	v50 =	vld [tilespmem:$0x1FE30]  }
0x3dc: {  	vm1 =	vmor vm5, vm1;
	vm5 =	vmand vm6, vm10;
	vm6 =	vgt.s32 v46, s11  }
0x3dd: {  	v1 =	vadd.s32 v1, v19;
	vm5 =	vmor vm6, vm5  }
0x3de: {  	v19 =	vbroadcast v1, $0xF;
	vm6 =	vmand vm9, vm7;
	vm7 =	vnez.u8 v2  }
0x3df: {  	v2 =	vsel vm7, $0xFFFFFFFF, v0  }
0x3e0: {  	v37 =	vadd.s32 v26, v50;
	v2 =	vadd.s32 v2, v19  }
0x3e1: {  	v2 =	vadd.s32 v37, v2  }
0x3e2: {  	vm9 =	vlt.s32 v2, s12;
	v2 =	vld [tilespmem:$0x1FE40];
	_ =	sdelay $0x1  }
0x3e3: {  	v50 =	vld [tilespmem:$0x1FE50];
	_ =	sdelay $0x1  }
0x3e4: {  	v46 =	vsel vm2, $0x3F800000, v40;
	v1 =	vadd.s32 v1, v37  }
0x3e5: {  	v37 =	vbroadcast v1, $0xF;
	vm2 =	vmand vm7, vm9;
	vm7 =	vnez.u8 v2  }
0x3e6: {  	v2 =	vsel vm7, $0xFFFFFFFF, v0  }
0x3e7: {  	v14 =	vld [tilespmem:$0x2D0];
	v17 =	vadd.s32 v17, v50;
	v2 =	vadd.s32 v2, v37  }
0x3e8: {  	v2 =	vadd.s32 v17, v2  }
0x3e9: {  	vm9 =	vlt.s32 v2, s12;
	v2 =	vld [tilespmem:$0x1FE60];
	_ =	sdelay $0x2  }
0x3ea: {  	vm10 =	veq.s32 v14, s11  }
0x3eb: {  	[tilespmem:$0x610] =	vst v8;
	v26 =	vsel vm1, $0x3F800000, v40;
	vm1 =	vgt.s32 v51, s11;
	v1 =	vadd.s32 v1, v17  }
0x3ec: {  	v20 =	vld [tilespmem:$0x608];
	vm1 =	vmor vm1, vm6;
	v50 =	vbroadcast v1, $0xF;
	vm6 =	vnez.u8 v2  }
0x3ed: {  	v28 =	vsel vm10, $0x1, v0;
	v37 =	vld [tilespmem:$0x1FE70];
	v2 =	vsel vm6, $0xFFFFFFFF, v0  }
0x3ee: {  	[tilespmem:$0x610] =	vst v28;
	v2 =	vadd.s32 v2, v50;
	v50 =	vld [tilespmem:$0x1FE80]  }
0x3ef: {  	v19 =	vld [tilespmem:$0x60F];
	_ =	sdelay $0x2  }
0x3f0: {  	v51 =	vsel vm4, $0x3F800000, v40;
	vm4 =	vgt.s32 v35, s11  }
0x3f1: {  	v35 =	vadd.s32 v16, v37;
	v16 =	vsel vm1, $0x3F800000, v40;
	vm1 =	vgt.s32 v50, s11;
	v50 =	vld [tilespmem:$0x1FE90]  }
0x3f2: {  	v19 =	vadd.s32 v28, v19  }
0x3f3: {  	[tilespmem:$0x610] =	vst v19  }
0x3f4: {  	v28 =	vld [tilespmem:$0x60E]  }
0x3f5: {  	vm2 =	vmor vm4, vm2;
	v1 =	vadd.s32 v1, v35  }
0x3f6: {  	v37 =	vbroadcast v1, $0xF;
	v2 =	vadd.s32 v35, v2;
	v13 =	vadd.s32 v13, v50;
	v50 =	vld [tilespmem:$0x1FEA0]  }
0x3f7: {  	vm4 =	vmand vm7, vm9;
	vm9 =	vlt.s32 v2, s12;
	v2 =	vsel vm15, $0xFFFFFFFF, v0  }
0x3f8: {  	v2 =	vadd.s32 v2, v37;
	vm4 =	vmor vm1, vm4;
	v1 =	vadd.s32 v1, v13  }
0x3f9: {  	v2 =	vadd.s32 v13, v2;
	v13 =	vadd.s32 v19, v28;
	v19 =	vbroadcast v1, $0xF  }
0x3fa: {  	vm1 =	vmand vm6, vm9;
	vm9 =	vlt.s32 v2, s12;
	v2 =	vsel vm12, $0xFFFFFFFF, v0  }
0x3fb: {  	v2 =	vadd.s32 v2, v19;
	v37 =	vadd.s32 v12, v50  }
0x3fc: {  	vm9 =	vmand vm15, vm9;
	vm15 =	vgt.s32 v38, s11;
	v50 =	vld [tilespmem:$0x1FEC0];
	v2 =	vadd.s32 v37, v2  }
0x3fd: {  	v17 =	vsel vm5, $0x3F800000, v40;
	vm5 =	vmor vm15, vm9;
	vm9 =	vlt.s32 v2, s12;
	v2 =	vld [tilespmem:$0x1FEB0];
	_ =	sdelay $0x1  }
0x3fe: {  	v35 =	vsel vm2, $0x3F800000, v40;
	vm2 =	vgt.s32 v36, s11  }
0x3ff: {  	vm1 =	vmor vm2, vm1;
	v1 =	vadd.s32 v1, v37  }
0x400: {  	v37 =	vbroadcast v1, $0xF;
	vm2 =	vmand vm12, vm9;
	vm12 =	vgt.s32 v50, s11;
	v50 =	vld [tilespmem:$0x1FED0]  }
0x401: {  	v38 =	vsel vm14, $0xFFFFFFFF, v0;
	v2 =	vadd.s32 v9, v2  }
0x402: {  	[tilespmem:$0x610] =	vst v13;
	v19 =	vadd.s32 v38, v37;
	v1 =	vadd.s32 v1, v2  }
0x403: {  	v28 =	vld [tilespmem:$0x60C];
	v2 =	vadd.s32 v2, v19;
	v19 =	vbroadcast v1, $0xF  }
0x404: {  	v12 =	vld [tilespmem:$0x2E0];
	vm15 =	vlt.s32 v2, s12;
	v2 =	vsel vm13, $0xFFFFFFFF, v0  }
0x405: {  	v10 =	vadd.s32 v10, v50;
	v2 =	vadd.s32 v2, v19  }
0x406: {  	[tilespmem:$0x310] =	vst v55;
	v55 =	vld [tilespmem:$0x1FEF0];
	v2 =	vadd.s32 v10, v2  }
0x407: {  	vm9 =	vmand vm14, vm15;
	vm14 =	vlt.s32 v2, s12;
	v2 =	vld [tilespmem:$0x1FEE0];
	_ =	sdelay $0x1  }
0x408: {  	[tilespmem:$0x320] =	vst v56;
	v36 =	vsel vm4, $0x3F800000, v40;
	vm4 =	veq.s32 v12, s11;
	v9 =	vadd.s32 v13, v28  }
0x409: {  	v56 =	vld [tilespmem:$0x1FF00];
	v28 =	vsel vm4, $0x1, v0;
	[tilespmem:$0x610] =	vst v9  }
0x40a: {  	v13 =	vld [tilespmem:$0x608];
	[tilespmem:$0x610] =	vst v28;
	v1 =	vadd.s32 v1, v10  }
0x40b: {  	[tilespmem:$0x300] =	vst v53;
	v24 =	vadd.s32 v24, v55;
	v50 =	vld [tilespmem:$0x60F];
	v53 =	vbroadcast v1, $0xF;
	vm15 =	vnez.u8 v2  }
0x40c: {  	[tilespmem:$0x330] =	vst v57;
	v57 =	vld [tilespmem:$0x1FF10];
	vm6 =	vmor vm12, vm2;
	vm12 =	vgt.s32 v41, s11;
	v2 =	vsel vm15, $0xFFFFFFFF, v0  }
0x40d: {  	vm2 =	vmor vm12, vm9;
	v10 =	vsel vm1, $0x3F800000, v40;
	v2 =	vadd.s32 v2, v53  }
0x40e: {  	v1 =	vadd.s32 v1, v24;
	vm1 =	vmand vm13, vm14;
	v2 =	vadd.s32 v24, v2  }
0x40f: {  	vm13 =	vnez.u8 v56;
	vm12 =	vlt.s32 v2, s12;
	v2 =	vbroadcast v1, $0xF  }
0x410: {  	v19 =	vadd.s32 v28, v50;
	v24 =	vsel vm13, $0xFFFFFFFF, v0  }
0x411: {  	v28 =	vadd.s32 v15, v57;
	[tilespmem:$0x610] =	vst v19;
	v2 =	vadd.s32 v24, v2  }
0x412: {  	[tilespmem:$0x340] =	vst v58;
	v38 =	vsel vm5, $0x3F800000, v40;
	vm9 =	vgt.s32 v42, s11;
	v58 =	vld [tilespmem:$0x60E];
	v2 =	vadd.s32 v28, v2  }
0x413: {  	vm5 =	vmor vm9, vm1;
	vm1 =	vmand vm15, vm12;
	vm15 =	vlt.s32 v2, s12;
	v2 =	vld [tilespmem:$0x1FF30]  }
0x414: {  	[tilespmem:$0x350] =	vst v59  }
0x415: {  	[tilespmem:$0x360] =	vst v61;
	v1 =	vadd.s32 v1, v28;
	v28 =	vld [tilespmem:$0x1FF40]  }
0x416: {  	v59 =	vld [tilespmem:$0x1FF20];
	[tilespmem:$0x380] =	vst v21  }
0x417: {  	[tilespmem:$0x3B0] =	vst v7;
	v19 =	vadd.s32 v19, v58  }
0x418: {  	v50 =	vld [tilespmem:$0x1FF70];
	v61 =	vbroadcast v1, $0xF;
	[tilespmem:$0x610] =	vst v19;
	vm12 =	vnez.u8 v2  }
0x419: {  	v11 =	vadd.s32 v11, v54;
	[tilespmem:$0x470] =	vst v46;
	v46 =	vsel vm3, $0xFFFFFFFF, v0;
	v42 =	vld [tilespmem:$0x60C];
	v2 =	vsel vm12, $0xFFFFFFFF, v0  }
0x41a: {  	[tilespmem:$0x490] =	vst v51;
	v51 =	vsel vm0, $0xFFFFFFFF, v0;
	v37 =	vld [tilespmem:$0x1FF50];
	v21 =	vadd.s32 v34, v28;
	v2 =	vadd.s32 v2, v61  }
0x41b: {  	[tilespmem:$0x390] =	vst v5;
	v8 =	vadd.s32 v8, v20;
	vm14 =	vgt.s32 v59, s11;
	v53 =	vld [tilespmem:$0x1FF80];
	v2 =	vadd.s32 v21, v2  }
0x41c: {  	[tilespmem:$0x3E0] =	vst v60;
	vm7 =	vgt.s32 v43, s11;
	vm1 =	vmor vm14, vm1;
	vm14 =	vlt.s32 v2, s12;
	v2 =	vld [tilespmem:$0x1FF60]  }
0x41d: {  	v5 =	vld [tilespmem:$0x2F0];
	[tilespmem:$0x450] =	vst v62;
	v43 =	vsel vm8, $0xFFFFFFFF, v0;
	v62 =	vsel vm4, $0xFFFFFFFF, v0;
	v55 =	vsel vm1, $0x3F800000, v40  }
0x41e: {  	v60 =	vld [tilespmem:$0x1FFB0];
	v15 =	vsel vm6, $0x3F800000, v40;
	v7 =	vadd.s32 v39, v50;
	[tilespmem:$0x530] =	vst v55;
	v19 =	vadd.s32 v19, v42  }
0x41f: {  	v57 =	vld [tilespmem:$0x1FFA0];
	v24 =	vsel vm2, $0x3F800000, v40;
	v55 =	vadd.s32 v9, v13;
	vm6 =	vmand vm13, vm15;
	[tilespmem:$0x610] =	vst v19  }
0x420: {  	vm13 =	vgt.s32 v37, s11;
	vm15 =	vgt.s32 v53, s11;
	v1 =	vadd.s32 v1, v21;
	v58 =	vld [tilespmem:$0x608]  }
0x421: {  	[tilespmem:$0x3C0] =	vst v31;
	v31 =	vld [tilespmem:$0x1FFD0];
	vm2 =	vmor vm13, vm6;
	v41 =	vbroadcast v1, $0xF;
	vm9 =	vnez.u8 v2  }
0x422: {  	[tilespmem:$0x420] =	vst v3;
	v56 =	vld [tilespmem:$0x1FF90];
	v3 =	vsel vm2, $0x3F800000, v40;
	v28 =	vsel vm5, $0x3F800000, v40;
	v2 =	vsel vm9, $0xFFFFFFFF, v0  }
0x423: {  	v1 =	vadd.s32 v1, v7;
	v61 =	vld [tilespmem:$0x1FFC0];
	vm6 =	vmand vm12, vm14;
	v2 =	vadd.s32 v2, v41  }
0x424: {  	vm12 =	vnez.u8 v57;
	vm14 =	vnez.u8 v60;
	v2 =	vadd.s32 v7, v2  }
0x425: {  	[tilespmem:$0x400] =	vst v6;
	v6 =	vadd.s32 v19, v58;
	vm1 =	vmor vm15, vm6;
	vm5 =	vlt.s32 v2, s12  }
0x426: {  	v21 =	vsel vm12, $0xFFFFFFFF, v0;
	vm9 =	vmand vm9, vm5;
	vm5 =	veq.s32 v5, s11  }
0x427: {  	[tilespmem:$0x3F0] =	vst v23;
	vm15 =	vgt.s32 v31, s11;
	v2 =	vbroadcast v1, $0xF;
	v59 =	vsel vm5, $0x1, v0  }
0x428: {  	v39 =	vld [tilespmem:$0x1FFF0];
	v23 =	vadd.s32 v45, v61;
	v37 =	vsel vm1, $0x3F800000, v40;
	v7 =	vadd.s32 v44, v56;
	[tilespmem:$0x610] =	vst v59  }
0x429: {  	[tilespmem:$0x370] =	vst v63;
	v56 =	vsel vm10, $0xFFFFFFFF, v0;
	v1 =	vadd.s32 v1, v7;
	v2 =	vadd.s32 v21, v2;
	v63 =	vld [tilespmem:$0x60F]  }
0x42a: {  	[tilespmem:$0x3A0] =	vst v29;
	v34 =	vld [tilespmem:$0x1FFE0];
	vm6 =	vmor vm7, vm9;
	v21 =	vsel vm14, $0xFFFFFFFF, v0;
	v60 =	vsel vm5, $0xFFFFFFFF, v0  }
0x42b: {  	[tilespmem:$0x3D0] =	vst v30;
	v2 =	vadd.s32 v7, v2;
	v41 =	vsel vm6, $0x3F800000, v40;
	vm6 =	vgt.s32 v4, s11  }
0x42c: {  	[tilespmem:$0x410] =	vst v47;
	vm13 =	vlt.s32 v2, s12;
	v2 =	vbroadcast v1, $0xF;
	v1 =	vadd.s32 v1, v23  }
0x42d: {  	[tilespmem:$0x430] =	vst v33;
	vm7 =	vmand vm12, vm13;
	v33 =	vbroadcast v1, $0xF;
	vm13 =	vgt.s32 v39, s11  }
0x42e: {  	[tilespmem:$0x460] =	vst v52;
	v2 =	vadd.s32 v21, v2;
	vm2 =	vmor vm15, vm7;
	v7 =	vadd.s32 v59, v63  }
0x42f: {  	vm15 =	vgt.s32 v22, s11;
	v2 =	vadd.s32 v23, v2;
	v23 =	vadd.s32 v25, v34;
	[tilespmem:$0x610] =	vst v7  }
0x430: {  	[tilespmem:$0x440] =	vst v32;
	vm12 =	vlt.s32 v2, s12;
	v2 =	vsel vm11, $0xFFFFFFFF, v0;
	v1 =	vadd.s32 v1, v23;
	v42 =	vld [tilespmem:$0x60E]  }
0x431: {  	[tilespmem:$0x480] =	vst v26;
	vm7 =	vmand vm14, vm12;
	v2 =	vadd.s32 v2, v33;
	vm12 =	vgt.s32 v49, s11  }
0x432: {  	[tilespmem:$0x4A0] =	vst v17;
	vm7 =	vmor vm13, vm7;
	v2 =	vadd.s32 v23, v2;
	v23 =	vbroadcast v1, $0xF  }
0x433: {  	[tilespmem:$0x4B0] =	vst v16;
	vm13 =	vgt.s32 v27, s11;
	vm14 =	vlt.s32 v2, s12;
	v2 =	vadd.s32 v18, v48  }
0x434: {  	[tilespmem:$0x4C0] =	vst v35;
	v48 =	vsel vm2, $0x3F800000, v40;
	vm1 =	vmand vm11, vm14;
	v1 =	vadd.s32 v1, v2  }
0x435: {  	[tilespmem:$0x4D0] =	vst v36;
	v45 =	vadd.s32 v43, v23;
	v44 =	vbroadcast v1, $0xF;
	v7 =	vadd.s32 v7, v42  }
0x436: {  	vm1 =	vmor vm15, vm1;
	v2 =	vadd.s32 v2, v45;
	v1 =	vadd.s32 v1, v11;
	[tilespmem:$0x610] =	vst v7  }
0x437: {  	[tilespmem:$0x4F0] =	vst v38;
	vm9 =	vlt.s32 v2, s12;
	v2 =	vsel vm7, $0x3F800000, v40;
	v50 =	vbroadcast v1, $0xF;
	v52 =	vld [tilespmem:$0x60C]  }
0x438: {  	[tilespmem:$0x4E0] =	vst v10;
	v53 =	vsel vm1, $0x3F800000, v40;
	v1 =	vadd.s32 v1, v8;
	v47 =	vadd.s32 v46, v44  }
0x439: {  	[tilespmem:$0x500] =	vst v15;
	vm2 =	vmand vm8, vm9;
	v54 =	vbroadcast v1, $0xF;
	v1 =	vadd.s32 v1, v55  }
0x43a: {  	[tilespmem:$0x510] =	vst v24;
	vm9 =	vgt.s32 v14, s11;
	v16 =	vadd.s32 v11, v47;
	v10 =	vadd.s32 v51, v50  }
0x43b: {  	[tilespmem:$0x540] =	vst v3;
	vm7 =	vmor vm12, vm2;
	v57 =	vadd.s32 v1, v6;
	v1 =	vbroadcast v1, $0xF  }
0x43c: {  	[tilespmem:$0x520] =	vst v28;
	vm11 =	vlt.s32 v16, s12;
	v10 =	vadd.s32 v8, v10;
	v7 =	vadd.s32 v7, v52  }
0x43d: {  	v4 =	vadd.s32 v56, v54;
	v59 =	vsel vm7, $0x3F800000, v40;
	vm3 =	vmand vm3, vm11;
	[tilespmem:$0x610] =	vst v7  }
0x43e: {  	[tilespmem:$0x550] =	vst v37;
	vm15 =	vlt.s32 v10, s12;
	v3 =	vadd.s32 v55, v4;
	v1 =	vadd.s32 v62, v1;
	v58 =	vld [tilespmem:$0x608]  }
0x43f: {  	[tilespmem:$0x560] =	vst v41;
	vm11 =	vgt.s32 v12, s11;
	vm8 =	vlt.s32 v3, s12;
	v3 =	vbroadcast v57, $0xF  }
0x440: {  	[tilespmem:$0x570] =	vst v48;
	vm14 =	vmor vm13, vm3;
	vm0 =	vmand vm0, vm15;
	v1 =	vadd.s32 v6, v1  }
0x441: {  	[tilespmem:$0x580] =	vst v2;
	vm0 =	vmor vm6, vm0;
	vm1 =	vmand vm10, vm8;
	v3 =	vadd.s32 v60, v3  }
0x442: {  	[tilespmem:$0x590] =	vst v53;
	v61 =	vsel vm14, $0x3F800000, v40;
	vm1 =	vmor vm9, vm1;
	v2 =	vadd.s32 v7, v3  }
0x443: {  	[tilespmem:$0x5A0] =	vst v59;
	vm10 =	vlt.s32 v1, s12;
	v63 =	vsel vm1, $0x3F800000, v40;
	v2 =	vadd.s32 v58, v2  }
0x444: {  	[tilespmem:$0x5B0] =	vst v61;
	v3 =	vsel vm0, $0x3F800000, v40;
	vm0 =	vmand vm4, vm10;
	vm12 =	vlt.s32 v2, s12  }
0x445: {  	vm14 =	vgt.s32 v5, s11;
	[tilespmem:$0x5D0] =	vst v63;
	vm0 =	vmor vm11, vm0;
	vm13 =	vmand vm5, vm12  }
0x446: {  	s2 =	sadd.s32 $0x1, s2;
	[tilespmem:$0x5C0] =	vst v3;
	v1 =	vsel vm0, $0x3F800000, v40;
	vm15 =	vmor vm14, vm13  }
0x447: {  	p0 =	sne.s32 s2, s5;
	[tilespmem:$0x5E0] =	vst v1;
	v1 =	vsel vm15, $0x3F800000, v40  }
.Ltmp2:
0x448: {  	[tilespmem:$0x5F0] =	vst v1;
	(pc) =	sbr.rel @p0 .LBB2_2-.Ltmp2, $4  }
0x449: {  	[hbm4b:s3+s6] =	stream.strided.scatter [tilespmem:s10], [sflag:$0x1], $0x300, s7, s6, $0x38;
	[tilespmem:$0x680] =	vst v63  }
0x44a: {  	_ =	swait.ge [sflag:s8], $0x300  }
0x44b: {  	[sflag:s8] =	ssyncset.done $0x0  }
0x44c: {  	[sflag:s8] =	ssyncadd.s32 $0xFFFFFD00  }
.LBB2_5:
0x44d: {  	_ =	sfence.sel $0x180000  }
0x44e: {  	[bflag:$0x0] =	sbarrier.arrive $0xFFFF  }
0x44f: {  	p0 =	sne.s32 s1, $0x0;
	_ =	strace $0x90000047  }
0x450: {  	s0 =	sadd.s32 @!p0 $0x100000, s0;
	[bflag:$0x2] =	sbarrier.arrive $0xFFFF  }
0x451: {  	[sflag:s0] =	ssyncadd.tile.s32 @!p0 $0x1;
	_ =	shalt  }
.Lfunc_end2:
_tile_overlayer_lowered:
.L_overlay_start_2:
0x452: {  	(tag) =	ssettag $0x2  }
0x453: {  	s0 =	rddreg [dreg:$0x0];
	s2 =	stileid.u32  }
0x454: {  	s1 =	rddreg [dreg:$0x1];
	p0 =	sne.s32 s2, $0x0  }
0x455: {  	s3 =	rddreg [dreg:$0x2];
	[bflag:$0x3] =	sbarrier.arrive $0xFFFF;
	s2 =	simm.s32 @!p0 $0x1C02  }
0x456: {  	[timem:s3], [sflag:s2] =	dma.local @!p0 [hbm:s0], s1  }
0x457: {  	s0 =	simm.s32 @!p0 $0x2  }
0x458: {  	_ =	swait.ge @!p0 [sflag:s0], s1  }
0x459: {  	s1 =	ssub.s32 @!p0 $0x0, s1;
	[sflag:s0] =	ssyncset.done @!p0 $0x0  }
0x45a: {  	[sflag:s0] =	ssyncadd.s32 @!p0 s1  }
0x45b: {  	[bflag:$0x3] =	sbarrier.arrive $0xFFFF  }
0x45c: {  	_ =	shalt  }

</sc_bundles>
